<compile_context>
chip_gen: v7x
topology: tpu7x:2x2x1
jax: 0.10.2.dev20260603
libtpu: 0.0.44.dev20260713+nightly
codegen_flags: <defaults>
</compile_context>

<pallas_src>
import functools

import jax
import jax.numpy as jnp
from jax import lax
from jax.experimental import pallas as pl
from jax.experimental.pallas import tpu as pltpu
from jax.experimental.pallas import tpu_sc as plsc

_N = 50000
_E = 1600000
_G = 128
_H = 16

_NC = 2
_NS = 16
_NW = _NC * _NS

_NP = 65536
_RPT = _NP // _NS
_NPAD_ROWS = _NP - _N

_EP = 1638400
_ECH = _EP // 128
_CPW = _ECH // _NW
_CB = 8
_CO = _CPW // _CB

_RB = 4096


def _mesh():
    return plsc.VectorSubcoreMesh(core_axis_name="c", subcore_axis_name="s")


_SC_PARAMS = pltpu.CompilerParams(use_tc_tiling_on_sc=False)


def _deg_body(dstz, out, didx, ones_v, zbuf, vout, dacc, sem):
    c = lax.axis_index("c")
    s = lax.axis_index("s")
    wid = s * _NC + c
    rbase = s * _RPT

    def fill1(i, carry):
        zbuf[pl.ds(i * 16, 16)] = jnp.zeros((16,), jnp.float32)
        return carry

    lax.fori_loop(0, (_RPT + 15) // 16, fill1, 0)
    for k in range(8):
        ones_v[pl.ds(k * 16, 16)] = jnp.ones((16,), jnp.float32)
    pltpu.sync_copy(zbuf.at[pl.ds(0, _RPT)], dacc.at[pl.ds(rbase, _RPT)])
    plsc.subcore_barrier()
    cbase = wid * _CPW

    def outer(g, carry):
        ch = cbase + g * _CB
        pltpu.sync_copy(dstz.at[pl.ds(ch, _CB)], didx)
        for j in range(_CB):
            pltpu.async_copy(ones_v, dacc.at[didx.at[j]], sem, add=True)
        for j in range(_CB):
            pltpu.make_async_copy(ones_v, dacc.at[didx.at[j]], sem).wait()
        return carry

    lax.fori_loop(0, _CO, outer, 0)
    plsc.subcore_barrier()
    pltpu.sync_copy(dacc.at[pl.ds(rbase, _RPT)], vout)
    pltpu.sync_copy(vout, out.at[pl.ds(c * _NP + rbase, _RPT)])


def _deg_call(dstz):
    return pl.kernel(
        _deg_body,
        out_type=jax.ShapeDtypeStruct((_NC * _NP,), jnp.float32),
        mesh=_mesh(),
        scratch_types=[
            pltpu.VMEM((_CB, 128), jnp.int32),
            pltpu.VMEM((128,), jnp.float32),
            pltpu.VMEM((16 * ((_RPT + 15) // 16),), jnp.float32),
            pltpu.VMEM((_RPT,), jnp.float32),
            pltpu.VMEM_SHARED((_NP,), jnp.float32),
            pltpu.SemaphoreType.DMA,
        ],
        compiler_params=_SC_PARAMS,
    )(dstz)


_ZR = _RPT // 8


def _mp_body(y, srcz, dstz, out, sidx0, didx0, rows0, sidx1, didx1, rows1,
             zbuf, acc, sem_g, sem_s0, sem_s1):
    c = lax.axis_index("c")
    s = lax.axis_index("s")
    wid = s * _NC + c
    rbase = s * _RPT

    def fill(i, carry):
        zbuf[i] = jnp.zeros((_H,), jnp.float32)
        return carry

    lax.fori_loop(0, _ZR, fill, 0)
    for k in range(8):
        pltpu.sync_copy(zbuf, acc.at[pl.ds(rbase + k * _ZR, _ZR)])
    plsc.subcore_barrier()
    cbase = wid * _CPW

    def phase(g, sidx, didx, rows, sem_s):
        @pl.when(g >= 2)
        def _():
            for j in range(_CB):
                pltpu.make_async_copy(rows.at[j], acc.at[didx.at[j]],
                                      sem_s).wait()

        ch = cbase + g * _CB
        pltpu.sync_copy(srcz.at[pl.ds(ch, _CB)], sidx)
        pltpu.sync_copy(dstz.at[pl.ds(ch, _CB)], didx)
        for j in range(_CB):
            pltpu.async_copy(y.at[sidx.at[j]], rows.at[j], sem_g)
        for j in range(_CB):
            pltpu.make_async_copy(y.at[sidx.at[j]], rows.at[j], sem_g).wait()
        for j in range(_CB):
            pltpu.async_copy(rows.at[j], acc.at[didx.at[j]], sem_s, add=True)

    def outer(g, carry):
        @pl.when(g % 2 == 0)
        def _():
            phase(g, sidx0, didx0, rows0, sem_s0)

        @pl.when(g % 2 == 1)
        def _():
            phase(g, sidx1, didx1, rows1, sem_s1)

        return carry

    lax.fori_loop(0, _CO, outer, 0)
    for j in range(_CB):
        pltpu.make_async_copy(rows0.at[j], acc.at[didx0.at[j]], sem_s0).wait()
    for j in range(_CB):
        pltpu.make_async_copy(rows1.at[j], acc.at[didx1.at[j]], sem_s1).wait()
    plsc.subcore_barrier()
    obase = c * _NP + rbase
    for k in range(8):
        pltpu.sync_copy(acc.at[pl.ds(rbase + k * _ZR, _ZR)], zbuf)
        pltpu.sync_copy(zbuf, out.at[pl.ds(obase + k * _ZR, _ZR)])


@functools.cache
def _mp_kernel():
    return pl.kernel(
        _mp_body,
        out_type=jax.ShapeDtypeStruct((_NC * _NP, _H), jnp.float32),
        mesh=_mesh(),
        scratch_types=[
            pltpu.VMEM((_CB, 128), jnp.int32),
            pltpu.VMEM((_CB, 128), jnp.int32),
            pltpu.VMEM((_CB, 128, _H), jnp.float32),
            pltpu.VMEM((_CB, 128), jnp.int32),
            pltpu.VMEM((_CB, 128), jnp.int32),
            pltpu.VMEM((_CB, 128, _H), jnp.float32),
            pltpu.VMEM((_ZR, _H), jnp.float32),
            pltpu.VMEM_SHARED((_NP, _H), jnp.float32),
            pltpu.SemaphoreType.DMA,
            pltpu.SemaphoreType.DMA,
            pltpu.SemaphoreType.DMA,
        ],
        compiler_params=_SC_PARAMS,
    )


def _mp_call(y, srcz, dstz):
    return _mp_kernel()(y, srcz, dstz)


def _xw_body(x_ref, w_ref, o_ref):
    o_ref[...] = jnp.dot(x_ref[...], w_ref[...],
                         preferred_element_type=jnp.float32)


def _xw_call(x, w):
    f_in = x.shape[1]
    f_out = w.shape[1]
    return pl.pallas_call(
        _xw_body,
        grid=(_NP // _RB,),
        in_specs=[
            pl.BlockSpec((_RB, f_in), lambda i: (i, 0)),
            pl.BlockSpec((f_in, f_out), lambda i: (0, 0)),
        ],
        out_specs=pl.BlockSpec((_RB, f_out), lambda i: (i, 0)),
        out_shape=jax.ShapeDtypeStruct((_NP, f_out), jnp.float32),
    )(x, w)


def _y1_body(xw_ref, d0_ref, d1_ref, y_ref, dis_ref):
    deg = d0_ref[...] + d1_ref[...] + 1.0
    dis = lax.rsqrt(deg)[:, None]
    disb = jnp.broadcast_to(dis, (_RB, _H))
    dis_ref[...] = disb
    y_ref[...] = xw_ref[...] * disb


def _y1_call(xw, degp):
    nb = _NP // _RB
    return pl.pallas_call(
        _y1_body,
        grid=(nb,),
        in_specs=[
            pl.BlockSpec((_RB, _H), lambda i: (i, 0)),
            pl.BlockSpec((_RB,), lambda i: (i,)),
            pl.BlockSpec((_RB,), lambda i: (i + _NP // _RB,)),
        ],
        out_specs=[
            pl.BlockSpec((_RB, _H), lambda i: (i, 0)),
            pl.BlockSpec((_RB, _H), lambda i: (i, 0)),
        ],
        out_shape=[
            jax.ShapeDtypeStruct((_NP, _H), jnp.float32),
            jax.ShapeDtypeStruct((_NP, _H), jnp.float32),
        ],
    )(xw, degp, degp)


def _mid_body(a0_ref, a1_ref, y1_ref, dis_ref, w_ref, b_ref, y2_ref):
    dis = dis_ref[...]
    h = jax.nn.relu((a0_ref[...] + a1_ref[...] + y1_ref[...]) * dis
                    + b_ref[...])
    y2_ref[...] = jnp.dot(h, w_ref[...],
                          preferred_element_type=jnp.float32) * dis


def _mid_call(accp, y1, dis, w2, b1):
    return pl.pallas_call(
        _mid_body,
        grid=(_NP // _RB,),
        in_specs=[
            pl.BlockSpec((_RB, _H), lambda i: (i, 0)),
            pl.BlockSpec((_RB, _H), lambda i: (i + _NP // _RB, 0)),
            pl.BlockSpec((_RB, _H), lambda i: (i, 0)),
            pl.BlockSpec((_RB, _H), lambda i: (i, 0)),
            pl.BlockSpec((_H, _H), lambda i: (0, 0)),
            pl.BlockSpec((1, _H), lambda i: (0, 0)),
        ],
        out_specs=pl.BlockSpec((_RB, _H), lambda i: (i, 0)),
        out_shape=jax.ShapeDtypeStruct((_NP, _H), jnp.float32),
    )(accp, accp, y1, dis, w2, b1)


def _fin_body(a0_ref, a1_ref, y2_ref, dis_ref, b2_ref, w3_ref, batch_ref,
              b3_ref, out_ref, s_ref):
    i = pl.program_id(0)
    nblk = pl.num_programs(0)

    @pl.when(i == 0)
    def _():
        s_ref[...] = jnp.zeros_like(s_ref)

    dis = dis_ref[...]
    h2 = jax.nn.relu((a0_ref[...] + a1_ref[...] + y2_ref[...]) * dis
                     + b2_ref[...])
    z = jnp.dot(h2, w3_ref[...], preferred_element_type=jnp.float32)
    zz = jnp.concatenate([z, jnp.ones((_RB, 1), jnp.float32)], axis=1)
    ids = lax.broadcasted_iota(jnp.int32, (_RB, _G), 1)
    oh = (batch_ref[...][:, None] == ids).astype(jnp.float32)
    s_ref[...] += lax.dot_general(oh, zz, (((0,), (0,)), ((), ())),
                                  preferred_element_type=jnp.float32)

    @pl.when(i == nblk - 1)
    def _():
        s = s_ref[...]
        out_ref[...] = s[:, 0:2] / jnp.maximum(s[:, 2:3], 1.0) + b3_ref[...]


def _fin_call(accp, y2, dis, b2, w3, batch_p, b3):
    return pl.pallas_call(
        _fin_body,
        grid=(_NP // _RB,),
        in_specs=[
            pl.BlockSpec((_RB, _H), lambda i: (i, 0)),
            pl.BlockSpec((_RB, _H), lambda i: (i + _NP // _RB, 0)),
            pl.BlockSpec((_RB, _H), lambda i: (i, 0)),
            pl.BlockSpec((_RB, _H), lambda i: (i, 0)),
            pl.BlockSpec((1, _H), lambda i: (0, 0)),
            pl.BlockSpec((_H, 2), lambda i: (0, 0)),
            pl.BlockSpec((_RB,), lambda i: (i,)),
            pl.BlockSpec((1, 2), lambda i: (0, 0)),
        ],
        out_specs=pl.BlockSpec((_G, 2), lambda i: (0, 0)),
        out_shape=jax.ShapeDtypeStruct((_G, 2), jnp.float32),
        scratch_shapes=[pltpu.VMEM((_G, 3), jnp.float32)],
    )(accp, accp, y2, dis, b2, w3, batch_p, b3)


def kernel(x, edge_index, batch, W1, b1, W2, b2, W3, b3):
    src = edge_index[0]
    dst = edge_index[1]
    pad_idx = _N + (jnp.arange(_EP - _E, dtype=jnp.int32) % _NPAD_ROWS)
    srcz = jnp.concatenate([src, pad_idx]).reshape(_ECH, 128)
    dstz = jnp.concatenate([dst, pad_idx]).reshape(_ECH, 128)

    x_p = jnp.pad(x, ((0, _NP - _N), (0, 0)))
    batch_p = jnp.pad(batch, (0, _NP - _N), constant_values=_G)

    b1r = b1.reshape(1, _H)
    b2r = b2.reshape(1, _H)
    b3r = b3.reshape(1, 2)

    xw1 = _xw_call(x_p, W1)
    degp = _deg_call(dstz)

    y1, dis = _y1_call(xw1, degp)

    acc1 = _mp_call(y1, srcz, dstz)
    y2 = _mid_call(acc1, y1, dis, W2, b1r)

    acc2 = _mp_call(y2, srcz, dstz)
    return _fin_call(acc2, y2, dis, b2r, W3, batch_p, b3r)

# --- scband reference (transcript-rebuilt; emitter-appended) ---
"""Pipeline reference for scband-gcn-67439576481933 (READ-ONLY COPY).

The authoritative reference and input builder live on the scoring server;
editing this copy changes nothing except your own understanding.
"""

import jax, jax.numpy as jnp
import numpy as np

N = 50000
E = 1600000
G = 128

def _glorot(key, shape):
    lim = float(np.sqrt(6.0 / (shape[0] + shape[1])))
    return jax.random.uniform(key, shape, minval=-lim, maxval=lim, dtype=jnp.float32)

def setup_inputs(seed: int = 0) -> dict:
    key = jax.random.key(seed)
    ks = jax.random.split(key, 9)
    x = jax.random.normal(ks[0], (N, 30), dtype=jnp.float32)
    edge_index = jax.random.randint(ks[1], (2, E), 0, N, dtype=jnp.int32)
    batch = jnp.sort(jax.random.randint(ks[2], (N,), 0, G, dtype=jnp.int32))
    W1 = _glorot(ks[3], (30, 16)); b1 = jnp.zeros((16,), jnp.float32)
    W2 = _glorot(ks[4], (16, 16)); b2 = jnp.zeros((16,), jnp.float32)
    W3 = _glorot(ks[5], (16, 2));  b3 = jnp.zeros((2,), jnp.float32)
    return {"x": x, "edge_index": edge_index, "batch": batch,
            "W1": W1, "b1": b1, "W2": W2, "b2": b2, "W3": W3, "b3": b3}

def _gcn_layer(x, edge_index, W, b):
    # Faithful GCNConv: add self-loops, symmetric D^-1/2 (A+I) D^-1/2 normalization
    src = edge_index[0]
    dst = edge_index[1]
    n = x.shape[0]
    loop = jnp.arange(n, dtype=edge_index.dtype)
    src2 = jnp.concatenate([src, loop])
    dst2 = jnp.concatenate([dst, loop])
    deg = jnp.zeros((n,), jnp.float32).at[dst2].add(1.0)
    dis = jnp.where(deg > 0, 1.0 / jnp.sqrt(deg), 0.0)
    norm = dis[src2] * dis[dst2]
    xw = x @ W
    msg = xw[src2] * norm[:, None]
    out = jnp.zeros_like(xw).at[dst2].add(msg)
    return out + b

def reference(x, edge_index, batch, W1, b1, W2, b2, W3, b3):
    h = jax.nn.relu(_gcn_layer(x, edge_index, W1, b1))
    h = jax.nn.relu(_gcn_layer(h, edge_index, W2, b2))
    sums = jax.ops.segment_sum(h, batch, num_segments=G)
    cnt = jax.ops.segment_sum(jnp.ones((h.shape[0], 1), jnp.float32), batch, num_segments=G)
    pooled = sums / jnp.maximum(cnt, 1.0)
    return pooled @ W3 + b3

if __name__ == "__main__":
    import jax
    _d = setup_inputs()
    print(jax.jit(kernel)(*tuple(_d.values())))

</pallas_src>

<mosaic_0001>
#map = affine_map<(d0, d1) -> (0, 0)>
module attributes {stable_mosaic.version = 14 : i64} {
  func.func @_mp_body(%arg0: i32, %arg1: i32, %arg2: memref<65536x16xf32, #tpu.memory_space<hbm>>, %arg3: memref<12800x128xi32, #tpu.memory_space<hbm>>, %arg4: memref<12800x128xi32, #tpu.memory_space<hbm>>, %arg5: memref<131072x16xf32, #tpu.memory_space<hbm>>, %arg6: memref<8x128xi32, #tpu.memory_space<vmem>>, %arg7: memref<8x128xi32, #tpu.memory_space<vmem>>, %arg8: memref<8x128x16xf32, #tpu.memory_space<vmem>>, %arg9: memref<8x128xi32, #tpu.memory_space<vmem>>, %arg10: memref<8x128xi32, #tpu.memory_space<vmem>>, %arg11: memref<8x128x16xf32, #tpu.memory_space<vmem>>, %arg12: memref<512x16xf32, #tpu.memory_space<vmem>>, %arg13: memref<65536x16xf32, #tpu.memory_space<vmem_shared>>, %arg14: memref<!tpu.dma_semaphore, #tpu.memory_space<semaphore_mem>>, %arg15: memref<!tpu.dma_semaphore, #tpu.memory_space<semaphore_mem>>, %arg16: memref<!tpu.dma_semaphore, #tpu.memory_space<semaphore_mem>>) attributes {dimension_semantics = [#tpu.dimension_semantics<core_parallel>, #tpu.dimension_semantics<subcore_parallel>], iteration_bounds = array<i64: 2, 16>, scalar_prefetch = 0 : i64, scratch_operands = 11 : i64, tpu.core_type = #tpu.core_type<sc_vector_subcore>, window_params = [{transform_indices = #map}, {transform_indices = #map}, {transform_indices = #map}, {transform_indices = #map}]} {
    %mul3A = arith.constant 2 : i32
    %mul3A_0 = arith.muli %arg1, %mul3A : i32
    %add3A = arith.addi %mul3A_0, %arg0 : i32
    %mul3A_1 = arith.constant 4096 : i32
    %mul3A_2 = arith.muli %arg1, %mul3A_1 : i32
    %scan3A = arith.constant 0 : i32
    %scan3A_3 = arith.constant 0 : i32
    %scan3A_4 = arith.constant 512 : i32
    %scan3A_5 = arith.addi %scan3A_3, %scan3A_4 : i32
    %scan3A_6 = arith.constant 1 : i32
    scf.for %scan3A_259 = %scan3A_3 to %scan3A_5 step %scan3A_6  : i32 {
      %broadcast_in_dim3A = arith.constant 0.000000e+00 : f32
      %broadcast_in_dim3A_260 = vector.broadcast %broadcast_in_dim3A : f32 to vector<16xf32>
      %swap3A = arith.index_cast %scan3A_259 : i32 to index
      %swap3A_261 = arith.constant 0 : index
      %swap3A_262 = tpu.vector_load %arg12[%swap3A, %swap3A_261] {strides = array<i32>} : memref<512x16xf32, #tpu.memory_space<vmem>>, vector<1x16xf32>,
      %swap3A_263 = vector.shape_cast %swap3A_262 : vector<1x16xf32> to vector<16xf32>
      %swap3A_264 = vector.shape_cast %broadcast_in_dim3A_260 : vector<16xf32> to vector<1x16xf32>
      tpu.vector_store %arg12[%swap3A, %swap3A_261], %swap3A_264 {strides = array<i32>} : memref<512x16xf32, #tpu.memory_space<vmem>>, vector<1x16xf32>,
    }
    %scan3A_7 = arith.constant 512 : i32
    %add3A_8 = arith.constant 0 : i32
    %add3A_9 = arith.addi %mul3A_2, %add3A_8 : i32
    "tpu.region"() ({
      %run_scoped3A = tpu.sem_alloc : memref<!tpu.dma_semaphore, #tpu.memory_space<semaphore_mem>>
      %dma_start3A = arith.constant 0 : i32
      %dma_start3A_259 = tpu.memref_slice %arg13[%add3A_9, %dma_start3A] : memref<65536x16xf32, #tpu.memory_space<vmem_shared>> -> memref<512x16xf32, #tpu.memory_space<vmem_shared>>
      %dma_start3A_260 = arith.constant 0 : i32
      %dma_start3A_261 = tpu.memref_slice %arg13[%add3A_9, %dma_start3A_260] : memref<65536x16xf32, #tpu.memory_space<vmem_shared>> -> memref<512x16xf32, #tpu.memory_space<vmem_shared>>
      tpu.enqueue_dma source(%arg12 : memref<512x16xf32, #tpu.memory_space<vmem>>) target(%dma_start3A_261 : memref<512x16xf32, #tpu.memory_space<vmem_shared>>) target_semaphore(%run_scoped3A : memref<!tpu.dma_semaphore, #tpu.memory_space<semaphore_mem>>)
      %dma_wait3A_262 = arith.constant 0 : i32
      %dma_wait3A_263 = tpu.memref_slice %arg13[%add3A_9, %dma_wait3A_262] : memref<65536x16xf32, #tpu.memory_space<vmem_shared>> -> memref<512x16xf32, #tpu.memory_space<vmem_shared>>
      %dma_wait3A_264 = arith.constant 0 : i32
      %dma_wait3A_265 = tpu.memref_slice %arg13[%add3A_9, %dma_wait3A_264] : memref<65536x16xf32, #tpu.memory_space<vmem_shared>> -> memref<512x16xf32, #tpu.memory_space<vmem_shared>>
      tpu.wait_dma2 semaphore(%run_scoped3A : memref<!tpu.dma_semaphore, #tpu.memory_space<semaphore_mem>>) src(%arg12 : memref<512x16xf32, #tpu.memory_space<vmem>>) dst(%dma_wait3A_265 : memref<512x16xf32, #tpu.memory_space<vmem_shared>>)
      tpu.yield
    }) : () -> ()
    %add3A_10 = arith.constant 512 : i32
    %add3A_11 = arith.addi %mul3A_2, %add3A_10 : i32
    "tpu.region"() ({
      %run_scoped3A = tpu.sem_alloc : memref<!tpu.dma_semaphore, #tpu.memory_space<semaphore_mem>>
      %dma_start3A = arith.constant 0 : i32
      %dma_start3A_259 = tpu.memref_slice %arg13[%add3A_11, %dma_start3A] : memref<65536x16xf32, #tpu.memory_space<vmem_shared>> -> memref<512x16xf32, #tpu.memory_space<vmem_shared>>
      %dma_start3A_260 = arith.constant 0 : i32
      %dma_start3A_261 = tpu.memref_slice %arg13[%add3A_11, %dma_start3A_260] : memref<65536x16xf32, #tpu.memory_space<vmem_shared>> -> memref<512x16xf32, #tpu.memory_space<vmem_shared>>
      tpu.enqueue_dma source(%arg12 : memref<512x16xf32, #tpu.memory_space<vmem>>) target(%dma_start3A_261 : memref<512x16xf32, #tpu.memory_space<vmem_shared>>) target_semaphore(%run_scoped3A : memref<!tpu.dma_semaphore, #tpu.memory_space<semaphore_mem>>)
      %dma_wait3A_262 = arith.constant 0 : i32
      %dma_wait3A_263 = tpu.memref_slice %arg13[%add3A_11, %dma_wait3A_262] : memref<65536x16xf32, #tpu.memory_space<vmem_shared>> -> memref<512x16xf32, #tpu.memory_space<vmem_shared>>
      %dma_wait3A_264 = arith.constant 0 : i32
      %dma_wait3A_265 = tpu.memref_slice %arg13[%add3A_11, %dma_wait3A_264] : memref<65536x16xf32, #tpu.memory_space<vmem_shared>> -> memref<512x16xf32, #tpu.memory_space<vmem_shared>>
      tpu.wait_dma2 semaphore(%run_scoped3A : memref<!tpu.dma_semaphore, #tpu.memory_space<semaphore_mem>>) src(%arg12 : memref<512x16xf32, #tpu.memory_space<vmem>>) dst(%dma_wait3A_265 : memref<512x16xf32, #tpu.memory_space<vmem_shared>>)
      tpu.yield
    }) : () -> ()
    %add3A_12 = arith.constant 1024 : i32
    %add3A_13 = arith.addi %mul3A_2, %add3A_12 : i32
    "tpu.region"() ({
      %run_scoped3A = tpu.sem_alloc : memref<!tpu.dma_semaphore, #tpu.memory_space<semaphore_mem>>
      %dma_start3A = arith.constant 0 : i32
      %dma_start3A_259 = tpu.memref_slice %arg13[%add3A_13, %dma_start3A] : memref<65536x16xf32, #tpu.memory_space<vmem_shared>> -> memref<512x16xf32, #tpu.memory_space<vmem_shared>>
      %dma_start3A_260 = arith.constant 0 : i32
      %dma_start3A_261 = tpu.memref_slice %arg13[%add3A_13, %dma_start3A_260] : memref<65536x16xf32, #tpu.memory_space<vmem_shared>> -> memref<512x16xf32, #tpu.memory_space<vmem_shared>>
      tpu.enqueue_dma source(%arg12 : memref<512x16xf32, #tpu.memory_space<vmem>>) target(%dma_start3A_261 : memref<512x16xf32, #tpu.memory_space<vmem_shared>>) target_semaphore(%run_scoped3A : memref<!tpu.dma_semaphore, #tpu.memory_space<semaphore_mem>>)
      %dma_wait3A_262 = arith.constant 0 : i32
      %dma_wait3A_263 = tpu.memref_slice %arg13[%add3A_13, %dma_wait3A_262] : memref<65536x16xf32, #tpu.memory_space<vmem_shared>> -> memref<512x16xf32, #tpu.memory_space<vmem_shared>>
      %dma_wait3A_264 = arith.constant 0 : i32
      %dma_wait3A_265 = tpu.memref_slice %arg13[%add3A_13, %dma_wait3A_264] : memref<65536x16xf32, #tpu.memory_space<vmem_shared>> -> memref<512x16xf32, #tpu.memory_space<vmem_shared>>
      tpu.wait_dma2 semaphore(%run_scoped3A : memref<!tpu.dma_semaphore, #tpu.memory_space<semaphore_mem>>) src(%arg12 : memref<512x16xf32, #tpu.memory_space<vmem>>) dst(%dma_wait3A_265 : memref<512x16xf32, #tpu.memory_space<vmem_shared>>)
      tpu.yield
    }) : () -> ()
    %add3A_14 = arith.constant 1536 : i32
    %add3A_15 = arith.addi %mul3A_2, %add3A_14 : i32
    "tpu.region"() ({
      %run_scoped3A = tpu.sem_alloc : memref<!tpu.dma_semaphore, #tpu.memory_space<semaphore_mem>>
      %dma_start3A = arith.constant 0 : i32
      %dma_start3A_259 = tpu.memref_slice %arg13[%add3A_15, %dma_start3A] : memref<65536x16xf32, #tpu.memory_space<vmem_shared>> -> memref<512x16xf32, #tpu.memory_space<vmem_shared>>
      %dma_start3A_260 = arith.constant 0 : i32
      %dma_start3A_261 = tpu.memref_slice %arg13[%add3A_15, %dma_start3A_260] : memref<65536x16xf32, #tpu.memory_space<vmem_shared>> -> memref<512x16xf32, #tpu.memory_space<vmem_shared>>
      tpu.enqueue_dma source(%arg12 : memref<512x16xf32, #tpu.memory_space<vmem>>) target(%dma_start3A_261 : memref<512x16xf32, #tpu.memory_space<vmem_shared>>) target_semaphore(%run_scoped3A : memref<!tpu.dma_semaphore, #tpu.memory_space<semaphore_mem>>)
      %dma_wait3A_262 = arith.constant 0 : i32
      %dma_wait3A_263 = tpu.memref_slice %arg13[%add3A_15, %dma_wait3A_262] : memref<65536x16xf32, #tpu.memory_space<vmem_shared>> -> memref<512x16xf32, #tpu.memory_space<vmem_shared>>
      %dma_wait3A_264 = arith.constant 0 : i32
      %dma_wait3A_265 = tpu.memref_slice %arg13[%add3A_15, %dma_wait3A_264] : memref<65536x16xf32, #tpu.memory_space<vmem_shared>> -> memref<512x16xf32, #tpu.memory_space<vmem_shared>>
      tpu.wait_dma2 semaphore(%run_scoped3A : memref<!tpu.dma_semaphore, #tpu.memory_space<semaphore_mem>>) src(%arg12 : memref<512x16xf32, #tpu.memory_space<vmem>>) dst(%dma_wait3A_265 : memref<512x16xf32, #tpu.memory_space<vmem_shared>>)
      tpu.yield
    }) : () -> ()
    %add3A_16 = arith.constant 2048 : i32
    %add3A_17 = arith.addi %mul3A_2, %add3A_16 : i32
    "tpu.region"() ({
      %run_scoped3A = tpu.sem_alloc : memref<!tpu.dma_semaphore, #tpu.memory_space<semaphore_mem>>
      %dma_start3A = arith.constant 0 : i32
      %dma_start3A_259 = tpu.memref_slice %arg13[%add3A_17, %dma_start3A] : memref<65536x16xf32, #tpu.memory_space<vmem_shared>> -> memref<512x16xf32, #tpu.memory_space<vmem_shared>>
      %dma_start3A_260 = arith.constant 0 : i32
      %dma_start3A_261 = tpu.memref_slice %arg13[%add3A_17, %dma_start3A_260] : memref<65536x16xf32, #tpu.memory_space<vmem_shared>> -> memref<512x16xf32, #tpu.memory_space<vmem_shared>>
      tpu.enqueue_dma source(%arg12 : memref<512x16xf32, #tpu.memory_space<vmem>>) target(%dma_start3A_261 : memref<512x16xf32, #tpu.memory_space<vmem_shared>>) target_semaphore(%run_scoped3A : memref<!tpu.dma_semaphore, #tpu.memory_space<semaphore_mem>>)
      %dma_wait3A_262 = arith.constant 0 : i32
      %dma_wait3A_263 = tpu.memref_slice %arg13[%add3A_17, %dma_wait3A_262] : memref<65536x16xf32, #tpu.memory_space<vmem_shared>> -> memref<512x16xf32, #tpu.memory_space<vmem_shared>>
      %dma_wait3A_264 = arith.constant 0 : i32
      %dma_wait3A_265 = tpu.memref_slice %arg13[%add3A_17, %dma_wait3A_264] : memref<65536x16xf32, #tpu.memory_space<vmem_shared>> -> memref<512x16xf32, #tpu.memory_space<vmem_shared>>
      tpu.wait_dma2 semaphore(%run_scoped3A : memref<!tpu.dma_semaphore, #tpu.memory_space<semaphore_mem>>) src(%arg12 : memref<512x16xf32, #tpu.memory_space<vmem>>) dst(%dma_wait3A_265 : memref<512x16xf32, #tpu.memory_space<vmem_shared>>)
      tpu.yield
    }) : () -> ()
    %add3A_18 = arith.constant 2560 : i32
    %add3A_19 = arith.addi %mul3A_2, %add3A_18 : i32
    "tpu.region"() ({
      %run_scoped3A = tpu.sem_alloc : memref<!tpu.dma_semaphore, #tpu.memory_space<semaphore_mem>>
      %dma_start3A = arith.constant 0 : i32
      %dma_start3A_259 = tpu.memref_slice %arg13[%add3A_19, %dma_start3A] : memref<65536x16xf32, #tpu.memory_space<vmem_shared>> -> memref<512x16xf32, #tpu.memory_space<vmem_shared>>
      %dma_start3A_260 = arith.constant 0 : i32
      %dma_start3A_261 = tpu.memref_slice %arg13[%add3A_19, %dma_start3A_260] : memref<65536x16xf32, #tpu.memory_space<vmem_shared>> -> memref<512x16xf32, #tpu.memory_space<vmem_shared>>
      tpu.enqueue_dma source(%arg12 : memref<512x16xf32, #tpu.memory_space<vmem>>) target(%dma_start3A_261 : memref<512x16xf32, #tpu.memory_space<vmem_shared>>) target_semaphore(%run_scoped3A : memref<!tpu.dma_semaphore, #tpu.memory_space<semaphore_mem>>)
      %dma_wait3A_262 = arith.constant 0 : i32
      %dma_wait3A_263 = tpu.memref_slice %arg13[%add3A_19, %dma_wait3A_262] : memref<65536x16xf32, #tpu.memory_space<vmem_shared>> -> memref<512x16xf32, #tpu.memory_space<vmem_shared>>
      %dma_wait3A_264 = arith.constant 0 : i32
      %dma_wait3A_265 = tpu.memref_slice %arg13[%add3A_19, %dma_wait3A_264] : memref<65536x16xf32, #tpu.memory_space<vmem_shared>> -> memref<512x16xf32, #tpu.memory_space<vmem_shared>>
      tpu.wait_dma2 semaphore(%run_scoped3A : memref<!tpu.dma_semaphore, #tpu.memory_space<semaphore_mem>>) src(%arg12 : memref<512x16xf32, #tpu.memory_space<vmem>>) dst(%dma_wait3A_265 : memref<512x16xf32, #tpu.memory_space<vmem_shared>>)
      tpu.yield
    }) : () -> ()
    %add3A_20 = arith.constant 3072 : i32
    %add3A_21 = arith.addi %mul3A_2, %add3A_20 : i32
    "tpu.region"() ({
      %run_scoped3A = tpu.sem_alloc : memref<!tpu.dma_semaphore, #tpu.memory_space<semaphore_mem>>
      %dma_start3A = arith.constant 0 : i32
      %dma_start3A_259 = tpu.memref_slice %arg13[%add3A_21, %dma_start3A] : memref<65536x16xf32, #tpu.memory_space<vmem_shared>> -> memref<512x16xf32, #tpu.memory_space<vmem_shared>>
      %dma_start3A_260 = arith.constant 0 : i32
      %dma_start3A_261 = tpu.memref_slice %arg13[%add3A_21, %dma_start3A_260] : memref<65536x16xf32, #tpu.memory_space<vmem_shared>> -> memref<512x16xf32, #tpu.memory_space<vmem_shared>>
      tpu.enqueue_dma source(%arg12 : memref<512x16xf32, #tpu.memory_space<vmem>>) target(%dma_start3A_261 : memref<512x16xf32, #tpu.memory_space<vmem_shared>>) target_semaphore(%run_scoped3A : memref<!tpu.dma_semaphore, #tpu.memory_space<semaphore_mem>>)
      %dma_wait3A_262 = arith.constant 0 : i32
      %dma_wait3A_263 = tpu.memref_slice %arg13[%add3A_21, %dma_wait3A_262] : memref<65536x16xf32, #tpu.memory_space<vmem_shared>> -> memref<512x16xf32, #tpu.memory_space<vmem_shared>>
      %dma_wait3A_264 = arith.constant 0 : i32
      %dma_wait3A_265 = tpu.memref_slice %arg13[%add3A_21, %dma_wait3A_264] : memref<65536x16xf32, #tpu.memory_space<vmem_shared>> -> memref<512x16xf32, #tpu.memory_space<vmem_shared>>
      tpu.wait_dma2 semaphore(%run_scoped3A : memref<!tpu.dma_semaphore, #tpu.memory_space<semaphore_mem>>) src(%arg12 : memref<512x16xf32, #tpu.memory_space<vmem>>) dst(%dma_wait3A_265 : memref<512x16xf32, #tpu.memory_space<vmem_shared>>)
      tpu.yield
    }) : () -> ()
    %add3A_22 = arith.constant 3584 : i32
    %add3A_23 = arith.addi %mul3A_2, %add3A_22 : i32
    "tpu.region"() ({
      %run_scoped3A = tpu.sem_alloc : memref<!tpu.dma_semaphore, #tpu.memory_space<semaphore_mem>>
      %dma_start3A = arith.constant 0 : i32
      %dma_start3A_259 = tpu.memref_slice %arg13[%add3A_23, %dma_start3A] : memref<65536x16xf32, #tpu.memory_space<vmem_shared>> -> memref<512x16xf32, #tpu.memory_space<vmem_shared>>
      %dma_start3A_260 = arith.constant 0 : i32
      %dma_start3A_261 = tpu.memref_slice %arg13[%add3A_23, %dma_start3A_260] : memref<65536x16xf32, #tpu.memory_space<vmem_shared>> -> memref<512x16xf32, #tpu.memory_space<vmem_shared>>
      tpu.enqueue_dma source(%arg12 : memref<512x16xf32, #tpu.memory_space<vmem>>) target(%dma_start3A_261 : memref<512x16xf32, #tpu.memory_space<vmem_shared>>) target_semaphore(%run_scoped3A : memref<!tpu.dma_semaphore, #tpu.memory_space<semaphore_mem>>)
      %dma_wait3A_262 = arith.constant 0 : i32
      %dma_wait3A_263 = tpu.memref_slice %arg13[%add3A_23, %dma_wait3A_262] : memref<65536x16xf32, #tpu.memory_space<vmem_shared>> -> memref<512x16xf32, #tpu.memory_space<vmem_shared>>
      %dma_wait3A_264 = arith.constant 0 : i32
      %dma_wait3A_265 = tpu.memref_slice %arg13[%add3A_23, %dma_wait3A_264] : memref<65536x16xf32, #tpu.memory_space<vmem_shared>> -> memref<512x16xf32, #tpu.memory_space<vmem_shared>>
      tpu.wait_dma2 semaphore(%run_scoped3A : memref<!tpu.dma_semaphore, #tpu.memory_space<semaphore_mem>>) src(%arg12 : memref<512x16xf32, #tpu.memory_space<vmem>>) dst(%dma_wait3A_265 : memref<512x16xf32, #tpu.memory_space<vmem_shared>>)
      tpu.yield
    }) : () -> ()
    %barrier3A = arith.constant 0 : index
    tpu.barrier barrier_id(%barrier3A)
    %mul3A_24 = arith.constant 400 : i32
    %mul3A_25 = arith.muli %add3A, %mul3A_24 : i32
    %scan3A_26 = arith.constant 0 : i32
    %scan3A_27 = arith.constant 0 : i32
    %scan3A_28 = arith.constant 50 : i32
    %scan3A_29 = arith.addi %scan3A_27, %scan3A_28 : i32
    %scan3A_30 = arith.constant 1 : i32
    scf.for %scan3A_259 = %scan3A_27 to %scan3A_29 step %scan3A_30  : i32 {
      %jit3A = arith.constant 2 : i32
      %eq3A = arith.constant 0 : i32
      %eq3A_260 = arith.cmpi eq, %jit3A, %eq3A : i32
      %jit3A_261 = arith.constant 1 : i32
      %select_n3A = arith.select %eq3A_260, %jit3A_261, %jit3A : i32
      %rem3A = arith.remsi %scan3A_259, %select_n3A : i32
      %ne3A = arith.constant 0 : i32
      %ne3A_262 = arith.cmpi ne, %rem3A, %ne3A : i32
      %lt3A = arith.constant 0 : i32
      %lt3A_263 = arith.cmpi slt, %rem3A, %lt3A : i32
      %lt3A_264 = arith.constant 0 : i32
      %lt3A_265 = arith.cmpi slt, %select_n3A, %lt3A_264 : i32
      %ne3A_266 = arith.xori %lt3A_263, %lt3A_265 : i1
      %and3A = arith.andi %ne3A_266, %ne3A_262 : i1
      %add3A_267 = arith.addi %rem3A, %select_n3A : i32
      %select_n3A_268 = arith.select %and3A, %add3A_267, %rem3A : i32
      %eq3A_269 = arith.constant 0 : i32
      %eq3A_270 = arith.cmpi eq, %select_n3A_268, %eq3A_269 : i32
      %convert_element_type3A = arith.extui %eq3A_270 : i1 to i32
      %cond3A = arith.constant 0 : i32
      %cond3A_271 = arith.cmpi ne, %convert_element_type3A, %cond3A : i32
      scf.if %cond3A_271 {
        %ge3A = arith.constant 2 : i32
        %ge3A_293 = arith.cmpi sge, %scan3A_259, %ge3A : i32
        %convert_element_type3A_294 = arith.extui %ge3A_293 : i1 to i32
        %cond3A_295 = arith.constant 0 : i32
        %cond3A_296 = arith.cmpi ne, %convert_element_type3A_294, %cond3A_295 : i32
        scf.if %cond3A_296 {
          %dma_wait3A_587 = arith.constant 0 : i32
          %dma_wait3A_588 = arith.constant 0 : i32
          %dma_wait3A_589 = arith.constant 0 : i32
          %dma_wait3A_590 = arith.constant 0 : i32
          %dma_wait3A_591 = tpu.memref_slice %arg8[%dma_wait3A_587, %dma_wait3A_589, %dma_wait3A_590] : memref<8x128x16xf32, #tpu.memory_space<vmem>> -> memref<1x128x16xf32, #tpu.memory_space<vmem>>
          %dma_wait3A_592 = tpu.memref_squeeze %dma_wait3A_591 : memref<1x128x16xf32, #tpu.memory_space<vmem>> -> memref<128x16xf32, #tpu.memory_space<vmem>>
          %dma_wait3A_593 = arith.constant 0 : i32
          %dma_wait3A_594 = tpu.memref_slice %arg7[%dma_wait3A_588, %dma_wait3A_593] : memref<8x128xi32, #tpu.memory_space<vmem>> -> memref<1x128xi32, #tpu.memory_space<vmem>>
          %dma_wait3A_595 = tpu.memref_squeeze %dma_wait3A_594 : memref<1x128xi32, #tpu.memory_space<vmem>> -> memref<128xi32, #tpu.memory_space<vmem>>
          %dma_wait3A_596 = arith.constant 0 : i32
          %dma_wait3A_597 = arith.constant 0 : i32
          %dma_wait3A_598 = tpu.memref_slice %arg13[%dma_wait3A_596, %dma_wait3A_597] : memref<65536x16xf32, #tpu.memory_space<vmem_shared>> -> memref<65536x16xf32, #tpu.memory_space<vmem_shared>>
          tpu.wait_indirect_dma semaphore(%arg15 : memref<!tpu.dma_semaphore, #tpu.memory_space<semaphore_mem>>) src(%dma_wait3A_592 : memref<128x16xf32, #tpu.memory_space<vmem>>) dst(%dma_wait3A_598 : memref<65536x16xf32, #tpu.memory_space<vmem_shared>>)
          %dma_wait3A_599 = arith.constant 1 : i32
          %dma_wait3A_600 = arith.constant 1 : i32
          %dma_wait3A_601 = arith.constant 0 : i32
          %dma_wait3A_602 = arith.constant 0 : i32
          %dma_wait3A_603 = tpu.memref_slice %arg8[%dma_wait3A_599, %dma_wait3A_601, %dma_wait3A_602] : memref<8x128x16xf32, #tpu.memory_space<vmem>> -> memref<1x128x16xf32, #tpu.memory_space<vmem>>
          %dma_wait3A_604 = tpu.memref_squeeze %dma_wait3A_603 : memref<1x128x16xf32, #tpu.memory_space<vmem>> -> memref<128x16xf32, #tpu.memory_space<vmem>>
          %dma_wait3A_605 = arith.constant 0 : i32
          %dma_wait3A_606 = tpu.memref_slice %arg7[%dma_wait3A_600, %dma_wait3A_605] : memref<8x128xi32, #tpu.memory_space<vmem>> -> memref<1x128xi32, #tpu.memory_space<vmem>>
          %dma_wait3A_607 = tpu.memref_squeeze %dma_wait3A_606 : memref<1x128xi32, #tpu.memory_space<vmem>> -> memref<128xi32, #tpu.memory_space<vmem>>
          %dma_wait3A_608 = arith.constant 0 : i32
          %dma_wait3A_609 = arith.constant 0 : i32
          %dma_wait3A_610 = tpu.memref_slice %arg13[%dma_wait3A_608, %dma_wait3A_609] : memref<65536x16xf32, #tpu.memory_space<vmem_shared>> -> memref<65536x16xf32, #tpu.memory_space<vmem_shared>>
          tpu.wait_indirect_dma semaphore(%arg15 : memref<!tpu.dma_semaphore, #tpu.memory_space<semaphore_mem>>) src(%dma_wait3A_604 : memref<128x16xf32, #tpu.memory_space<vmem>>) dst(%dma_wait3A_610 : memref<65536x16xf32, #tpu.memory_space<vmem_shared>>)
          %dma_wait3A_611 = arith.constant 2 : i32
          %dma_wait3A_612 = arith.constant 2 : i32
          %dma_wait3A_613 = arith.constant 0 : i32
          %dma_wait3A_614 = arith.constant 0 : i32
          %dma_wait3A_615 = tpu.memref_slice %arg8[%dma_wait3A_611, %dma_wait3A_613, %dma_wait3A_614] : memref<8x128x16xf32, #tpu.memory_space<vmem>> -> memref<1x128x16xf32, #tpu.memory_space<vmem>>
          %dma_wait3A_616 = tpu.memref_squeeze %dma_wait3A_615 : memref<1x128x16xf32, #tpu.memory_space<vmem>> -> memref<128x16xf32, #tpu.memory_space<vmem>>
          %dma_wait3A_617 = arith.constant 0 : i32
          %dma_wait3A_618 = tpu.memref_slice %arg7[%dma_wait3A_612, %dma_wait3A_617] : memref<8x128xi32, #tpu.memory_space<vmem>> -> memref<1x128xi32, #tpu.memory_space<vmem>>
          %dma_wait3A_619 = tpu.memref_squeeze %dma_wait3A_618 : memref<1x128xi32, #tpu.memory_space<vmem>> -> memref<128xi32, #tpu.memory_space<vmem>>
          %dma_wait3A_620 = arith.constant 0 : i32
          %dma_wait3A_621 = arith.constant 0 : i32
          %dma_wait3A_622 = tpu.memref_slice %arg13[%dma_wait3A_620, %dma_wait3A_621] : memref<65536x16xf32, #tpu.memory_space<vmem_shared>> -> memref<65536x16xf32, #tpu.memory_space<vmem_shared>>
          tpu.wait_indirect_dma semaphore(%arg15 : memref<!tpu.dma_semaphore, #tpu.memory_space<semaphore_mem>>) src(%dma_wait3A_616 : memref<128x16xf32, #tpu.memory_space<vmem>>) dst(%dma_wait3A_622 : memref<65536x16xf32, #tpu.memory_space<vmem_shared>>)
          %dma_wait3A_623 = arith.constant 3 : i32
          %dma_wait3A_624 = arith.constant 3 : i32
          %dma_wait3A_625 = arith.constant 0 : i32
          %dma_wait3A_626 = arith.constant 0 : i32
          %dma_wait3A_627 = tpu.memref_slice %arg8[%dma_wait3A_623, %dma_wait3A_625, %dma_wait3A_626] : memref<8x128x16xf32, #tpu.memory_space<vmem>> -> memref<1x128x16xf32, #tpu.memory_space<vmem>>
          %dma_wait3A_628 = tpu.memref_squeeze %dma_wait3A_627 : memref<1x128x16xf32, #tpu.memory_space<vmem>> -> memref<128x16xf32, #tpu.memory_space<vmem>>
          %dma_wait3A_629 = arith.constant 0 : i32
          %dma_wait3A_630 = tpu.memref_slice %arg7[%dma_wait3A_624, %dma_wait3A_629] : memref<8x128xi32, #tpu.memory_space<vmem>> -> memref<1x128xi32, #tpu.memory_space<vmem>>
          %dma_wait3A_631 = tpu.memref_squeeze %dma_wait3A_630 : memref<1x128xi32, #tpu.memory_space<vmem>> -> memref<128xi32, #tpu.memory_space<vmem>>
          %dma_wait3A_632 = arith.constant 0 : i32
          %dma_wait3A_633 = arith.constant 0 : i32
          %dma_wait3A_634 = tpu.memref_slice %arg13[%dma_wait3A_632, %dma_wait3A_633] : memref<65536x16xf32, #tpu.memory_space<vmem_shared>> -> memref<65536x16xf32, #tpu.memory_space<vmem_shared>>
          tpu.wait_indirect_dma semaphore(%arg15 : memref<!tpu.dma_semaphore, #tpu.memory_space<semaphore_mem>>) src(%dma_wait3A_628 : memref<128x16xf32, #tpu.memory_space<vmem>>) dst(%dma_wait3A_634 : memref<65536x16xf32, #tpu.memory_space<vmem_shared>>)
          %dma_wait3A_635 = arith.constant 4 : i32
          %dma_wait3A_636 = arith.constant 4 : i32
          %dma_wait3A_637 = arith.constant 0 : i32
          %dma_wait3A_638 = arith.constant 0 : i32
          %dma_wait3A_639 = tpu.memref_slice %arg8[%dma_wait3A_635, %dma_wait3A_637, %dma_wait3A_638] : memref<8x128x16xf32, #tpu.memory_space<vmem>> -> memref<1x128x16xf32, #tpu.memory_space<vmem>>
          %dma_wait3A_640 = tpu.memref_squeeze %dma_wait3A_639 : memref<1x128x16xf32, #tpu.memory_space<vmem>> -> memref<128x16xf32, #tpu.memory_space<vmem>>
          %dma_wait3A_641 = arith.constant 0 : i32
          %dma_wait3A_642 = tpu.memref_slice %arg7[%dma_wait3A_636, %dma_wait3A_641] : memref<8x128xi32, #tpu.memory_space<vmem>> -> memref<1x128xi32, #tpu.memory_space<vmem>>
          %dma_wait3A_643 = tpu.memref_squeeze %dma_wait3A_642 : memref<1x128xi32, #tpu.memory_space<vmem>> -> memref<128xi32, #tpu.memory_space<vmem>>
          %dma_wait3A_644 = arith.constant 0 : i32
          %dma_wait3A_645 = arith.constant 0 : i32
          %dma_wait3A_646 = tpu.memref_slice %arg13[%dma_wait3A_644, %dma_wait3A_645] : memref<65536x16xf32, #tpu.memory_space<vmem_shared>> -> memref<65536x16xf32, #tpu.memory_space<vmem_shared>>
          tpu.wait_indirect_dma semaphore(%arg15 : memref<!tpu.dma_semaphore, #tpu.memory_space<semaphore_mem>>) src(%dma_wait3A_640 : memref<128x16xf32, #tpu.memory_space<vmem>>) dst(%dma_wait3A_646 : memref<65536x16xf32, #tpu.memory_space<vmem_shared>>)
          %dma_wait3A_647 = arith.constant 5 : i32
          %dma_wait3A_648 = arith.constant 5 : i32
          %dma_wait3A_649 = arith.constant 0 : i32
          %dma_wait3A_650 = arith.constant 0 : i32
          %dma_wait3A_651 = tpu.memref_slice %arg8[%dma_wait3A_647, %dma_wait3A_649, %dma_wait3A_650] : memref<8x128x16xf32, #tpu.memory_space<vmem>> -> memref<1x128x16xf32, #tpu.memory_space<vmem>>
          %dma_wait3A_652 = tpu.memref_squeeze %dma_wait3A_651 : memref<1x128x16xf32, #tpu.memory_space<vmem>> -> memref<128x16xf32, #tpu.memory_space<vmem>>
          %dma_wait3A_653 = arith.constant 0 : i32
          %dma_wait3A_654 = tpu.memref_slice %arg7[%dma_wait3A_648, %dma_wait3A_653] : memref<8x128xi32, #tpu.memory_space<vmem>> -> memref<1x128xi32, #tpu.memory_space<vmem>>
          %dma_wait3A_655 = tpu.memref_squeeze %dma_wait3A_654 : memref<1x128xi32, #tpu.memory_space<vmem>> -> memref<128xi32, #tpu.memory_space<vmem>>
          %dma_wait3A_656 = arith.constant 0 : i32
          %dma_wait3A_657 = arith.constant 0 : i32
          %dma_wait3A_658 = tpu.memref_slice %arg13[%dma_wait3A_656, %dma_wait3A_657] : memref<65536x16xf32, #tpu.memory_space<vmem_shared>> -> memref<65536x16xf32, #tpu.memory_space<vmem_shared>>
          tpu.wait_indirect_dma semaphore(%arg15 : memref<!tpu.dma_semaphore, #tpu.memory_space<semaphore_mem>>) src(%dma_wait3A_652 : memref<128x16xf32, #tpu.memory_space<vmem>>) dst(%dma_wait3A_658 : memref<65536x16xf32, #tpu.memory_space<vmem_shared>>)
          %dma_wait3A_659 = arith.constant 6 : i32
          %dma_wait3A_660 = arith.constant 6 : i32
          %dma_wait3A_661 = arith.constant 0 : i32
          %dma_wait3A_662 = arith.constant 0 : i32
          %dma_wait3A_663 = tpu.memref_slice %arg8[%dma_wait3A_659, %dma_wait3A_661, %dma_wait3A_662] : memref<8x128x16xf32, #tpu.memory_space<vmem>> -> memref<1x128x16xf32, #tpu.memory_space<vmem>>
          %dma_wait3A_664 = tpu.memref_squeeze %dma_wait3A_663 : memref<1x128x16xf32, #tpu.memory_space<vmem>> -> memref<128x16xf32, #tpu.memory_space<vmem>>
          %dma_wait3A_665 = arith.constant 0 : i32
          %dma_wait3A_666 = tpu.memref_slice %arg7[%dma_wait3A_660, %dma_wait3A_665] : memref<8x128xi32, #tpu.memory_space<vmem>> -> memref<1x128xi32, #tpu.memory_space<vmem>>
          %dma_wait3A_667 = tpu.memref_squeeze %dma_wait3A_666 : memref<1x128xi32, #tpu.memory_space<vmem>> -> memref<128xi32, #tpu.memory_space<vmem>>
          %dma_wait3A_668 = arith.constant 0 : i32
          %dma_wait3A_669 = arith.constant 0 : i32
          %dma_wait3A_670 = tpu.memref_slice %arg13[%dma_wait3A_668, %dma_wait3A_669] : memref<65536x16xf32, #tpu.memory_space<vmem_shared>> -> memref<65536x16xf32, #tpu.memory_space<vmem_shared>>
          tpu.wait_indirect_dma semaphore(%arg15 : memref<!tpu.dma_semaphore, #tpu.memory_space<semaphore_mem>>) src(%dma_wait3A_664 : memref<128x16xf32, #tpu.memory_space<vmem>>) dst(%dma_wait3A_670 : memref<65536x16xf32, #tpu.memory_space<vmem_shared>>)
          %dma_wait3A_671 = arith.constant 7 : i32
          %dma_wait3A_672 = arith.constant 7 : i32
          %dma_wait3A_673 = arith.constant 0 : i32
          %dma_wait3A_674 = arith.constant 0 : i32
          %dma_wait3A_675 = tpu.memref_slice %arg8[%dma_wait3A_671, %dma_wait3A_673, %dma_wait3A_674] : memref<8x128x16xf32, #tpu.memory_space<vmem>> -> memref<1x128x16xf32, #tpu.memory_space<vmem>>
          %dma_wait3A_676 = tpu.memref_squeeze %dma_wait3A_675 : memref<1x128x16xf32, #tpu.memory_space<vmem>> -> memref<128x16xf32, #tpu.memory_space<vmem>>
          %dma_wait3A_677 = arith.constant 0 : i32
          %dma_wait3A_678 = tpu.memref_slice %arg7[%dma_wait3A_672, %dma_wait3A_677] : memref<8x128xi32, #tpu.memory_space<vmem>> -> memref<1x128xi32, #tpu.memory_space<vmem>>
          %dma_wait3A_679 = tpu.memref_squeeze %dma_wait3A_678 : memref<1x128xi32, #tpu.memory_space<vmem>> -> memref<128xi32, #tpu.memory_space<vmem>>
          %dma_wait3A_680 = arith.constant 0 : i32
          %dma_wait3A_681 = arith.constant 0 : i32
          %dma_wait3A_682 = tpu.memref_slice %arg13[%dma_wait3A_680, %dma_wait3A_681] : memref<65536x16xf32, #tpu.memory_space<vmem_shared>> -> memref<65536x16xf32, #tpu.memory_space<vmem_shared>>
          tpu.wait_indirect_dma semaphore(%arg15 : memref<!tpu.dma_semaphore, #tpu.memory_space<semaphore_mem>>) src(%dma_wait3A_676 : memref<128x16xf32, #tpu.memory_space<vmem>>) dst(%dma_wait3A_682 : memref<65536x16xf32, #tpu.memory_space<vmem_shared>>)
        } else {
        }
        %mul3A_297 = arith.constant 8 : i32
        %mul3A_298 = arith.muli %scan3A_259, %mul3A_297 : i32
        %add3A_299 = arith.addi %mul3A_25, %mul3A_298 : i32
        "tpu.region"() ({
          %run_scoped3A = tpu.sem_alloc : memref<!tpu.dma_semaphore, #tpu.memory_space<semaphore_mem>>
          %dma_start3A_587 = arith.constant 0 : i32
          %dma_start3A_588 = tpu.memref_slice %arg3[%add3A_299, %dma_start3A_587] : memref<12800x128xi32, #tpu.memory_space<hbm>> -> memref<8x128xi32, #tpu.memory_space<hbm>>
          %dma_start3A_589 = arith.constant 0 : i32
          %dma_start3A_590 = tpu.memref_slice %arg3[%add3A_299, %dma_start3A_589] : memref<12800x128xi32, #tpu.memory_space<hbm>> -> memref<8x128xi32, #tpu.memory_space<hbm>>
          tpu.enqueue_dma source(%dma_start3A_590 : memref<8x128xi32, #tpu.memory_space<hbm>>) target(%arg6 : memref<8x128xi32, #tpu.memory_space<vmem>>) target_semaphore(%run_scoped3A : memref<!tpu.dma_semaphore, #tpu.memory_space<semaphore_mem>>)
          %dma_wait3A_591 = arith.constant 0 : i32
          %dma_wait3A_592 = tpu.memref_slice %arg3[%add3A_299, %dma_wait3A_591] : memref<12800x128xi32, #tpu.memory_space<hbm>> -> memref<8x128xi32, #tpu.memory_space<hbm>>
          %dma_wait3A_593 = arith.constant 0 : i32
          %dma_wait3A_594 = tpu.memref_slice %arg3[%add3A_299, %dma_wait3A_593] : memref<12800x128xi32, #tpu.memory_space<hbm>> -> memref<8x128xi32, #tpu.memory_space<hbm>>
          tpu.wait_dma2 semaphore(%run_scoped3A : memref<!tpu.dma_semaphore, #tpu.memory_space<semaphore_mem>>) src(%dma_wait3A_594 : memref<8x128xi32, #tpu.memory_space<hbm>>) dst(%arg6 : memref<8x128xi32, #tpu.memory_space<vmem>>)
          tpu.yield
        }) : () -> ()
        "tpu.region"() ({
          %run_scoped3A = tpu.sem_alloc : memref<!tpu.dma_semaphore, #tpu.memory_space<semaphore_mem>>
          %dma_start3A_587 = arith.constant 0 : i32
          %dma_start3A_588 = tpu.memref_slice %arg4[%add3A_299, %dma_start3A_587] : memref<12800x128xi32, #tpu.memory_space<hbm>> -> memref<8x128xi32, #tpu.memory_space<hbm>>
          %dma_start3A_589 = arith.constant 0 : i32
          %dma_start3A_590 = tpu.memref_slice %arg4[%add3A_299, %dma_start3A_589] : memref<12800x128xi32, #tpu.memory_space<hbm>> -> memref<8x128xi32, #tpu.memory_space<hbm>>
          tpu.enqueue_dma source(%dma_start3A_590 : memref<8x128xi32, #tpu.memory_space<hbm>>) target(%arg7 : memref<8x128xi32, #tpu.memory_space<vmem>>) target_semaphore(%run_scoped3A : memref<!tpu.dma_semaphore, #tpu.memory_space<semaphore_mem>>)
          %dma_wait3A_591 = arith.constant 0 : i32
          %dma_wait3A_592 = tpu.memref_slice %arg4[%add3A_299, %dma_wait3A_591] : memref<12800x128xi32, #tpu.memory_space<hbm>> -> memref<8x128xi32, #tpu.memory_space<hbm>>
          %dma_wait3A_593 = arith.constant 0 : i32
          %dma_wait3A_594 = tpu.memref_slice %arg4[%add3A_299, %dma_wait3A_593] : memref<12800x128xi32, #tpu.memory_space<hbm>> -> memref<8x128xi32, #tpu.memory_space<hbm>>
          tpu.wait_dma2 semaphore(%run_scoped3A : memref<!tpu.dma_semaphore, #tpu.memory_space<semaphore_mem>>) src(%dma_wait3A_594 : memref<8x128xi32, #tpu.memory_space<hbm>>) dst(%arg7 : memref<8x128xi32, #tpu.memory_space<vmem>>)
          tpu.yield
        }) : () -> ()
        %dma_start3A = arith.constant 0 : i32
        %dma_start3A_300 = arith.constant 0 : i32
        %dma_start3A_301 = arith.constant 0 : i32
        %dma_start3A_302 = arith.constant 0 : i32
        %dma_start3A_303 = tpu.memref_slice %arg8[%dma_start3A_300, %dma_start3A_301, %dma_start3A_302] : memref<8x128x16xf32, #tpu.memory_space<vmem>> -> memref<1x128x16xf32, #tpu.memory_space<vmem>>
        %dma_start3A_304 = tpu.memref_squeeze %dma_start3A_303 : memref<1x128x16xf32, #tpu.memory_space<vmem>> -> memref<128x16xf32, #tpu.memory_space<vmem>>
        %dma_start3A_305 = arith.constant 0 : i32
        %dma_start3A_306 = tpu.memref_slice %arg6[%dma_start3A, %dma_start3A_305] : memref<8x128xi32, #tpu.memory_space<vmem>> -> memref<1x128xi32, #tpu.memory_space<vmem>>
        %dma_start3A_307 = tpu.memref_squeeze %dma_start3A_306 : memref<1x128xi32, #tpu.memory_space<vmem>> -> memref<128xi32, #tpu.memory_space<vmem>>
        %dma_start3A_308 = arith.constant 0 : i32
        %dma_start3A_309 = arith.constant 0 : i32
        %dma_start3A_310 = tpu.memref_slice %arg2[%dma_start3A_308, %dma_start3A_309] : memref<65536x16xf32, #tpu.memory_space<hbm>> -> memref<65536x16xf32, #tpu.memory_space<hbm>>
        tpu.enqueue_indirect_dma source(%dma_start3A_310 : memref<65536x16xf32, #tpu.memory_space<hbm>>) target(%dma_start3A_304 : memref<128x16xf32, #tpu.memory_space<vmem>>) offsets(%dma_start3A_307 : memref<128xi32, #tpu.memory_space<vmem>>) semaphore(%arg14 : memref<!tpu.dma_semaphore, #tpu.memory_space<semaphore_mem>>)
        %dma_start3A_311 = arith.constant 1 : i32
        %dma_start3A_312 = arith.constant 1 : i32
        %dma_start3A_313 = arith.constant 0 : i32
        %dma_start3A_314 = arith.constant 0 : i32
        %dma_start3A_315 = tpu.memref_slice %arg8[%dma_start3A_312, %dma_start3A_313, %dma_start3A_314] : memref<8x128x16xf32, #tpu.memory_space<vmem>> -> memref<1x128x16xf32, #tpu.memory_space<vmem>>
        %dma_start3A_316 = tpu.memref_squeeze %dma_start3A_315 : memref<1x128x16xf32, #tpu.memory_space<vmem>> -> memref<128x16xf32, #tpu.memory_space<vmem>>
        %dma_start3A_317 = arith.constant 0 : i32
        %dma_start3A_318 = tpu.memref_slice %arg6[%dma_start3A_311, %dma_start3A_317] : memref<8x128xi32, #tpu.memory_space<vmem>> -> memref<1x128xi32, #tpu.memory_space<vmem>>
        %dma_start3A_319 = tpu.memref_squeeze %dma_start3A_318 : memref<1x128xi32, #tpu.memory_space<vmem>> -> memref<128xi32, #tpu.memory_space<vmem>>
        %dma_start3A_320 = arith.constant 0 : i32
        %dma_start3A_321 = arith.constant 0 : i32
        %dma_start3A_322 = tpu.memref_slice %arg2[%dma_start3A_320, %dma_start3A_321] : memref<65536x16xf32, #tpu.memory_space<hbm>> -> memref<65536x16xf32, #tpu.memory_space<hbm>>
        tpu.enqueue_indirect_dma source(%dma_start3A_322 : memref<65536x16xf32, #tpu.memory_space<hbm>>) target(%dma_start3A_316 : memref<128x16xf32, #tpu.memory_space<vmem>>) offsets(%dma_start3A_319 : memref<128xi32, #tpu.memory_space<vmem>>) semaphore(%arg14 : memref<!tpu.dma_semaphore, #tpu.memory_space<semaphore_mem>>)
        %dma_start3A_323 = arith.constant 2 : i32
        %dma_start3A_324 = arith.constant 2 : i32
        %dma_start3A_325 = arith.constant 0 : i32
        %dma_start3A_326 = arith.constant 0 : i32
        %dma_start3A_327 = tpu.memref_slice %arg8[%dma_start3A_324, %dma_start3A_325, %dma_start3A_326] : memref<8x128x16xf32, #tpu.memory_space<vmem>> -> memref<1x128x16xf32, #tpu.memory_space<vmem>>
        %dma_start3A_328 = tpu.memref_squeeze %dma_start3A_327 : memref<1x128x16xf32, #tpu.memory_space<vmem>> -> memref<128x16xf32, #tpu.memory_space<vmem>>
        %dma_start3A_329 = arith.constant 0 : i32
        %dma_start3A_330 = tpu.memref_slice %arg6[%dma_start3A_323, %dma_start3A_329] : memref<8x128xi32, #tpu.memory_space<vmem>> -> memref<1x128xi32, #tpu.memory_space<vmem>>
        %dma_start3A_331 = tpu.memref_squeeze %dma_start3A_330 : memref<1x128xi32, #tpu.memory_space<vmem>> -> memref<128xi32, #tpu.memory_space<vmem>>
        %dma_start3A_332 = arith.constant 0 : i32
        %dma_start3A_333 = arith.constant 0 : i32
        %dma_start3A_334 = tpu.memref_slice %arg2[%dma_start3A_332, %dma_start3A_333] : memref<65536x16xf32, #tpu.memory_space<hbm>> -> memref<65536x16xf32, #tpu.memory_space<hbm>>
        tpu.enqueue_indirect_dma source(%dma_start3A_334 : memref<65536x16xf32, #tpu.memory_space<hbm>>) target(%dma_start3A_328 : memref<128x16xf32, #tpu.memory_space<vmem>>) offsets(%dma_start3A_331 : memref<128xi32, #tpu.memory_space<vmem>>) semaphore(%arg14 : memref<!tpu.dma_semaphore, #tpu.memory_space<semaphore_mem>>)
        %dma_start3A_335 = arith.constant 3 : i32
        %dma_start3A_336 = arith.constant 3 : i32
        %dma_start3A_337 = arith.constant 0 : i32
        %dma_start3A_338 = arith.constant 0 : i32
        %dma_start3A_339 = tpu.memref_slice %arg8[%dma_start3A_336, %dma_start3A_337, %dma_start3A_338] : memref<8x128x16xf32, #tpu.memory_space<vmem>> -> memref<1x128x16xf32, #tpu.memory_space<vmem>>
        %dma_start3A_340 = tpu.memref_squeeze %dma_start3A_339 : memref<1x128x16xf32, #tpu.memory_space<vmem>> -> memref<128x16xf32, #tpu.memory_space<vmem>>
        %dma_start3A_341 = arith.constant 0 : i32
        %dma_start3A_342 = tpu.memref_slice %arg6[%dma_start3A_335, %dma_start3A_341] : memref<8x128xi32, #tpu.memory_space<vmem>> -> memref<1x128xi32, #tpu.memory_space<vmem>>
        %dma_start3A_343 = tpu.memref_squeeze %dma_start3A_342 : memref<1x128xi32, #tpu.memory_space<vmem>> -> memref<128xi32, #tpu.memory_space<vmem>>
        %dma_start3A_344 = arith.constant 0 : i32
        %dma_start3A_345 = arith.constant 0 : i32
        %dma_start3A_346 = tpu.memref_slice %arg2[%dma_start3A_344, %dma_start3A_345] : memref<65536x16xf32, #tpu.memory_space<hbm>> -> memref<65536x16xf32, #tpu.memory_space<hbm>>
        tpu.enqueue_indirect_dma source(%dma_start3A_346 : memref<65536x16xf32, #tpu.memory_space<hbm>>) target(%dma_start3A_340 : memref<128x16xf32, #tpu.memory_space<vmem>>) offsets(%dma_start3A_343 : memref<128xi32, #tpu.memory_space<vmem>>) semaphore(%arg14 : memref<!tpu.dma_semaphore, #tpu.memory_space<semaphore_mem>>)
        %dma_start3A_347 = arith.constant 4 : i32
        %dma_start3A_348 = arith.constant 4 : i32
        %dma_start3A_349 = arith.constant 0 : i32
        %dma_start3A_350 = arith.constant 0 : i32
        %dma_start3A_351 = tpu.memref_slice %arg8[%dma_start3A_348, %dma_start3A_349, %dma_start3A_350] : memref<8x128x16xf32, #tpu.memory_space<vmem>> -> memref<1x128x16xf32, #tpu.memory_space<vmem>>
        %dma_start3A_352 = tpu.memref_squeeze %dma_start3A_351 : memref<1x128x16xf32, #tpu.memory_space<vmem>> -> memref<128x16xf32, #tpu.memory_space<vmem>>
        %dma_start3A_353 = arith.constant 0 : i32
        %dma_start3A_354 = tpu.memref_slice %arg6[%dma_start3A_347, %dma_start3A_353] : memref<8x128xi32, #tpu.memory_space<vmem>> -> memref<1x128xi32, #tpu.memory_space<vmem>>
        %dma_start3A_355 = tpu.memref_squeeze %dma_start3A_354 : memref<1x128xi32, #tpu.memory_space<vmem>> -> memref<128xi32, #tpu.memory_space<vmem>>
        %dma_start3A_356 = arith.constant 0 : i32
        %dma_start3A_357 = arith.constant 0 : i32
        %dma_start3A_358 = tpu.memref_slice %arg2[%dma_start3A_356, %dma_start3A_357] : memref<65536x16xf32, #tpu.memory_space<hbm>> -> memref<65536x16xf32, #tpu.memory_space<hbm>>
        tpu.enqueue_indirect_dma source(%dma_start3A_358 : memref<65536x16xf32, #tpu.memory_space<hbm>>) target(%dma_start3A_352 : memref<128x16xf32, #tpu.memory_space<vmem>>) offsets(%dma_start3A_355 : memref<128xi32, #tpu.memory_space<vmem>>) semaphore(%arg14 : memref<!tpu.dma_semaphore, #tpu.memory_space<semaphore_mem>>)
        %dma_start3A_359 = arith.constant 5 : i32
        %dma_start3A_360 = arith.constant 5 : i32
        %dma_start3A_361 = arith.constant 0 : i32
        %dma_start3A_362 = arith.constant 0 : i32
        %dma_start3A_363 = tpu.memref_slice %arg8[%dma_start3A_360, %dma_start3A_361, %dma_start3A_362] : memref<8x128x16xf32, #tpu.memory_space<vmem>> -> memref<1x128x16xf32, #tpu.memory_space<vmem>>
        %dma_start3A_364 = tpu.memref_squeeze %dma_start3A_363 : memref<1x128x16xf32, #tpu.memory_space<vmem>> -> memref<128x16xf32, #tpu.memory_space<vmem>>
        %dma_start3A_365 = arith.constant 0 : i32
        %dma_start3A_366 = tpu.memref_slice %arg6[%dma_start3A_359, %dma_start3A_365] : memref<8x128xi32, #tpu.memory_space<vmem>> -> memref<1x128xi32, #tpu.memory_space<vmem>>
        %dma_start3A_367 = tpu.memref_squeeze %dma_start3A_366 : memref<1x128xi32, #tpu.memory_space<vmem>> -> memref<128xi32, #tpu.memory_space<vmem>>
        %dma_start3A_368 = arith.constant 0 : i32
        %dma_start3A_369 = arith.constant 0 : i32
        %dma_start3A_370 = tpu.memref_slice %arg2[%dma_start3A_368, %dma_start3A_369] : memref<65536x16xf32, #tpu.memory_space<hbm>> -> memref<65536x16xf32, #tpu.memory_space<hbm>>
        tpu.enqueue_indirect_dma source(%dma_start3A_370 : memref<65536x16xf32, #tpu.memory_space<hbm>>) target(%dma_start3A_364 : memref<128x16xf32, #tpu.memory_space<vmem>>) offsets(%dma_start3A_367 : memref<128xi32, #tpu.memory_space<vmem>>) semaphore(%arg14 : memref<!tpu.dma_semaphore, #tpu.memory_space<semaphore_mem>>)
        %dma_start3A_371 = arith.constant 6 : i32
        %dma_start3A_372 = arith.constant 6 : i32
        %dma_start3A_373 = arith.constant 0 : i32
        %dma_start3A_374 = arith.constant 0 : i32
        %dma_start3A_375 = tpu.memref_slice %arg8[%dma_start3A_372, %dma_start3A_373, %dma_start3A_374] : memref<8x128x16xf32, #tpu.memory_space<vmem>> -> memref<1x128x16xf32, #tpu.memory_space<vmem>>
        %dma_start3A_376 = tpu.memref_squeeze %dma_start3A_375 : memref<1x128x16xf32, #tpu.memory_space<vmem>> -> memref<128x16xf32, #tpu.memory_space<vmem>>
        %dma_start3A_377 = arith.constant 0 : i32
        %dma_start3A_378 = tpu.memref_slice %arg6[%dma_start3A_371, %dma_start3A_377] : memref<8x128xi32, #tpu.memory_space<vmem>> -> memref<1x128xi32, #tpu.memory_space<vmem>>
        %dma_start3A_379 = tpu.memref_squeeze %dma_start3A_378 : memref<1x128xi32, #tpu.memory_space<vmem>> -> memref<128xi32, #tpu.memory_space<vmem>>
        %dma_start3A_380 = arith.constant 0 : i32
        %dma_start3A_381 = arith.constant 0 : i32
        %dma_start3A_382 = tpu.memref_slice %arg2[%dma_start3A_380, %dma_start3A_381] : memref<65536x16xf32, #tpu.memory_space<hbm>> -> memref<65536x16xf32, #tpu.memory_space<hbm>>
        tpu.enqueue_indirect_dma source(%dma_start3A_382 : memref<65536x16xf32, #tpu.memory_space<hbm>>) target(%dma_start3A_376 : memref<128x16xf32, #tpu.memory_space<vmem>>) offsets(%dma_start3A_379 : memref<128xi32, #tpu.memory_space<vmem>>) semaphore(%arg14 : memref<!tpu.dma_semaphore, #tpu.memory_space<semaphore_mem>>)
        %dma_start3A_383 = arith.constant 7 : i32
        %dma_start3A_384 = arith.constant 7 : i32
        %dma_start3A_385 = arith.constant 0 : i32
        %dma_start3A_386 = arith.constant 0 : i32
        %dma_start3A_387 = tpu.memref_slice %arg8[%dma_start3A_384, %dma_start3A_385, %dma_start3A_386] : memref<8x128x16xf32, #tpu.memory_space<vmem>> -> memref<1x128x16xf32, #tpu.memory_space<vmem>>
        %dma_start3A_388 = tpu.memref_squeeze %dma_start3A_387 : memref<1x128x16xf32, #tpu.memory_space<vmem>> -> memref<128x16xf32, #tpu.memory_space<vmem>>
        %dma_start3A_389 = arith.constant 0 : i32
        %dma_start3A_390 = tpu.memref_slice %arg6[%dma_start3A_383, %dma_start3A_389] : memref<8x128xi32, #tpu.memory_space<vmem>> -> memref<1x128xi32, #tpu.memory_space<vmem>>
        %dma_start3A_391 = tpu.memref_squeeze %dma_start3A_390 : memref<1x128xi32, #tpu.memory_space<vmem>> -> memref<128xi32, #tpu.memory_space<vmem>>
        %dma_start3A_392 = arith.constant 0 : i32
        %dma_start3A_393 = arith.constant 0 : i32
        %dma_start3A_394 = tpu.memref_slice %arg2[%dma_start3A_392, %dma_start3A_393] : memref<65536x16xf32, #tpu.memory_space<hbm>> -> memref<65536x16xf32, #tpu.memory_space<hbm>>
        tpu.enqueue_indirect_dma source(%dma_start3A_394 : memref<65536x16xf32, #tpu.memory_space<hbm>>) target(%dma_start3A_388 : memref<128x16xf32, #tpu.memory_space<vmem>>) offsets(%dma_start3A_391 : memref<128xi32, #tpu.memory_space<vmem>>) semaphore(%arg14 : memref<!tpu.dma_semaphore, #tpu.memory_space<semaphore_mem>>)
        %dma_wait3A_395 = arith.constant 0 : i32
        %dma_wait3A_396 = arith.constant 0 : i32
        %dma_wait3A_397 = arith.constant 0 : i32
        %dma_wait3A_398 = arith.constant 0 : i32
        %dma_wait3A_399 = tpu.memref_slice %arg8[%dma_wait3A_396, %dma_wait3A_397, %dma_wait3A_398] : memref<8x128x16xf32, #tpu.memory_space<vmem>> -> memref<1x128x16xf32, #tpu.memory_space<vmem>>
        %dma_wait3A_400 = tpu.memref_squeeze %dma_wait3A_399 : memref<1x128x16xf32, #tpu.memory_space<vmem>> -> memref<128x16xf32, #tpu.memory_space<vmem>>
        %dma_wait3A_401 = arith.constant 0 : i32
        %dma_wait3A_402 = tpu.memref_slice %arg6[%dma_wait3A_395, %dma_wait3A_401] : memref<8x128xi32, #tpu.memory_space<vmem>> -> memref<1x128xi32, #tpu.memory_space<vmem>>
        %dma_wait3A_403 = tpu.memref_squeeze %dma_wait3A_402 : memref<1x128xi32, #tpu.memory_space<vmem>> -> memref<128xi32, #tpu.memory_space<vmem>>
        %dma_wait3A_404 = arith.constant 0 : i32
        %dma_wait3A_405 = arith.constant 0 : i32
        %dma_wait3A_406 = tpu.memref_slice %arg2[%dma_wait3A_404, %dma_wait3A_405] : memref<65536x16xf32, #tpu.memory_space<hbm>> -> memref<65536x16xf32, #tpu.memory_space<hbm>>
        tpu.wait_indirect_dma semaphore(%arg14 : memref<!tpu.dma_semaphore, #tpu.memory_space<semaphore_mem>>) src(%dma_wait3A_406 : memref<65536x16xf32, #tpu.memory_space<hbm>>) dst(%dma_wait3A_400 : memref<128x16xf32, #tpu.memory_space<vmem>>)
        %dma_wait3A_407 = arith.constant 1 : i32
        %dma_wait3A_408 = arith.constant 1 : i32
        %dma_wait3A_409 = arith.constant 0 : i32
        %dma_wait3A_410 = arith.constant 0 : i32
        %dma_wait3A_411 = tpu.memref_slice %arg8[%dma_wait3A_408, %dma_wait3A_409, %dma_wait3A_410] : memref<8x128x16xf32, #tpu.memory_space<vmem>> -> memref<1x128x16xf32, #tpu.memory_space<vmem>>
        %dma_wait3A_412 = tpu.memref_squeeze %dma_wait3A_411 : memref<1x128x16xf32, #tpu.memory_space<vmem>> -> memref<128x16xf32, #tpu.memory_space<vmem>>
        %dma_wait3A_413 = arith.constant 0 : i32
        %dma_wait3A_414 = tpu.memref_slice %arg6[%dma_wait3A_407, %dma_wait3A_413] : memref<8x128xi32, #tpu.memory_space<vmem>> -> memref<1x128xi32, #tpu.memory_space<vmem>>
        %dma_wait3A_415 = tpu.memref_squeeze %dma_wait3A_414 : memref<1x128xi32, #tpu.memory_space<vmem>> -> memref<128xi32, #tpu.memory_space<vmem>>
        %dma_wait3A_416 = arith.constant 0 : i32
        %dma_wait3A_417 = arith.constant 0 : i32
        %dma_wait3A_418 = tpu.memref_slice %arg2[%dma_wait3A_416, %dma_wait3A_417] : memref<65536x16xf32, #tpu.memory_space<hbm>> -> memref<65536x16xf32, #tpu.memory_space<hbm>>
        tpu.wait_indirect_dma semaphore(%arg14 : memref<!tpu.dma_semaphore, #tpu.memory_space<semaphore_mem>>) src(%dma_wait3A_418 : memref<65536x16xf32, #tpu.memory_space<hbm>>) dst(%dma_wait3A_412 : memref<128x16xf32, #tpu.memory_space<vmem>>)
        %dma_wait3A_419 = arith.constant 2 : i32
        %dma_wait3A_420 = arith.constant 2 : i32
        %dma_wait3A_421 = arith.constant 0 : i32
        %dma_wait3A_422 = arith.constant 0 : i32
        %dma_wait3A_423 = tpu.memref_slice %arg8[%dma_wait3A_420, %dma_wait3A_421, %dma_wait3A_422] : memref<8x128x16xf32, #tpu.memory_space<vmem>> -> memref<1x128x16xf32, #tpu.memory_space<vmem>>
        %dma_wait3A_424 = tpu.memref_squeeze %dma_wait3A_423 : memref<1x128x16xf32, #tpu.memory_space<vmem>> -> memref<128x16xf32, #tpu.memory_space<vmem>>
        %dma_wait3A_425 = arith.constant 0 : i32
        %dma_wait3A_426 = tpu.memref_slice %arg6[%dma_wait3A_419, %dma_wait3A_425] : memref<8x128xi32, #tpu.memory_space<vmem>> -> memref<1x128xi32, #tpu.memory_space<vmem>>
        %dma_wait3A_427 = tpu.memref_squeeze %dma_wait3A_426 : memref<1x128xi32, #tpu.memory_space<vmem>> -> memref<128xi32, #tpu.memory_space<vmem>>
        %dma_wait3A_428 = arith.constant 0 : i32
        %dma_wait3A_429 = arith.constant 0 : i32
        %dma_wait3A_430 = tpu.memref_slice %arg2[%dma_wait3A_428, %dma_wait3A_429] : memref<65536x16xf32, #tpu.memory_space<hbm>> -> memref<65536x16xf32, #tpu.memory_space<hbm>>
        tpu.wait_indirect_dma semaphore(%arg14 : memref<!tpu.dma_semaphore, #tpu.memory_space<semaphore_mem>>) src(%dma_wait3A_430 : memref<65536x16xf32, #tpu.memory_space<hbm>>) dst(%dma_wait3A_424 : memref<128x16xf32, #tpu.memory_space<vmem>>)
        %dma_wait3A_431 = arith.constant 3 : i32
        %dma_wait3A_432 = arith.constant 3 : i32
        %dma_wait3A_433 = arith.constant 0 : i32
        %dma_wait3A_434 = arith.constant 0 : i32
        %dma_wait3A_435 = tpu.memref_slice %arg8[%dma_wait3A_432, %dma_wait3A_433, %dma_wait3A_434] : memref<8x128x16xf32, #tpu.memory_space<vmem>> -> memref<1x128x16xf32, #tpu.memory_space<vmem>>
        %dma_wait3A_436 = tpu.memref_squeeze %dma_wait3A_435 : memref<1x128x16xf32, #tpu.memory_space<vmem>> -> memref<128x16xf32, #tpu.memory_space<vmem>>
        %dma_wait3A_437 = arith.constant 0 : i32
        %dma_wait3A_438 = tpu.memref_slice %arg6[%dma_wait3A_431, %dma_wait3A_437] : memref<8x128xi32, #tpu.memory_space<vmem>> -> memref<1x128xi32, #tpu.memory_space<vmem>>
        %dma_wait3A_439 = tpu.memref_squeeze %dma_wait3A_438 : memref<1x128xi32, #tpu.memory_space<vmem>> -> memref<128xi32, #tpu.memory_space<vmem>>
        %dma_wait3A_440 = arith.constant 0 : i32
        %dma_wait3A_441 = arith.constant 0 : i32
        %dma_wait3A_442 = tpu.memref_slice %arg2[%dma_wait3A_440, %dma_wait3A_441] : memref<65536x16xf32, #tpu.memory_space<hbm>> -> memref<65536x16xf32, #tpu.memory_space<hbm>>
        tpu.wait_indirect_dma semaphore(%arg14 : memref<!tpu.dma_semaphore, #tpu.memory_space<semaphore_mem>>) src(%dma_wait3A_442 : memref<65536x16xf32, #tpu.memory_space<hbm>>) dst(%dma_wait3A_436 : memref<128x16xf32, #tpu.memory_space<vmem>>)
        %dma_wait3A_443 = arith.constant 4 : i32
        %dma_wait3A_444 = arith.constant 4 : i32
        %dma_wait3A_445 = arith.constant 0 : i32
        %dma_wait3A_446 = arith.constant 0 : i32
        %dma_wait3A_447 = tpu.memref_slice %arg8[%dma_wait3A_444, %dma_wait3A_445, %dma_wait3A_446] : memref<8x128x16xf32, #tpu.memory_space<vmem>> -> memref<1x128x16xf32, #tpu.memory_space<vmem>>
        %dma_wait3A_448 = tpu.memref_squeeze %dma_wait3A_447 : memref<1x128x16xf32, #tpu.memory_space<vmem>> -> memref<128x16xf32, #tpu.memory_space<vmem>>
        %dma_wait3A_449 = arith.constant 0 : i32
        %dma_wait3A_450 = tpu.memref_slice %arg6[%dma_wait3A_443, %dma_wait3A_449] : memref<8x128xi32, #tpu.memory_space<vmem>> -> memref<1x128xi32, #tpu.memory_space<vmem>>
        %dma_wait3A_451 = tpu.memref_squeeze %dma_wait3A_450 : memref<1x128xi32, #tpu.memory_space<vmem>> -> memref<128xi32, #tpu.memory_space<vmem>>
        %dma_wait3A_452 = arith.constant 0 : i32
        %dma_wait3A_453 = arith.constant 0 : i32
        %dma_wait3A_454 = tpu.memref_slice %arg2[%dma_wait3A_452, %dma_wait3A_453] : memref<65536x16xf32, #tpu.memory_space<hbm>> -> memref<65536x16xf32, #tpu.memory_space<hbm>>
        tpu.wait_indirect_dma semaphore(%arg14 : memref<!tpu.dma_semaphore, #tpu.memory_space<semaphore_mem>>) src(%dma_wait3A_454 : memref<65536x16xf32, #tpu.memory_space<hbm>>) dst(%dma_wait3A_448 : memref<128x16xf32, #tpu.memory_space<vmem>>)
        %dma_wait3A_455 = arith.constant 5 : i32
        %dma_wait3A_456 = arith.constant 5 : i32
        %dma_wait3A_457 = arith.constant 0 : i32
        %dma_wait3A_458 = arith.constant 0 : i32
        %dma_wait3A_459 = tpu.memref_slice %arg8[%dma_wait3A_456, %dma_wait3A_457, %dma_wait3A_458] : memref<8x128x16xf32, #tpu.memory_space<vmem>> -> memref<1x128x16xf32, #tpu.memory_space<vmem>>
        %dma_wait3A_460 = tpu.memref_squeeze %dma_wait3A_459 : memref<1x128x16xf32, #tpu.memory_space<vmem>> -> memref<128x16xf32, #tpu.memory_space<vmem>>
        %dma_wait3A_461 = arith.constant 0 : i32
        %dma_wait3A_462 = tpu.memref_slice %arg6[%dma_wait3A_455, %dma_wait3A_461] : memref<8x128xi32, #tpu.memory_space<vmem>> -> memref<1x128xi32, #tpu.memory_space<vmem>>
        %dma_wait3A_463 = tpu.memref_squeeze %dma_wait3A_462 : memref<1x128xi32, #tpu.memory_space<vmem>> -> memref<128xi32, #tpu.memory_space<vmem>>
        %dma_wait3A_464 = arith.constant 0 : i32
        %dma_wait3A_465 = arith.constant 0 : i32
        %dma_wait3A_466 = tpu.memref_slice %arg2[%dma_wait3A_464, %dma_wait3A_465] : memref<65536x16xf32, #tpu.memory_space<hbm>> -> memref<65536x16xf32, #tpu.memory_space<hbm>>
        tpu.wait_indirect_dma semaphore(%arg14 : memref<!tpu.dma_semaphore, #tpu.memory_space<semaphore_mem>>) src(%dma_wait3A_466 : memref<65536x16xf32, #tpu.memory_space<hbm>>) dst(%dma_wait3A_460 : memref<128x16xf32, #tpu.memory_space<vmem>>)
        %dma_wait3A_467 = arith.constant 6 : i32
        %dma_wait3A_468 = arith.constant 6 : i32
        %dma_wait3A_469 = arith.constant 0 : i32
        %dma_wait3A_470 = arith.constant 0 : i32
        %dma_wait3A_471 = tpu.memref_slice %arg8[%dma_wait3A_468, %dma_wait3A_469, %dma_wait3A_470] : memref<8x128x16xf32, #tpu.memory_space<vmem>> -> memref<1x128x16xf32, #tpu.memory_space<vmem>>
        %dma_wait3A_472 = tpu.memref_squeeze %dma_wait3A_471 : memref<1x128x16xf32, #tpu.memory_space<vmem>> -> memref<128x16xf32, #tpu.memory_space<vmem>>
        %dma_wait3A_473 = arith.constant 0 : i32
        %dma_wait3A_474 = tpu.memref_slice %arg6[%dma_wait3A_467, %dma_wait3A_473] : memref<8x128xi32, #tpu.memory_space<vmem>> -> memref<1x128xi32, #tpu.memory_space<vmem>>
        %dma_wait3A_475 = tpu.memref_squeeze %dma_wait3A_474 : memref<1x128xi32, #tpu.memory_space<vmem>> -> memref<128xi32, #tpu.memory_space<vmem>>
        %dma_wait3A_476 = arith.constant 0 : i32
        %dma_wait3A_477 = arith.constant 0 : i32
        %dma_wait3A_478 = tpu.memref_slice %arg2[%dma_wait3A_476, %dma_wait3A_477] : memref<65536x16xf32, #tpu.memory_space<hbm>> -> memref<65536x16xf32, #tpu.memory_space<hbm>>
        tpu.wait_indirect_dma semaphore(%arg14 : memref<!tpu.dma_semaphore, #tpu.memory_space<semaphore_mem>>) src(%dma_wait3A_478 : memref<65536x16xf32, #tpu.memory_space<hbm>>) dst(%dma_wait3A_472 : memref<128x16xf32, #tpu.memory_space<vmem>>)
        %dma_wait3A_479 = arith.constant 7 : i32
        %dma_wait3A_480 = arith.constant 7 : i32
        %dma_wait3A_481 = arith.constant 0 : i32
        %dma_wait3A_482 = arith.constant 0 : i32
        %dma_wait3A_483 = tpu.memref_slice %arg8[%dma_wait3A_480, %dma_wait3A_481, %dma_wait3A_482] : memref<8x128x16xf32, #tpu.memory_space<vmem>> -> memref<1x128x16xf32, #tpu.memory_space<vmem>>
        %dma_wait3A_484 = tpu.memref_squeeze %dma_wait3A_483 : memref<1x128x16xf32, #tpu.memory_space<vmem>> -> memref<128x16xf32, #tpu.memory_space<vmem>>
        %dma_wait3A_485 = arith.constant 0 : i32
        %dma_wait3A_486 = tpu.memref_slice %arg6[%dma_wait3A_479, %dma_wait3A_485] : memref<8x128xi32, #tpu.memory_space<vmem>> -> memref<1x128xi32, #tpu.memory_space<vmem>>
        %dma_wait3A_487 = tpu.memref_squeeze %dma_wait3A_486 : memref<1x128xi32, #tpu.memory_space<vmem>> -> memref<128xi32, #tpu.memory_space<vmem>>
        %dma_wait3A_488 = arith.constant 0 : i32
        %dma_wait3A_489 = arith.constant 0 : i32
        %dma_wait3A_490 = tpu.memref_slice %arg2[%dma_wait3A_488, %dma_wait3A_489] : memref<65536x16xf32, #tpu.memory_space<hbm>> -> memref<65536x16xf32, #tpu.memory_space<hbm>>
        tpu.wait_indirect_dma semaphore(%arg14 : memref<!tpu.dma_semaphore, #tpu.memory_space<semaphore_mem>>) src(%dma_wait3A_490 : memref<65536x16xf32, #tpu.memory_space<hbm>>) dst(%dma_wait3A_484 : memref<128x16xf32, #tpu.memory_space<vmem>>)
        %dma_start3A_491 = arith.constant 0 : i32
        %dma_start3A_492 = arith.constant 0 : i32
        %dma_start3A_493 = arith.constant 0 : i32
        %dma_start3A_494 = arith.constant 0 : i32
        %dma_start3A_495 = tpu.memref_slice %arg8[%dma_start3A_491, %dma_start3A_493, %dma_start3A_494] : memref<8x128x16xf32, #tpu.memory_space<vmem>> -> memref<1x128x16xf32, #tpu.memory_space<vmem>>
        %dma_start3A_496 = tpu.memref_squeeze %dma_start3A_495 : memref<1x128x16xf32, #tpu.memory_space<vmem>> -> memref<128x16xf32, #tpu.memory_space<vmem>>
        %dma_start3A_497 = arith.constant 0 : i32
        %dma_start3A_498 = tpu.memref_slice %arg7[%dma_start3A_492, %dma_start3A_497] : memref<8x128xi32, #tpu.memory_space<vmem>> -> memref<1x128xi32, #tpu.memory_space<vmem>>
        %dma_start3A_499 = tpu.memref_squeeze %dma_start3A_498 : memref<1x128xi32, #tpu.memory_space<vmem>> -> memref<128xi32, #tpu.memory_space<vmem>>
        %dma_start3A_500 = arith.constant 0 : i32
        %dma_start3A_501 = arith.constant 0 : i32
        %dma_start3A_502 = tpu.memref_slice %arg13[%dma_start3A_500, %dma_start3A_501] : memref<65536x16xf32, #tpu.memory_space<vmem_shared>> -> memref<65536x16xf32, #tpu.memory_space<vmem_shared>>
        tpu.enqueue_indirect_dma source(%dma_start3A_496 : memref<128x16xf32, #tpu.memory_space<vmem>>) target(%dma_start3A_502 : memref<65536x16xf32, #tpu.memory_space<vmem_shared>>) offsets(%dma_start3A_499 : memref<128xi32, #tpu.memory_space<vmem>>) semaphore(%arg15 : memref<!tpu.dma_semaphore, #tpu.memory_space<semaphore_mem>>) {add = true}
        %dma_start3A_503 = arith.constant 1 : i32
        %dma_start3A_504 = arith.constant 1 : i32
        %dma_start3A_505 = arith.constant 0 : i32
        %dma_start3A_506 = arith.constant 0 : i32
        %dma_start3A_507 = tpu.memref_slice %arg8[%dma_start3A_503, %dma_start3A_505, %dma_start3A_506] : memref<8x128x16xf32, #tpu.memory_space<vmem>> -> memref<1x128x16xf32, #tpu.memory_space<vmem>>
        %dma_start3A_508 = tpu.memref_squeeze %dma_start3A_507 : memref<1x128x16xf32, #tpu.memory_space<vmem>> -> memref<128x16xf32, #tpu.memory_space<vmem>>
        %dma_start3A_509 = arith.constant 0 : i32
        %dma_start3A_510 = tpu.memref_slice %arg7[%dma_start3A_504, %dma_start3A_509] : memref<8x128xi32, #tpu.memory_space<vmem>> -> memref<1x128xi32, #tpu.memory_space<vmem>>
        %dma_start3A_511 = tpu.memref_squeeze %dma_start3A_510 : memref<1x128xi32, #tpu.memory_space<vmem>> -> memref<128xi32, #tpu.memory_space<vmem>>
        %dma_start3A_512 = arith.constant 0 : i32
        %dma_start3A_513 = arith.constant 0 : i32
        %dma_start3A_514 = tpu.memref_slice %arg13[%dma_start3A_512, %dma_start3A_513] : memref<65536x16xf32, #tpu.memory_space<vmem_shared>> -> memref<65536x16xf32, #tpu.memory_space<vmem_shared>>
        tpu.enqueue_indirect_dma source(%dma_start3A_508 : memref<128x16xf32, #tpu.memory_space<vmem>>) target(%dma_start3A_514 : memref<65536x16xf32, #tpu.memory_space<vmem_shared>>) offsets(%dma_start3A_511 : memref<128xi32, #tpu.memory_space<vmem>>) semaphore(%arg15 : memref<!tpu.dma_semaphore, #tpu.memory_space<semaphore_mem>>) {add = true}
        %dma_start3A_515 = arith.constant 2 : i32
        %dma_start3A_516 = arith.constant 2 : i32
        %dma_start3A_517 = arith.constant 0 : i32
        %dma_start3A_518 = arith.constant 0 : i32
        %dma_start3A_519 = tpu.memref_slice %arg8[%dma_start3A_515, %dma_start3A_517, %dma_start3A_518] : memref<8x128x16xf32, #tpu.memory_space<vmem>> -> memref<1x128x16xf32, #tpu.memory_space<vmem>>
        %dma_start3A_520 = tpu.memref_squeeze %dma_start3A_519 : memref<1x128x16xf32, #tpu.memory_space<vmem>> -> memref<128x16xf32, #tpu.memory_space<vmem>>
        %dma_start3A_521 = arith.constant 0 : i32
        %dma_start3A_522 = tpu.memref_slice %arg7[%dma_start3A_516, %dma_start3A_521] : memref<8x128xi32, #tpu.memory_space<vmem>> -> memref<1x128xi32, #tpu.memory_space<vmem>>
        %dma_start3A_523 = tpu.memref_squeeze %dma_start3A_522 : memref<1x128xi32, #tpu.memory_space<vmem>> -> memref<128xi32, #tpu.memory_space<vmem>>
        %dma_start3A_524 = arith.constant 0 : i32
        %dma_start3A_525 = arith.constant 0 : i32
        %dma_start3A_526 = tpu.memref_slice %arg13[%dma_start3A_524, %dma_start3A_525] : memref<65536x16xf32, #tpu.memory_space<vmem_shared>> -> memref<65536x16xf32, #tpu.memory_space<vmem_shared>>
        tpu.enqueue_indirect_dma source(%dma_start3A_520 : memref<128x16xf32, #tpu.memory_space<vmem>>) target(%dma_start3A_526 : memref<65536x16xf32, #tpu.memory_space<vmem_shared>>) offsets(%dma_start3A_523 : memref<128xi32, #tpu.memory_space<vmem>>) semaphore(%arg15 : memref<!tpu.dma_semaphore, #tpu.memory_space<semaphore_mem>>) {add = true}
        %dma_start3A_527 = arith.constant 3 : i32
        %dma_start3A_528 = arith.constant 3 : i32
        %dma_start3A_529 = arith.constant 0 : i32
        %dma_start3A_530 = arith.constant 0 : i32
        %dma_start3A_531 = tpu.memref_slice %arg8[%dma_start3A_527, %dma_start3A_529, %dma_start3A_530] : memref<8x128x16xf32, #tpu.memory_space<vmem>> -> memref<1x128x16xf32, #tpu.memory_space<vmem>>
        %dma_start3A_532 = tpu.memref_squeeze %dma_start3A_531 : memref<1x128x16xf32, #tpu.memory_space<vmem>> -> memref<128x16xf32, #tpu.memory_space<vmem>>
        %dma_start3A_533 = arith.constant 0 : i32
        %dma_start3A_534 = tpu.memref_slice %arg7[%dma_start3A_528, %dma_start3A_533] : memref<8x128xi32, #tpu.memory_space<vmem>> -> memref<1x128xi32, #tpu.memory_space<vmem>>
        %dma_start3A_535 = tpu.memref_squeeze %dma_start3A_534 : memref<1x128xi32, #tpu.memory_space<vmem>> -> memref<128xi32, #tpu.memory_space<vmem>>
        %dma_start3A_536 = arith.constant 0 : i32
        %dma_start3A_537 = arith.constant 0 : i32
        %dma_start3A_538 = tpu.memref_slice %arg13[%dma_start3A_536, %dma_start3A_537] : memref<65536x16xf32, #tpu.memory_space<vmem_shared>> -> memref<65536x16xf32, #tpu.memory_space<vmem_shared>>
        tpu.enqueue_indirect_dma source(%dma_start3A_532 : memref<128x16xf32, #tpu.memory_space<vmem>>) target(%dma_start3A_538 : memref<65536x16xf32, #tpu.memory_space<vmem_shared>>) offsets(%dma_start3A_535 : memref<128xi32, #tpu.memory_space<vmem>>) semaphore(%arg15 : memref<!tpu.dma_semaphore, #tpu.memory_space<semaphore_mem>>) {add = true}
        %dma_start3A_539 = arith.constant 4 : i32
        %dma_start3A_540 = arith.constant 4 : i32
        %dma_start3A_541 = arith.constant 0 : i32
        %dma_start3A_542 = arith.constant 0 : i32
        %dma_start3A_543 = tpu.memref_slice %arg8[%dma_start3A_539, %dma_start3A_541, %dma_start3A_542] : memref<8x128x16xf32, #tpu.memory_space<vmem>> -> memref<1x128x16xf32, #tpu.memory_space<vmem>>
        %dma_start3A_544 = tpu.memref_squeeze %dma_start3A_543 : memref<1x128x16xf32, #tpu.memory_space<vmem>> -> memref<128x16xf32, #tpu.memory_space<vmem>>
        %dma_start3A_545 = arith.constant 0 : i32
        %dma_start3A_546 = tpu.memref_slice %arg7[%dma_start3A_540, %dma_start3A_545] : memref<8x128xi32, #tpu.memory_space<vmem>> -> memref<1x128xi32, #tpu.memory_space<vmem>>
        %dma_start3A_547 = tpu.memref_squeeze %dma_start3A_546 : memref<1x128xi32, #tpu.memory_space<vmem>> -> memref<128xi32, #tpu.memory_space<vmem>>
        %dma_start3A_548 = arith.constant 0 : i32
        %dma_start3A_549 = arith.constant 0 : i32
        %dma_start3A_550 = tpu.memref_slice %arg13[%dma_start3A_548, %dma_start3A_549] : memref<65536x16xf32, #tpu.memory_space<vmem_shared>> -> memref<65536x16xf32, #tpu.memory_space<vmem_shared>>
        tpu.enqueue_indirect_dma source(%dma_start3A_544 : memref<128x16xf32, #tpu.memory_space<vmem>>) target(%dma_start3A_550 : memref<65536x16xf32, #tpu.memory_space<vmem_shared>>) offsets(%dma_start3A_547 : memref<128xi32, #tpu.memory_space<vmem>>) semaphore(%arg15 : memref<!tpu.dma_semaphore, #tpu.memory_space<semaphore_mem>>) {add = true}
        %dma_start3A_551 = arith.constant 5 : i32
        %dma_start3A_552 = arith.constant 5 : i32
        %dma_start3A_553 = arith.constant 0 : i32
        %dma_start3A_554 = arith.constant 0 : i32
        %dma_start3A_555 = tpu.memref_slice %arg8[%dma_start3A_551, %dma_start3A_553, %dma_start3A_554] : memref<8x128x16xf32, #tpu.memory_space<vmem>> -> memref<1x128x16xf32, #tpu.memory_space<vmem>>
        %dma_start3A_556 = tpu.memref_squeeze %dma_start3A_555 : memref<1x128x16xf32, #tpu.memory_space<vmem>> -> memref<128x16xf32, #tpu.memory_space<vmem>>
        %dma_start3A_557 = arith.constant 0 : i32
        %dma_start3A_558 = tpu.memref_slice %arg7[%dma_start3A_552, %dma_start3A_557] : memref<8x128xi32, #tpu.memory_space<vmem>> -> memref<1x128xi32, #tpu.memory_space<vmem>>
        %dma_start3A_559 = tpu.memref_squeeze %dma_start3A_558 : memref<1x128xi32, #tpu.memory_space<vmem>> -> memref<128xi32, #tpu.memory_space<vmem>>
        %dma_start3A_560 = arith.constant 0 : i32
        %dma_start3A_561 = arith.constant 0 : i32
        %dma_start3A_562 = tpu.memref_slice %arg13[%dma_start3A_560, %dma_start3A_561] : memref<65536x16xf32, #tpu.memory_space<vmem_shared>> -> memref<65536x16xf32, #tpu.memory_space<vmem_shared>>
        tpu.enqueue_indirect_dma source(%dma_start3A_556 : memref<128x16xf32, #tpu.memory_space<vmem>>) target(%dma_start3A_562 : memref<65536x16xf32, #tpu.memory_space<vmem_shared>>) offsets(%dma_start3A_559 : memref<128xi32, #tpu.memory_space<vmem>>) semaphore(%arg15 : memref<!tpu.dma_semaphore, #tpu.memory_space<semaphore_mem>>) {add = true}
        %dma_start3A_563 = arith.constant 6 : i32
        %dma_start3A_564 = arith.constant 6 : i32
        %dma_start3A_565 = arith.constant 0 : i32
        %dma_start3A_566 = arith.constant 0 : i32
        %dma_start3A_567 = tpu.memref_slice %arg8[%dma_start3A_563, %dma_start3A_565, %dma_start3A_566] : memref<8x128x16xf32, #tpu.memory_space<vmem>> -> memref<1x128x16xf32, #tpu.memory_space<vmem>>
        %dma_start3A_568 = tpu.memref_squeeze %dma_start3A_567 : memref<1x128x16xf32, #tpu.memory_space<vmem>> -> memref<128x16xf32, #tpu.memory_space<vmem>>
        %dma_start3A_569 = arith.constant 0 : i32
        %dma_start3A_570 = tpu.memref_slice %arg7[%dma_start3A_564, %dma_start3A_569] : memref<8x128xi32, #tpu.memory_space<vmem>> -> memref<1x128xi32, #tpu.memory_space<vmem>>
        %dma_start3A_571 = tpu.memref_squeeze %dma_start3A_570 : memref<1x128xi32, #tpu.memory_space<vmem>> -> memref<128xi32, #tpu.memory_space<vmem>>
        %dma_start3A_572 = arith.constant 0 : i32
        %dma_start3A_573 = arith.constant 0 : i32
        %dma_start3A_574 = tpu.memref_slice %arg13[%dma_start3A_572, %dma_start3A_573] : memref<65536x16xf32, #tpu.memory_space<vmem_shared>> -> memref<65536x16xf32, #tpu.memory_space<vmem_shared>>
        tpu.enqueue_indirect_dma source(%dma_start3A_568 : memref<128x16xf32, #tpu.memory_space<vmem>>) target(%dma_start3A_574 : memref<65536x16xf32, #tpu.memory_space<vmem_shared>>) offsets(%dma_start3A_571 : memref<128xi32, #tpu.memory_space<vmem>>) semaphore(%arg15 : memref<!tpu.dma_semaphore, #tpu.memory_space<semaphore_mem>>) {add = true}
        %dma_start3A_575 = arith.constant 7 : i32
        %dma_start3A_576 = arith.constant 7 : i32
        %dma_start3A_577 = arith.constant 0 : i32
        %dma_start3A_578 = arith.constant 0 : i32
        %dma_start3A_579 = tpu.memref_slice %arg8[%dma_start3A_575, %dma_start3A_577, %dma_start3A_578] : memref<8x128x16xf32, #tpu.memory_space<vmem>> -> memref<1x128x16xf32, #tpu.memory_space<vmem>>
        %dma_start3A_580 = tpu.memref_squeeze %dma_start3A_579 : memref<1x128x16xf32, #tpu.memory_space<vmem>> -> memref<128x16xf32, #tpu.memory_space<vmem>>
        %dma_start3A_581 = arith.constant 0 : i32
        %dma_start3A_582 = tpu.memref_slice %arg7[%dma_start3A_576, %dma_start3A_581] : memref<8x128xi32, #tpu.memory_space<vmem>> -> memref<1x128xi32, #tpu.memory_space<vmem>>
        %dma_start3A_583 = tpu.memref_squeeze %dma_start3A_582 : memref<1x128xi32, #tpu.memory_space<vmem>> -> memref<128xi32, #tpu.memory_space<vmem>>
        %dma_start3A_584 = arith.constant 0 : i32
        %dma_start3A_585 = arith.constant 0 : i32
        %dma_start3A_586 = tpu.memref_slice %arg13[%dma_start3A_584, %dma_start3A_585] : memref<65536x16xf32, #tpu.memory_space<vmem_shared>> -> memref<65536x16xf32, #tpu.memory_space<vmem_shared>>
        tpu.enqueue_indirect_dma source(%dma_start3A_580 : memref<128x16xf32, #tpu.memory_space<vmem>>) target(%dma_start3A_586 : memref<65536x16xf32, #tpu.memory_space<vmem_shared>>) offsets(%dma_start3A_583 : memref<128xi32, #tpu.memory_space<vmem>>) semaphore(%arg15 : memref<!tpu.dma_semaphore, #tpu.memory_space<semaphore_mem>>) {add = true}
      } else {
      }
      %jit3A_272 = arith.constant 2 : i32
      %eq3A_273 = arith.constant 0 : i32
      %eq3A_274 = arith.cmpi eq, %jit3A_272, %eq3A_273 : i32
      %jit3A_275 = arith.constant 1 : i32
      %select_n3A_276 = arith.select %eq3A_274, %jit3A_275, %jit3A_272 : i32
      %rem3A_277 = arith.remsi %scan3A_259, %select_n3A_276 : i32
      %ne3A_278 = arith.constant 0 : i32
      %ne3A_279 = arith.cmpi ne, %rem3A_277, %ne3A_278 : i32
      %lt3A_280 = arith.constant 0 : i32
      %lt3A_281 = arith.cmpi slt, %rem3A_277, %lt3A_280 : i32
      %lt3A_282 = arith.constant 0 : i32
      %lt3A_283 = arith.cmpi slt, %select_n3A_276, %lt3A_282 : i32
      %ne3A_284 = arith.xori %lt3A_281, %lt3A_283 : i1
      %and3A_285 = arith.andi %ne3A_284, %ne3A_279 : i1
      %add3A_286 = arith.addi %rem3A_277, %select_n3A_276 : i32
      %select_n3A_287 = arith.select %and3A_285, %add3A_286, %rem3A_277 : i32
      %eq3A_288 = arith.constant 1 : i32
      %eq3A_289 = arith.cmpi eq, %select_n3A_287, %eq3A_288 : i32
      %convert_element_type3A_290 = arith.extui %eq3A_289 : i1 to i32
      %cond3A_291 = arith.constant 0 : i32
      %cond3A_292 = arith.cmpi ne, %convert_element_type3A_290, %cond3A_291 : i32
      scf.if %cond3A_292 {
        %ge3A = arith.constant 2 : i32
        %ge3A_293 = arith.cmpi sge, %scan3A_259, %ge3A : i32
        %convert_element_type3A_294 = arith.extui %ge3A_293 : i1 to i32
        %cond3A_295 = arith.constant 0 : i32
        %cond3A_296 = arith.cmpi ne, %convert_element_type3A_294, %cond3A_295 : i32
        scf.if %cond3A_296 {
          %dma_wait3A_587 = arith.constant 0 : i32
          %dma_wait3A_588 = arith.constant 0 : i32
          %dma_wait3A_589 = arith.constant 0 : i32
          %dma_wait3A_590 = arith.constant 0 : i32
          %dma_wait3A_591 = tpu.memref_slice %arg11[%dma_wait3A_587, %dma_wait3A_589, %dma_wait3A_590] : memref<8x128x16xf32, #tpu.memory_space<vmem>> -> memref<1x128x16xf32, #tpu.memory_space<vmem>>
          %dma_wait3A_592 = tpu.memref_squeeze %dma_wait3A_591 : memref<1x128x16xf32, #tpu.memory_space<vmem>> -> memref<128x16xf32, #tpu.memory_space<vmem>>
          %dma_wait3A_593 = arith.constant 0 : i32
          %dma_wait3A_594 = tpu.memref_slice %arg10[%dma_wait3A_588, %dma_wait3A_593] : memref<8x128xi32, #tpu.memory_space<vmem>> -> memref<1x128xi32, #tpu.memory_space<vmem>>
          %dma_wait3A_595 = tpu.memref_squeeze %dma_wait3A_594 : memref<1x128xi32, #tpu.memory_space<vmem>> -> memref<128xi32, #tpu.memory_space<vmem>>
          %dma_wait3A_596 = arith.constant 0 : i32
          %dma_wait3A_597 = arith.constant 0 : i32
          %dma_wait3A_598 = tpu.memref_slice %arg13[%dma_wait3A_596, %dma_wait3A_597] : memref<65536x16xf32, #tpu.memory_space<vmem_shared>> -> memref<65536x16xf32, #tpu.memory_space<vmem_shared>>
          tpu.wait_indirect_dma semaphore(%arg16 : memref<!tpu.dma_semaphore, #tpu.memory_space<semaphore_mem>>) src(%dma_wait3A_592 : memref<128x16xf32, #tpu.memory_space<vmem>>) dst(%dma_wait3A_598 : memref<65536x16xf32, #tpu.memory_space<vmem_shared>>)
          %dma_wait3A_599 = arith.constant 1 : i32
          %dma_wait3A_600 = arith.constant 1 : i32
          %dma_wait3A_601 = arith.constant 0 : i32
          %dma_wait3A_602 = arith.constant 0 : i32
          %dma_wait3A_603 = tpu.memref_slice %arg11[%dma_wait3A_599, %dma_wait3A_601, %dma_wait3A_602] : memref<8x128x16xf32, #tpu.memory_space<vmem>> -> memref<1x128x16xf32, #tpu.memory_space<vmem>>
          %dma_wait3A_604 = tpu.memref_squeeze %dma_wait3A_603 : memref<1x128x16xf32, #tpu.memory_space<vmem>> -> memref<128x16xf32, #tpu.memory_space<vmem>>
          %dma_wait3A_605 = arith.constant 0 : i32
          %dma_wait3A_606 = tpu.memref_slice %arg10[%dma_wait3A_600, %dma_wait3A_605] : memref<8x128xi32, #tpu.memory_space<vmem>> -> memref<1x128xi32, #tpu.memory_space<vmem>>
          %dma_wait3A_607 = tpu.memref_squeeze %dma_wait3A_606 : memref<1x128xi32, #tpu.memory_space<vmem>> -> memref<128xi32, #tpu.memory_space<vmem>>
          %dma_wait3A_608 = arith.constant 0 : i32
          %dma_wait3A_609 = arith.constant 0 : i32
          %dma_wait3A_610 = tpu.memref_slice %arg13[%dma_wait3A_608, %dma_wait3A_609] : memref<65536x16xf32, #tpu.memory_space<vmem_shared>> -> memref<65536x16xf32, #tpu.memory_space<vmem_shared>>
          tpu.wait_indirect_dma semaphore(%arg16 : memref<!tpu.dma_semaphore, #tpu.memory_space<semaphore_mem>>) src(%dma_wait3A_604 : memref<128x16xf32, #tpu.memory_space<vmem>>) dst(%dma_wait3A_610 : memref<65536x16xf32, #tpu.memory_space<vmem_shared>>)
          %dma_wait3A_611 = arith.constant 2 : i32
          %dma_wait3A_612 = arith.constant 2 : i32
          %dma_wait3A_613 = arith.constant 0 : i32
          %dma_wait3A_614 = arith.constant 0 : i32
          %dma_wait3A_615 = tpu.memref_slice %arg11[%dma_wait3A_611, %dma_wait3A_613, %dma_wait3A_614] : memref<8x128x16xf32, #tpu.memory_space<vmem>> -> memref<1x128x16xf32, #tpu.memory_space<vmem>>
          %dma_wait3A_616 = tpu.memref_squeeze %dma_wait3A_615 : memref<1x128x16xf32, #tpu.memory_space<vmem>> -> memref<128x16xf32, #tpu.memory_space<vmem>>
          %dma_wait3A_617 = arith.constant 0 : i32
          %dma_wait3A_618 = tpu.memref_slice %arg10[%dma_wait3A_612, %dma_wait3A_617] : memref<8x128xi32, #tpu.memory_space<vmem>> -> memref<1x128xi32, #tpu.memory_space<vmem>>
          %dma_wait3A_619 = tpu.memref_squeeze %dma_wait3A_618 : memref<1x128xi32, #tpu.memory_space<vmem>> -> memref<128xi32, #tpu.memory_space<vmem>>
          %dma_wait3A_620 = arith.constant 0 : i32
          %dma_wait3A_621 = arith.constant 0 : i32
          %dma_wait3A_622 = tpu.memref_slice %arg13[%dma_wait3A_620, %dma_wait3A_621] : memref<65536x16xf32, #tpu.memory_space<vmem_shared>> -> memref<65536x16xf32, #tpu.memory_space<vmem_shared>>
          tpu.wait_indirect_dma semaphore(%arg16 : memref<!tpu.dma_semaphore, #tpu.memory_space<semaphore_mem>>) src(%dma_wait3A_616 : memref<128x16xf32, #tpu.memory_space<vmem>>) dst(%dma_wait3A_622 : memref<65536x16xf32, #tpu.memory_space<vmem_shared>>)
          %dma_wait3A_623 = arith.constant 3 : i32
          %dma_wait3A_624 = arith.constant 3 : i32
          %dma_wait3A_625 = arith.constant 0 : i32
          %dma_wait3A_626 = arith.constant 0 : i32
          %dma_wait3A_627 = tpu.memref_slice %arg11[%dma_wait3A_623, %dma_wait3A_625, %dma_wait3A_626] : memref<8x128x16xf32, #tpu.memory_space<vmem>> -> memref<1x128x16xf32, #tpu.memory_space<vmem>>
          %dma_wait3A_628 = tpu.memref_squeeze %dma_wait3A_627 : memref<1x128x16xf32, #tpu.memory_space<vmem>> -> memref<128x16xf32, #tpu.memory_space<vmem>>
          %dma_wait3A_629 = arith.constant 0 : i32
          %dma_wait3A_630 = tpu.memref_slice %arg10[%dma_wait3A_624, %dma_wait3A_629] : memref<8x128xi32, #tpu.memory_space<vmem>> -> memref<1x128xi32, #tpu.memory_space<vmem>>
          %dma_wait3A_631 = tpu.memref_squeeze %dma_wait3A_630 : memref<1x128xi32, #tpu.memory_space<vmem>> -> memref<128xi32, #tpu.memory_space<vmem>>
          %dma_wait3A_632 = arith.constant 0 : i32
          %dma_wait3A_633 = arith.constant 0 : i32
          %dma_wait3A_634 = tpu.memref_slice %arg13[%dma_wait3A_632, %dma_wait3A_633] : memref<65536x16xf32, #tpu.memory_space<vmem_shared>> -> memref<65536x16xf32, #tpu.memory_space<vmem_shared>>
          tpu.wait_indirect_dma semaphore(%arg16 : memref<!tpu.dma_semaphore, #tpu.memory_space<semaphore_mem>>) src(%dma_wait3A_628 : memref<128x16xf32, #tpu.memory_space<vmem>>) dst(%dma_wait3A_634 : memref<65536x16xf32, #tpu.memory_space<vmem_shared>>)
          %dma_wait3A_635 = arith.constant 4 : i32
          %dma_wait3A_636 = arith.constant 4 : i32
          %dma_wait3A_637 = arith.constant 0 : i32
          %dma_wait3A_638 = arith.constant 0 : i32
          %dma_wait3A_639 = tpu.memref_slice %arg11[%dma_wait3A_635, %dma_wait3A_637, %dma_wait3A_638] : memref<8x128x16xf32, #tpu.memory_space<vmem>> -> memref<1x128x16xf32, #tpu.memory_space<vmem>>
          %dma_wait3A_640 = tpu.memref_squeeze %dma_wait3A_639 : memref<1x128x16xf32, #tpu.memory_space<vmem>> -> memref<128x16xf32, #tpu.memory_space<vmem>>
          %dma_wait3A_641 = arith.constant 0 : i32
          %dma_wait3A_642 = tpu.memref_slice %arg10[%dma_wait3A_636, %dma_wait3A_641] : memref<8x128xi32, #tpu.memory_space<vmem>> -> memref<1x128xi32, #tpu.memory_space<vmem>>
          %dma_wait3A_643 = tpu.memref_squeeze %dma_wait3A_642 : memref<1x128xi32, #tpu.memory_space<vmem>> -> memref<128xi32, #tpu.memory_space<vmem>>
          %dma_wait3A_644 = arith.constant 0 : i32
          %dma_wait3A_645 = arith.constant 0 : i32
          %dma_wait3A_646 = tpu.memref_slice %arg13[%dma_wait3A_644, %dma_wait3A_645] : memref<65536x16xf32, #tpu.memory_space<vmem_shared>> -> memref<65536x16xf32, #tpu.memory_space<vmem_shared>>
          tpu.wait_indirect_dma semaphore(%arg16 : memref<!tpu.dma_semaphore, #tpu.memory_space<semaphore_mem>>) src(%dma_wait3A_640 : memref<128x16xf32, #tpu.memory_space<vmem>>) dst(%dma_wait3A_646 : memref<65536x16xf32, #tpu.memory_space<vmem_shared>>)
          %dma_wait3A_647 = arith.constant 5 : i32
          %dma_wait3A_648 = arith.constant 5 : i32
          %dma_wait3A_649 = arith.constant 0 : i32
          %dma_wait3A_650 = arith.constant 0 : i32
          %dma_wait3A_651 = tpu.memref_slice %arg11[%dma_wait3A_647, %dma_wait3A_649, %dma_wait3A_650] : memref<8x128x16xf32, #tpu.memory_space<vmem>> -> memref<1x128x16xf32, #tpu.memory_space<vmem>>
          %dma_wait3A_652 = tpu.memref_squeeze %dma_wait3A_651 : memref<1x128x16xf32, #tpu.memory_space<vmem>> -> memref<128x16xf32, #tpu.memory_space<vmem>>
          %dma_wait3A_653 = arith.constant 0 : i32
          %dma_wait3A_654 = tpu.memref_slice %arg10[%dma_wait3A_648, %dma_wait3A_653] : memref<8x128xi32, #tpu.memory_space<vmem>> -> memref<1x128xi32, #tpu.memory_space<vmem>>
          %dma_wait3A_655 = tpu.memref_squeeze %dma_wait3A_654 : memref<1x128xi32, #tpu.memory_space<vmem>> -> memref<128xi32, #tpu.memory_space<vmem>>
          %dma_wait3A_656 = arith.constant 0 : i32
          %dma_wait3A_657 = arith.constant 0 : i32
          %dma_wait3A_658 = tpu.memref_slice %arg13[%dma_wait3A_656, %dma_wait3A_657] : memref<65536x16xf32, #tpu.memory_space<vmem_shared>> -> memref<65536x16xf32, #tpu.memory_space<vmem_shared>>
          tpu.wait_indirect_dma semaphore(%arg16 : memref<!tpu.dma_semaphore, #tpu.memory_space<semaphore_mem>>) src(%dma_wait3A_652 : memref<128x16xf32, #tpu.memory_space<vmem>>) dst(%dma_wait3A_658 : memref<65536x16xf32, #tpu.memory_space<vmem_shared>>)
          %dma_wait3A_659 = arith.constant 6 : i32
          %dma_wait3A_660 = arith.constant 6 : i32
          %dma_wait3A_661 = arith.constant 0 : i32
          %dma_wait3A_662 = arith.constant 0 : i32
          %dma_wait3A_663 = tpu.memref_slice %arg11[%dma_wait3A_659, %dma_wait3A_661, %dma_wait3A_662] : memref<8x128x16xf32, #tpu.memory_space<vmem>> -> memref<1x128x16xf32, #tpu.memory_space<vmem>>
          %dma_wait3A_664 = tpu.memref_squeeze %dma_wait3A_663 : memref<1x128x16xf32, #tpu.memory_space<vmem>> -> memref<128x16xf32, #tpu.memory_space<vmem>>
          %dma_wait3A_665 = arith.constant 0 : i32
          %dma_wait3A_666 = tpu.memref_slice %arg10[%dma_wait3A_660, %dma_wait3A_665] : memref<8x128xi32, #tpu.memory_space<vmem>> -> memref<1x128xi32, #tpu.memory_space<vmem>>
          %dma_wait3A_667 = tpu.memref_squeeze %dma_wait3A_666 : memref<1x128xi32, #tpu.memory_space<vmem>> -> memref<128xi32, #tpu.memory_space<vmem>>
          %dma_wait3A_668 = arith.constant 0 : i32
          %dma_wait3A_669 = arith.constant 0 : i32
          %dma_wait3A_670 = tpu.memref_slice %arg13[%dma_wait3A_668, %dma_wait3A_669] : memref<65536x16xf32, #tpu.memory_space<vmem_shared>> -> memref<65536x16xf32, #tpu.memory_space<vmem_shared>>
          tpu.wait_indirect_dma semaphore(%arg16 : memref<!tpu.dma_semaphore, #tpu.memory_space<semaphore_mem>>) src(%dma_wait3A_664 : memref<128x16xf32, #tpu.memory_space<vmem>>) dst(%dma_wait3A_670 : memref<65536x16xf32, #tpu.memory_space<vmem_shared>>)
          %dma_wait3A_671 = arith.constant 7 : i32
          %dma_wait3A_672 = arith.constant 7 : i32
          %dma_wait3A_673 = arith.constant 0 : i32
          %dma_wait3A_674 = arith.constant 0 : i32
          %dma_wait3A_675 = tpu.memref_slice %arg11[%dma_wait3A_671, %dma_wait3A_673, %dma_wait3A_674] : memref<8x128x16xf32, #tpu.memory_space<vmem>> -> memref<1x128x16xf32, #tpu.memory_space<vmem>>
          %dma_wait3A_676 = tpu.memref_squeeze %dma_wait3A_675 : memref<1x128x16xf32, #tpu.memory_space<vmem>> -> memref<128x16xf32, #tpu.memory_space<vmem>>
          %dma_wait3A_677 = arith.constant 0 : i32
          %dma_wait3A_678 = tpu.memref_slice %arg10[%dma_wait3A_672, %dma_wait3A_677] : memref<8x128xi32, #tpu.memory_space<vmem>> -> memref<1x128xi32, #tpu.memory_space<vmem>>
          %dma_wait3A_679 = tpu.memref_squeeze %dma_wait3A_678 : memref<1x128xi32, #tpu.memory_space<vmem>> -> memref<128xi32, #tpu.memory_space<vmem>>
          %dma_wait3A_680 = arith.constant 0 : i32
          %dma_wait3A_681 = arith.constant 0 : i32
          %dma_wait3A_682 = tpu.memref_slice %arg13[%dma_wait3A_680, %dma_wait3A_681] : memref<65536x16xf32, #tpu.memory_space<vmem_shared>> -> memref<65536x16xf32, #tpu.memory_space<vmem_shared>>
          tpu.wait_indirect_dma semaphore(%arg16 : memref<!tpu.dma_semaphore, #tpu.memory_space<semaphore_mem>>) src(%dma_wait3A_676 : memref<128x16xf32, #tpu.memory_space<vmem>>) dst(%dma_wait3A_682 : memref<65536x16xf32, #tpu.memory_space<vmem_shared>>)
        } else {
        }
        %mul3A_297 = arith.constant 8 : i32
        %mul3A_298 = arith.muli %scan3A_259, %mul3A_297 : i32
        %add3A_299 = arith.addi %mul3A_25, %mul3A_298 : i32
        "tpu.region"() ({
          %run_scoped3A = tpu.sem_alloc : memref<!tpu.dma_semaphore, #tpu.memory_space<semaphore_mem>>
          %dma_start3A_587 = arith.constant 0 : i32
          %dma_start3A_588 = tpu.memref_slice %arg3[%add3A_299, %dma_start3A_587] : memref<12800x128xi32, #tpu.memory_space<hbm>> -> memref<8x128xi32, #tpu.memory_space<hbm>>
          %dma_start3A_589 = arith.constant 0 : i32
          %dma_start3A_590 = tpu.memref_slice %arg3[%add3A_299, %dma_start3A_589] : memref<12800x128xi32, #tpu.memory_space<hbm>> -> memref<8x128xi32, #tpu.memory_space<hbm>>
          tpu.enqueue_dma source(%dma_start3A_590 : memref<8x128xi32, #tpu.memory_space<hbm>>) target(%arg9 : memref<8x128xi32, #tpu.memory_space<vmem>>) target_semaphore(%run_scoped3A : memref<!tpu.dma_semaphore, #tpu.memory_space<semaphore_mem>>)
          %dma_wait3A_591 = arith.constant 0 : i32
          %dma_wait3A_592 = tpu.memref_slice %arg3[%add3A_299, %dma_wait3A_591] : memref<12800x128xi32, #tpu.memory_space<hbm>> -> memref<8x128xi32, #tpu.memory_space<hbm>>
          %dma_wait3A_593 = arith.constant 0 : i32
          %dma_wait3A_594 = tpu.memref_slice %arg3[%add3A_299, %dma_wait3A_593] : memref<12800x128xi32, #tpu.memory_space<hbm>> -> memref<8x128xi32, #tpu.memory_space<hbm>>
          tpu.wait_dma2 semaphore(%run_scoped3A : memref<!tpu.dma_semaphore, #tpu.memory_space<semaphore_mem>>) src(%dma_wait3A_594 : memref<8x128xi32, #tpu.memory_space<hbm>>) dst(%arg9 : memref<8x128xi32, #tpu.memory_space<vmem>>)
          tpu.yield
        }) : () -> ()
        "tpu.region"() ({
          %run_scoped3A = tpu.sem_alloc : memref<!tpu.dma_semaphore, #tpu.memory_space<semaphore_mem>>
          %dma_start3A_587 = arith.constant 0 : i32
          %dma_start3A_588 = tpu.memref_slice %arg4[%add3A_299, %dma_start3A_587] : memref<12800x128xi32, #tpu.memory_space<hbm>> -> memref<8x128xi32, #tpu.memory_space<hbm>>
          %dma_start3A_589 = arith.constant 0 : i32
          %dma_start3A_590 = tpu.memref_slice %arg4[%add3A_299, %dma_start3A_589] : memref<12800x128xi32, #tpu.memory_space<hbm>> -> memref<8x128xi32, #tpu.memory_space<hbm>>
          tpu.enqueue_dma source(%dma_start3A_590 : memref<8x128xi32, #tpu.memory_space<hbm>>) target(%arg10 : memref<8x128xi32, #tpu.memory_space<vmem>>) target_semaphore(%run_scoped3A : memref<!tpu.dma_semaphore, #tpu.memory_space<semaphore_mem>>)
          %dma_wait3A_591 = arith.constant 0 : i32
          %dma_wait3A_592 = tpu.memref_slice %arg4[%add3A_299, %dma_wait3A_591] : memref<12800x128xi32, #tpu.memory_space<hbm>> -> memref<8x128xi32, #tpu.memory_space<hbm>>
          %dma_wait3A_593 = arith.constant 0 : i32
          %dma_wait3A_594 = tpu.memref_slice %arg4[%add3A_299, %dma_wait3A_593] : memref<12800x128xi32, #tpu.memory_space<hbm>> -> memref<8x128xi32, #tpu.memory_space<hbm>>
          tpu.wait_dma2 semaphore(%run_scoped3A : memref<!tpu.dma_semaphore, #tpu.memory_space<semaphore_mem>>) src(%dma_wait3A_594 : memref<8x128xi32, #tpu.memory_space<hbm>>) dst(%arg10 : memref<8x128xi32, #tpu.memory_space<vmem>>)
          tpu.yield
        }) : () -> ()
        %dma_start3A = arith.constant 0 : i32
        %dma_start3A_300 = arith.constant 0 : i32
        %dma_start3A_301 = arith.constant 0 : i32
        %dma_start3A_302 = arith.constant 0 : i32
        %dma_start3A_303 = tpu.memref_slice %arg11[%dma_start3A_300, %dma_start3A_301, %dma_start3A_302] : memref<8x128x16xf32, #tpu.memory_space<vmem>> -> memref<1x128x16xf32, #tpu.memory_space<vmem>>
        %dma_start3A_304 = tpu.memref_squeeze %dma_start3A_303 : memref<1x128x16xf32, #tpu.memory_space<vmem>> -> memref<128x16xf32, #tpu.memory_space<vmem>>
        %dma_start3A_305 = arith.constant 0 : i32
        %dma_start3A_306 = tpu.memref_slice %arg9[%dma_start3A, %dma_start3A_305] : memref<8x128xi32, #tpu.memory_space<vmem>> -> memref<1x128xi32, #tpu.memory_space<vmem>>
        %dma_start3A_307 = tpu.memref_squeeze %dma_start3A_306 : memref<1x128xi32, #tpu.memory_space<vmem>> -> memref<128xi32, #tpu.memory_space<vmem>>
        %dma_start3A_308 = arith.constant 0 : i32
        %dma_start3A_309 = arith.constant 0 : i32
        %dma_start3A_310 = tpu.memref_slice %arg2[%dma_start3A_308, %dma_start3A_309] : memref<65536x16xf32, #tpu.memory_space<hbm>> -> memref<65536x16xf32, #tpu.memory_space<hbm>>
        tpu.enqueue_indirect_dma source(%dma_start3A_310 : memref<65536x16xf32, #tpu.memory_space<hbm>>) target(%dma_start3A_304 : memref<128x16xf32, #tpu.memory_space<vmem>>) offsets(%dma_start3A_307 : memref<128xi32, #tpu.memory_space<vmem>>) semaphore(%arg14 : memref<!tpu.dma_semaphore, #tpu.memory_space<semaphore_mem>>)
        %dma_start3A_311 = arith.constant 1 : i32
        %dma_start3A_312 = arith.constant 1 : i32
        %dma_start3A_313 = arith.constant 0 : i32
        %dma_start3A_314 = arith.constant 0 : i32
        %dma_start3A_315 = tpu.memref_slice %arg11[%dma_start3A_312, %dma_start3A_313, %dma_start3A_314] : memref<8x128x16xf32, #tpu.memory_space<vmem>> -> memref<1x128x16xf32, #tpu.memory_space<vmem>>
        %dma_start3A_316 = tpu.memref_squeeze %dma_start3A_315 : memref<1x128x16xf32, #tpu.memory_space<vmem>> -> memref<128x16xf32, #tpu.memory_space<vmem>>
        %dma_start3A_317 = arith.constant 0 : i32
        %dma_start3A_318 = tpu.memref_slice %arg9[%dma_start3A_311, %dma_start3A_317] : memref<8x128xi32, #tpu.memory_space<vmem>> -> memref<1x128xi32, #tpu.memory_space<vmem>>
        %dma_start3A_319 = tpu.memref_squeeze %dma_start3A_318 : memref<1x128xi32, #tpu.memory_space<vmem>> -> memref<128xi32, #tpu.memory_space<vmem>>
        %dma_start3A_320 = arith.constant 0 : i32
        %dma_start3A_321 = arith.constant 0 : i32
        %dma_start3A_322 = tpu.memref_slice %arg2[%dma_start3A_320, %dma_start3A_321] : memref<65536x16xf32, #tpu.memory_space<hbm>> -> memref<65536x16xf32, #tpu.memory_space<hbm>>
        tpu.enqueue_indirect_dma source(%dma_start3A_322 : memref<65536x16xf32, #tpu.memory_space<hbm>>) target(%dma_start3A_316 : memref<128x16xf32, #tpu.memory_space<vmem>>) offsets(%dma_start3A_319 : memref<128xi32, #tpu.memory_space<vmem>>) semaphore(%arg14 : memref<!tpu.dma_semaphore, #tpu.memory_space<semaphore_mem>>)
        %dma_start3A_323 = arith.constant 2 : i32
        %dma_start3A_324 = arith.constant 2 : i32
        %dma_start3A_325 = arith.constant 0 : i32
        %dma_start3A_326 = arith.constant 0 : i32
        %dma_start3A_327 = tpu.memref_slice %arg11[%dma_start3A_324, %dma_start3A_325, %dma_start3A_326] : memref<8x128x16xf32, #tpu.memory_space<vmem>> -> memref<1x128x16xf32, #tpu.memory_space<vmem>>
        %dma_start3A_328 = tpu.memref_squeeze %dma_start3A_327 : memref<1x128x16xf32, #tpu.memory_space<vmem>> -> memref<128x16xf32, #tpu.memory_space<vmem>>
        %dma_start3A_329 = arith.constant 0 : i32
        %dma_start3A_330 = tpu.memref_slice %arg9[%dma_start3A_323, %dma_start3A_329] : memref<8x128xi32, #tpu.memory_space<vmem>> -> memref<1x128xi32, #tpu.memory_space<vmem>>
        %dma_start3A_331 = tpu.memref_squeeze %dma_start3A_330 : memref<1x128xi32, #tpu.memory_space<vmem>> -> memref<128xi32, #tpu.memory_space<vmem>>
        %dma_start3A_332 = arith.constant 0 : i32
        %dma_start3A_333 = arith.constant 0 : i32
        %dma_start3A_334 = tpu.memref_slice %arg2[%dma_start3A_332, %dma_start3A_333] : memref<65536x16xf32, #tpu.memory_space<hbm>> -> memref<65536x16xf32, #tpu.memory_space<hbm>>
        tpu.enqueue_indirect_dma source(%dma_start3A_334 : memref<65536x16xf32, #tpu.memory_space<hbm>>) target(%dma_start3A_328 : memref<128x16xf32, #tpu.memory_space<vmem>>) offsets(%dma_start3A_331 : memref<128xi32, #tpu.memory_space<vmem>>) semaphore(%arg14 : memref<!tpu.dma_semaphore, #tpu.memory_space<semaphore_mem>>)
        %dma_start3A_335 = arith.constant 3 : i32
        %dma_start3A_336 = arith.constant 3 : i32
        %dma_start3A_337 = arith.constant 0 : i32
        %dma_start3A_338 = arith.constant 0 : i32
        %dma_start3A_339 = tpu.memref_slice %arg11[%dma_start3A_336, %dma_start3A_337, %dma_start3A_338] : memref<8x128x16xf32, #tpu.memory_space<vmem>> -> memref<1x128x16xf32, #tpu.memory_space<vmem>>
        %dma_start3A_340 = tpu.memref_squeeze %dma_start3A_339 : memref<1x128x16xf32, #tpu.memory_space<vmem>> -> memref<128x16xf32, #tpu.memory_space<vmem>>
        %dma_start3A_341 = arith.constant 0 : i32
        %dma_start3A_342 = tpu.memref_slice %arg9[%dma_start3A_335, %dma_start3A_341] : memref<8x128xi32, #tpu.memory_space<vmem>> -> memref<1x128xi32, #tpu.memory_space<vmem>>
        %dma_start3A_343 = tpu.memref_squeeze %dma_start3A_342 : memref<1x128xi32, #tpu.memory_space<vmem>> -> memref<128xi32, #tpu.memory_space<vmem>>
        %dma_start3A_344 = arith.constant 0 : i32
        %dma_start3A_345 = arith.constant 0 : i32
        %dma_start3A_346 = tpu.memref_slice %arg2[%dma_start3A_344, %dma_start3A_345] : memref<65536x16xf32, #tpu.memory_space<hbm>> -> memref<65536x16xf32, #tpu.memory_space<hbm>>
        tpu.enqueue_indirect_dma source(%dma_start3A_346 : memref<65536x16xf32, #tpu.memory_space<hbm>>) target(%dma_start3A_340 : memref<128x16xf32, #tpu.memory_space<vmem>>) offsets(%dma_start3A_343 : memref<128xi32, #tpu.memory_space<vmem>>) semaphore(%arg14 : memref<!tpu.dma_semaphore, #tpu.memory_space<semaphore_mem>>)
        %dma_start3A_347 = arith.constant 4 : i32
        %dma_start3A_348 = arith.constant 4 : i32
        %dma_start3A_349 = arith.constant 0 : i32
        %dma_start3A_350 = arith.constant 0 : i32
        %dma_start3A_351 = tpu.memref_slice %arg11[%dma_start3A_348, %dma_start3A_349, %dma_start3A_350] : memref<8x128x16xf32, #tpu.memory_space<vmem>> -> memref<1x128x16xf32, #tpu.memory_space<vmem>>
        %dma_start3A_352 = tpu.memref_squeeze %dma_start3A_351 : memref<1x128x16xf32, #tpu.memory_space<vmem>> -> memref<128x16xf32, #tpu.memory_space<vmem>>
        %dma_start3A_353 = arith.constant 0 : i32
        %dma_start3A_354 = tpu.memref_slice %arg9[%dma_start3A_347, %dma_start3A_353] : memref<8x128xi32, #tpu.memory_space<vmem>> -> memref<1x128xi32, #tpu.memory_space<vmem>>
        %dma_start3A_355 = tpu.memref_squeeze %dma_start3A_354 : memref<1x128xi32, #tpu.memory_space<vmem>> -> memref<128xi32, #tpu.memory_space<vmem>>
        %dma_start3A_356 = arith.constant 0 : i32
        %dma_start3A_357 = arith.constant 0 : i32
        %dma_start3A_358 = tpu.memref_slice %arg2[%dma_start3A_356, %dma_start3A_357] : memref<65536x16xf32, #tpu.memory_space<hbm>> -> memref<65536x16xf32, #tpu.memory_space<hbm>>
        tpu.enqueue_indirect_dma source(%dma_start3A_358 : memref<65536x16xf32, #tpu.memory_space<hbm>>) target(%dma_start3A_352 : memref<128x16xf32, #tpu.memory_space<vmem>>) offsets(%dma_start3A_355 : memref<128xi32, #tpu.memory_space<vmem>>) semaphore(%arg14 : memref<!tpu.dma_semaphore, #tpu.memory_space<semaphore_mem>>)
        %dma_start3A_359 = arith.constant 5 : i32
        %dma_start3A_360 = arith.constant 5 : i32
        %dma_start3A_361 = arith.constant 0 : i32
        %dma_start3A_362 = arith.constant 0 : i32
        %dma_start3A_363 = tpu.memref_slice %arg11[%dma_start3A_360, %dma_start3A_361, %dma_start3A_362] : memref<8x128x16xf32, #tpu.memory_space<vmem>> -> memref<1x128x16xf32, #tpu.memory_space<vmem>>
        %dma_start3A_364 = tpu.memref_squeeze %dma_start3A_363 : memref<1x128x16xf32, #tpu.memory_space<vmem>> -> memref<128x16xf32, #tpu.memory_space<vmem>>
        %dma_start3A_365 = arith.constant 0 : i32
        %dma_start3A_366 = tpu.memref_slice %arg9[%dma_start3A_359, %dma_start3A_365] : memref<8x128xi32, #tpu.memory_space<vmem>> -> memref<1x128xi32, #tpu.memory_space<vmem>>
        %dma_start3A_367 = tpu.memref_squeeze %dma_start3A_366 : memref<1x128xi32, #tpu.memory_space<vmem>> -> memref<128xi32, #tpu.memory_space<vmem>>
        %dma_start3A_368 = arith.constant 0 : i32
        %dma_start3A_369 = arith.constant 0 : i32
        %dma_start3A_370 = tpu.memref_slice %arg2[%dma_start3A_368, %dma_start3A_369] : memref<65536x16xf32, #tpu.memory_space<hbm>> -> memref<65536x16xf32, #tpu.memory_space<hbm>>
        tpu.enqueue_indirect_dma source(%dma_start3A_370 : memref<65536x16xf32, #tpu.memory_space<hbm>>) target(%dma_start3A_364 : memref<128x16xf32, #tpu.memory_space<vmem>>) offsets(%dma_start3A_367 : memref<128xi32, #tpu.memory_space<vmem>>) semaphore(%arg14 : memref<!tpu.dma_semaphore, #tpu.memory_space<semaphore_mem>>)
        %dma_start3A_371 = arith.constant 6 : i32
        %dma_start3A_372 = arith.constant 6 : i32
        %dma_start3A_373 = arith.constant 0 : i32
        %dma_start3A_374 = arith.constant 0 : i32
        %dma_start3A_375 = tpu.memref_slice %arg11[%dma_start3A_372, %dma_start3A_373, %dma_start3A_374] : memref<8x128x16xf32, #tpu.memory_space<vmem>> -> memref<1x128x16xf32, #tpu.memory_space<vmem>>
        %dma_start3A_376 = tpu.memref_squeeze %dma_start3A_375 : memref<1x128x16xf32, #tpu.memory_space<vmem>> -> memref<128x16xf32, #tpu.memory_space<vmem>>
        %dma_start3A_377 = arith.constant 0 : i32
        %dma_start3A_378 = tpu.memref_slice %arg9[%dma_start3A_371, %dma_start3A_377] : memref<8x128xi32, #tpu.memory_space<vmem>> -> memref<1x128xi32, #tpu.memory_space<vmem>>
        %dma_start3A_379 = tpu.memref_squeeze %dma_start3A_378 : memref<1x128xi32, #tpu.memory_space<vmem>> -> memref<128xi32, #tpu.memory_space<vmem>>
        %dma_start3A_380 = arith.constant 0 : i32
        %dma_start3A_381 = arith.constant 0 : i32
        %dma_start3A_382 = tpu.memref_slice %arg2[%dma_start3A_380, %dma_start3A_381] : memref<65536x16xf32, #tpu.memory_space<hbm>> -> memref<65536x16xf32, #tpu.memory_space<hbm>>
        tpu.enqueue_indirect_dma source(%dma_start3A_382 : memref<65536x16xf32, #tpu.memory_space<hbm>>) target(%dma_start3A_376 : memref<128x16xf32, #tpu.memory_space<vmem>>) offsets(%dma_start3A_379 : memref<128xi32, #tpu.memory_space<vmem>>) semaphore(%arg14 : memref<!tpu.dma_semaphore, #tpu.memory_space<semaphore_mem>>)
        %dma_start3A_383 = arith.constant 7 : i32
        %dma_start3A_384 = arith.constant 7 : i32
        %dma_start3A_385 = arith.constant 0 : i32
        %dma_start3A_386 = arith.constant 0 : i32
        %dma_start3A_387 = tpu.memref_slice %arg11[%dma_start3A_384, %dma_start3A_385, %dma_start3A_386] : memref<8x128x16xf32, #tpu.memory_space<vmem>> -> memref<1x128x16xf32, #tpu.memory_space<vmem>>
        %dma_start3A_388 = tpu.memref_squeeze %dma_start3A_387 : memref<1x128x16xf32, #tpu.memory_space<vmem>> -> memref<128x16xf32, #tpu.memory_space<vmem>>
        %dma_start3A_389 = arith.constant 0 : i32
        %dma_start3A_390 = tpu.memref_slice %arg9[%dma_start3A_383, %dma_start3A_389] : memref<8x128xi32, #tpu.memory_space<vmem>> -> memref<1x128xi32, #tpu.memory_space<vmem>>
        %dma_start3A_391 = tpu.memref_squeeze %dma_start3A_390 : memref<1x128xi32, #tpu.memory_space<vmem>> -> memref<128xi32, #tpu.memory_space<vmem>>
        %dma_start3A_392 = arith.constant 0 : i32
        %dma_start3A_393 = arith.constant 0 : i32
        %dma_start3A_394 = tpu.memref_slice %arg2[%dma_start3A_392, %dma_start3A_393] : memref<65536x16xf32, #tpu.memory_space<hbm>> -> memref<65536x16xf32, #tpu.memory_space<hbm>>
        tpu.enqueue_indirect_dma source(%dma_start3A_394 : memref<65536x16xf32, #tpu.memory_space<hbm>>) target(%dma_start3A_388 : memref<128x16xf32, #tpu.memory_space<vmem>>) offsets(%dma_start3A_391 : memref<128xi32, #tpu.memory_space<vmem>>) semaphore(%arg14 : memref<!tpu.dma_semaphore, #tpu.memory_space<semaphore_mem>>)
        %dma_wait3A_395 = arith.constant 0 : i32
        %dma_wait3A_396 = arith.constant 0 : i32
        %dma_wait3A_397 = arith.constant 0 : i32
        %dma_wait3A_398 = arith.constant 0 : i32
        %dma_wait3A_399 = tpu.memref_slice %arg11[%dma_wait3A_396, %dma_wait3A_397, %dma_wait3A_398] : memref<8x128x16xf32, #tpu.memory_space<vmem>> -> memref<1x128x16xf32, #tpu.memory_space<vmem>>
        %dma_wait3A_400 = tpu.memref_squeeze %dma_wait3A_399 : memref<1x128x16xf32, #tpu.memory_space<vmem>> -> memref<128x16xf32, #tpu.memory_space<vmem>>
        %dma_wait3A_401 = arith.constant 0 : i32
        %dma_wait3A_402 = tpu.memref_slice %arg9[%dma_wait3A_395, %dma_wait3A_401] : memref<8x128xi32, #tpu.memory_space<vmem>> -> memref<1x128xi32, #tpu.memory_space<vmem>>
        %dma_wait3A_403 = tpu.memref_squeeze %dma_wait3A_402 : memref<1x128xi32, #tpu.memory_space<vmem>> -> memref<128xi32, #tpu.memory_space<vmem>>
        %dma_wait3A_404 = arith.constant 0 : i32
        %dma_wait3A_405 = arith.constant 0 : i32
        %dma_wait3A_406 = tpu.memref_slice %arg2[%dma_wait3A_404, %dma_wait3A_405] : memref<65536x16xf32, #tpu.memory_space<hbm>> -> memref<65536x16xf32, #tpu.memory_space<hbm>>
        tpu.wait_indirect_dma semaphore(%arg14 : memref<!tpu.dma_semaphore, #tpu.memory_space<semaphore_mem>>) src(%dma_wait3A_406 : memref<65536x16xf32, #tpu.memory_space<hbm>>) dst(%dma_wait3A_400 : memref<128x16xf32, #tpu.memory_space<vmem>>)
        %dma_wait3A_407 = arith.constant 1 : i32
        %dma_wait3A_408 = arith.constant 1 : i32
        %dma_wait3A_409 = arith.constant 0 : i32
        %dma_wait3A_410 = arith.constant 0 : i32
        %dma_wait3A_411 = tpu.memref_slice %arg11[%dma_wait3A_408, %dma_wait3A_409, %dma_wait3A_410] : memref<8x128x16xf32, #tpu.memory_space<vmem>> -> memref<1x128x16xf32, #tpu.memory_space<vmem>>
        %dma_wait3A_412 = tpu.memref_squeeze %dma_wait3A_411 : memref<1x128x16xf32, #tpu.memory_space<vmem>> -> memref<128x16xf32, #tpu.memory_space<vmem>>
        %dma_wait3A_413 = arith.constant 0 : i32
        %dma_wait3A_414 = tpu.memref_slice %arg9[%dma_wait3A_407, %dma_wait3A_413] : memref<8x128xi32, #tpu.memory_space<vmem>> -> memref<1x128xi32, #tpu.memory_space<vmem>>
        %dma_wait3A_415 = tpu.memref_squeeze %dma_wait3A_414 : memref<1x128xi32, #tpu.memory_space<vmem>> -> memref<128xi32, #tpu.memory_space<vmem>>
        %dma_wait3A_416 = arith.constant 0 : i32
        %dma_wait3A_417 = arith.constant 0 : i32
        %dma_wait3A_418 = tpu.memref_slice %arg2[%dma_wait3A_416, %dma_wait3A_417] : memref<65536x16xf32, #tpu.memory_space<hbm>> -> memref<65536x16xf32, #tpu.memory_space<hbm>>
        tpu.wait_indirect_dma semaphore(%arg14 : memref<!tpu.dma_semaphore, #tpu.memory_space<semaphore_mem>>) src(%dma_wait3A_418 : memref<65536x16xf32, #tpu.memory_space<hbm>>) dst(%dma_wait3A_412 : memref<128x16xf32, #tpu.memory_space<vmem>>)
        %dma_wait3A_419 = arith.constant 2 : i32
        %dma_wait3A_420 = arith.constant 2 : i32
        %dma_wait3A_421 = arith.constant 0 : i32
        %dma_wait3A_422 = arith.constant 0 : i32
        %dma_wait3A_423 = tpu.memref_slice %arg11[%dma_wait3A_420, %dma_wait3A_421, %dma_wait3A_422] : memref<8x128x16xf32, #tpu.memory_space<vmem>> -> memref<1x128x16xf32, #tpu.memory_space<vmem>>
        %dma_wait3A_424 = tpu.memref_squeeze %dma_wait3A_423 : memref<1x128x16xf32, #tpu.memory_space<vmem>> -> memref<128x16xf32, #tpu.memory_space<vmem>>
        %dma_wait3A_425 = arith.constant 0 : i32
        %dma_wait3A_426 = tpu.memref_slice %arg9[%dma_wait3A_419, %dma_wait3A_425] : memref<8x128xi32, #tpu.memory_space<vmem>> -> memref<1x128xi32, #tpu.memory_space<vmem>>
        %dma_wait3A_427 = tpu.memref_squeeze %dma_wait3A_426 : memref<1x128xi32, #tpu.memory_space<vmem>> -> memref<128xi32, #tpu.memory_space<vmem>>
        %dma_wait3A_428 = arith.constant 0 : i32
        %dma_wait3A_429 = arith.constant 0 : i32
        %dma_wait3A_430 = tpu.memref_slice %arg2[%dma_wait3A_428, %dma_wait3A_429] : memref<65536x16xf32, #tpu.memory_space<hbm>> -> memref<65536x16xf32, #tpu.memory_space<hbm>>
        tpu.wait_indirect_dma semaphore(%arg14 : memref<!tpu.dma_semaphore, #tpu.memory_space<semaphore_mem>>) src(%dma_wait3A_430 : memref<65536x16xf32, #tpu.memory_space<hbm>>) dst(%dma_wait3A_424 : memref<128x16xf32, #tpu.memory_space<vmem>>)
        %dma_wait3A_431 = arith.constant 3 : i32
        %dma_wait3A_432 = arith.constant 3 : i32
        %dma_wait3A_433 = arith.constant 0 : i32
        %dma_wait3A_434 = arith.constant 0 : i32
        %dma_wait3A_435 = tpu.memref_slice %arg11[%dma_wait3A_432, %dma_wait3A_433, %dma_wait3A_434] : memref<8x128x16xf32, #tpu.memory_space<vmem>> -> memref<1x128x16xf32, #tpu.memory_space<vmem>>
        %dma_wait3A_436 = tpu.memref_squeeze %dma_wait3A_435 : memref<1x128x16xf32, #tpu.memory_space<vmem>> -> memref<128x16xf32, #tpu.memory_space<vmem>>
        %dma_wait3A_437 = arith.constant 0 : i32
        %dma_wait3A_438 = tpu.memref_slice %arg9[%dma_wait3A_431, %dma_wait3A_437] : memref<8x128xi32, #tpu.memory_space<vmem>> -> memref<1x128xi32, #tpu.memory_space<vmem>>
        %dma_wait3A_439 = tpu.memref_squeeze %dma_wait3A_438 : memref<1x128xi32, #tpu.memory_space<vmem>> -> memref<128xi32, #tpu.memory_space<vmem>>
        %dma_wait3A_440 = arith.constant 0 : i32
        %dma_wait3A_441 = arith.constant 0 : i32
        %dma_wait3A_442 = tpu.memref_slice %arg2[%dma_wait3A_440, %dma_wait3A_441] : memref<65536x16xf32, #tpu.memory_space<hbm>> -> memref<65536x16xf32, #tpu.memory_space<hbm>>
        tpu.wait_indirect_dma semaphore(%arg14 : memref<!tpu.dma_semaphore, #tpu.memory_space<semaphore_mem>>) src(%dma_wait3A_442 : memref<65536x16xf32, #tpu.memory_space<hbm>>) dst(%dma_wait3A_436 : memref<128x16xf32, #tpu.memory_space<vmem>>)
        %dma_wait3A_443 = arith.constant 4 : i32
        %dma_wait3A_444 = arith.constant 4 : i32
        %dma_wait3A_445 = arith.constant 0 : i32
        %dma_wait3A_446 = arith.constant 0 : i32
        %dma_wait3A_447 = tpu.memref_slice %arg11[%dma_wait3A_444, %dma_wait3A_445, %dma_wait3A_446] : memref<8x128x16xf32, #tpu.memory_space<vmem>> -> memref<1x128x16xf32, #tpu.memory_space<vmem>>
        %dma_wait3A_448 = tpu.memref_squeeze %dma_wait3A_447 : memref<1x128x16xf32, #tpu.memory_space<vmem>> -> memref<128x16xf32, #tpu.memory_space<vmem>>
        %dma_wait3A_449 = arith.constant 0 : i32
        %dma_wait3A_450 = tpu.memref_slice %arg9[%dma_wait3A_443, %dma_wait3A_449] : memref<8x128xi32, #tpu.memory_space<vmem>> -> memref<1x128xi32, #tpu.memory_space<vmem>>
        %dma_wait3A_451 = tpu.memref_squeeze %dma_wait3A_450 : memref<1x128xi32, #tpu.memory_space<vmem>> -> memref<128xi32, #tpu.memory_space<vmem>>
        %dma_wait3A_452 = arith.constant 0 : i32
        %dma_wait3A_453 = arith.constant 0 : i32
        %dma_wait3A_454 = tpu.memref_slice %arg2[%dma_wait3A_452, %dma_wait3A_453] : memref<65536x16xf32, #tpu.memory_space<hbm>> -> memref<65536x16xf32, #tpu.memory_space<hbm>>
        tpu.wait_indirect_dma semaphore(%arg14 : memref<!tpu.dma_semaphore, #tpu.memory_space<semaphore_mem>>) src(%dma_wait3A_454 : memref<65536x16xf32, #tpu.memory_space<hbm>>) dst(%dma_wait3A_448 : memref<128x16xf32, #tpu.memory_space<vmem>>)
        %dma_wait3A_455 = arith.constant 5 : i32
        %dma_wait3A_456 = arith.constant 5 : i32
        %dma_wait3A_457 = arith.constant 0 : i32
        %dma_wait3A_458 = arith.constant 0 : i32
        %dma_wait3A_459 = tpu.memref_slice %arg11[%dma_wait3A_456, %dma_wait3A_457, %dma_wait3A_458] : memref<8x128x16xf32, #tpu.memory_space<vmem>> -> memref<1x128x16xf32, #tpu.memory_space<vmem>>
        %dma_wait3A_460 = tpu.memref_squeeze %dma_wait3A_459 : memref<1x128x16xf32, #tpu.memory_space<vmem>> -> memref<128x16xf32, #tpu.memory_space<vmem>>
        %dma_wait3A_461 = arith.constant 0 : i32
        %dma_wait3A_462 = tpu.memref_slice %arg9[%dma_wait3A_455, %dma_wait3A_461] : memref<8x128xi32, #tpu.memory_space<vmem>> -> memref<1x128xi32, #tpu.memory_space<vmem>>
        %dma_wait3A_463 = tpu.memref_squeeze %dma_wait3A_462 : memref<1x128xi32, #tpu.memory_space<vmem>> -> memref<128xi32, #tpu.memory_space<vmem>>
        %dma_wait3A_464 = arith.constant 0 : i32
        %dma_wait3A_465 = arith.constant 0 : i32
        %dma_wait3A_466 = tpu.memref_slice %arg2[%dma_wait3A_464, %dma_wait3A_465] : memref<65536x16xf32, #tpu.memory_space<hbm>> -> memref<65536x16xf32, #tpu.memory_space<hbm>>
        tpu.wait_indirect_dma semaphore(%arg14 : memref<!tpu.dma_semaphore, #tpu.memory_space<semaphore_mem>>) src(%dma_wait3A_466 : memref<65536x16xf32, #tpu.memory_space<hbm>>) dst(%dma_wait3A_460 : memref<128x16xf32, #tpu.memory_space<vmem>>)
        %dma_wait3A_467 = arith.constant 6 : i32
        %dma_wait3A_468 = arith.constant 6 : i32
        %dma_wait3A_469 = arith.constant 0 : i32
        %dma_wait3A_470 = arith.constant 0 : i32
        %dma_wait3A_471 = tpu.memref_slice %arg11[%dma_wait3A_468, %dma_wait3A_469, %dma_wait3A_470] : memref<8x128x16xf32, #tpu.memory_space<vmem>> -> memref<1x128x16xf32, #tpu.memory_space<vmem>>
        %dma_wait3A_472 = tpu.memref_squeeze %dma_wait3A_471 : memref<1x128x16xf32, #tpu.memory_space<vmem>> -> memref<128x16xf32, #tpu.memory_space<vmem>>
        %dma_wait3A_473 = arith.constant 0 : i32
        %dma_wait3A_474 = tpu.memref_slice %arg9[%dma_wait3A_467, %dma_wait3A_473] : memref<8x128xi32, #tpu.memory_space<vmem>> -> memref<1x128xi32, #tpu.memory_space<vmem>>
        %dma_wait3A_475 = tpu.memref_squeeze %dma_wait3A_474 : memref<1x128xi32, #tpu.memory_space<vmem>> -> memref<128xi32, #tpu.memory_space<vmem>>
        %dma_wait3A_476 = arith.constant 0 : i32
        %dma_wait3A_477 = arith.constant 0 : i32
        %dma_wait3A_478 = tpu.memref_slice %arg2[%dma_wait3A_476, %dma_wait3A_477] : memref<65536x16xf32, #tpu.memory_space<hbm>> -> memref<65536x16xf32, #tpu.memory_space<hbm>>
        tpu.wait_indirect_dma semaphore(%arg14 : memref<!tpu.dma_semaphore, #tpu.memory_space<semaphore_mem>>) src(%dma_wait3A_478 : memref<65536x16xf32, #tpu.memory_space<hbm>>) dst(%dma_wait3A_472 : memref<128x16xf32, #tpu.memory_space<vmem>>)
        %dma_wait3A_479 = arith.constant 7 : i32
        %dma_wait3A_480 = arith.constant 7 : i32
        %dma_wait3A_481 = arith.constant 0 : i32
        %dma_wait3A_482 = arith.constant 0 : i32
        %dma_wait3A_483 = tpu.memref_slice %arg11[%dma_wait3A_480, %dma_wait3A_481, %dma_wait3A_482] : memref<8x128x16xf32, #tpu.memory_space<vmem>> -> memref<1x128x16xf32, #tpu.memory_space<vmem>>
        %dma_wait3A_484 = tpu.memref_squeeze %dma_wait3A_483 : memref<1x128x16xf32, #tpu.memory_space<vmem>> -> memref<128x16xf32, #tpu.memory_space<vmem>>
        %dma_wait3A_485 = arith.constant 0 : i32
        %dma_wait3A_486 = tpu.memref_slice %arg9[%dma_wait3A_479, %dma_wait3A_485] : memref<8x128xi32, #tpu.memory_space<vmem>> -> memref<1x128xi32, #tpu.memory_space<vmem>>
        %dma_wait3A_487 = tpu.memref_squeeze %dma_wait3A_486 : memref<1x128xi32, #tpu.memory_space<vmem>> -> memref<128xi32, #tpu.memory_space<vmem>>
        %dma_wait3A_488 = arith.constant 0 : i32
        %dma_wait3A_489 = arith.constant 0 : i32
        %dma_wait3A_490 = tpu.memref_slice %arg2[%dma_wait3A_488, %dma_wait3A_489] : memref<65536x16xf32, #tpu.memory_space<hbm>> -> memref<65536x16xf32, #tpu.memory_space<hbm>>
        tpu.wait_indirect_dma semaphore(%arg14 : memref<!tpu.dma_semaphore, #tpu.memory_space<semaphore_mem>>) src(%dma_wait3A_490 : memref<65536x16xf32, #tpu.memory_space<hbm>>) dst(%dma_wait3A_484 : memref<128x16xf32, #tpu.memory_space<vmem>>)
        %dma_start3A_491 = arith.constant 0 : i32
        %dma_start3A_492 = arith.constant 0 : i32
        %dma_start3A_493 = arith.constant 0 : i32
        %dma_start3A_494 = arith.constant 0 : i32
        %dma_start3A_495 = tpu.memref_slice %arg11[%dma_start3A_491, %dma_start3A_493, %dma_start3A_494] : memref<8x128x16xf32, #tpu.memory_space<vmem>> -> memref<1x128x16xf32, #tpu.memory_space<vmem>>
        %dma_start3A_496 = tpu.memref_squeeze %dma_start3A_495 : memref<1x128x16xf32, #tpu.memory_space<vmem>> -> memref<128x16xf32, #tpu.memory_space<vmem>>
        %dma_start3A_497 = arith.constant 0 : i32
        %dma_start3A_498 = tpu.memref_slice %arg10[%dma_start3A_492, %dma_start3A_497] : memref<8x128xi32, #tpu.memory_space<vmem>> -> memref<1x128xi32, #tpu.memory_space<vmem>>
        %dma_start3A_499 = tpu.memref_squeeze %dma_start3A_498 : memref<1x128xi32, #tpu.memory_space<vmem>> -> memref<128xi32, #tpu.memory_space<vmem>>
        %dma_start3A_500 = arith.constant 0 : i32
        %dma_start3A_501 = arith.constant 0 : i32
        %dma_start3A_502 = tpu.memref_slice %arg13[%dma_start3A_500, %dma_start3A_501] : memref<65536x16xf32, #tpu.memory_space<vmem_shared>> -> memref<65536x16xf32, #tpu.memory_space<vmem_shared>>
        tpu.enqueue_indirect_dma source(%dma_start3A_496 : memref<128x16xf32, #tpu.memory_space<vmem>>) target(%dma_start3A_502 : memref<65536x16xf32, #tpu.memory_space<vmem_shared>>) offsets(%dma_start3A_499 : memref<128xi32, #tpu.memory_space<vmem>>) semaphore(%arg16 : memref<!tpu.dma_semaphore, #tpu.memory_space<semaphore_mem>>) {add = true}
        %dma_start3A_503 = arith.constant 1 : i32
        %dma_start3A_504 = arith.constant 1 : i32
        %dma_start3A_505 = arith.constant 0 : i32
        %dma_start3A_506 = arith.constant 0 : i32
        %dma_start3A_507 = tpu.memref_slice %arg11[%dma_start3A_503, %dma_start3A_505, %dma_start3A_506] : memref<8x128x16xf32, #tpu.memory_space<vmem>> -> memref<1x128x16xf32, #tpu.memory_space<vmem>>
        %dma_start3A_508 = tpu.memref_squeeze %dma_start3A_507 : memref<1x128x16xf32, #tpu.memory_space<vmem>> -> memref<128x16xf32, #tpu.memory_space<vmem>>
        %dma_start3A_509 = arith.constant 0 : i32
        %dma_start3A_510 = tpu.memref_slice %arg10[%dma_start3A_504, %dma_start3A_509] : memref<8x128xi32, #tpu.memory_space<vmem>> -> memref<1x128xi32, #tpu.memory_space<vmem>>
        %dma_start3A_511 = tpu.memref_squeeze %dma_start3A_510 : memref<1x128xi32, #tpu.memory_space<vmem>> -> memref<128xi32, #tpu.memory_space<vmem>>
        %dma_start3A_512 = arith.constant 0 : i32
        %dma_start3A_513 = arith.constant 0 : i32
        %dma_start3A_514 = tpu.memref_slice %arg13[%dma_start3A_512, %dma_start3A_513] : memref<65536x16xf32, #tpu.memory_space<vmem_shared>> -> memref<65536x16xf32, #tpu.memory_space<vmem_shared>>
        tpu.enqueue_indirect_dma source(%dma_start3A_508 : memref<128x16xf32, #tpu.memory_space<vmem>>) target(%dma_start3A_514 : memref<65536x16xf32, #tpu.memory_space<vmem_shared>>) offsets(%dma_start3A_511 : memref<128xi32, #tpu.memory_space<vmem>>) semaphore(%arg16 : memref<!tpu.dma_semaphore, #tpu.memory_space<semaphore_mem>>) {add = true}
        %dma_start3A_515 = arith.constant 2 : i32
        %dma_start3A_516 = arith.constant 2 : i32
        %dma_start3A_517 = arith.constant 0 : i32
        %dma_start3A_518 = arith.constant 0 : i32
        %dma_start3A_519 = tpu.memref_slice %arg11[%dma_start3A_515, %dma_start3A_517, %dma_start3A_518] : memref<8x128x16xf32, #tpu.memory_space<vmem>> -> memref<1x128x16xf32, #tpu.memory_space<vmem>>
        %dma_start3A_520 = tpu.memref_squeeze %dma_start3A_519 : memref<1x128x16xf32, #tpu.memory_space<vmem>> -> memref<128x16xf32, #tpu.memory_space<vmem>>
        %dma_start3A_521 = arith.constant 0 : i32
        %dma_start3A_522 = tpu.memref_slice %arg10[%dma_start3A_516, %dma_start3A_521] : memref<8x128xi32, #tpu.memory_space<vmem>> -> memref<1x128xi32, #tpu.memory_space<vmem>>
        %dma_start3A_523 = tpu.memref_squeeze %dma_start3A_522 : memref<1x128xi32, #tpu.memory_space<vmem>> -> memref<128xi32, #tpu.memory_space<vmem>>
        %dma_start3A_524 = arith.constant 0 : i32
        %dma_start3A_525 = arith.constant 0 : i32
        %dma_start3A_526 = tpu.memref_slice %arg13[%dma_start3A_524, %dma_start3A_525] : memref<65536x16xf32, #tpu.memory_space<vmem_shared>> -> memref<65536x16xf32, #tpu.memory_space<vmem_shared>>
        tpu.enqueue_indirect_dma source(%dma_start3A_520 : memref<128x16xf32, #tpu.memory_space<vmem>>) target(%dma_start3A_526 : memref<65536x16xf32, #tpu.memory_space<vmem_shared>>) offsets(%dma_start3A_523 : memref<128xi32, #tpu.memory_space<vmem>>) semaphore(%arg16 : memref<!tpu.dma_semaphore, #tpu.memory_space<semaphore_mem>>) {add = true}
        %dma_start3A_527 = arith.constant 3 : i32
        %dma_start3A_528 = arith.constant 3 : i32
        %dma_start3A_529 = arith.constant 0 : i32
        %dma_start3A_530 = arith.constant 0 : i32
        %dma_start3A_531 = tpu.memref_slice %arg11[%dma_start3A_527, %dma_start3A_529, %dma_start3A_530] : memref<8x128x16xf32, #tpu.memory_space<vmem>> -> memref<1x128x16xf32, #tpu.memory_space<vmem>>
        %dma_start3A_532 = tpu.memref_squeeze %dma_start3A_531 : memref<1x128x16xf32, #tpu.memory_space<vmem>> -> memref<128x16xf32, #tpu.memory_space<vmem>>
        %dma_start3A_533 = arith.constant 0 : i32
        %dma_start3A_534 = tpu.memref_slice %arg10[%dma_start3A_528, %dma_start3A_533] : memref<8x128xi32, #tpu.memory_space<vmem>> -> memref<1x128xi32, #tpu.memory_space<vmem>>
        %dma_start3A_535 = tpu.memref_squeeze %dma_start3A_534 : memref<1x128xi32, #tpu.memory_space<vmem>> -> memref<128xi32, #tpu.memory_space<vmem>>
        %dma_start3A_536 = arith.constant 0 : i32
        %dma_start3A_537 = arith.constant 0 : i32
        %dma_start3A_538 = tpu.memref_slice %arg13[%dma_start3A_536, %dma_start3A_537] : memref<65536x16xf32, #tpu.memory_space<vmem_shared>> -> memref<65536x16xf32, #tpu.memory_space<vmem_shared>>
        tpu.enqueue_indirect_dma source(%dma_start3A_532 : memref<128x16xf32, #tpu.memory_space<vmem>>) target(%dma_start3A_538 : memref<65536x16xf32, #tpu.memory_space<vmem_shared>>) offsets(%dma_start3A_535 : memref<128xi32, #tpu.memory_space<vmem>>) semaphore(%arg16 : memref<!tpu.dma_semaphore, #tpu.memory_space<semaphore_mem>>) {add = true}
        %dma_start3A_539 = arith.constant 4 : i32
        %dma_start3A_540 = arith.constant 4 : i32
        %dma_start3A_541 = arith.constant 0 : i32
        %dma_start3A_542 = arith.constant 0 : i32
        %dma_start3A_543 = tpu.memref_slice %arg11[%dma_start3A_539, %dma_start3A_541, %dma_start3A_542] : memref<8x128x16xf32, #tpu.memory_space<vmem>> -> memref<1x128x16xf32, #tpu.memory_space<vmem>>
        %dma_start3A_544 = tpu.memref_squeeze %dma_start3A_543 : memref<1x128x16xf32, #tpu.memory_space<vmem>> -> memref<128x16xf32, #tpu.memory_space<vmem>>
        %dma_start3A_545 = arith.constant 0 : i32
        %dma_start3A_546 = tpu.memref_slice %arg10[%dma_start3A_540, %dma_start3A_545] : memref<8x128xi32, #tpu.memory_space<vmem>> -> memref<1x128xi32, #tpu.memory_space<vmem>>
        %dma_start3A_547 = tpu.memref_squeeze %dma_start3A_546 : memref<1x128xi32, #tpu.memory_space<vmem>> -> memref<128xi32, #tpu.memory_space<vmem>>
        %dma_start3A_548 = arith.constant 0 : i32
        %dma_start3A_549 = arith.constant 0 : i32
        %dma_start3A_550 = tpu.memref_slice %arg13[%dma_start3A_548, %dma_start3A_549] : memref<65536x16xf32, #tpu.memory_space<vmem_shared>> -> memref<65536x16xf32, #tpu.memory_space<vmem_shared>>
        tpu.enqueue_indirect_dma source(%dma_start3A_544 : memref<128x16xf32, #tpu.memory_space<vmem>>) target(%dma_start3A_550 : memref<65536x16xf32, #tpu.memory_space<vmem_shared>>) offsets(%dma_start3A_547 : memref<128xi32, #tpu.memory_space<vmem>>) semaphore(%arg16 : memref<!tpu.dma_semaphore, #tpu.memory_space<semaphore_mem>>) {add = true}
        %dma_start3A_551 = arith.constant 5 : i32
        %dma_start3A_552 = arith.constant 5 : i32
        %dma_start3A_553 = arith.constant 0 : i32
        %dma_start3A_554 = arith.constant 0 : i32
        %dma_start3A_555 = tpu.memref_slice %arg11[%dma_start3A_551, %dma_start3A_553, %dma_start3A_554] : memref<8x128x16xf32, #tpu.memory_space<vmem>> -> memref<1x128x16xf32, #tpu.memory_space<vmem>>
        %dma_start3A_556 = tpu.memref_squeeze %dma_start3A_555 : memref<1x128x16xf32, #tpu.memory_space<vmem>> -> memref<128x16xf32, #tpu.memory_space<vmem>>
        %dma_start3A_557 = arith.constant 0 : i32
        %dma_start3A_558 = tpu.memref_slice %arg10[%dma_start3A_552, %dma_start3A_557] : memref<8x128xi32, #tpu.memory_space<vmem>> -> memref<1x128xi32, #tpu.memory_space<vmem>>
        %dma_start3A_559 = tpu.memref_squeeze %dma_start3A_558 : memref<1x128xi32, #tpu.memory_space<vmem>> -> memref<128xi32, #tpu.memory_space<vmem>>
        %dma_start3A_560 = arith.constant 0 : i32
        %dma_start3A_561 = arith.constant 0 : i32
        %dma_start3A_562 = tpu.memref_slice %arg13[%dma_start3A_560, %dma_start3A_561] : memref<65536x16xf32, #tpu.memory_space<vmem_shared>> -> memref<65536x16xf32, #tpu.memory_space<vmem_shared>>
        tpu.enqueue_indirect_dma source(%dma_start3A_556 : memref<128x16xf32, #tpu.memory_space<vmem>>) target(%dma_start3A_562 : memref<65536x16xf32, #tpu.memory_space<vmem_shared>>) offsets(%dma_start3A_559 : memref<128xi32, #tpu.memory_space<vmem>>) semaphore(%arg16 : memref<!tpu.dma_semaphore, #tpu.memory_space<semaphore_mem>>) {add = true}
        %dma_start3A_563 = arith.constant 6 : i32
        %dma_start3A_564 = arith.constant 6 : i32
        %dma_start3A_565 = arith.constant 0 : i32
        %dma_start3A_566 = arith.constant 0 : i32
        %dma_start3A_567 = tpu.memref_slice %arg11[%dma_start3A_563, %dma_start3A_565, %dma_start3A_566] : memref<8x128x16xf32, #tpu.memory_space<vmem>> -> memref<1x128x16xf32, #tpu.memory_space<vmem>>
        %dma_start3A_568 = tpu.memref_squeeze %dma_start3A_567 : memref<1x128x16xf32, #tpu.memory_space<vmem>> -> memref<128x16xf32, #tpu.memory_space<vmem>>
        %dma_start3A_569 = arith.constant 0 : i32
        %dma_start3A_570 = tpu.memref_slice %arg10[%dma_start3A_564, %dma_start3A_569] : memref<8x128xi32, #tpu.memory_space<vmem>> -> memref<1x128xi32, #tpu.memory_space<vmem>>
        %dma_start3A_571 = tpu.memref_squeeze %dma_start3A_570 : memref<1x128xi32, #tpu.memory_space<vmem>> -> memref<128xi32, #tpu.memory_space<vmem>>
        %dma_start3A_572 = arith.constant 0 : i32
        %dma_start3A_573 = arith.constant 0 : i32
        %dma_start3A_574 = tpu.memref_slice %arg13[%dma_start3A_572, %dma_start3A_573] : memref<65536x16xf32, #tpu.memory_space<vmem_shared>> -> memref<65536x16xf32, #tpu.memory_space<vmem_shared>>
        tpu.enqueue_indirect_dma source(%dma_start3A_568 : memref<128x16xf32, #tpu.memory_space<vmem>>) target(%dma_start3A_574 : memref<65536x16xf32, #tpu.memory_space<vmem_shared>>) offsets(%dma_start3A_571 : memref<128xi32, #tpu.memory_space<vmem>>) semaphore(%arg16 : memref<!tpu.dma_semaphore, #tpu.memory_space<semaphore_mem>>) {add = true}
        %dma_start3A_575 = arith.constant 7 : i32
        %dma_start3A_576 = arith.constant 7 : i32
        %dma_start3A_577 = arith.constant 0 : i32
        %dma_start3A_578 = arith.constant 0 : i32
        %dma_start3A_579 = tpu.memref_slice %arg11[%dma_start3A_575, %dma_start3A_577, %dma_start3A_578] : memref<8x128x16xf32, #tpu.memory_space<vmem>> -> memref<1x128x16xf32, #tpu.memory_space<vmem>>
        %dma_start3A_580 = tpu.memref_squeeze %dma_start3A_579 : memref<1x128x16xf32, #tpu.memory_space<vmem>> -> memref<128x16xf32, #tpu.memory_space<vmem>>
        %dma_start3A_581 = arith.constant 0 : i32
        %dma_start3A_582 = tpu.memref_slice %arg10[%dma_start3A_576, %dma_start3A_581] : memref<8x128xi32, #tpu.memory_space<vmem>> -> memref<1x128xi32, #tpu.memory_space<vmem>>
        %dma_start3A_583 = tpu.memref_squeeze %dma_start3A_582 : memref<1x128xi32, #tpu.memory_space<vmem>> -> memref<128xi32, #tpu.memory_space<vmem>>
        %dma_start3A_584 = arith.constant 0 : i32
        %dma_start3A_585 = arith.constant 0 : i32
        %dma_start3A_586 = tpu.memref_slice %arg13[%dma_start3A_584, %dma_start3A_585] : memref<65536x16xf32, #tpu.memory_space<vmem_shared>> -> memref<65536x16xf32, #tpu.memory_space<vmem_shared>>
        tpu.enqueue_indirect_dma source(%dma_start3A_580 : memref<128x16xf32, #tpu.memory_space<vmem>>) target(%dma_start3A_586 : memref<65536x16xf32, #tpu.memory_space<vmem_shared>>) offsets(%dma_start3A_583 : memref<128xi32, #tpu.memory_space<vmem>>) semaphore(%arg16 : memref<!tpu.dma_semaphore, #tpu.memory_space<semaphore_mem>>) {add = true}
      } else {
      }
    }
    %scan3A_31 = arith.constant 50 : i32
    %dma_wait3A = arith.constant 0 : i32
    %dma_wait3A_32 = arith.constant 0 : i32
    %dma_wait3A_33 = arith.constant 0 : i32
    %dma_wait3A_34 = arith.constant 0 : i32
    %dma_wait3A_35 = tpu.memref_slice %arg8[%dma_wait3A, %dma_wait3A_33, %dma_wait3A_34] : memref<8x128x16xf32, #tpu.memory_space<vmem>> -> memref<1x128x16xf32, #tpu.memory_space<vmem>>
    %dma_wait3A_36 = tpu.memref_squeeze %dma_wait3A_35 : memref<1x128x16xf32, #tpu.memory_space<vmem>> -> memref<128x16xf32, #tpu.memory_space<vmem>>
    %dma_wait3A_37 = arith.constant 0 : i32
    %dma_wait3A_38 = tpu.memref_slice %arg7[%dma_wait3A_32, %dma_wait3A_37] : memref<8x128xi32, #tpu.memory_space<vmem>> -> memref<1x128xi32, #tpu.memory_space<vmem>>
    %dma_wait3A_39 = tpu.memref_squeeze %dma_wait3A_38 : memref<1x128xi32, #tpu.memory_space<vmem>> -> memref<128xi32, #tpu.memory_space<vmem>>
    %dma_wait3A_40 = arith.constant 0 : i32
    %dma_wait3A_41 = arith.constant 0 : i32
    %dma_wait3A_42 = tpu.memref_slice %arg13[%dma_wait3A_40, %dma_wait3A_41] : memref<65536x16xf32, #tpu.memory_space<vmem_shared>> -> memref<65536x16xf32, #tpu.memory_space<vmem_shared>>
    tpu.wait_indirect_dma semaphore(%arg15 : memref<!tpu.dma_semaphore, #tpu.memory_space<semaphore_mem>>) src(%dma_wait3A_36 : memref<128x16xf32, #tpu.memory_space<vmem>>) dst(%dma_wait3A_42 : memref<65536x16xf32, #tpu.memory_space<vmem_shared>>)
    %dma_wait3A_43 = arith.constant 1 : i32
    %dma_wait3A_44 = arith.constant 1 : i32
    %dma_wait3A_45 = arith.constant 0 : i32
    %dma_wait3A_46 = arith.constant 0 : i32
    %dma_wait3A_47 = tpu.memref_slice %arg8[%dma_wait3A_43, %dma_wait3A_45, %dma_wait3A_46] : memref<8x128x16xf32, #tpu.memory_space<vmem>> -> memref<1x128x16xf32, #tpu.memory_space<vmem>>
    %dma_wait3A_48 = tpu.memref_squeeze %dma_wait3A_47 : memref<1x128x16xf32, #tpu.memory_space<vmem>> -> memref<128x16xf32, #tpu.memory_space<vmem>>
    %dma_wait3A_49 = arith.constant 0 : i32
    %dma_wait3A_50 = tpu.memref_slice %arg7[%dma_wait3A_44, %dma_wait3A_49] : memref<8x128xi32, #tpu.memory_space<vmem>> -> memref<1x128xi32, #tpu.memory_space<vmem>>
    %dma_wait3A_51 = tpu.memref_squeeze %dma_wait3A_50 : memref<1x128xi32, #tpu.memory_space<vmem>> -> memref<128xi32, #tpu.memory_space<vmem>>
    %dma_wait3A_52 = arith.constant 0 : i32
    %dma_wait3A_53 = arith.constant 0 : i32
    %dma_wait3A_54 = tpu.memref_slice %arg13[%dma_wait3A_52, %dma_wait3A_53] : memref<65536x16xf32, #tpu.memory_space<vmem_shared>> -> memref<65536x16xf32, #tpu.memory_space<vmem_shared>>
    tpu.wait_indirect_dma semaphore(%arg15 : memref<!tpu.dma_semaphore, #tpu.memory_space<semaphore_mem>>) src(%dma_wait3A_48 : memref<128x16xf32, #tpu.memory_space<vmem>>) dst(%dma_wait3A_54 : memref<65536x16xf32, #tpu.memory_space<vmem_shared>>)
    %dma_wait3A_55 = arith.constant 2 : i32
    %dma_wait3A_56 = arith.constant 2 : i32
    %dma_wait3A_57 = arith.constant 0 : i32
    %dma_wait3A_58 = arith.constant 0 : i32
    %dma_wait3A_59 = tpu.memref_slice %arg8[%dma_wait3A_55, %dma_wait3A_57, %dma_wait3A_58] : memref<8x128x16xf32, #tpu.memory_space<vmem>> -> memref<1x128x16xf32, #tpu.memory_space<vmem>>
    %dma_wait3A_60 = tpu.memref_squeeze %dma_wait3A_59 : memref<1x128x16xf32, #tpu.memory_space<vmem>> -> memref<128x16xf32, #tpu.memory_space<vmem>>
    %dma_wait3A_61 = arith.constant 0 : i32
    %dma_wait3A_62 = tpu.memref_slice %arg7[%dma_wait3A_56, %dma_wait3A_61] : memref<8x128xi32, #tpu.memory_space<vmem>> -> memref<1x128xi32, #tpu.memory_space<vmem>>
    %dma_wait3A_63 = tpu.memref_squeeze %dma_wait3A_62 : memref<1x128xi32, #tpu.memory_space<vmem>> -> memref<128xi32, #tpu.memory_space<vmem>>
    %dma_wait3A_64 = arith.constant 0 : i32
    %dma_wait3A_65 = arith.constant 0 : i32
    %dma_wait3A_66 = tpu.memref_slice %arg13[%dma_wait3A_64, %dma_wait3A_65] : memref<65536x16xf32, #tpu.memory_space<vmem_shared>> -> memref<65536x16xf32, #tpu.memory_space<vmem_shared>>
    tpu.wait_indirect_dma semaphore(%arg15 : memref<!tpu.dma_semaphore, #tpu.memory_space<semaphore_mem>>) src(%dma_wait3A_60 : memref<128x16xf32, #tpu.memory_space<vmem>>) dst(%dma_wait3A_66 : memref<65536x16xf32, #tpu.memory_space<vmem_shared>>)
    %dma_wait3A_67 = arith.constant 3 : i32
    %dma_wait3A_68 = arith.constant 3 : i32
    %dma_wait3A_69 = arith.constant 0 : i32
    %dma_wait3A_70 = arith.constant 0 : i32
    %dma_wait3A_71 = tpu.memref_slice %arg8[%dma_wait3A_67, %dma_wait3A_69, %dma_wait3A_70] : memref<8x128x16xf32, #tpu.memory_space<vmem>> -> memref<1x128x16xf32, #tpu.memory_space<vmem>>
    %dma_wait3A_72 = tpu.memref_squeeze %dma_wait3A_71 : memref<1x128x16xf32, #tpu.memory_space<vmem>> -> memref<128x16xf32, #tpu.memory_space<vmem>>
    %dma_wait3A_73 = arith.constant 0 : i32
    %dma_wait3A_74 = tpu.memref_slice %arg7[%dma_wait3A_68, %dma_wait3A_73] : memref<8x128xi32, #tpu.memory_space<vmem>> -> memref<1x128xi32, #tpu.memory_space<vmem>>
    %dma_wait3A_75 = tpu.memref_squeeze %dma_wait3A_74 : memref<1x128xi32, #tpu.memory_space<vmem>> -> memref<128xi32, #tpu.memory_space<vmem>>
    %dma_wait3A_76 = arith.constant 0 : i32
    %dma_wait3A_77 = arith.constant 0 : i32
    %dma_wait3A_78 = tpu.memref_slice %arg13[%dma_wait3A_76, %dma_wait3A_77] : memref<65536x16xf32, #tpu.memory_space<vmem_shared>> -> memref<65536x16xf32, #tpu.memory_space<vmem_shared>>
    tpu.wait_indirect_dma semaphore(%arg15 : memref<!tpu.dma_semaphore, #tpu.memory_space<semaphore_mem>>) src(%dma_wait3A_72 : memref<128x16xf32, #tpu.memory_space<vmem>>) dst(%dma_wait3A_78 : memref<65536x16xf32, #tpu.memory_space<vmem_shared>>)
    %dma_wait3A_79 = arith.constant 4 : i32
    %dma_wait3A_80 = arith.constant 4 : i32
    %dma_wait3A_81 = arith.constant 0 : i32
    %dma_wait3A_82 = arith.constant 0 : i32
    %dma_wait3A_83 = tpu.memref_slice %arg8[%dma_wait3A_79, %dma_wait3A_81, %dma_wait3A_82] : memref<8x128x16xf32, #tpu.memory_space<vmem>> -> memref<1x128x16xf32, #tpu.memory_space<vmem>>
    %dma_wait3A_84 = tpu.memref_squeeze %dma_wait3A_83 : memref<1x128x16xf32, #tpu.memory_space<vmem>> -> memref<128x16xf32, #tpu.memory_space<vmem>>
    %dma_wait3A_85 = arith.constant 0 : i32
    %dma_wait3A_86 = tpu.memref_slice %arg7[%dma_wait3A_80, %dma_wait3A_85] : memref<8x128xi32, #tpu.memory_space<vmem>> -> memref<1x128xi32, #tpu.memory_space<vmem>>
    %dma_wait3A_87 = tpu.memref_squeeze %dma_wait3A_86 : memref<1x128xi32, #tpu.memory_space<vmem>> -> memref<128xi32, #tpu.memory_space<vmem>>
    %dma_wait3A_88 = arith.constant 0 : i32
    %dma_wait3A_89 = arith.constant 0 : i32
    %dma_wait3A_90 = tpu.memref_slice %arg13[%dma_wait3A_88, %dma_wait3A_89] : memref<65536x16xf32, #tpu.memory_space<vmem_shared>> -> memref<65536x16xf32, #tpu.memory_space<vmem_shared>>
    tpu.wait_indirect_dma semaphore(%arg15 : memref<!tpu.dma_semaphore, #tpu.memory_space<semaphore_mem>>) src(%dma_wait3A_84 : memref<128x16xf32, #tpu.memory_space<vmem>>) dst(%dma_wait3A_90 : memref<65536x16xf32, #tpu.memory_space<vmem_shared>>)
    %dma_wait3A_91 = arith.constant 5 : i32
    %dma_wait3A_92 = arith.constant 5 : i32
    %dma_wait3A_93 = arith.constant 0 : i32
    %dma_wait3A_94 = arith.constant 0 : i32
    %dma_wait3A_95 = tpu.memref_slice %arg8[%dma_wait3A_91, %dma_wait3A_93, %dma_wait3A_94] : memref<8x128x16xf32, #tpu.memory_space<vmem>> -> memref<1x128x16xf32, #tpu.memory_space<vmem>>
    %dma_wait3A_96 = tpu.memref_squeeze %dma_wait3A_95 : memref<1x128x16xf32, #tpu.memory_space<vmem>> -> memref<128x16xf32, #tpu.memory_space<vmem>>
    %dma_wait3A_97 = arith.constant 0 : i32
    %dma_wait3A_98 = tpu.memref_slice %arg7[%dma_wait3A_92, %dma_wait3A_97] : memref<8x128xi32, #tpu.memory_space<vmem>> -> memref<1x128xi32, #tpu.memory_space<vmem>>
    %dma_wait3A_99 = tpu.memref_squeeze %dma_wait3A_98 : memref<1x128xi32, #tpu.memory_space<vmem>> -> memref<128xi32, #tpu.memory_space<vmem>>
    %dma_wait3A_100 = arith.constant 0 : i32
    %dma_wait3A_101 = arith.constant 0 : i32
    %dma_wait3A_102 = tpu.memref_slice %arg13[%dma_wait3A_100, %dma_wait3A_101] : memref<65536x16xf32, #tpu.memory_space<vmem_shared>> -> memref<65536x16xf32, #tpu.memory_space<vmem_shared>>
    tpu.wait_indirect_dma semaphore(%arg15 : memref<!tpu.dma_semaphore, #tpu.memory_space<semaphore_mem>>) src(%dma_wait3A_96 : memref<128x16xf32, #tpu.memory_space<vmem>>) dst(%dma_wait3A_102 : memref<65536x16xf32, #tpu.memory_space<vmem_shared>>)
    %dma_wait3A_103 = arith.constant 6 : i32
    %dma_wait3A_104 = arith.constant 6 : i32
    %dma_wait3A_105 = arith.constant 0 : i32
    %dma_wait3A_106 = arith.constant 0 : i32
    %dma_wait3A_107 = tpu.memref_slice %arg8[%dma_wait3A_103, %dma_wait3A_105, %dma_wait3A_106] : memref<8x128x16xf32, #tpu.memory_space<vmem>> -> memref<1x128x16xf32, #tpu.memory_space<vmem>>
    %dma_wait3A_108 = tpu.memref_squeeze %dma_wait3A_107 : memref<1x128x16xf32, #tpu.memory_space<vmem>> -> memref<128x16xf32, #tpu.memory_space<vmem>>
    %dma_wait3A_109 = arith.constant 0 : i32
    %dma_wait3A_110 = tpu.memref_slice %arg7[%dma_wait3A_104, %dma_wait3A_109] : memref<8x128xi32, #tpu.memory_space<vmem>> -> memref<1x128xi32, #tpu.memory_space<vmem>>
    %dma_wait3A_111 = tpu.memref_squeeze %dma_wait3A_110 : memref<1x128xi32, #tpu.memory_space<vmem>> -> memref<128xi32, #tpu.memory_space<vmem>>
    %dma_wait3A_112 = arith.constant 0 : i32
    %dma_wait3A_113 = arith.constant 0 : i32
    %dma_wait3A_114 = tpu.memref_slice %arg13[%dma_wait3A_112, %dma_wait3A_113] : memref<65536x16xf32, #tpu.memory_space<vmem_shared>> -> memref<65536x16xf32, #tpu.memory_space<vmem_shared>>
    tpu.wait_indirect_dma semaphore(%arg15 : memref<!tpu.dma_semaphore, #tpu.memory_space<semaphore_mem>>) src(%dma_wait3A_108 : memref<128x16xf32, #tpu.memory_space<vmem>>) dst(%dma_wait3A_114 : memref<65536x16xf32, #tpu.memory_space<vmem_shared>>)
    %dma_wait3A_115 = arith.constant 7 : i32
    %dma_wait3A_116 = arith.constant 7 : i32
    %dma_wait3A_117 = arith.constant 0 : i32
    %dma_wait3A_118 = arith.constant 0 : i32
    %dma_wait3A_119 = tpu.memref_slice %arg8[%dma_wait3A_115, %dma_wait3A_117, %dma_wait3A_118] : memref<8x128x16xf32, #tpu.memory_space<vmem>> -> memref<1x128x16xf32, #tpu.memory_space<vmem>>
    %dma_wait3A_120 = tpu.memref_squeeze %dma_wait3A_119 : memref<1x128x16xf32, #tpu.memory_space<vmem>> -> memref<128x16xf32, #tpu.memory_space<vmem>>
    %dma_wait3A_121 = arith.constant 0 : i32
    %dma_wait3A_122 = tpu.memref_slice %arg7[%dma_wait3A_116, %dma_wait3A_121] : memref<8x128xi32, #tpu.memory_space<vmem>> -> memref<1x128xi32, #tpu.memory_space<vmem>>
    %dma_wait3A_123 = tpu.memref_squeeze %dma_wait3A_122 : memref<1x128xi32, #tpu.memory_space<vmem>> -> memref<128xi32, #tpu.memory_space<vmem>>
    %dma_wait3A_124 = arith.constant 0 : i32
    %dma_wait3A_125 = arith.constant 0 : i32
    %dma_wait3A_126 = tpu.memref_slice %arg13[%dma_wait3A_124, %dma_wait3A_125] : memref<65536x16xf32, #tpu.memory_space<vmem_shared>> -> memref<65536x16xf32, #tpu.memory_space<vmem_shared>>
    tpu.wait_indirect_dma semaphore(%arg15 : memref<!tpu.dma_semaphore, #tpu.memory_space<semaphore_mem>>) src(%dma_wait3A_120 : memref<128x16xf32, #tpu.memory_space<vmem>>) dst(%dma_wait3A_126 : memref<65536x16xf32, #tpu.memory_space<vmem_shared>>)
    %dma_wait3A_127 = arith.constant 0 : i32
    %dma_wait3A_128 = arith.constant 0 : i32
    %dma_wait3A_129 = arith.constant 0 : i32
    %dma_wait3A_130 = arith.constant 0 : i32
    %dma_wait3A_131 = tpu.memref_slice %arg11[%dma_wait3A_127, %dma_wait3A_129, %dma_wait3A_130] : memref<8x128x16xf32, #tpu.memory_space<vmem>> -> memref<1x128x16xf32, #tpu.memory_space<vmem>>
    %dma_wait3A_132 = tpu.memref_squeeze %dma_wait3A_131 : memref<1x128x16xf32, #tpu.memory_space<vmem>> -> memref<128x16xf32, #tpu.memory_space<vmem>>
    %dma_wait3A_133 = arith.constant 0 : i32
    %dma_wait3A_134 = tpu.memref_slice %arg10[%dma_wait3A_128, %dma_wait3A_133] : memref<8x128xi32, #tpu.memory_space<vmem>> -> memref<1x128xi32, #tpu.memory_space<vmem>>
    %dma_wait3A_135 = tpu.memref_squeeze %dma_wait3A_134 : memref<1x128xi32, #tpu.memory_space<vmem>> -> memref<128xi32, #tpu.memory_space<vmem>>
    %dma_wait3A_136 = arith.constant 0 : i32
    %dma_wait3A_137 = arith.constant 0 : i32
    %dma_wait3A_138 = tpu.memref_slice %arg13[%dma_wait3A_136, %dma_wait3A_137] : memref<65536x16xf32, #tpu.memory_space<vmem_shared>> -> memref<65536x16xf32, #tpu.memory_space<vmem_shared>>
    tpu.wait_indirect_dma semaphore(%arg16 : memref<!tpu.dma_semaphore, #tpu.memory_space<semaphore_mem>>) src(%dma_wait3A_132 : memref<128x16xf32, #tpu.memory_space<vmem>>) dst(%dma_wait3A_138 : memref<65536x16xf32, #tpu.memory_space<vmem_shared>>)
    %dma_wait3A_139 = arith.constant 1 : i32
    %dma_wait3A_140 = arith.constant 1 : i32
    %dma_wait3A_141 = arith.constant 0 : i32
    %dma_wait3A_142 = arith.constant 0 : i32
    %dma_wait3A_143 = tpu.memref_slice %arg11[%dma_wait3A_139, %dma_wait3A_141, %dma_wait3A_142] : memref<8x128x16xf32, #tpu.memory_space<vmem>> -> memref<1x128x16xf32, #tpu.memory_space<vmem>>
    %dma_wait3A_144 = tpu.memref_squeeze %dma_wait3A_143 : memref<1x128x16xf32, #tpu.memory_space<vmem>> -> memref<128x16xf32, #tpu.memory_space<vmem>>
    %dma_wait3A_145 = arith.constant 0 : i32
    %dma_wait3A_146 = tpu.memref_slice %arg10[%dma_wait3A_140, %dma_wait3A_145] : memref<8x128xi32, #tpu.memory_space<vmem>> -> memref<1x128xi32, #tpu.memory_space<vmem>>
    %dma_wait3A_147 = tpu.memref_squeeze %dma_wait3A_146 : memref<1x128xi32, #tpu.memory_space<vmem>> -> memref<128xi32, #tpu.memory_space<vmem>>
    %dma_wait3A_148 = arith.constant 0 : i32
    %dma_wait3A_149 = arith.constant 0 : i32
    %dma_wait3A_150 = tpu.memref_slice %arg13[%dma_wait3A_148, %dma_wait3A_149] : memref<65536x16xf32, #tpu.memory_space<vmem_shared>> -> memref<65536x16xf32, #tpu.memory_space<vmem_shared>>
    tpu.wait_indirect_dma semaphore(%arg16 : memref<!tpu.dma_semaphore, #tpu.memory_space<semaphore_mem>>) src(%dma_wait3A_144 : memref<128x16xf32, #tpu.memory_space<vmem>>) dst(%dma_wait3A_150 : memref<65536x16xf32, #tpu.memory_space<vmem_shared>>)
    %dma_wait3A_151 = arith.constant 2 : i32
    %dma_wait3A_152 = arith.constant 2 : i32
    %dma_wait3A_153 = arith.constant 0 : i32
    %dma_wait3A_154 = arith.constant 0 : i32
    %dma_wait3A_155 = tpu.memref_slice %arg11[%dma_wait3A_151, %dma_wait3A_153, %dma_wait3A_154] : memref<8x128x16xf32, #tpu.memory_space<vmem>> -> memref<1x128x16xf32, #tpu.memory_space<vmem>>
    %dma_wait3A_156 = tpu.memref_squeeze %dma_wait3A_155 : memref<1x128x16xf32, #tpu.memory_space<vmem>> -> memref<128x16xf32, #tpu.memory_space<vmem>>
    %dma_wait3A_157 = arith.constant 0 : i32
    %dma_wait3A_158 = tpu.memref_slice %arg10[%dma_wait3A_152, %dma_wait3A_157] : memref<8x128xi32, #tpu.memory_space<vmem>> -> memref<1x128xi32, #tpu.memory_space<vmem>>
    %dma_wait3A_159 = tpu.memref_squeeze %dma_wait3A_158 : memref<1x128xi32, #tpu.memory_space<vmem>> -> memref<128xi32, #tpu.memory_space<vmem>>
    %dma_wait3A_160 = arith.constant 0 : i32
    %dma_wait3A_161 = arith.constant 0 : i32
    %dma_wait3A_162 = tpu.memref_slice %arg13[%dma_wait3A_160, %dma_wait3A_161] : memref<65536x16xf32, #tpu.memory_space<vmem_shared>> -> memref<65536x16xf32, #tpu.memory_space<vmem_shared>>
    tpu.wait_indirect_dma semaphore(%arg16 : memref<!tpu.dma_semaphore, #tpu.memory_space<semaphore_mem>>) src(%dma_wait3A_156 : memref<128x16xf32, #tpu.memory_space<vmem>>) dst(%dma_wait3A_162 : memref<65536x16xf32, #tpu.memory_space<vmem_shared>>)
    %dma_wait3A_163 = arith.constant 3 : i32
    %dma_wait3A_164 = arith.constant 3 : i32
    %dma_wait3A_165 = arith.constant 0 : i32
    %dma_wait3A_166 = arith.constant 0 : i32
    %dma_wait3A_167 = tpu.memref_slice %arg11[%dma_wait3A_163, %dma_wait3A_165, %dma_wait3A_166] : memref<8x128x16xf32, #tpu.memory_space<vmem>> -> memref<1x128x16xf32, #tpu.memory_space<vmem>>
    %dma_wait3A_168 = tpu.memref_squeeze %dma_wait3A_167 : memref<1x128x16xf32, #tpu.memory_space<vmem>> -> memref<128x16xf32, #tpu.memory_space<vmem>>
    %dma_wait3A_169 = arith.constant 0 : i32
    %dma_wait3A_170 = tpu.memref_slice %arg10[%dma_wait3A_164, %dma_wait3A_169] : memref<8x128xi32, #tpu.memory_space<vmem>> -> memref<1x128xi32, #tpu.memory_space<vmem>>
    %dma_wait3A_171 = tpu.memref_squeeze %dma_wait3A_170 : memref<1x128xi32, #tpu.memory_space<vmem>> -> memref<128xi32, #tpu.memory_space<vmem>>
    %dma_wait3A_172 = arith.constant 0 : i32
    %dma_wait3A_173 = arith.constant 0 : i32
    %dma_wait3A_174 = tpu.memref_slice %arg13[%dma_wait3A_172, %dma_wait3A_173] : memref<65536x16xf32, #tpu.memory_space<vmem_shared>> -> memref<65536x16xf32, #tpu.memory_space<vmem_shared>>
    tpu.wait_indirect_dma semaphore(%arg16 : memref<!tpu.dma_semaphore, #tpu.memory_space<semaphore_mem>>) src(%dma_wait3A_168 : memref<128x16xf32, #tpu.memory_space<vmem>>) dst(%dma_wait3A_174 : memref<65536x16xf32, #tpu.memory_space<vmem_shared>>)
    %dma_wait3A_175 = arith.constant 4 : i32
    %dma_wait3A_176 = arith.constant 4 : i32
    %dma_wait3A_177 = arith.constant 0 : i32
    %dma_wait3A_178 = arith.constant 0 : i32
    %dma_wait3A_179 = tpu.memref_slice %arg11[%dma_wait3A_175, %dma_wait3A_177, %dma_wait3A_178] : memref<8x128x16xf32, #tpu.memory_space<vmem>> -> memref<1x128x16xf32, #tpu.memory_space<vmem>>
    %dma_wait3A_180 = tpu.memref_squeeze %dma_wait3A_179 : memref<1x128x16xf32, #tpu.memory_space<vmem>> -> memref<128x16xf32, #tpu.memory_space<vmem>>
    %dma_wait3A_181 = arith.constant 0 : i32
    %dma_wait3A_182 = tpu.memref_slice %arg10[%dma_wait3A_176, %dma_wait3A_181] : memref<8x128xi32, #tpu.memory_space<vmem>> -> memref<1x128xi32, #tpu.memory_space<vmem>>
    %dma_wait3A_183 = tpu.memref_squeeze %dma_wait3A_182 : memref<1x128xi32, #tpu.memory_space<vmem>> -> memref<128xi32, #tpu.memory_space<vmem>>
    %dma_wait3A_184 = arith.constant 0 : i32
    %dma_wait3A_185 = arith.constant 0 : i32
    %dma_wait3A_186 = tpu.memref_slice %arg13[%dma_wait3A_184, %dma_wait3A_185] : memref<65536x16xf32, #tpu.memory_space<vmem_shared>> -> memref<65536x16xf32, #tpu.memory_space<vmem_shared>>
    tpu.wait_indirect_dma semaphore(%arg16 : memref<!tpu.dma_semaphore, #tpu.memory_space<semaphore_mem>>) src(%dma_wait3A_180 : memref<128x16xf32, #tpu.memory_space<vmem>>) dst(%dma_wait3A_186 : memref<65536x16xf32, #tpu.memory_space<vmem_shared>>)
    %dma_wait3A_187 = arith.constant 5 : i32
    %dma_wait3A_188 = arith.constant 5 : i32
    %dma_wait3A_189 = arith.constant 0 : i32
    %dma_wait3A_190 = arith.constant 0 : i32
    %dma_wait3A_191 = tpu.memref_slice %arg11[%dma_wait3A_187, %dma_wait3A_189, %dma_wait3A_190] : memref<8x128x16xf32, #tpu.memory_space<vmem>> -> memref<1x128x16xf32, #tpu.memory_space<vmem>>
    %dma_wait3A_192 = tpu.memref_squeeze %dma_wait3A_191 : memref<1x128x16xf32, #tpu.memory_space<vmem>> -> memref<128x16xf32, #tpu.memory_space<vmem>>
    %dma_wait3A_193 = arith.constant 0 : i32
    %dma_wait3A_194 = tpu.memref_slice %arg10[%dma_wait3A_188, %dma_wait3A_193] : memref<8x128xi32, #tpu.memory_space<vmem>> -> memref<1x128xi32, #tpu.memory_space<vmem>>
    %dma_wait3A_195 = tpu.memref_squeeze %dma_wait3A_194 : memref<1x128xi32, #tpu.memory_space<vmem>> -> memref<128xi32, #tpu.memory_space<vmem>>
    %dma_wait3A_196 = arith.constant 0 : i32
    %dma_wait3A_197 = arith.constant 0 : i32
    %dma_wait3A_198 = tpu.memref_slice %arg13[%dma_wait3A_196, %dma_wait3A_197] : memref<65536x16xf32, #tpu.memory_space<vmem_shared>> -> memref<65536x16xf32, #tpu.memory_space<vmem_shared>>
    tpu.wait_indirect_dma semaphore(%arg16 : memref<!tpu.dma_semaphore, #tpu.memory_space<semaphore_mem>>) src(%dma_wait3A_192 : memref<128x16xf32, #tpu.memory_space<vmem>>) dst(%dma_wait3A_198 : memref<65536x16xf32, #tpu.memory_space<vmem_shared>>)
    %dma_wait3A_199 = arith.constant 6 : i32
    %dma_wait3A_200 = arith.constant 6 : i32
    %dma_wait3A_201 = arith.constant 0 : i32
    %dma_wait3A_202 = arith.constant 0 : i32
    %dma_wait3A_203 = tpu.memref_slice %arg11[%dma_wait3A_199, %dma_wait3A_201, %dma_wait3A_202] : memref<8x128x16xf32, #tpu.memory_space<vmem>> -> memref<1x128x16xf32, #tpu.memory_space<vmem>>
    %dma_wait3A_204 = tpu.memref_squeeze %dma_wait3A_203 : memref<1x128x16xf32, #tpu.memory_space<vmem>> -> memref<128x16xf32, #tpu.memory_space<vmem>>
    %dma_wait3A_205 = arith.constant 0 : i32
    %dma_wait3A_206 = tpu.memref_slice %arg10[%dma_wait3A_200, %dma_wait3A_205] : memref<8x128xi32, #tpu.memory_space<vmem>> -> memref<1x128xi32, #tpu.memory_space<vmem>>
    %dma_wait3A_207 = tpu.memref_squeeze %dma_wait3A_206 : memref<1x128xi32, #tpu.memory_space<vmem>> -> memref<128xi32, #tpu.memory_space<vmem>>
    %dma_wait3A_208 = arith.constant 0 : i32
    %dma_wait3A_209 = arith.constant 0 : i32
    %dma_wait3A_210 = tpu.memref_slice %arg13[%dma_wait3A_208, %dma_wait3A_209] : memref<65536x16xf32, #tpu.memory_space<vmem_shared>> -> memref<65536x16xf32, #tpu.memory_space<vmem_shared>>
    tpu.wait_indirect_dma semaphore(%arg16 : memref<!tpu.dma_semaphore, #tpu.memory_space<semaphore_mem>>) src(%dma_wait3A_204 : memref<128x16xf32, #tpu.memory_space<vmem>>) dst(%dma_wait3A_210 : memref<65536x16xf32, #tpu.memory_space<vmem_shared>>)
    %dma_wait3A_211 = arith.constant 7 : i32
    %dma_wait3A_212 = arith.constant 7 : i32
    %dma_wait3A_213 = arith.constant 0 : i32
    %dma_wait3A_214 = arith.constant 0 : i32
    %dma_wait3A_215 = tpu.memref_slice %arg11[%dma_wait3A_211, %dma_wait3A_213, %dma_wait3A_214] : memref<8x128x16xf32, #tpu.memory_space<vmem>> -> memref<1x128x16xf32, #tpu.memory_space<vmem>>
    %dma_wait3A_216 = tpu.memref_squeeze %dma_wait3A_215 : memref<1x128x16xf32, #tpu.memory_space<vmem>> -> memref<128x16xf32, #tpu.memory_space<vmem>>
    %dma_wait3A_217 = arith.constant 0 : i32
    %dma_wait3A_218 = tpu.memref_slice %arg10[%dma_wait3A_212, %dma_wait3A_217] : memref<8x128xi32, #tpu.memory_space<vmem>> -> memref<1x128xi32, #tpu.memory_space<vmem>>
    %dma_wait3A_219 = tpu.memref_squeeze %dma_wait3A_218 : memref<1x128xi32, #tpu.memory_space<vmem>> -> memref<128xi32, #tpu.memory_space<vmem>>
    %dma_wait3A_220 = arith.constant 0 : i32
    %dma_wait3A_221 = arith.constant 0 : i32
    %dma_wait3A_222 = tpu.memref_slice %arg13[%dma_wait3A_220, %dma_wait3A_221] : memref<65536x16xf32, #tpu.memory_space<vmem_shared>> -> memref<65536x16xf32, #tpu.memory_space<vmem_shared>>
    tpu.wait_indirect_dma semaphore(%arg16 : memref<!tpu.dma_semaphore, #tpu.memory_space<semaphore_mem>>) src(%dma_wait3A_216 : memref<128x16xf32, #tpu.memory_space<vmem>>) dst(%dma_wait3A_222 : memref<65536x16xf32, #tpu.memory_space<vmem_shared>>)
    %barrier3A_223 = arith.constant 0 : index
    tpu.barrier barrier_id(%barrier3A_223)
    %mul3A_224 = arith.constant 65536 : i32
    %mul3A_225 = arith.muli %arg0, %mul3A_224 : i32
    %add3A_226 = arith.addi %mul3A_225, %mul3A_2 : i32
    %add3A_227 = arith.constant 0 : i32
    %add3A_228 = arith.addi %mul3A_2, %add3A_227 : i32
    "tpu.region"() ({
      %run_scoped3A = tpu.sem_alloc : memref<!tpu.dma_semaphore, #tpu.memory_space<semaphore_mem>>
      %dma_start3A = arith.constant 0 : i32
      %dma_start3A_259 = tpu.memref_slice %arg13[%add3A_228, %dma_start3A] : memref<65536x16xf32, #tpu.memory_space<vmem_shared>> -> memref<512x16xf32, #tpu.memory_space<vmem_shared>>
      %dma_start3A_260 = arith.constant 0 : i32
      %dma_start3A_261 = tpu.memref_slice %arg13[%add3A_228, %dma_start3A_260] : memref<65536x16xf32, #tpu.memory_space<vmem_shared>> -> memref<512x16xf32, #tpu.memory_space<vmem_shared>>
      tpu.enqueue_dma source(%dma_start3A_261 : memref<512x16xf32, #tpu.memory_space<vmem_shared>>) target(%arg12 : memref<512x16xf32, #tpu.memory_space<vmem>>) target_semaphore(%run_scoped3A : memref<!tpu.dma_semaphore, #tpu.memory_space<semaphore_mem>>)
      %dma_wait3A_262 = arith.constant 0 : i32
      %dma_wait3A_263 = tpu.memref_slice %arg13[%add3A_228, %dma_wait3A_262] : memref<65536x16xf32, #tpu.memory_space<vmem_shared>> -> memref<512x16xf32, #tpu.memory_space<vmem_shared>>
      %dma_wait3A_264 = arith.constant 0 : i32
      %dma_wait3A_265 = tpu.memref_slice %arg13[%add3A_228, %dma_wait3A_264] : memref<65536x16xf32, #tpu.memory_space<vmem_shared>> -> memref<512x16xf32, #tpu.memory_space<vmem_shared>>
      tpu.wait_dma2 semaphore(%run_scoped3A : memref<!tpu.dma_semaphore, #tpu.memory_space<semaphore_mem>>) src(%dma_wait3A_265 : memref<512x16xf32, #tpu.memory_space<vmem_shared>>) dst(%arg12 : memref<512x16xf32, #tpu.memory_space<vmem>>)
      tpu.yield
    }) : () -> ()
    %add3A_229 = arith.constant 0 : i32
    %add3A_230 = arith.addi %add3A_226, %add3A_229 : i32
    "tpu.region"() ({
      %run_scoped3A = tpu.sem_alloc : memref<!tpu.dma_semaphore, #tpu.memory_space<semaphore_mem>>
      %dma_start3A = arith.constant 0 : i32
      %dma_start3A_259 = tpu.memref_slice %arg5[%add3A_230, %dma_start3A] : memref<131072x16xf32, #tpu.memory_space<hbm>> -> memref<512x16xf32, #tpu.memory_space<hbm>>
      %dma_start3A_260 = arith.constant 0 : i32
      %dma_start3A_261 = tpu.memref_slice %arg5[%add3A_230, %dma_start3A_260] : memref<131072x16xf32, #tpu.memory_space<hbm>> -> memref<512x16xf32, #tpu.memory_space<hbm>>
      tpu.enqueue_dma source(%arg12 : memref<512x16xf32, #tpu.memory_space<vmem>>) target(%dma_start3A_261 : memref<512x16xf32, #tpu.memory_space<hbm>>) target_semaphore(%run_scoped3A : memref<!tpu.dma_semaphore, #tpu.memory_space<semaphore_mem>>)
      %dma_wait3A_262 = arith.constant 0 : i32
      %dma_wait3A_263 = tpu.memref_slice %arg5[%add3A_230, %dma_wait3A_262] : memref<131072x16xf32, #tpu.memory_space<hbm>> -> memref<512x16xf32, #tpu.memory_space<hbm>>
      %dma_wait3A_264 = arith.constant 0 : i32
      %dma_wait3A_265 = tpu.memref_slice %arg5[%add3A_230, %dma_wait3A_264] : memref<131072x16xf32, #tpu.memory_space<hbm>> -> memref<512x16xf32, #tpu.memory_space<hbm>>
      tpu.wait_dma2 semaphore(%run_scoped3A : memref<!tpu.dma_semaphore, #tpu.memory_space<semaphore_mem>>) src(%arg12 : memref<512x16xf32, #tpu.memory_space<vmem>>) dst(%dma_wait3A_265 : memref<512x16xf32, #tpu.memory_space<hbm>>)
      tpu.yield
    }) : () -> ()
    %add3A_231 = arith.constant 512 : i32
    %add3A_232 = arith.addi %mul3A_2, %add3A_231 : i32
    "tpu.region"() ({
      %run_scoped3A = tpu.sem_alloc : memref<!tpu.dma_semaphore, #tpu.memory_space<semaphore_mem>>
      %dma_start3A = arith.constant 0 : i32
      %dma_start3A_259 = tpu.memref_slice %arg13[%add3A_232, %dma_start3A] : memref<65536x16xf32, #tpu.memory_space<vmem_shared>> -> memref<512x16xf32, #tpu.memory_space<vmem_shared>>
      %dma_start3A_260 = arith.constant 0 : i32
      %dma_start3A_261 = tpu.memref_slice %arg13[%add3A_232, %dma_start3A_260] : memref<65536x16xf32, #tpu.memory_space<vmem_shared>> -> memref<512x16xf32, #tpu.memory_space<vmem_shared>>
      tpu.enqueue_dma source(%dma_start3A_261 : memref<512x16xf32, #tpu.memory_space<vmem_shared>>) target(%arg12 : memref<512x16xf32, #tpu.memory_space<vmem>>) target_semaphore(%run_scoped3A : memref<!tpu.dma_semaphore, #tpu.memory_space<semaphore_mem>>)
      %dma_wait3A_262 = arith.constant 0 : i32
      %dma_wait3A_263 = tpu.memref_slice %arg13[%add3A_232, %dma_wait3A_262] : memref<65536x16xf32, #tpu.memory_space<vmem_shared>> -> memref<512x16xf32, #tpu.memory_space<vmem_shared>>
      %dma_wait3A_264 = arith.constant 0 : i32
      %dma_wait3A_265 = tpu.memref_slice %arg13[%add3A_232, %dma_wait3A_264] : memref<65536x16xf32, #tpu.memory_space<vmem_shared>> -> memref<512x16xf32, #tpu.memory_space<vmem_shared>>
      tpu.wait_dma2 semaphore(%run_scoped3A : memref<!tpu.dma_semaphore, #tpu.memory_space<semaphore_mem>>) src(%dma_wait3A_265 : memref<512x16xf32, #tpu.memory_space<vmem_shared>>) dst(%arg12 : memref<512x16xf32, #tpu.memory_space<vmem>>)
      tpu.yield
    }) : () -> ()
    %add3A_233 = arith.constant 512 : i32
    %add3A_234 = arith.addi %add3A_226, %add3A_233 : i32
    "tpu.region"() ({
      %run_scoped3A = tpu.sem_alloc : memref<!tpu.dma_semaphore, #tpu.memory_space<semaphore_mem>>
      %dma_start3A = arith.constant 0 : i32
      %dma_start3A_259 = tpu.memref_slice %arg5[%add3A_234, %dma_start3A] : memref<131072x16xf32, #tpu.memory_space<hbm>> -> memref<512x16xf32, #tpu.memory_space<hbm>>
      %dma_start3A_260 = arith.constant 0 : i32
      %dma_start3A_261 = tpu.memref_slice %arg5[%add3A_234, %dma_start3A_260] : memref<131072x16xf32, #tpu.memory_space<hbm>> -> memref<512x16xf32, #tpu.memory_space<hbm>>
      tpu.enqueue_dma source(%arg12 : memref<512x16xf32, #tpu.memory_space<vmem>>) target(%dma_start3A_261 : memref<512x16xf32, #tpu.memory_space<hbm>>) target_semaphore(%run_scoped3A : memref<!tpu.dma_semaphore, #tpu.memory_space<semaphore_mem>>)
      %dma_wait3A_262 = arith.constant 0 : i32
      %dma_wait3A_263 = tpu.memref_slice %arg5[%add3A_234, %dma_wait3A_262] : memref<131072x16xf32, #tpu.memory_space<hbm>> -> memref<512x16xf32, #tpu.memory_space<hbm>>
      %dma_wait3A_264 = arith.constant 0 : i32
      %dma_wait3A_265 = tpu.memref_slice %arg5[%add3A_234, %dma_wait3A_264] : memref<131072x16xf32, #tpu.memory_space<hbm>> -> memref<512x16xf32, #tpu.memory_space<hbm>>
      tpu.wait_dma2 semaphore(%run_scoped3A : memref<!tpu.dma_semaphore, #tpu.memory_space<semaphore_mem>>) src(%arg12 : memref<512x16xf32, #tpu.memory_space<vmem>>) dst(%dma_wait3A_265 : memref<512x16xf32, #tpu.memory_space<hbm>>)
      tpu.yield
    }) : () -> ()
    %add3A_235 = arith.constant 1024 : i32
    %add3A_236 = arith.addi %mul3A_2, %add3A_235 : i32
    "tpu.region"() ({
      %run_scoped3A = tpu.sem_alloc : memref<!tpu.dma_semaphore, #tpu.memory_space<semaphore_mem>>
      %dma_start3A = arith.constant 0 : i32
      %dma_start3A_259 = tpu.memref_slice %arg13[%add3A_236, %dma_start3A] : memref<65536x16xf32, #tpu.memory_space<vmem_shared>> -> memref<512x16xf32, #tpu.memory_space<vmem_shared>>
      %dma_start3A_260 = arith.constant 0 : i32
      %dma_start3A_261 = tpu.memref_slice %arg13[%add3A_236, %dma_start3A_260] : memref<65536x16xf32, #tpu.memory_space<vmem_shared>> -> memref<512x16xf32, #tpu.memory_space<vmem_shared>>
      tpu.enqueue_dma source(%dma_start3A_261 : memref<512x16xf32, #tpu.memory_space<vmem_shared>>) target(%arg12 : memref<512x16xf32, #tpu.memory_space<vmem>>) target_semaphore(%run_scoped3A : memref<!tpu.dma_semaphore, #tpu.memory_space<semaphore_mem>>)
      %dma_wait3A_262 = arith.constant 0 : i32
      %dma_wait3A_263 = tpu.memref_slice %arg13[%add3A_236, %dma_wait3A_262] : memref<65536x16xf32, #tpu.memory_space<vmem_shared>> -> memref<512x16xf32, #tpu.memory_space<vmem_shared>>
      %dma_wait3A_264 = arith.constant 0 : i32
      %dma_wait3A_265 = tpu.memref_slice %arg13[%add3A_236, %dma_wait3A_264] : memref<65536x16xf32, #tpu.memory_space<vmem_shared>> -> memref<512x16xf32, #tpu.memory_space<vmem_shared>>
      tpu.wait_dma2 semaphore(%run_scoped3A : memref<!tpu.dma_semaphore, #tpu.memory_space<semaphore_mem>>) src(%dma_wait3A_265 : memref<512x16xf32, #tpu.memory_space<vmem_shared>>) dst(%arg12 : memref<512x16xf32, #tpu.memory_space<vmem>>)
      tpu.yield
    }) : () -> ()
    %add3A_237 = arith.constant 1024 : i32
    %add3A_238 = arith.addi %add3A_226, %add3A_237 : i32
    "tpu.region"() ({
      %run_scoped3A = tpu.sem_alloc : memref<!tpu.dma_semaphore, #tpu.memory_space<semaphore_mem>>
      %dma_start3A = arith.constant 0 : i32
      %dma_start3A_259 = tpu.memref_slice %arg5[%add3A_238, %dma_start3A] : memref<131072x16xf32, #tpu.memory_space<hbm>> -> memref<512x16xf32, #tpu.memory_space<hbm>>
      %dma_start3A_260 = arith.constant 0 : i32
      %dma_start3A_261 = tpu.memref_slice %arg5[%add3A_238, %dma_start3A_260] : memref<131072x16xf32, #tpu.memory_space<hbm>> -> memref<512x16xf32, #tpu.memory_space<hbm>>
      tpu.enqueue_dma source(%arg12 : memref<512x16xf32, #tpu.memory_space<vmem>>) target(%dma_start3A_261 : memref<512x16xf32, #tpu.memory_space<hbm>>) target_semaphore(%run_scoped3A : memref<!tpu.dma_semaphore, #tpu.memory_space<semaphore_mem>>)
      %dma_wait3A_262 = arith.constant 0 : i32
      %dma_wait3A_263 = tpu.memref_slice %arg5[%add3A_238, %dma_wait3A_262] : memref<131072x16xf32, #tpu.memory_space<hbm>> -> memref<512x16xf32, #tpu.memory_space<hbm>>
      %dma_wait3A_264 = arith.constant 0 : i32
      %dma_wait3A_265 = tpu.memref_slice %arg5[%add3A_238, %dma_wait3A_264] : memref<131072x16xf32, #tpu.memory_space<hbm>> -> memref<512x16xf32, #tpu.memory_space<hbm>>
      tpu.wait_dma2 semaphore(%run_scoped3A : memref<!tpu.dma_semaphore, #tpu.memory_space<semaphore_mem>>) src(%arg12 : memref<512x16xf32, #tpu.memory_space<vmem>>) dst(%dma_wait3A_265 : memref<512x16xf32, #tpu.memory_space<hbm>>)
      tpu.yield
    }) : () -> ()
    %add3A_239 = arith.constant 1536 : i32
    %add3A_240 = arith.addi %mul3A_2, %add3A_239 : i32
    "tpu.region"() ({
      %run_scoped3A = tpu.sem_alloc : memref<!tpu.dma_semaphore, #tpu.memory_space<semaphore_mem>>
      %dma_start3A = arith.constant 0 : i32
      %dma_start3A_259 = tpu.memref_slice %arg13[%add3A_240, %dma_start3A] : memref<65536x16xf32, #tpu.memory_space<vmem_shared>> -> memref<512x16xf32, #tpu.memory_space<vmem_shared>>
      %dma_start3A_260 = arith.constant 0 : i32
      %dma_start3A_261 = tpu.memref_slice %arg13[%add3A_240, %dma_start3A_260] : memref<65536x16xf32, #tpu.memory_space<vmem_shared>> -> memref<512x16xf32, #tpu.memory_space<vmem_shared>>
      tpu.enqueue_dma source(%dma_start3A_261 : memref<512x16xf32, #tpu.memory_space<vmem_shared>>) target(%arg12 : memref<512x16xf32, #tpu.memory_space<vmem>>) target_semaphore(%run_scoped3A : memref<!tpu.dma_semaphore, #tpu.memory_space<semaphore_mem>>)
      %dma_wait3A_262 = arith.constant 0 : i32
      %dma_wait3A_263 = tpu.memref_slice %arg13[%add3A_240, %dma_wait3A_262] : memref<65536x16xf32, #tpu.memory_space<vmem_shared>> -> memref<512x16xf32, #tpu.memory_space<vmem_shared>>
      %dma_wait3A_264 = arith.constant 0 : i32
      %dma_wait3A_265 = tpu.memref_slice %arg13[%add3A_240, %dma_wait3A_264] : memref<65536x16xf32, #tpu.memory_space<vmem_shared>> -> memref<512x16xf32, #tpu.memory_space<vmem_shared>>
      tpu.wait_dma2 semaphore(%run_scoped3A : memref<!tpu.dma_semaphore, #tpu.memory_space<semaphore_mem>>) src(%dma_wait3A_265 : memref<512x16xf32, #tpu.memory_space<vmem_shared>>) dst(%arg12 : memref<512x16xf32, #tpu.memory_space<vmem>>)
      tpu.yield
    }) : () -> ()
    %add3A_241 = arith.constant 1536 : i32
    %add3A_242 = arith.addi %add3A_226, %add3A_241 : i32
    "tpu.region"() ({
      %run_scoped3A = tpu.sem_alloc : memref<!tpu.dma_semaphore, #tpu.memory_space<semaphore_mem>>
      %dma_start3A = arith.constant 0 : i32
      %dma_start3A_259 = tpu.memref_slice %arg5[%add3A_242, %dma_start3A] : memref<131072x16xf32, #tpu.memory_space<hbm>> -> memref<512x16xf32, #tpu.memory_space<hbm>>
      %dma_start3A_260 = arith.constant 0 : i32
      %dma_start3A_261 = tpu.memref_slice %arg5[%add3A_242, %dma_start3A_260] : memref<131072x16xf32, #tpu.memory_space<hbm>> -> memref<512x16xf32, #tpu.memory_space<hbm>>
      tpu.enqueue_dma source(%arg12 : memref<512x16xf32, #tpu.memory_space<vmem>>) target(%dma_start3A_261 : memref<512x16xf32, #tpu.memory_space<hbm>>) target_semaphore(%run_scoped3A : memref<!tpu.dma_semaphore, #tpu.memory_space<semaphore_mem>>)
      %dma_wait3A_262 = arith.constant 0 : i32
      %dma_wait3A_263 = tpu.memref_slice %arg5[%add3A_242, %dma_wait3A_262] : memref<131072x16xf32, #tpu.memory_space<hbm>> -> memref<512x16xf32, #tpu.memory_space<hbm>>
      %dma_wait3A_264 = arith.constant 0 : i32
      %dma_wait3A_265 = tpu.memref_slice %arg5[%add3A_242, %dma_wait3A_264] : memref<131072x16xf32, #tpu.memory_space<hbm>> -> memref<512x16xf32, #tpu.memory_space<hbm>>
      tpu.wait_dma2 semaphore(%run_scoped3A : memref<!tpu.dma_semaphore, #tpu.memory_space<semaphore_mem>>) src(%arg12 : memref<512x16xf32, #tpu.memory_space<vmem>>) dst(%dma_wait3A_265 : memref<512x16xf32, #tpu.memory_space<hbm>>)
      tpu.yield
    }) : () -> ()
    %add3A_243 = arith.constant 2048 : i32
    %add3A_244 = arith.addi %mul3A_2, %add3A_243 : i32
    "tpu.region"() ({
      %run_scoped3A = tpu.sem_alloc : memref<!tpu.dma_semaphore, #tpu.memory_space<semaphore_mem>>
      %dma_start3A = arith.constant 0 : i32
      %dma_start3A_259 = tpu.memref_slice %arg13[%add3A_244, %dma_start3A] : memref<65536x16xf32, #tpu.memory_space<vmem_shared>> -> memref<512x16xf32, #tpu.memory_space<vmem_shared>>
      %dma_start3A_260 = arith.constant 0 : i32
      %dma_start3A_261 = tpu.memref_slice %arg13[%add3A_244, %dma_start3A_260] : memref<65536x16xf32, #tpu.memory_space<vmem_shared>> -> memref<512x16xf32, #tpu.memory_space<vmem_shared>>
      tpu.enqueue_dma source(%dma_start3A_261 : memref<512x16xf32, #tpu.memory_space<vmem_shared>>) target(%arg12 : memref<512x16xf32, #tpu.memory_space<vmem>>) target_semaphore(%run_scoped3A : memref<!tpu.dma_semaphore, #tpu.memory_space<semaphore_mem>>)
      %dma_wait3A_262 = arith.constant 0 : i32
      %dma_wait3A_263 = tpu.memref_slice %arg13[%add3A_244, %dma_wait3A_262] : memref<65536x16xf32, #tpu.memory_space<vmem_shared>> -> memref<512x16xf32, #tpu.memory_space<vmem_shared>>
      %dma_wait3A_264 = arith.constant 0 : i32
      %dma_wait3A_265 = tpu.memref_slice %arg13[%add3A_244, %dma_wait3A_264] : memref<65536x16xf32, #tpu.memory_space<vmem_shared>> -> memref<512x16xf32, #tpu.memory_space<vmem_shared>>
      tpu.wait_dma2 semaphore(%run_scoped3A : memref<!tpu.dma_semaphore, #tpu.memory_space<semaphore_mem>>) src(%dma_wait3A_265 : memref<512x16xf32, #tpu.memory_space<vmem_shared>>) dst(%arg12 : memref<512x16xf32, #tpu.memory_space<vmem>>)
      tpu.yield
    }) : () -> ()
    %add3A_245 = arith.constant 2048 : i32
    %add3A_246 = arith.addi %add3A_226, %add3A_245 : i32
    "tpu.region"() ({
      %run_scoped3A = tpu.sem_alloc : memref<!tpu.dma_semaphore, #tpu.memory_space<semaphore_mem>>
      %dma_start3A = arith.constant 0 : i32
      %dma_start3A_259 = tpu.memref_slice %arg5[%add3A_246, %dma_start3A] : memref<131072x16xf32, #tpu.memory_space<hbm>> -> memref<512x16xf32, #tpu.memory_space<hbm>>
      %dma_start3A_260 = arith.constant 0 : i32
      %dma_start3A_261 = tpu.memref_slice %arg5[%add3A_246, %dma_start3A_260] : memref<131072x16xf32, #tpu.memory_space<hbm>> -> memref<512x16xf32, #tpu.memory_space<hbm>>
      tpu.enqueue_dma source(%arg12 : memref<512x16xf32, #tpu.memory_space<vmem>>) target(%dma_start3A_261 : memref<512x16xf32, #tpu.memory_space<hbm>>) target_semaphore(%run_scoped3A : memref<!tpu.dma_semaphore, #tpu.memory_space<semaphore_mem>>)
      %dma_wait3A_262 = arith.constant 0 : i32
      %dma_wait3A_263 = tpu.memref_slice %arg5[%add3A_246, %dma_wait3A_262] : memref<131072x16xf32, #tpu.memory_space<hbm>> -> memref<512x16xf32, #tpu.memory_space<hbm>>
      %dma_wait3A_264 = arith.constant 0 : i32
      %dma_wait3A_265 = tpu.memref_slice %arg5[%add3A_246, %dma_wait3A_264] : memref<131072x16xf32, #tpu.memory_space<hbm>> -> memref<512x16xf32, #tpu.memory_space<hbm>>
      tpu.wait_dma2 semaphore(%run_scoped3A : memref<!tpu.dma_semaphore, #tpu.memory_space<semaphore_mem>>) src(%arg12 : memref<512x16xf32, #tpu.memory_space<vmem>>) dst(%dma_wait3A_265 : memref<512x16xf32, #tpu.memory_space<hbm>>)
      tpu.yield
    }) : () -> ()
    %add3A_247 = arith.constant 2560 : i32
    %add3A_248 = arith.addi %mul3A_2, %add3A_247 : i32
    "tpu.region"() ({
      %run_scoped3A = tpu.sem_alloc : memref<!tpu.dma_semaphore, #tpu.memory_space<semaphore_mem>>
      %dma_start3A = arith.constant 0 : i32
      %dma_start3A_259 = tpu.memref_slice %arg13[%add3A_248, %dma_start3A] : memref<65536x16xf32, #tpu.memory_space<vmem_shared>> -> memref<512x16xf32, #tpu.memory_space<vmem_shared>>
      %dma_start3A_260 = arith.constant 0 : i32
      %dma_start3A_261 = tpu.memref_slice %arg13[%add3A_248, %dma_start3A_260] : memref<65536x16xf32, #tpu.memory_space<vmem_shared>> -> memref<512x16xf32, #tpu.memory_space<vmem_shared>>
      tpu.enqueue_dma source(%dma_start3A_261 : memref<512x16xf32, #tpu.memory_space<vmem_shared>>) target(%arg12 : memref<512x16xf32, #tpu.memory_space<vmem>>) target_semaphore(%run_scoped3A : memref<!tpu.dma_semaphore, #tpu.memory_space<semaphore_mem>>)
      %dma_wait3A_262 = arith.constant 0 : i32
      %dma_wait3A_263 = tpu.memref_slice %arg13[%add3A_248, %dma_wait3A_262] : memref<65536x16xf32, #tpu.memory_space<vmem_shared>> -> memref<512x16xf32, #tpu.memory_space<vmem_shared>>
      %dma_wait3A_264 = arith.constant 0 : i32
      %dma_wait3A_265 = tpu.memref_slice %arg13[%add3A_248, %dma_wait3A_264] : memref<65536x16xf32, #tpu.memory_space<vmem_shared>> -> memref<512x16xf32, #tpu.memory_space<vmem_shared>>
      tpu.wait_dma2 semaphore(%run_scoped3A : memref<!tpu.dma_semaphore, #tpu.memory_space<semaphore_mem>>) src(%dma_wait3A_265 : memref<512x16xf32, #tpu.memory_space<vmem_shared>>) dst(%arg12 : memref<512x16xf32, #tpu.memory_space<vmem>>)
      tpu.yield
    }) : () -> ()
    %add3A_249 = arith.constant 2560 : i32
    %add3A_250 = arith.addi %add3A_226, %add3A_249 : i32
    "tpu.region"() ({
      %run_scoped3A = tpu.sem_alloc : memref<!tpu.dma_semaphore, #tpu.memory_space<semaphore_mem>>
      %dma_start3A = arith.constant 0 : i32
      %dma_start3A_259 = tpu.memref_slice %arg5[%add3A_250, %dma_start3A] : memref<131072x16xf32, #tpu.memory_space<hbm>> -> memref<512x16xf32, #tpu.memory_space<hbm>>
      %dma_start3A_260 = arith.constant 0 : i32
      %dma_start3A_261 = tpu.memref_slice %arg5[%add3A_250, %dma_start3A_260] : memref<131072x16xf32, #tpu.memory_space<hbm>> -> memref<512x16xf32, #tpu.memory_space<hbm>>
      tpu.enqueue_dma source(%arg12 : memref<512x16xf32, #tpu.memory_space<vmem>>) target(%dma_start3A_261 : memref<512x16xf32, #tpu.memory_space<hbm>>) target_semaphore(%run_scoped3A : memref<!tpu.dma_semaphore, #tpu.memory_space<semaphore_mem>>)
      %dma_wait3A_262 = arith.constant 0 : i32
      %dma_wait3A_263 = tpu.memref_slice %arg5[%add3A_250, %dma_wait3A_262] : memref<131072x16xf32, #tpu.memory_space<hbm>> -> memref<512x16xf32, #tpu.memory_space<hbm>>
      %dma_wait3A_264 = arith.constant 0 : i32
      %dma_wait3A_265 = tpu.memref_slice %arg5[%add3A_250, %dma_wait3A_264] : memref<131072x16xf32, #tpu.memory_space<hbm>> -> memref<512x16xf32, #tpu.memory_space<hbm>>
      tpu.wait_dma2 semaphore(%run_scoped3A : memref<!tpu.dma_semaphore, #tpu.memory_space<semaphore_mem>>) src(%arg12 : memref<512x16xf32, #tpu.memory_space<vmem>>) dst(%dma_wait3A_265 : memref<512x16xf32, #tpu.memory_space<hbm>>)
      tpu.yield
    }) : () -> ()
    %add3A_251 = arith.constant 3072 : i32
    %add3A_252 = arith.addi %mul3A_2, %add3A_251 : i32
    "tpu.region"() ({
      %run_scoped3A = tpu.sem_alloc : memref<!tpu.dma_semaphore, #tpu.memory_space<semaphore_mem>>
      %dma_start3A = arith.constant 0 : i32
      %dma_start3A_259 = tpu.memref_slice %arg13[%add3A_252, %dma_start3A] : memref<65536x16xf32, #tpu.memory_space<vmem_shared>> -> memref<512x16xf32, #tpu.memory_space<vmem_shared>>
      %dma_start3A_260 = arith.constant 0 : i32
      %dma_start3A_261 = tpu.memref_slice %arg13[%add3A_252, %dma_start3A_260] : memref<65536x16xf32, #tpu.memory_space<vmem_shared>> -> memref<512x16xf32, #tpu.memory_space<vmem_shared>>
      tpu.enqueue_dma source(%dma_start3A_261 : memref<512x16xf32, #tpu.memory_space<vmem_shared>>) target(%arg12 : memref<512x16xf32, #tpu.memory_space<vmem>>) target_semaphore(%run_scoped3A : memref<!tpu.dma_semaphore, #tpu.memory_space<semaphore_mem>>)
      %dma_wait3A_262 = arith.constant 0 : i32
      %dma_wait3A_263 = tpu.memref_slice %arg13[%add3A_252, %dma_wait3A_262] : memref<65536x16xf32, #tpu.memory_space<vmem_shared>> -> memref<512x16xf32, #tpu.memory_space<vmem_shared>>
      %dma_wait3A_264 = arith.constant 0 : i32
      %dma_wait3A_265 = tpu.memref_slice %arg13[%add3A_252, %dma_wait3A_264] : memref<65536x16xf32, #tpu.memory_space<vmem_shared>> -> memref<512x16xf32, #tpu.memory_space<vmem_shared>>
      tpu.wait_dma2 semaphore(%run_scoped3A : memref<!tpu.dma_semaphore, #tpu.memory_space<semaphore_mem>>) src(%dma_wait3A_265 : memref<512x16xf32, #tpu.memory_space<vmem_shared>>) dst(%arg12 : memref<512x16xf32, #tpu.memory_space<vmem>>)
      tpu.yield
    }) : () -> ()
    %add3A_253 = arith.constant 3072 : i32
    %add3A_254 = arith.addi %add3A_226, %add3A_253 : i32
    "tpu.region"() ({
      %run_scoped3A = tpu.sem_alloc : memref<!tpu.dma_semaphore, #tpu.memory_space<semaphore_mem>>
      %dma_start3A = arith.constant 0 : i32
      %dma_start3A_259 = tpu.memref_slice %arg5[%add3A_254, %dma_start3A] : memref<131072x16xf32, #tpu.memory_space<hbm>> -> memref<512x16xf32, #tpu.memory_space<hbm>>
      %dma_start3A_260 = arith.constant 0 : i32
      %dma_start3A_261 = tpu.memref_slice %arg5[%add3A_254, %dma_start3A_260] : memref<131072x16xf32, #tpu.memory_space<hbm>> -> memref<512x16xf32, #tpu.memory_space<hbm>>
      tpu.enqueue_dma source(%arg12 : memref<512x16xf32, #tpu.memory_space<vmem>>) target(%dma_start3A_261 : memref<512x16xf32, #tpu.memory_space<hbm>>) target_semaphore(%run_scoped3A : memref<!tpu.dma_semaphore, #tpu.memory_space<semaphore_mem>>)
      %dma_wait3A_262 = arith.constant 0 : i32
      %dma_wait3A_263 = tpu.memref_slice %arg5[%add3A_254, %dma_wait3A_262] : memref<131072x16xf32, #tpu.memory_space<hbm>> -> memref<512x16xf32, #tpu.memory_space<hbm>>
      %dma_wait3A_264 = arith.constant 0 : i32
      %dma_wait3A_265 = tpu.memref_slice %arg5[%add3A_254, %dma_wait3A_264] : memref<131072x16xf32, #tpu.memory_space<hbm>> -> memref<512x16xf32, #tpu.memory_space<hbm>>
      tpu.wait_dma2 semaphore(%run_scoped3A : memref<!tpu.dma_semaphore, #tpu.memory_space<semaphore_mem>>) src(%arg12 : memref<512x16xf32, #tpu.memory_space<vmem>>) dst(%dma_wait3A_265 : memref<512x16xf32, #tpu.memory_space<hbm>>)
      tpu.yield
    }) : () -> ()
    %add3A_255 = arith.constant 3584 : i32
    %add3A_256 = arith.addi %mul3A_2, %add3A_255 : i32
    "tpu.region"() ({
      %run_scoped3A = tpu.sem_alloc : memref<!tpu.dma_semaphore, #tpu.memory_space<semaphore_mem>>
      %dma_start3A = arith.constant 0 : i32
      %dma_start3A_259 = tpu.memref_slice %arg13[%add3A_256, %dma_start3A] : memref<65536x16xf32, #tpu.memory_space<vmem_shared>> -> memref<512x16xf32, #tpu.memory_space<vmem_shared>>
      %dma_start3A_260 = arith.constant 0 : i32
      %dma_start3A_261 = tpu.memref_slice %arg13[%add3A_256, %dma_start3A_260] : memref<65536x16xf32, #tpu.memory_space<vmem_shared>> -> memref<512x16xf32, #tpu.memory_space<vmem_shared>>
      tpu.enqueue_dma source(%dma_start3A_261 : memref<512x16xf32, #tpu.memory_space<vmem_shared>>) target(%arg12 : memref<512x16xf32, #tpu.memory_space<vmem>>) target_semaphore(%run_scoped3A : memref<!tpu.dma_semaphore, #tpu.memory_space<semaphore_mem>>)
      %dma_wait3A_262 = arith.constant 0 : i32
      %dma_wait3A_263 = tpu.memref_slice %arg13[%add3A_256, %dma_wait3A_262] : memref<65536x16xf32, #tpu.memory_space<vmem_shared>> -> memref<512x16xf32, #tpu.memory_space<vmem_shared>>
      %dma_wait3A_264 = arith.constant 0 : i32
      %dma_wait3A_265 = tpu.memref_slice %arg13[%add3A_256, %dma_wait3A_264] : memref<65536x16xf32, #tpu.memory_space<vmem_shared>> -> memref<512x16xf32, #tpu.memory_space<vmem_shared>>
      tpu.wait_dma2 semaphore(%run_scoped3A : memref<!tpu.dma_semaphore, #tpu.memory_space<semaphore_mem>>) src(%dma_wait3A_265 : memref<512x16xf32, #tpu.memory_space<vmem_shared>>) dst(%arg12 : memref<512x16xf32, #tpu.memory_space<vmem>>)
      tpu.yield
    }) : () -> ()
    %add3A_257 = arith.constant 3584 : i32
    %add3A_258 = arith.addi %add3A_226, %add3A_257 : i32
    "tpu.region"() ({
      %run_scoped3A = tpu.sem_alloc : memref<!tpu.dma_semaphore, #tpu.memory_space<semaphore_mem>>
      %dma_start3A = arith.constant 0 : i32
      %dma_start3A_259 = tpu.memref_slice %arg5[%add3A_258, %dma_start3A] : memref<131072x16xf32, #tpu.memory_space<hbm>> -> memref<512x16xf32, #tpu.memory_space<hbm>>
      %dma_start3A_260 = arith.constant 0 : i32
      %dma_start3A_261 = tpu.memref_slice %arg5[%add3A_258, %dma_start3A_260] : memref<131072x16xf32, #tpu.memory_space<hbm>> -> memref<512x16xf32, #tpu.memory_space<hbm>>
      tpu.enqueue_dma source(%arg12 : memref<512x16xf32, #tpu.memory_space<vmem>>) target(%dma_start3A_261 : memref<512x16xf32, #tpu.memory_space<hbm>>) target_semaphore(%run_scoped3A : memref<!tpu.dma_semaphore, #tpu.memory_space<semaphore_mem>>)
      %dma_wait3A_262 = arith.constant 0 : i32
      %dma_wait3A_263 = tpu.memref_slice %arg5[%add3A_258, %dma_wait3A_262] : memref<131072x16xf32, #tpu.memory_space<hbm>> -> memref<512x16xf32, #tpu.memory_space<hbm>>
      %dma_wait3A_264 = arith.constant 0 : i32
      %dma_wait3A_265 = tpu.memref_slice %arg5[%add3A_258, %dma_wait3A_264] : memref<131072x16xf32, #tpu.memory_space<hbm>> -> memref<512x16xf32, #tpu.memory_space<hbm>>
      tpu.wait_dma2 semaphore(%run_scoped3A : memref<!tpu.dma_semaphore, #tpu.memory_space<semaphore_mem>>) src(%arg12 : memref<512x16xf32, #tpu.memory_space<vmem>>) dst(%dma_wait3A_265 : memref<512x16xf32, #tpu.memory_space<hbm>>)
      tpu.yield
    }) : () -> ()
    return
  }
}

#map = affine_map<(d0, d1) -> (0, 0)>
module attributes {stable_mosaic.version = 14 : i64} {
  func.func @_mp_body(%arg0: i32, %arg1: i32, %arg2: memref<65536x16xf32, #tpu.memory_space<hbm>>, %arg3: memref<12800x128xi32, #tpu.memory_space<hbm>>, %arg4: memref<12800x128xi32, #tpu.memory_space<hbm>>, %arg5: memref<131072x16xf32, #tpu.memory_space<hbm>>, %arg6: memref<8x128xi32, #tpu.memory_space<vmem>>, %arg7: memref<8x128xi32, #tpu.memory_space<vmem>>, %arg8: memref<8x128x16xf32, #tpu.memory_space<vmem>>, %arg9: memref<8x128xi32, #tpu.memory_space<vmem>>, %arg10: memref<8x128xi32, #tpu.memory_space<vmem>>, %arg11: memref<8x128x16xf32, #tpu.memory_space<vmem>>, %arg12: memref<512x16xf32, #tpu.memory_space<vmem>>, %arg13: memref<65536x16xf32, #tpu.memory_space<vmem_shared>>, %arg14: memref<!tpu.dma_semaphore, #tpu.memory_space<semaphore_mem>>, %arg15: memref<!tpu.dma_semaphore, #tpu.memory_space<semaphore_mem>>, %arg16: memref<!tpu.dma_semaphore, #tpu.memory_space<semaphore_mem>>) attributes {dimension_semantics = [#tpu.dimension_semantics<core_parallel>, #tpu.dimension_semantics<subcore_parallel>], iteration_bounds = array<i64: 2, 16>, scalar_prefetch = 0 : i64, scratch_operands = 11 : i64, tpu.core_type = #tpu.core_type<sc_vector_subcore>, window_params = [{transform_indices = #map}, {transform_indices = #map}, {transform_indices = #map}, {transform_indices = #map}]} {
    %mul3A = arith.constant 2 : i32
    %mul3A_0 = arith.muli %arg1, %mul3A : i32
    %add3A = arith.addi %mul3A_0, %arg0 : i32
    %mul3A_1 = arith.constant 4096 : i32
    %mul3A_2 = arith.muli %arg1, %mul3A_1 : i32
    %scan3A = arith.constant 0 : i32
    %scan3A_3 = arith.constant 0 : i32
    %scan3A_4 = arith.constant 512 : i32
    %scan3A_5 = arith.addi %scan3A_3, %scan3A_4 : i32
    %scan3A_6 = arith.constant 1 : i32
    scf.for %scan3A_259 = %scan3A_3 to %scan3A_5 step %scan3A_6  : i32 {
      %broadcast_in_dim3A = arith.constant 0.000000e+00 : f32
      %broadcast_in_dim3A_260 = vector.broadcast %broadcast_in_dim3A : f32 to vector<16xf32>
      %swap3A = arith.index_cast %scan3A_259 : i32 to index
      %swap3A_261 = arith.constant 0 : index
      %swap3A_262 = tpu.vector_load %arg12[%swap3A, %swap3A_261] {strides = array<i32>} : memref<512x16xf32, #tpu.memory_space<vmem>>, vector<1x16xf32>,
      %swap3A_263 = vector.shape_cast %swap3A_262 : vector<1x16xf32> to vector<16xf32>
      %swap3A_264 = vector.shape_cast %broadcast_in_dim3A_260 : vector<16xf32> to vector<1x16xf32>
      tpu.vector_store %arg12[%swap3A, %swap3A_261], %swap3A_264 {strides = array<i32>} : memref<512x16xf32, #tpu.memory_space<vmem>>, vector<1x16xf32>,
    }
    %scan3A_7 = arith.constant 512 : i32
    %add3A_8 = arith.constant 0 : i32
    %add3A_9 = arith.addi %mul3A_2, %add3A_8 : i32
    "tpu.region"() ({
      %run_scoped3A = tpu.sem_alloc : memref<!tpu.dma_semaphore, #tpu.memory_space<semaphore_mem>>
      %dma_start3A = arith.constant 0 : i32
      %dma_start3A_259 = tpu.memref_slice %arg13[%add3A_9, %dma_start3A] : memref<65536x16xf32, #tpu.memory_space<vmem_shared>> -> memref<512x16xf32, #tpu.memory_space<vmem_shared>>
      %dma_start3A_260 = arith.constant 0 : i32
      %dma_start3A_261 = tpu.memref_slice %arg13[%add3A_9, %dma_start3A_260] : memref<65536x16xf32, #tpu.memory_space<vmem_shared>> -> memref<512x16xf32, #tpu.memory_space<vmem_shared>>
      tpu.enqueue_dma source(%arg12 : memref<512x16xf32, #tpu.memory_space<vmem>>) target(%dma_start3A_261 : memref<512x16xf32, #tpu.memory_space<vmem_shared>>) target_semaphore(%run_scoped3A : memref<!tpu.dma_semaphore, #tpu.memory_space<semaphore_mem>>)
      %dma_wait3A_262 = arith.constant 0 : i32
      %dma_wait3A_263 = tpu.memref_slice %arg13[%add3A_9, %dma_wait3A_262] : memref<65536x16xf32, #tpu.memory_space<vmem_shared>> -> memref<512x16xf32, #tpu.memory_space<vmem_shared>>
      %dma_wait3A_264 = arith.constant 0 : i32
      %dma_wait3A_265 = tpu.memref_slice %arg13[%add3A_9, %dma_wait3A_264] : memref<65536x16xf32, #tpu.memory_space<vmem_shared>> -> memref<512x16xf32, #tpu.memory_space<vmem_shared>>
      tpu.wait_dma2 semaphore(%run_scoped3A : memref<!tpu.dma_semaphore, #tpu.memory_space<semaphore_mem>>) src(%arg12 : memref<512x16xf32, #tpu.memory_space<vmem>>) dst(%dma_wait3A_265 : memref<512x16xf32, #tpu.memory_space<vmem_shared>>)
      tpu.yield
    }) : () -> ()
    %add3A_10 = arith.constant 512 : i32
    %add3A_11 = arith.addi %mul3A_2, %add3A_10 : i32
    "tpu.region"() ({
      %run_scoped3A = tpu.sem_alloc : memref<!tpu.dma_semaphore, #tpu.memory_space<semaphore_mem>>
      %dma_start3A = arith.constant 0 : i32
      %dma_start3A_259 = tpu.memref_slice %arg13[%add3A_11, %dma_start3A] : memref<65536x16xf32, #tpu.memory_space<vmem_shared>> -> memref<512x16xf32, #tpu.memory_space<vmem_shared>>
      %dma_start3A_260 = arith.constant 0 : i32
      %dma_start3A_261 = tpu.memref_slice %arg13[%add3A_11, %dma_start3A_260] : memref<65536x16xf32, #tpu.memory_space<vmem_shared>> -> memref<512x16xf32, #tpu.memory_space<vmem_shared>>
      tpu.enqueue_dma source(%arg12 : memref<512x16xf32, #tpu.memory_space<vmem>>) target(%dma_start3A_261 : memref<512x16xf32, #tpu.memory_space<vmem_shared>>) target_semaphore(%run_scoped3A : memref<!tpu.dma_semaphore, #tpu.memory_space<semaphore_mem>>)
      %dma_wait3A_262 = arith.constant 0 : i32
      %dma_wait3A_263 = tpu.memref_slice %arg13[%add3A_11, %dma_wait3A_262] : memref<65536x16xf32, #tpu.memory_space<vmem_shared>> -> memref<512x16xf32, #tpu.memory_space<vmem_shared>>
      %dma_wait3A_264 = arith.constant 0 : i32
      %dma_wait3A_265 = tpu.memref_slice %arg13[%add3A_11, %dma_wait3A_264] : memref<65536x16xf32, #tpu.memory_space<vmem_shared>> -> memref<512x16xf32, #tpu.memory_space<vmem_shared>>
      tpu.wait_dma2 semaphore(%run_scoped3A : memref<!tpu.dma_semaphore, #tpu.memory_space<semaphore_mem>>) src(%arg12 : memref<512x16xf32, #tpu.memory_space<vmem>>) dst(%dma_wait3A_265 : memref<512x16xf32, #tpu.memory_space<vmem_shared>>)
      tpu.yield
    }) : () -> ()
    %add3A_12 = arith.constant 1024 : i32
    %add3A_13 = arith.addi %mul3A_2, %add3A_12 : i32
    "tpu.region"() ({
      %run_scoped3A = tpu.sem_alloc : memref<!tpu.dma_semaphore, #tpu.memory_space<semaphore_mem>>
      %dma_start3A = arith.constant 0 : i32
      %dma_start3A_259 = tpu.memref_slice %arg13[%add3A_13, %dma_start3A] : memref<65536x16xf32, #tpu.memory_space<vmem_shared>> -> memref<512x16xf32, #tpu.memory_space<vmem_shared>>
      %dma_start3A_260 = arith.constant 0 : i32
      %dma_start3A_261 = tpu.memref_slice %arg13[%add3A_13, %dma_start3A_260] : memref<65536x16xf32, #tpu.memory_space<vmem_shared>> -> memref<512x16xf32, #tpu.memory_space<vmem_shared>>
      tpu.enqueue_dma source(%arg12 : memref<512x16xf32, #tpu.memory_space<vmem>>) target(%dma_start3A_261 : memref<512x16xf32, #tpu.memory_space<vmem_shared>>) target_semaphore(%run_scoped3A : memref<!tpu.dma_semaphore, #tpu.memory_space<semaphore_mem>>)
      %dma_wait3A_262 = arith.constant 0 : i32
      %dma_wait3A_263 = tpu.memref_slice %arg13[%add3A_13, %dma_wait3A_262] : memref<65536x16xf32, #tpu.memory_space<vmem_shared>> -> memref<512x16xf32, #tpu.memory_space<vmem_shared>>
      %dma_wait3A_264 = arith.constant 0 : i32
      %dma_wait3A_265 = tpu.memref_slice %arg13[%add3A_13, %dma_wait3A_264] : memref<65536x16xf32, #tpu.memory_space<vmem_shared>> -> memref<512x16xf32, #tpu.memory_space<vmem_shared>>
      tpu.wait_dma2 semaphore(%run_scoped3A : memref<!tpu.dma_semaphore, #tpu.memory_space<semaphore_mem>>) src(%arg12 : memref<512x16xf32, #tpu.memory_space<vmem>>) dst(%dma_wait3A_265 : memref<512x16xf32, #tpu.memory_space<vmem_shared>>)
      tpu.yield
    }) : () -> ()
    %add3A_14 = arith.constant 1536 : i32
    %add3A_15 = arith.addi %mul3A_2, %add3A_14 : i32
    "tpu.region"() ({
      %run_scoped3A = tpu.sem_alloc : memref<!tpu.dma_semaphore, #tpu.memory_space<semaphore_mem>>
      %dma_start3A = arith.constant 0 : i32
      %dma_start3A_259 = tpu.memref_slice %arg13[%add3A_15, %dma_start3A] : memref<65536x16xf32, #tpu.memory_space<vmem_shared>> -> memref<512x16xf32, #tpu.memory_space<vmem_shared>>
      %dma_start3A_260 = arith.constant 0 : i32
      %dma_start3A_261 = tpu.memref_slice %arg13[%add3A_15, %dma_start3A_260] : memref<65536x16xf32, #tpu.memory_space<vmem_shared>> -> memref<512x16xf32, #tpu.memory_space<vmem_shared>>
      tpu.enqueue_dma source(%arg12 : memref<512x16xf32, #tpu.memory_space<vmem>>) target(%dma_start3A_261 : memref<512x16xf32, #tpu.memory_space<vmem_shared>>) target_semaphore(%run_scoped3A : memref<!tpu.dma_semaphore, #tpu.memory_space<semaphore_mem>>)
      %dma_wait3A_262 = arith.constant 0 : i32
      %dma_wait3A_263 = tpu.memref_slice %arg13[%add3A_15, %dma_wait3A_262] : memref<65536x16xf32, #tpu.memory_space<vmem_shared>> -> memref<512x16xf32, #tpu.memory_space<vmem_shared>>
      %dma_wait3A_264 = arith.constant 0 : i32
      %dma_wait3A_265 = tpu.memref_slice %arg13[%add3A_15, %dma_wait3A_264] : memref<65536x16xf32, #tpu.memory_space<vmem_shared>> -> memref<512x16xf32, #tpu.memory_space<vmem_shared>>
      tpu.wait_dma2 semaphore(%run_scoped3A : memref<!tpu.dma_semaphore, #tpu.memory_space<semaphore_mem>>) src(%arg12 : memref<512x16xf32, #tpu.memory_space<vmem>>) dst(%dma_wait3A_265 : memref<512x16xf32, #tpu.memory_space<vmem_shared>>)
      tpu.yield
    }) : () -> ()
    %add3A_16 = arith.constant 2048 : i32
    %add3A_17 = arith.addi %mul3A_2, %add3A_16 : i32
    "tpu.region"() ({
      %run_scoped3A = tpu.sem_alloc : memref<!tpu.dma_semaphore, #tpu.memory_space<semaphore_mem>>
      %dma_start3A = arith.constant 0 : i32
      %dma_start3A_259 = tpu.memref_slice %arg13[%add3A_17, %dma_start3A] : memref<65536x16xf32, #tpu.memory_space<vmem_shared>> -> memref<512x16xf32, #tpu.memory_space<vmem_shared>>
      %dma_start3A_260 = arith.constant 0 : i32
      %dma_start3A_261 = tpu.memref_slice %arg13[%add3A_17, %dma_start3A_260] : memref<65536x16xf32, #tpu.memory_space<vmem_shared>> -> memref<512x16xf32, #tpu.memory_space<vmem_shared>>
      tpu.enqueue_dma source(%arg12 : memref<512x16xf32, #tpu.memory_space<vmem>>) target(%dma_start3A_261 : memref<512x16xf32, #tpu.memory_space<vmem_shared>>) target_semaphore(%run_scoped3A : memref<!tpu.dma_semaphore, #tpu.memory_space<semaphore_mem>>)
      %dma_wait3A_262 = arith.constant 0 : i32
      %dma_wait3A_263 = tpu.memref_slice %arg13[%add3A_17, %dma_wait3A_262] : memref<65536x16xf32, #tpu.memory_space<vmem_shared>> -> memref<512x16xf32, #tpu.memory_space<vmem_shared>>
      %dma_wait3A_264 = arith.constant 0 : i32
      %dma_wait3A_265 = tpu.memref_slice %arg13[%add3A_17, %dma_wait3A_264] : memref<65536x16xf32, #tpu.memory_space<vmem_shared>> -> memref<512x16xf32, #tpu.memory_space<vmem_shared>>
      tpu.wait_dma2 semaphore(%run_scoped3A : memref<!tpu.dma_semaphore, #tpu.memory_space<semaphore_mem>>) src(%arg12 : memref<512x16xf32, #tpu.memory_space<vmem>>) dst(%dma_wait3A_265 : memref<512x16xf32, #tpu.memory_space<vmem_shared>>)
      tpu.yield
    }) : () -> ()
    %add3A_18 = arith.constant 2560 : i32
    %add3A_19 = arith.addi %mul3A_2, %add3A_18 : i32
    "tpu.region"() ({
      %run_scoped3A = tpu.sem_alloc : memref<!tpu.dma_semaphore, #tpu.memory_space<semaphore_mem>>
      %dma_start3A = arith.constant 0 : i32
      %dma_start3A_259 = tpu.memref_slice %arg13[%add3A_19, %dma_start3A] : memref<65536x16xf32, #tpu.memory_space<vmem_shared>> -> memref<512x16xf32, #tpu.memory_space<vmem_shared>>
      %dma_start3A_260 = arith.constant 0 : i32
      %dma_start3A_261 = tpu.memref_slice %arg13[%add3A_19, %dma_start3A_260] : memref<65536x16xf32, #tpu.memory_space<vmem_shared>> -> memref<512x16xf32, #tpu.memory_space<vmem_shared>>
      tpu.enqueue_dma source(%arg12 : memref<512x16xf32, #tpu.memory_space<vmem>>) target(%dma_start3A_261 : memref<512x16xf32, #tpu.memory_space<vmem_shared>>) target_semaphore(%run_scoped3A : memref<!tpu.dma_semaphore, #tpu.memory_space<semaphore_mem>>)
      %dma_wait3A_262 = arith.constant 0 : i32
      %dma_wait3A_263 = tpu.memref_slice %arg13[%add3A_19, %dma_wait3A_262] : memref<65536x16xf32, #tpu.memory_space<vmem_shared>> -> memref<512x16xf32, #tpu.memory_space<vmem_shared>>
      %dma_wait3A_264 = arith.constant 0 : i32
      %dma_wait3A_265 = tpu.memref_slice %arg13[%add3A_19, %dma_wait3A_264] : memref<65536x16xf32, #tpu.memory_space<vmem_shared>> -> memref<512x16xf32, #tpu.memory_space<vmem_shared>>
      tpu.wait_dma2 semaphore(%run_scoped3A : memref<!tpu.dma_semaphore, #tpu.memory_space<semaphore_mem>>) src(%arg12 : memref<512x16xf32, #tpu.memory_space<vmem>>) dst(%dma_wait3A_265 : memref<512x16xf32, #tpu.memory_space<vmem_shared>>)
      tpu.yield
    }) : () -> ()
    %add3A_20 = arith.constant 3072 : i32
    %add3A_21 = arith.addi %mul3A_2, %add3A_20 : i32
    "tpu.region"() ({
      %run_scoped3A = tpu.sem_alloc : memref<!tpu.dma_semaphore, #tpu.memory_space<semaphore_mem>>
      %dma_start3A = arith.constant 0 : i32
      %dma_start3A_259 = tpu.memref_slice %arg13[%add3A_21, %dma_start3A] : memref<65536x16xf32, #tpu.memory_space<vmem_shared>> -> memref<512x16xf32, #tpu.memory_space<vmem_shared>>
      %dma_start3A_260 = arith.constant 0 : i32
      %dma_start3A_261 = tpu.memref_slice %arg13[%add3A_21, %dma_start3A_260] : memref<65536x16xf32, #tpu.memory_space<vmem_shared>> -> memref<512x16xf32, #tpu.memory_space<vmem_shared>>
      tpu.enqueue_dma source(%arg12 : memref<512x16xf32, #tpu.memory_space<vmem>>) target(%dma_start3A_261 : memref<512x16xf32, #tpu.memory_space<vmem_shared>>) target_semaphore(%run_scoped3A : memref<!tpu.dma_semaphore, #tpu.memory_space<semaphore_mem>>)
      %dma_wait3A_262 = arith.constant 0 : i32
      %dma_wait3A_263 = tpu.memref_slice %arg13[%add3A_21, %dma_wait3A_262] : memref<65536x16xf32, #tpu.memory_space<vmem_shared>> -> memref<512x16xf32, #tpu.memory_space<vmem_shared>>
      %dma_wait3A_264 = arith.constant 0 : i32
      %dma_wait3A_265 = tpu.memref_slice %arg13[%add3A_21, %dma_wait3A_264] : memref<65536x16xf32, #tpu.memory_space<vmem_shared>> -> memref<512x16xf32, #tpu.memory_space<vmem_shared>>
      tpu.wait_dma2 semaphore(%run_scoped3A : memref<!tpu.dma_semaphore, #tpu.memory_space<semaphore_mem>>) src(%arg12 : memref<512x16xf32, #tpu.memory_space<vmem>>) dst(%dma_wait3A_265 : memref<512x16xf32, #tpu.memory_space<vmem_shared>>)
      tpu.yield
    }) : () -> ()
    %add3A_22 = arith.constant 3584 : i32
    %add3A_23 = arith.addi %mul3A_2, %add3A_22 : i32
    "tpu.region"() ({
      %run_scoped3A = tpu.sem_alloc : memref<!tpu.dma_semaphore, #tpu.memory_space<semaphore_mem>>
      %dma_start3A = arith.constant 0 : i32
      %dma_start3A_259 = tpu.memref_slice %arg13[%add3A_23, %dma_start3A] : memref<65536x16xf32, #tpu.memory_space<vmem_shared>> -> memref<512x16xf32, #tpu.memory_space<vmem_shared>>
      %dma_start3A_260 = arith.constant 0 : i32
      %dma_start3A_261 = tpu.memref_slice %arg13[%add3A_23, %dma_start3A_260] : memref<65536x16xf32, #tpu.memory_space<vmem_shared>> -> memref<512x16xf32, #tpu.memory_space<vmem_shared>>
      tpu.enqueue_dma source(%arg12 : memref<512x16xf32, #tpu.memory_space<vmem>>) target(%dma_start3A_261 : memref<512x16xf32, #tpu.memory_space<vmem_shared>>) target_semaphore(%run_scoped3A : memref<!tpu.dma_semaphore, #tpu.memory_space<semaphore_mem>>)
      %dma_wait3A_262 = arith.constant 0 : i32
      %dma_wait3A_263 = tpu.memref_slice %arg13[%add3A_23, %dma_wait3A_262] : memref<65536x16xf32, #tpu.memory_space<vmem_shared>> -> memref<512x16xf32, #tpu.memory_space<vmem_shared>>
      %dma_wait3A_264 = arith.constant 0 : i32
      %dma_wait3A_265 = tpu.memref_slice %arg13[%add3A_23, %dma_wait3A_264] : memref<65536x16xf32, #tpu.memory_space<vmem_shared>> -> memref<512x16xf32, #tpu.memory_space<vmem_shared>>
      tpu.wait_dma2 semaphore(%run_scoped3A : memref<!tpu.dma_semaphore, #tpu.memory_space<semaphore_mem>>) src(%arg12 : memref<512x16xf32, #tpu.memory_space<vmem>>) dst(%dma_wait3A_265 : memref<512x16xf32, #tpu.memory_space<vmem_shared>>)
      tpu.yield
    }) : () -> ()
    %barrier3A = arith.constant 0 : index
    tpu.barrier barrier_id(%barrier3A)
    %mul3A_24 = arith.constant 400 : i32
    %mul3A_25 = arith.muli %add3A, %mul3A_24 : i32
    %scan3A_26 = arith.constant 0 : i32
    %scan3A_27 = arith.constant 0 : i32
    %scan3A_28 = arith.constant 50 : i32
    %scan3A_29 = arith.addi %scan3A_27, %scan3A_28 : i32
    %scan3A_30 = arith.constant 1 : i32
    scf.for %scan3A_259 = %scan3A_27 to %scan3A_29 step %scan3A_30  : i32 {
      %jit3A = arith.constant 2 : i32
      %eq3A = arith.constant 0 : i32
      %eq3A_260 = arith.cmpi eq, %jit3A, %eq3A : i32
      %jit3A_261 = arith.constant 1 : i32
      %select_n3A = arith.select %eq3A_260, %jit3A_261, %jit3A : i32
      %rem3A = arith.remsi %scan3A_259, %select_n3A : i32
      %ne3A = arith.constant 0 : i32
      %ne3A_262 = arith.cmpi ne, %rem3A, %ne3A : i32
      %lt3A = arith.constant 0 : i32
      %lt3A_263 = arith.cmpi slt, %rem3A, %lt3A : i32
      %lt3A_264 = arith.constant 0 : i32
      %lt3A_265 = arith.cmpi slt, %select_n3A, %lt3A_264 : i32
      %ne3A_266 = arith.xori %lt3A_263, %lt3A_265 : i1
      %and3A = arith.andi %ne3A_266, %ne3A_262 : i1
      %add3A_267 = arith.addi %rem3A, %select_n3A : i32
      %select_n3A_268 = arith.select %and3A, %add3A_267, %rem3A : i32
      %eq3A_269 = arith.constant 0 : i32
      %eq3A_270 = arith.cmpi eq, %select_n3A_268, %eq3A_269 : i32
      %convert_element_type3A = arith.extui %eq3A_270 : i1 to i32
      %cond3A = arith.constant 0 : i32
      %cond3A_271 = arith.cmpi ne, %convert_element_type3A, %cond3A : i32
      scf.if %cond3A_271 {
        %ge3A = arith.constant 2 : i32
        %ge3A_293 = arith.cmpi sge, %scan3A_259, %ge3A : i32
        %convert_element_type3A_294 = arith.extui %ge3A_293 : i1 to i32
        %cond3A_295 = arith.constant 0 : i32
        %cond3A_296 = arith.cmpi ne, %convert_element_type3A_294, %cond3A_295 : i32
        scf.if %cond3A_296 {
          %dma_wait3A_587 = arith.constant 0 : i32
          %dma_wait3A_588 = arith.constant 0 : i32
          %dma_wait3A_589 = arith.constant 0 : i32
          %dma_wait3A_590 = arith.constant 0 : i32
          %dma_wait3A_591 = tpu.memref_slice %arg8[%dma_wait3A_587, %dma_wait3A_589, %dma_wait3A_590] : memref<8x128x16xf32, #tpu.memory_space<vmem>> -> memref<1x128x16xf32, #tpu.memory_space<vmem>>
          %dma_wait3A_592 = tpu.memref_squeeze %dma_wait3A_591 : memref<1x128x16xf32, #tpu.memory_space<vmem>> -> memref<128x16xf32, #tpu.memory_space<vmem>>
          %dma_wait3A_593 = arith.constant 0 : i32
          %dma_wait3A_594 = tpu.memref_slice %arg7[%dma_wait3A_588, %dma_wait3A_593] : memref<8x128xi32, #tpu.memory_space<vmem>> -> memref<1x128xi32, #tpu.memory_space<vmem>>
          %dma_wait3A_595 = tpu.memref_squeeze %dma_wait3A_594 : memref<1x128xi32, #tpu.memory_space<vmem>> -> memref<128xi32, #tpu.memory_space<vmem>>
          %dma_wait3A_596 = arith.constant 0 : i32
          %dma_wait3A_597 = arith.constant 0 : i32
          %dma_wait3A_598 = tpu.memref_slice %arg13[%dma_wait3A_596, %dma_wait3A_597] : memref<65536x16xf32, #tpu.memory_space<vmem_shared>> -> memref<65536x16xf32, #tpu.memory_space<vmem_shared>>
          tpu.wait_indirect_dma semaphore(%arg15 : memref<!tpu.dma_semaphore, #tpu.memory_space<semaphore_mem>>) src(%dma_wait3A_592 : memref<128x16xf32, #tpu.memory_space<vmem>>) dst(%dma_wait3A_598 : memref<65536x16xf32, #tpu.memory_space<vmem_shared>>)
          %dma_wait3A_599 = arith.constant 1 : i32
          %dma_wait3A_600 = arith.constant 1 : i32
          %dma_wait3A_601 = arith.constant 0 : i32
          %dma_wait3A_602 = arith.constant 0 : i32
          %dma_wait3A_603 = tpu.memref_slice %arg8[%dma_wait3A_599, %dma_wait3A_601, %dma_wait3A_602] : memref<8x128x16xf32, #tpu.memory_space<vmem>> -> memref<1x128x16xf32, #tpu.memory_space<vmem>>
          %dma_wait3A_604 = tpu.memref_squeeze %dma_wait3A_603 : memref<1x128x16xf32, #tpu.memory_space<vmem>> -> memref<128x16xf32, #tpu.memory_space<vmem>>
          %dma_wait3A_605 = arith.constant 0 : i32
          %dma_wait3A_606 = tpu.memref_slice %arg7[%dma_wait3A_600, %dma_wait3A_605] : memref<8x128xi32, #tpu.memory_space<vmem>> -> memref<1x128xi32, #tpu.memory_space<vmem>>
          %dma_wait3A_607 = tpu.memref_squeeze %dma_wait3A_606 : memref<1x128xi32, #tpu.memory_space<vmem>> -> memref<128xi32, #tpu.memory_space<vmem>>
          %dma_wait3A_608 = arith.constant 0 : i32
          %dma_wait3A_609 = arith.constant 0 : i32
          %dma_wait3A_610 = tpu.memref_slice %arg13[%dma_wait3A_608, %dma_wait3A_609] : memref<65536x16xf32, #tpu.memory_space<vmem_shared>> -> memref<65536x16xf32, #tpu.memory_space<vmem_shared>>
          tpu.wait_indirect_dma semaphore(%arg15 : memref<!tpu.dma_semaphore, #tpu.memory_space<semaphore_mem>>) src(%dma_wait3A_604 : memref<128x16xf32, #tpu.memory_space<vmem>>) dst(%dma_wait3A_610 : memref<65536x16xf32, #tpu.memory_space<vmem_shared>>)
          %dma_wait3A_611 = arith.constant 2 : i32
          %dma_wait3A_612 = arith.constant 2 : i32
          %dma_wait3A_613 = arith.constant 0 : i32
          %dma_wait3A_614 = arith.constant 0 : i32
          %dma_wait3A_615 = tpu.memref_slice %arg8[%dma_wait3A_611, %dma_wait3A_613, %dma_wait3A_614] : memref<8x128x16xf32, #tpu.memory_space<vmem>> -> memref<1x128x16xf32, #tpu.memory_space<vmem>>
          %dma_wait3A_616 = tpu.memref_squeeze %dma_wait3A_615 : memref<1x128x16xf32, #tpu.memory_space<vmem>> -> memref<128x16xf32, #tpu.memory_space<vmem>>
          %dma_wait3A_617 = arith.constant 0 : i32
          %dma_wait3A_618 = tpu.memref_slice %arg7[%dma_wait3A_612, %dma_wait3A_617] : memref<8x128xi32, #tpu.memory_space<vmem>> -> memref<1x128xi32, #tpu.memory_space<vmem>>
          %dma_wait3A_619 = tpu.memref_squeeze %dma_wait3A_618 : memref<1x128xi32, #tpu.memory_space<vmem>> -> memref<128xi32, #tpu.memory_space<vmem>>
          %dma_wait3A_620 = arith.constant 0 : i32
          %dma_wait3A_621 = arith.constant 0 : i32
          %dma_wait3A_622 = tpu.memref_slice %arg13[%dma_wait3A_620, %dma_wait3A_621] : memref<65536x16xf32, #tpu.memory_space<vmem_shared>> -> memref<65536x16xf32, #tpu.memory_space<vmem_shared>>
          tpu.wait_indirect_dma semaphore(%arg15 : memref<!tpu.dma_semaphore, #tpu.memory_space<semaphore_mem>>) src(%dma_wait3A_616 : memref<128x16xf32, #tpu.memory_space<vmem>>) dst(%dma_wait3A_622 : memref<65536x16xf32, #tpu.memory_space<vmem_shared>>)
          %dma_wait3A_623 = arith.constant 3 : i32
          %dma_wait3A_624 = arith.constant 3 : i32
          %dma_wait3A_625 = arith.constant 0 : i32
          %dma_wait3A_626 = arith.constant 0 : i32
          %dma_wait3A_627 = tpu.memref_slice %arg8[%dma_wait3A_623, %dma_wait3A_625, %dma_wait3A_626] : memref<8x128x16xf32, #tpu.memory_space<vmem>> -> memref<1x128x16xf32, #tpu.memory_space<vmem>>
          %dma_wait3A_628 = tpu.memref_squeeze %dma_wait3A_627 : memref<1x128x16xf32, #tpu.memory_space<vmem>> -> memref<128x16xf32, #tpu.memory_space<vmem>>
          %dma_wait3A_629 = arith.constant 0 : i32
          %dma_wait3A_630 = tpu.memref_slice %arg7[%dma_wait3A_624, %dma_wait3A_629] : memref<8x128xi32, #tpu.memory_space<vmem>> -> memref<1x128xi32, #tpu.memory_space<vmem>>
          %dma_wait3A_631 = tpu.memref_squeeze %dma_wait3A_630 : memref<1x128xi32, #tpu.memory_space<vmem>> -> memref<128xi32, #tpu.memory_space<vmem>>
          %dma_wait3A_632 = arith.constant 0 : i32
          %dma_wait3A_633 = arith.constant 0 : i32
          %dma_wait3A_634 = tpu.memref_slice %arg13[%dma_wait3A_632, %dma_wait3A_633] : memref<65536x16xf32, #tpu.memory_space<vmem_shared>> -> memref<65536x16xf32, #tpu.memory_space<vmem_shared>>
          tpu.wait_indirect_dma semaphore(%arg15 : memref<!tpu.dma_semaphore, #tpu.memory_space<semaphore_mem>>) src(%dma_wait3A_628 : memref<128x16xf32, #tpu.memory_space<vmem>>) dst(%dma_wait3A_634 : memref<65536x16xf32, #tpu.memory_space<vmem_shared>>)
          %dma_wait3A_635 = arith.constant 4 : i32
          %dma_wait3A_636 = arith.constant 4 : i32
          %dma_wait3A_637 = arith.constant 0 : i32
          %dma_wait3A_638 = arith.constant 0 : i32
          %dma_wait3A_639 = tpu.memref_slice %arg8[%dma_wait3A_635, %dma_wait3A_637, %dma_wait3A_638] : memref<8x128x16xf32, #tpu.memory_space<vmem>> -> memref<1x128x16xf32, #tpu.memory_space<vmem>>
          %dma_wait3A_640 = tpu.memref_squeeze %dma_wait3A_639 : memref<1x128x16xf32, #tpu.memory_space<vmem>> -> memref<128x16xf32, #tpu.memory_space<vmem>>
          %dma_wait3A_641 = arith.constant 0 : i32
          %dma_wait3A_642 = tpu.memref_slice %arg7[%dma_wait3A_636, %dma_wait3A_641] : memref<8x128xi32, #tpu.memory_space<vmem>> -> memref<1x128xi32, #tpu.memory_space<vmem>>
          %dma_wait3A_643 = tpu.memref_squeeze %dma_wait3A_642 : memref<1x128xi32, #tpu.memory_space<vmem>> -> memref<128xi32, #tpu.memory_space<vmem>>
          %dma_wait3A_644 = arith.constant 0 : i32
          %dma_wait3A_645 = arith.constant 0 : i32
          %dma_wait3A_646 = tpu.memref_slice %arg13[%dma_wait3A_644, %dma_wait3A_645] : memref<65536x16xf32, #tpu.memory_space<vmem_shared>> -> memref<65536x16xf32, #tpu.memory_space<vmem_shared>>
          tpu.wait_indirect_dma semaphore(%arg15 : memref<!tpu.dma_semaphore, #tpu.memory_space<semaphore_mem>>) src(%dma_wait3A_640 : memref<128x16xf32, #tpu.memory_space<vmem>>) dst(%dma_wait3A_646 : memref<65536x16xf32, #tpu.memory_space<vmem_shared>>)
          %dma_wait3A_647 = arith.constant 5 : i32
          %dma_wait3A_648 = arith.constant 5 : i32
          %dma_wait3A_649 = arith.constant 0 : i32
          %dma_wait3A_650 = arith.constant 0 : i32
          %dma_wait3A_651 = tpu.memref_slice %arg8[%dma_wait3A_647, %dma_wait3A_649, %dma_wait3A_650] : memref<8x128x16xf32, #tpu.memory_space<vmem>> -> memref<1x128x16xf32, #tpu.memory_space<vmem>>
          %dma_wait3A_652 = tpu.memref_squeeze %dma_wait3A_651 : memref<1x128x16xf32, #tpu.memory_space<vmem>> -> memref<128x16xf32, #tpu.memory_space<vmem>>
          %dma_wait3A_653 = arith.constant 0 : i32
          %dma_wait3A_654 = tpu.memref_slice %arg7[%dma_wait3A_648, %dma_wait3A_653] : memref<8x128xi32, #tpu.memory_space<vmem>> -> memref<1x128xi32, #tpu.memory_space<vmem>>
          %dma_wait3A_655 = tpu.memref_squeeze %dma_wait3A_654 : memref<1x128xi32, #tpu.memory_space<vmem>> -> memref<128xi32, #tpu.memory_space<vmem>>
          %dma_wait3A_656 = arith.constant 0 : i32
          %dma_wait3A_657 = arith.constant 0 : i32
          %dma_wait3A_658 = tpu.memref_slice %arg13[%dma_wait3A_656, %dma_wait3A_657] : memref<65536x16xf32, #tpu.memory_space<vmem_shared>> -> memref<65536x16xf32, #tpu.memory_space<vmem_shared>>
          tpu.wait_indirect_dma semaphore(%arg15 : memref<!tpu.dma_semaphore, #tpu.memory_space<semaphore_mem>>) src(%dma_wait3A_652 : memref<128x16xf32, #tpu.memory_space<vmem>>) dst(%dma_wait3A_658 : memref<65536x16xf32, #tpu.memory_space<vmem_shared>>)
          %dma_wait3A_659 = arith.constant 6 : i32
          %dma_wait3A_660 = arith.constant 6 : i32
          %dma_wait3A_661 = arith.constant 0 : i32
          %dma_wait3A_662 = arith.constant 0 : i32
          %dma_wait3A_663 = tpu.memref_slice %arg8[%dma_wait3A_659, %dma_wait3A_661, %dma_wait3A_662] : memref<8x128x16xf32, #tpu.memory_space<vmem>> -> memref<1x128x16xf32, #tpu.memory_space<vmem>>
          %dma_wait3A_664 = tpu.memref_squeeze %dma_wait3A_663 : memref<1x128x16xf32, #tpu.memory_space<vmem>> -> memref<128x16xf32, #tpu.memory_space<vmem>>
          %dma_wait3A_665 = arith.constant 0 : i32
          %dma_wait3A_666 = tpu.memref_slice %arg7[%dma_wait3A_660, %dma_wait3A_665] : memref<8x128xi32, #tpu.memory_space<vmem>> -> memref<1x128xi32, #tpu.memory_space<vmem>>
          %dma_wait3A_667 = tpu.memref_squeeze %dma_wait3A_666 : memref<1x128xi32, #tpu.memory_space<vmem>> -> memref<128xi32, #tpu.memory_space<vmem>>
          %dma_wait3A_668 = arith.constant 0 : i32
          %dma_wait3A_669 = arith.constant 0 : i32
          %dma_wait3A_670 = tpu.memref_slice %arg13[%dma_wait3A_668, %dma_wait3A_669] : memref<65536x16xf32, #tpu.memory_space<vmem_shared>> -> memref<65536x16xf32, #tpu.memory_space<vmem_shared>>
          tpu.wait_indirect_dma semaphore(%arg15 : memref<!tpu.dma_semaphore, #tpu.memory_space<semaphore_mem>>) src(%dma_wait3A_664 : memref<128x16xf32, #tpu.memory_space<vmem>>) dst(%dma_wait3A_670 : memref<65536x16xf32, #tpu.memory_space<vmem_shared>>)
          %dma_wait3A_671 = arith.constant 7 : i32
          %dma_wait3A_672 = arith.constant 7 : i32
          %dma_wait3A_673 = arith.constant 0 : i32
          %dma_wait3A_674 = arith.constant 0 : i32
          %dma_wait3A_675 = tpu.memref_slice %arg8[%dma_wait3A_671, %dma_wait3A_673, %dma_wait3A_674] : memref<8x128x16xf32, #tpu.memory_space<vmem>> -> memref<1x128x16xf32, #tpu.memory_space<vmem>>
          %dma_wait3A_676 = tpu.memref_squeeze %dma_wait3A_675 : memref<1x128x16xf32, #tpu.memory_space<vmem>> -> memref<128x16xf32, #tpu.memory_space<vmem>>
          %dma_wait3A_677 = arith.constant 0 : i32
          %dma_wait3A_678 = tpu.memref_slice %arg7[%dma_wait3A_672, %dma_wait3A_677] : memref<8x128xi32, #tpu.memory_space<vmem>> -> memref<1x128xi32, #tpu.memory_space<vmem>>
          %dma_wait3A_679 = tpu.memref_squeeze %dma_wait3A_678 : memref<1x128xi32, #tpu.memory_space<vmem>> -> memref<128xi32, #tpu.memory_space<vmem>>
          %dma_wait3A_680 = arith.constant 0 : i32
          %dma_wait3A_681 = arith.constant 0 : i32
          %dma_wait3A_682 = tpu.memref_slice %arg13[%dma_wait3A_680, %dma_wait3A_681] : memref<65536x16xf32, #tpu.memory_space<vmem_shared>> -> memref<65536x16xf32, #tpu.memory_space<vmem_shared>>
          tpu.wait_indirect_dma semaphore(%arg15 : memref<!tpu.dma_semaphore, #tpu.memory_space<semaphore_mem>>) src(%dma_wait3A_676 : memref<128x16xf32, #tpu.memory_space<vmem>>) dst(%dma_wait3A_682 : memref<65536x16xf32, #tpu.memory_space<vmem_shared>>)
        } else {
        }
        %mul3A_297 = arith.constant 8 : i32
        %mul3A_298 = arith.muli %scan3A_259, %mul3A_297 : i32
        %add3A_299 = arith.addi %mul3A_25, %mul3A_298 : i32
        "tpu.region"() ({
          %run_scoped3A = tpu.sem_alloc : memref<!tpu.dma_semaphore, #tpu.memory_space<semaphore_mem>>
          %dma_start3A_587 = arith.constant 0 : i32
          %dma_start3A_588 = tpu.memref_slice %arg3[%add3A_299, %dma_start3A_587] : memref<12800x128xi32, #tpu.memory_space<hbm>> -> memref<8x128xi32, #tpu.memory_space<hbm>>
          %dma_start3A_589 = arith.constant 0 : i32
          %dma_start3A_590 = tpu.memref_slice %arg3[%add3A_299, %dma_start3A_589] : memref<12800x128xi32, #tpu.memory_space<hbm>> -> memref<8x128xi32, #tpu.memory_space<hbm>>
          tpu.enqueue_dma source(%dma_start3A_590 : memref<8x128xi32, #tpu.memory_space<hbm>>) target(%arg6 : memref<8x128xi32, #tpu.memory_space<vmem>>) target_semaphore(%run_scoped3A : memref<!tpu.dma_semaphore, #tpu.memory_space<semaphore_mem>>)
          %dma_wait3A_591 = arith.constant 0 : i32
          %dma_wait3A_592 = tpu.memref_slice %arg3[%add3A_299, %dma_wait3A_591] : memref<12800x128xi32, #tpu.memory_space<hbm>> -> memref<8x128xi32, #tpu.memory_space<hbm>>
          %dma_wait3A_593 = arith.constant 0 : i32
          %dma_wait3A_594 = tpu.memref_slice %arg3[%add3A_299, %dma_wait3A_593] : memref<12800x128xi32, #tpu.memory_space<hbm>> -> memref<8x128xi32, #tpu.memory_space<hbm>>
          tpu.wait_dma2 semaphore(%run_scoped3A : memref<!tpu.dma_semaphore, #tpu.memory_space<semaphore_mem>>) src(%dma_wait3A_594 : memref<8x128xi32, #tpu.memory_space<hbm>>) dst(%arg6 : memref<8x128xi32, #tpu.memory_space<vmem>>)
          tpu.yield
        }) : () -> ()
        "tpu.region"() ({
          %run_scoped3A = tpu.sem_alloc : memref<!tpu.dma_semaphore, #tpu.memory_space<semaphore_mem>>
          %dma_start3A_587 = arith.constant 0 : i32
          %dma_start3A_588 = tpu.memref_slice %arg4[%add3A_299, %dma_start3A_587] : memref<12800x128xi32, #tpu.memory_space<hbm>> -> memref<8x128xi32, #tpu.memory_space<hbm>>
          %dma_start3A_589 = arith.constant 0 : i32
          %dma_start3A_590 = tpu.memref_slice %arg4[%add3A_299, %dma_start3A_589] : memref<12800x128xi32, #tpu.memory_space<hbm>> -> memref<8x128xi32, #tpu.memory_space<hbm>>
          tpu.enqueue_dma source(%dma_start3A_590 : memref<8x128xi32, #tpu.memory_space<hbm>>) target(%arg7 : memref<8x128xi32, #tpu.memory_space<vmem>>) target_semaphore(%run_scoped3A : memref<!tpu.dma_semaphore, #tpu.memory_space<semaphore_mem>>)
          %dma_wait3A_591 = arith.constant 0 : i32
          %dma_wait3A_592 = tpu.memref_slice %arg4[%add3A_299, %dma_wait3A_591] : memref<12800x128xi32, #tpu.memory_space<hbm>> -> memref<8x128xi32, #tpu.memory_space<hbm>>
          %dma_wait3A_593 = arith.constant 0 : i32
          %dma_wait3A_594 = tpu.memref_slice %arg4[%add3A_299, %dma_wait3A_593] : memref<12800x128xi32, #tpu.memory_space<hbm>> -> memref<8x128xi32, #tpu.memory_space<hbm>>
          tpu.wait_dma2 semaphore(%run_scoped3A : memref<!tpu.dma_semaphore, #tpu.memory_space<semaphore_mem>>) src(%dma_wait3A_594 : memref<8x128xi32, #tpu.memory_space<hbm>>) dst(%arg7 : memref<8x128xi32, #tpu.memory_space<vmem>>)
          tpu.yield
        }) : () -> ()
        %dma_start3A = arith.constant 0 : i32
        %dma_start3A_300 = arith.constant 0 : i32
        %dma_start3A_301 = arith.constant 0 : i32
        %dma_start3A_302 = arith.constant 0 : i32
        %dma_start3A_303 = tpu.memref_slice %arg8[%dma_start3A_300, %dma_start3A_301, %dma_start3A_302] : memref<8x128x16xf32, #tpu.memory_space<vmem>> -> memref<1x128x16xf32, #tpu.memory_space<vmem>>
        %dma_start3A_304 = tpu.memref_squeeze %dma_start3A_303 : memref<1x128x16xf32, #tpu.memory_space<vmem>> -> memref<128x16xf32, #tpu.memory_space<vmem>>
        %dma_start3A_305 = arith.constant 0 : i32
        %dma_start3A_306 = tpu.memref_slice %arg6[%dma_start3A, %dma_start3A_305] : memref<8x128xi32, #tpu.memory_space<vmem>> -> memref<1x128xi32, #tpu.memory_space<vmem>>
        %dma_start3A_307 = tpu.memref_squeeze %dma_start3A_306 : memref<1x128xi32, #tpu.memory_space<vmem>> -> memref<128xi32, #tpu.memory_space<vmem>>
        %dma_start3A_308 = arith.constant 0 : i32
        %dma_start3A_309 = arith.constant 0 : i32
        %dma_start3A_310 = tpu.memref_slice %arg2[%dma_start3A_308, %dma_start3A_309] : memref<65536x16xf32, #tpu.memory_space<hbm>> -> memref<65536x16xf32, #tpu.memory_space<hbm>>
        tpu.enqueue_indirect_dma source(%dma_start3A_310 : memref<65536x16xf32, #tpu.memory_space<hbm>>) target(%dma_start3A_304 : memref<128x16xf32, #tpu.memory_space<vmem>>) offsets(%dma_start3A_307 : memref<128xi32, #tpu.memory_space<vmem>>) semaphore(%arg14 : memref<!tpu.dma_semaphore, #tpu.memory_space<semaphore_mem>>)
        %dma_start3A_311 = arith.constant 1 : i32
        %dma_start3A_312 = arith.constant 1 : i32
        %dma_start3A_313 = arith.constant 0 : i32
        %dma_start3A_314 = arith.constant 0 : i32
        %dma_start3A_315 = tpu.memref_slice %arg8[%dma_start3A_312, %dma_start3A_313, %dma_start3A_314] : memref<8x128x16xf32, #tpu.memory_space<vmem>> -> memref<1x128x16xf32, #tpu.memory_space<vmem>>
        %dma_start3A_316 = tpu.memref_squeeze %dma_start3A_315 : memref<1x128x16xf32, #tpu.memory_space<vmem>> -> memref<128x16xf32, #tpu.memory_space<vmem>>
        %dma_start3A_317 = arith.constant 0 : i32
        %dma_start3A_318 = tpu.memref_slice %arg6[%dma_start3A_311, %dma_start3A_317] : memref<8x128xi32, #tpu.memory_space<vmem>> -> memref<1x128xi32, #tpu.memory_space<vmem>>
        %dma_start3A_319 = tpu.memref_squeeze %dma_start3A_318 : memref<1x128xi32, #tpu.memory_space<vmem>> -> memref<128xi32, #tpu.memory_space<vmem>>
        %dma_start3A_320 = arith.constant 0 : i32
        %dma_start3A_321 = arith.constant 0 : i32
        %dma_start3A_322 = tpu.memref_slice %arg2[%dma_start3A_320, %dma_start3A_321] : memref<65536x16xf32, #tpu.memory_space<hbm>> -> memref<65536x16xf32, #tpu.memory_space<hbm>>
        tpu.enqueue_indirect_dma source(%dma_start3A_322 : memref<65536x16xf32, #tpu.memory_space<hbm>>) target(%dma_start3A_316 : memref<128x16xf32, #tpu.memory_space<vmem>>) offsets(%dma_start3A_319 : memref<128xi32, #tpu.memory_space<vmem>>) semaphore(%arg14 : memref<!tpu.dma_semaphore, #tpu.memory_space<semaphore_mem>>)
        %dma_start3A_323 = arith.constant 2 : i32
        %dma_start3A_324 = arith.constant 2 : i32
        %dma_start3A_325 = arith.constant 0 : i32
        %dma_start3A_326 = arith.constant 0 : i32
        %dma_start3A_327 = tpu.memref_slice %arg8[%dma_start3A_324, %dma_start3A_325, %dma_start3A_326] : memref<8x128x16xf32, #tpu.memory_space<vmem>> -> memref<1x128x16xf32, #tpu.memory_space<vmem>>
        %dma_start3A_328 = tpu.memref_squeeze %dma_start3A_327 : memref<1x128x16xf32, #tpu.memory_space<vmem>> -> memref<128x16xf32, #tpu.memory_space<vmem>>
        %dma_start3A_329 = arith.constant 0 : i32
        %dma_start3A_330 = tpu.memref_slice %arg6[%dma_start3A_323, %dma_start3A_329] : memref<8x128xi32, #tpu.memory_space<vmem>> -> memref<1x128xi32, #tpu.memory_space<vmem>>
        %dma_start3A_331 = tpu.memref_squeeze %dma_start3A_330 : memref<1x128xi32, #tpu.memory_space<vmem>> -> memref<128xi32, #tpu.memory_space<vmem>>
        %dma_start3A_332 = arith.constant 0 : i32
        %dma_start3A_333 = arith.constant 0 : i32
        %dma_start3A_334 = tpu.memref_slice %arg2[%dma_start3A_332, %dma_start3A_333] : memref<65536x16xf32, #tpu.memory_space<hbm>> -> memref<65536x16xf32, #tpu.memory_space<hbm>>
        tpu.enqueue_indirect_dma source(%dma_start3A_334 : memref<65536x16xf32, #tpu.memory_space<hbm>>) target(%dma_start3A_328 : memref<128x16xf32, #tpu.memory_space<vmem>>) offsets(%dma_start3A_331 : memref<128xi32, #tpu.memory_space<vmem>>) semaphore(%arg14 : memref<!tpu.dma_semaphore, #tpu.memory_space<semaphore_mem>>)
        %dma_start3A_335 = arith.constant 3 : i32
        %dma_start3A_336 = arith.constant 3 : i32
        %dma_start3A_337 = arith.constant 0 : i32
        %dma_start3A_338 = arith.constant 0 : i32
        %dma_start3A_339 = tpu.memref_slice %arg8[%dma_start3A_336, %dma_start3A_337, %dma_start3A_338] : memref<8x128x16xf32, #tpu.memory_space<vmem>> -> memref<1x128x16xf32, #tpu.memory_space<vmem>>
        %dma_start3A_340 = tpu.memref_squeeze %dma_start3A_339 : memref<1x128x16xf32, #tpu.memory_space<vmem>> -> memref<128x16xf32, #tpu.memory_space<vmem>>
        %dma_start3A_341 = arith.constant 0 : i32
        %dma_start3A_342 = tpu.memref_slice %arg6[%dma_start3A_335, %dma_start3A_341] : memref<8x128xi32, #tpu.memory_space<vmem>> -> memref<1x128xi32, #tpu.memory_space<vmem>>
        %dma_start3A_343 = tpu.memref_squeeze %dma_start3A_342 : memref<1x128xi32, #tpu.memory_space<vmem>> -> memref<128xi32, #tpu.memory_space<vmem>>
        %dma_start3A_344 = arith.constant 0 : i32
        %dma_start3A_345 = arith.constant 0 : i32
        %dma_start3A_346 = tpu.memref_slice %arg2[%dma_start3A_344, %dma_start3A_345] : memref<65536x16xf32, #tpu.memory_space<hbm>> -> memref<65536x16xf32, #tpu.memory_space<hbm>>
        tpu.enqueue_indirect_dma source(%dma_start3A_346 : memref<65536x16xf32, #tpu.memory_space<hbm>>) target(%dma_start3A_340 : memref<128x16xf32, #tpu.memory_space<vmem>>) offsets(%dma_start3A_343 : memref<128xi32, #tpu.memory_space<vmem>>) semaphore(%arg14 : memref<!tpu.dma_semaphore, #tpu.memory_space<semaphore_mem>>)
        %dma_start3A_347 = arith.constant 4 : i32
        %dma_start3A_348 = arith.constant 4 : i32
        %dma_start3A_349 = arith.constant 0 : i32
        %dma_start3A_350 = arith.constant 0 : i32
        %dma_start3A_351 = tpu.memref_slice %arg8[%dma_start3A_348, %dma_start3A_349, %dma_start3A_350] : memref<8x128x16xf32, #tpu.memory_space<vmem>> -> memref<1x128x16xf32, #tpu.memory_space<vmem>>
        %dma_start3A_352 = tpu.memref_squeeze %dma_start3A_351 : memref<1x128x16xf32, #tpu.memory_space<vmem>> -> memref<128x16xf32, #tpu.memory_space<vmem>>
        %dma_start3A_353 = arith.constant 0 : i32
        %dma_start3A_354 = tpu.memref_slice %arg6[%dma_start3A_347, %dma_start3A_353] : memref<8x128xi32, #tpu.memory_space<vmem>> -> memref<1x128xi32, #tpu.memory_space<vmem>>
        %dma_start3A_355 = tpu.memref_squeeze %dma_start3A_354 : memref<1x128xi32, #tpu.memory_space<vmem>> -> memref<128xi32, #tpu.memory_space<vmem>>
        %dma_start3A_356 = arith.constant 0 : i32
        %dma_start3A_357 = arith.constant 0 : i32
        %dma_start3A_358 = tpu.memref_slice %arg2[%dma_start3A_356, %dma_start3A_357] : memref<65536x16xf32, #tpu.memory_space<hbm>> -> memref<65536x16xf32, #tpu.memory_space<hbm>>
        tpu.enqueue_indirect_dma source(%dma_start3A_358 : memref<65536x16xf32, #tpu.memory_space<hbm>>) target(%dma_start3A_352 : memref<128x16xf32, #tpu.memory_space<vmem>>) offsets(%dma_start3A_355 : memref<128xi32, #tpu.memory_space<vmem>>) semaphore(%arg14 : memref<!tpu.dma_semaphore, #tpu.memory_space<semaphore_mem>>)
        %dma_start3A_359 = arith.constant 5 : i32
        %dma_start3A_360 = arith.constant 5 : i32
        %dma_start3A_361 = arith.constant 0 : i32
        %dma_start3A_362 = arith.constant 0 : i32
        %dma_start3A_363 = tpu.memref_slice %arg8[%dma_start3A_360, %dma_start3A_361, %dma_start3A_362] : memref<8x128x16xf32, #tpu.memory_space<vmem>> -> memref<1x128x16xf32, #tpu.memory_space<vmem>>
        %dma_start3A_364 = tpu.memref_squeeze %dma_start3A_363 : memref<1x128x16xf32, #tpu.memory_space<vmem>> -> memref<128x16xf32, #tpu.memory_space<vmem>>
        %dma_start3A_365 = arith.constant 0 : i32
        %dma_start3A_366 = tpu.memref_slice %arg6[%dma_start3A_359, %dma_start3A_365] : memref<8x128xi32, #tpu.memory_space<vmem>> -> memref<1x128xi32, #tpu.memory_space<vmem>>
        %dma_start3A_367 = tpu.memref_squeeze %dma_start3A_366 : memref<1x128xi32, #tpu.memory_space<vmem>> -> memref<128xi32, #tpu.memory_space<vmem>>
        %dma_start3A_368 = arith.constant 0 : i32
        %dma_start3A_369 = arith.constant 0 : i32
        %dma_start3A_370 = tpu.memref_slice %arg2[%dma_start3A_368, %dma_start3A_369] : memref<65536x16xf32, #tpu.memory_space<hbm>> -> memref<65536x16xf32, #tpu.memory_space<hbm>>
        tpu.enqueue_indirect_dma source(%dma_start3A_370 : memref<65536x16xf32, #tpu.memory_space<hbm>>) target(%dma_start3A_364 : memref<128x16xf32, #tpu.memory_space<vmem>>) offsets(%dma_start3A_367 : memref<128xi32, #tpu.memory_space<vmem>>) semaphore(%arg14 : memref<!tpu.dma_semaphore, #tpu.memory_space<semaphore_mem>>)
        %dma_start3A_371 = arith.constant 6 : i32
        %dma_start3A_372 = arith.constant 6 : i32
        %dma_start3A_373 = arith.constant 0 : i32
        %dma_start3A_374 = arith.constant 0 : i32
        %dma_start3A_375 = tpu.memref_slice %arg8[%dma_start3A_372, %dma_start3A_373, %dma_start3A_374] : memref<8x128x16xf32, #tpu.memory_space<vmem>> -> memref<1x128x16xf32, #tpu.memory_space<vmem>>
        %dma_start3A_376 = tpu.memref_squeeze %dma_start3A_375 : memref<1x128x16xf32, #tpu.memory_space<vmem>> -> memref<128x16xf32, #tpu.memory_space<vmem>>
        %dma_start3A_377 = arith.constant 0 : i32
        %dma_start3A_378 = tpu.memref_slice %arg6[%dma_start3A_371, %dma_start3A_377] : memref<8x128xi32, #tpu.memory_space<vmem>> -> memref<1x128xi32, #tpu.memory_space<vmem>>
        %dma_start3A_379 = tpu.memref_squeeze %dma_start3A_378 : memref<1x128xi32, #tpu.memory_space<vmem>> -> memref<128xi32, #tpu.memory_space<vmem>>
        %dma_start3A_380 = arith.constant 0 : i32
        %dma_start3A_381 = arith.constant 0 : i32
        %dma_start3A_382 = tpu.memref_slice %arg2[%dma_start3A_380, %dma_start3A_381] : memref<65536x16xf32, #tpu.memory_space<hbm>> -> memref<65536x16xf32, #tpu.memory_space<hbm>>
        tpu.enqueue_indirect_dma source(%dma_start3A_382 : memref<65536x16xf32, #tpu.memory_space<hbm>>) target(%dma_start3A_376 : memref<128x16xf32, #tpu.memory_space<vmem>>) offsets(%dma_start3A_379 : memref<128xi32, #tpu.memory_space<vmem>>) semaphore(%arg14 : memref<!tpu.dma_semaphore, #tpu.memory_space<semaphore_mem>>)
        %dma_start3A_383 = arith.constant 7 : i32
        %dma_start3A_384 = arith.constant 7 : i32
        %dma_start3A_385 = arith.constant 0 : i32
        %dma_start3A_386 = arith.constant 0 : i32
        %dma_start3A_387 = tpu.memref_slice %arg8[%dma_start3A_384, %dma_start3A_385, %dma_start3A_386] : memref<8x128x16xf32, #tpu.memory_space<vmem>> -> memref<1x128x16xf32, #tpu.memory_space<vmem>>
        %dma_start3A_388 = tpu.memref_squeeze %dma_start3A_387 : memref<1x128x16xf32, #tpu.memory_space<vmem>> -> memref<128x16xf32, #tpu.memory_space<vmem>>
        %dma_start3A_389 = arith.constant 0 : i32
        %dma_start3A_390 = tpu.memref_slice %arg6[%dma_start3A_383, %dma_start3A_389] : memref<8x128xi32, #tpu.memory_space<vmem>> -> memref<1x128xi32, #tpu.memory_space<vmem>>
        %dma_start3A_391 = tpu.memref_squeeze %dma_start3A_390 : memref<1x128xi32, #tpu.memory_space<vmem>> -> memref<128xi32, #tpu.memory_space<vmem>>
        %dma_start3A_392 = arith.constant 0 : i32
        %dma_start3A_393 = arith.constant 0 : i32
        %dma_start3A_394 = tpu.memref_slice %arg2[%dma_start3A_392, %dma_start3A_393] : memref<65536x16xf32, #tpu.memory_space<hbm>> -> memref<65536x16xf32, #tpu.memory_space<hbm>>
        tpu.enqueue_indirect_dma source(%dma_start3A_394 : memref<65536x16xf32, #tpu.memory_space<hbm>>) target(%dma_start3A_388 : memref<128x16xf32, #tpu.memory_space<vmem>>) offsets(%dma_start3A_391 : memref<128xi32, #tpu.memory_space<vmem>>) semaphore(%arg14 : memref<!tpu.dma_semaphore, #tpu.memory_space<semaphore_mem>>)
        %dma_wait3A_395 = arith.constant 0 : i32
        %dma_wait3A_396 = arith.constant 0 : i32
        %dma_wait3A_397 = arith.constant 0 : i32
        %dma_wait3A_398 = arith.constant 0 : i32
        %dma_wait3A_399 = tpu.memref_slice %arg8[%dma_wait3A_396, %dma_wait3A_397, %dma_wait3A_398] : memref<8x128x16xf32, #tpu.memory_space<vmem>> -> memref<1x128x16xf32, #tpu.memory_space<vmem>>
        %dma_wait3A_400 = tpu.memref_squeeze %dma_wait3A_399 : memref<1x128x16xf32, #tpu.memory_space<vmem>> -> memref<128x16xf32, #tpu.memory_space<vmem>>
        %dma_wait3A_401 = arith.constant 0 : i32
        %dma_wait3A_402 = tpu.memref_slice %arg6[%dma_wait3A_395, %dma_wait3A_401] : memref<8x128xi32, #tpu.memory_space<vmem>> -> memref<1x128xi32, #tpu.memory_space<vmem>>
        %dma_wait3A_403 = tpu.memref_squeeze %dma_wait3A_402 : memref<1x128xi32, #tpu.memory_space<vmem>> -> memref<128xi32, #tpu.memory_space<vmem>>
        %dma_wait3A_404 = arith.constant 0 : i32
        %dma_wait3A_405 = arith.constant 0 : i32
        %dma_wait3A_406 = tpu.memref_slice %arg2[%dma_wait3A_404, %dma_wait3A_405] : memref<65536x16xf32, #tpu.memory_space<hbm>> -> memref<65536x16xf32, #tpu.memory_space<hbm>>
        tpu.wait_indirect_dma semaphore(%arg14 : memref<!tpu.dma_semaphore, #tpu.memory_space<semaphore_mem>>) src(%dma_wait3A_406 : memref<65536x16xf32, #tpu.memory_space<hbm>>) dst(%dma_wait3A_400 : memref<128x16xf32, #tpu.memory_space<vmem>>)
        %dma_wait3A_407 = arith.constant 1 : i32
        %dma_wait3A_408 = arith.constant 1 : i32
        %dma_wait3A_409 = arith.constant 0 : i32
        %dma_wait3A_410 = arith.constant 0 : i32
        %dma_wait3A_411 = tpu.memref_slice %arg8[%dma_wait3A_408, %dma_wait3A_409, %dma_wait3A_410] : memref<8x128x16xf32, #tpu.memory_space<vmem>> -> memref<1x128x16xf32, #tpu.memory_space<vmem>>
        %dma_wait3A_412 = tpu.memref_squeeze %dma_wait3A_411 : memref<1x128x16xf32, #tpu.memory_space<vmem>> -> memref<128x16xf32, #tpu.memory_space<vmem>>
        %dma_wait3A_413 = arith.constant 0 : i32
        %dma_wait3A_414 = tpu.memref_slice %arg6[%dma_wait3A_407, %dma_wait3A_413] : memref<8x128xi32, #tpu.memory_space<vmem>> -> memref<1x128xi32, #tpu.memory_space<vmem>>
        %dma_wait3A_415 = tpu.memref_squeeze %dma_wait3A_414 : memref<1x128xi32, #tpu.memory_space<vmem>> -> memref<128xi32, #tpu.memory_space<vmem>>
        %dma_wait3A_416 = arith.constant 0 : i32
        %dma_wait3A_417 = arith.constant 0 : i32
        %dma_wait3A_418 = tpu.memref_slice %arg2[%dma_wait3A_416, %dma_wait3A_417] : memref<65536x16xf32, #tpu.memory_space<hbm>> -> memref<65536x16xf32, #tpu.memory_space<hbm>>
        tpu.wait_indirect_dma semaphore(%arg14 : memref<!tpu.dma_semaphore, #tpu.memory_space<semaphore_mem>>) src(%dma_wait3A_418 : memref<65536x16xf32, #tpu.memory_space<hbm>>) dst(%dma_wait3A_412 : memref<128x16xf32, #tpu.memory_space<vmem>>)
        %dma_wait3A_419 = arith.constant 2 : i32
        %dma_wait3A_420 = arith.constant 2 : i32
        %dma_wait3A_421 = arith.constant 0 : i32
        %dma_wait3A_422 = arith.constant 0 : i32
        %dma_wait3A_423 = tpu.memref_slice %arg8[%dma_wait3A_420, %dma_wait3A_421, %dma_wait3A_422] : memref<8x128x16xf32, #tpu.memory_space<vmem>> -> memref<1x128x16xf32, #tpu.memory_space<vmem>>
        %dma_wait3A_424 = tpu.memref_squeeze %dma_wait3A_423 : memref<1x128x16xf32, #tpu.memory_space<vmem>> -> memref<128x16xf32, #tpu.memory_space<vmem>>
        %dma_wait3A_425 = arith.constant 0 : i32
        %dma_wait3A_426 = tpu.memref_slice %arg6[%dma_wait3A_419, %dma_wait3A_425] : memref<8x128xi32, #tpu.memory_space<vmem>> -> memref<1x128xi32, #tpu.memory_space<vmem>>
        %dma_wait3A_427 = tpu.memref_squeeze %dma_wait3A_426 : memref<1x128xi32, #tpu.memory_space<vmem>> -> memref<128xi32, #tpu.memory_space<vmem>>
        %dma_wait3A_428 = arith.constant 0 : i32
        %dma_wait3A_429 = arith.constant 0 : i32
        %dma_wait3A_430 = tpu.memref_slice %arg2[%dma_wait3A_428, %dma_wait3A_429] : memref<65536x16xf32, #tpu.memory_space<hbm>> -> memref<65536x16xf32, #tpu.memory_space<hbm>>
        tpu.wait_indirect_dma semaphore(%arg14 : memref<!tpu.dma_semaphore, #tpu.memory_space<semaphore_mem>>) src(%dma_wait3A_430 : memref<65536x16xf32, #tpu.memory_space<hbm>>) dst(%dma_wait3A_424 : memref<128x16xf32, #tpu.memory_space<vmem>>)
        %dma_wait3A_431 = arith.constant 3 : i32
        %dma_wait3A_432 = arith.constant 3 : i32
        %dma_wait3A_433 = arith.constant 0 : i32
        %dma_wait3A_434 = arith.constant 0 : i32
        %dma_wait3A_435 = tpu.memref_slice %arg8[%dma_wait3A_432, %dma_wait3A_433, %dma_wait3A_434] : memref<8x128x16xf32, #tpu.memory_space<vmem>> -> memref<1x128x16xf32, #tpu.memory_space<vmem>>
        %dma_wait3A_436 = tpu.memref_squeeze %dma_wait3A_435 : memref<1x128x16xf32, #tpu.memory_space<vmem>> -> memref<128x16xf32, #tpu.memory_space<vmem>>
        %dma_wait3A_437 = arith.constant 0 : i32
        %dma_wait3A_438 = tpu.memref_slice %arg6[%dma_wait3A_431, %dma_wait3A_437] : memref<8x128xi32, #tpu.memory_space<vmem>> -> memref<1x128xi32, #tpu.memory_space<vmem>>
        %dma_wait3A_439 = tpu.memref_squeeze %dma_wait3A_438 : memref<1x128xi32, #tpu.memory_space<vmem>> -> memref<128xi32, #tpu.memory_space<vmem>>
        %dma_wait3A_440 = arith.constant 0 : i32
        %dma_wait3A_441 = arith.constant 0 : i32
        %dma_wait3A_442 = tpu.memref_slice %arg2[%dma_wait3A_440, %dma_wait3A_441] : memref<65536x16xf32, #tpu.memory_space<hbm>> -> memref<65536x16xf32, #tpu.memory_space<hbm>>
        tpu.wait_indirect_dma semaphore(%arg14 : memref<!tpu.dma_semaphore, #tpu.memory_space<semaphore_mem>>) src(%dma_wait3A_442 : memref<65536x16xf32, #tpu.memory_space<hbm>>) dst(%dma_wait3A_436 : memref<128x16xf32, #tpu.memory_space<vmem>>)
        %dma_wait3A_443 = arith.constant 4 : i32
        %dma_wait3A_444 = arith.constant 4 : i32
        %dma_wait3A_445 = arith.constant 0 : i32
        %dma_wait3A_446 = arith.constant 0 : i32
        %dma_wait3A_447 = tpu.memref_slice %arg8[%dma_wait3A_444, %dma_wait3A_445, %dma_wait3A_446] : memref<8x128x16xf32, #tpu.memory_space<vmem>> -> memref<1x128x16xf32, #tpu.memory_space<vmem>>
        %dma_wait3A_448 = tpu.memref_squeeze %dma_wait3A_447 : memref<1x128x16xf32, #tpu.memory_space<vmem>> -> memref<128x16xf32, #tpu.memory_space<vmem>>
        %dma_wait3A_449 = arith.constant 0 : i32
        %dma_wait3A_450 = tpu.memref_slice %arg6[%dma_wait3A_443, %dma_wait3A_449] : memref<8x128xi32, #tpu.memory_space<vmem>> -> memref<1x128xi32, #tpu.memory_space<vmem>>
        %dma_wait3A_451 = tpu.memref_squeeze %dma_wait3A_450 : memref<1x128xi32, #tpu.memory_space<vmem>> -> memref<128xi32, #tpu.memory_space<vmem>>
        %dma_wait3A_452 = arith.constant 0 : i32
        %dma_wait3A_453 = arith.constant 0 : i32
        %dma_wait3A_454 = tpu.memref_slice %arg2[%dma_wait3A_452, %dma_wait3A_453] : memref<65536x16xf32, #tpu.memory_space<hbm>> -> memref<65536x16xf32, #tpu.memory_space<hbm>>
        tpu.wait_indirect_dma semaphore(%arg14 : memref<!tpu.dma_semaphore, #tpu.memory_space<semaphore_mem>>) src(%dma_wait3A_454 : memref<65536x16xf32, #tpu.memory_space<hbm>>) dst(%dma_wait3A_448 : memref<128x16xf32, #tpu.memory_space<vmem>>)
        %dma_wait3A_455 = arith.constant 5 : i32
        %dma_wait3A_456 = arith.constant 5 : i32
        %dma_wait3A_457 = arith.constant 0 : i32
        %dma_wait3A_458 = arith.constant 0 : i32
        %dma_wait3A_459 = tpu.memref_slice %arg8[%dma_wait3A_456, %dma_wait3A_457, %dma_wait3A_458] : memref<8x128x16xf32, #tpu.memory_space<vmem>> -> memref<1x128x16xf32, #tpu.memory_space<vmem>>
        %dma_wait3A_460 = tpu.memref_squeeze %dma_wait3A_459 : memref<1x128x16xf32, #tpu.memory_space<vmem>> -> memref<128x16xf32, #tpu.memory_space<vmem>>
        %dma_wait3A_461 = arith.constant 0 : i32
        %dma_wait3A_462 = tpu.memref_slice %arg6[%dma_wait3A_455, %dma_wait3A_461] : memref<8x128xi32, #tpu.memory_space<vmem>> -> memref<1x128xi32, #tpu.memory_space<vmem>>
        %dma_wait3A_463 = tpu.memref_squeeze %dma_wait3A_462 : memref<1x128xi32, #tpu.memory_space<vmem>> -> memref<128xi32, #tpu.memory_space<vmem>>
        %dma_wait3A_464 = arith.constant 0 : i32
        %dma_wait3A_465 = arith.constant 0 : i32
        %dma_wait3A_466 = tpu.memref_slice %arg2[%dma_wait3A_464, %dma_wait3A_465] : memref<65536x16xf32, #tpu.memory_space<hbm>> -> memref<65536x16xf32, #tpu.memory_space<hbm>>
        tpu.wait_indirect_dma semaphore(%arg14 : memref<!tpu.dma_semaphore, #tpu.memory_space<semaphore_mem>>) src(%dma_wait3A_466 : memref<65536x16xf32, #tpu.memory_space<hbm>>) dst(%dma_wait3A_460 : memref<128x16xf32, #tpu.memory_space<vmem>>)
        %dma_wait3A_467 = arith.constant 6 : i32
        %dma_wait3A_468 = arith.constant 6 : i32
        %dma_wait3A_469 = arith.constant 0 : i32
        %dma_wait3A_470 = arith.constant 0 : i32
        %dma_wait3A_471 = tpu.memref_slice %arg8[%dma_wait3A_468, %dma_wait3A_469, %dma_wait3A_470] : memref<8x128x16xf32, #tpu.memory_space<vmem>> -> memref<1x128x16xf32, #tpu.memory_space<vmem>>
        %dma_wait3A_472 = tpu.memref_squeeze %dma_wait3A_471 : memref<1x128x16xf32, #tpu.memory_space<vmem>> -> memref<128x16xf32, #tpu.memory_space<vmem>>
        %dma_wait3A_473 = arith.constant 0 : i32
        %dma_wait3A_474 = tpu.memref_slice %arg6[%dma_wait3A_467, %dma_wait3A_473] : memref<8x128xi32, #tpu.memory_space<vmem>> -> memref<1x128xi32, #tpu.memory_space<vmem>>
        %dma_wait3A_475 = tpu.memref_squeeze %dma_wait3A_474 : memref<1x128xi32, #tpu.memory_space<vmem>> -> memref<128xi32, #tpu.memory_space<vmem>>
        %dma_wait3A_476 = arith.constant 0 : i32
        %dma_wait3A_477 = arith.constant 0 : i32
        %dma_wait3A_478 = tpu.memref_slice %arg2[%dma_wait3A_476, %dma_wait3A_477] : memref<65536x16xf32, #tpu.memory_space<hbm>> -> memref<65536x16xf32, #tpu.memory_space<hbm>>
        tpu.wait_indirect_dma semaphore(%arg14 : memref<!tpu.dma_semaphore, #tpu.memory_space<semaphore_mem>>) src(%dma_wait3A_478 : memref<65536x16xf32, #tpu.memory_space<hbm>>) dst(%dma_wait3A_472 : memref<128x16xf32, #tpu.memory_space<vmem>>)
        %dma_wait3A_479 = arith.constant 7 : i32
        %dma_wait3A_480 = arith.constant 7 : i32
        %dma_wait3A_481 = arith.constant 0 : i32
        %dma_wait3A_482 = arith.constant 0 : i32
        %dma_wait3A_483 = tpu.memref_slice %arg8[%dma_wait3A_480, %dma_wait3A_481, %dma_wait3A_482] : memref<8x128x16xf32, #tpu.memory_space<vmem>> -> memref<1x128x16xf32, #tpu.memory_space<vmem>>
        %dma_wait3A_484 = tpu.memref_squeeze %dma_wait3A_483 : memref<1x128x16xf32, #tpu.memory_space<vmem>> -> memref<128x16xf32, #tpu.memory_space<vmem>>
        %dma_wait3A_485 = arith.constant 0 : i32
        %dma_wait3A_486 = tpu.memref_slice %arg6[%dma_wait3A_479, %dma_wait3A_485] : memref<8x128xi32, #tpu.memory_space<vmem>> -> memref<1x128xi32, #tpu.memory_space<vmem>>
        %dma_wait3A_487 = tpu.memref_squeeze %dma_wait3A_486 : memref<1x128xi32, #tpu.memory_space<vmem>> -> memref<128xi32, #tpu.memory_space<vmem>>
        %dma_wait3A_488 = arith.constant 0 : i32
        %dma_wait3A_489 = arith.constant 0 : i32
        %dma_wait3A_490 = tpu.memref_slice %arg2[%dma_wait3A_488, %dma_wait3A_489] : memref<65536x16xf32, #tpu.memory_space<hbm>> -> memref<65536x16xf32, #tpu.memory_space<hbm>>
        tpu.wait_indirect_dma semaphore(%arg14 : memref<!tpu.dma_semaphore, #tpu.memory_space<semaphore_mem>>) src(%dma_wait3A_490 : memref<65536x16xf32, #tpu.memory_space<hbm>>) dst(%dma_wait3A_484 : memref<128x16xf32, #tpu.memory_space<vmem>>)
        %dma_start3A_491 = arith.constant 0 : i32
        %dma_start3A_492 = arith.constant 0 : i32
        %dma_start3A_493 = arith.constant 0 : i32
        %dma_start3A_494 = arith.constant 0 : i32
        %dma_start3A_495 = tpu.memref_slice %arg8[%dma_start3A_491, %dma_start3A_493, %dma_start3A_494] : memref<8x128x16xf32, #tpu.memory_space<vmem>> -> memref<1x128x16xf32, #tpu.memory_space<vmem>>
        %dma_start3A_496 = tpu.memref_squeeze %dma_start3A_495 : memref<1x128x16xf32, #tpu.memory_space<vmem>> -> memref<128x16xf32, #tpu.memory_space<vmem>>
        %dma_start3A_497 = arith.constant 0 : i32
        %dma_start3A_498 = tpu.memref_slice %arg7[%dma_start3A_492, %dma_start3A_497] : memref<8x128xi32, #tpu.memory_space<vmem>> -> memref<1x128xi32, #tpu.memory_space<vmem>>
        %dma_start3A_499 = tpu.memref_squeeze %dma_start3A_498 : memref<1x128xi32, #tpu.memory_space<vmem>> -> memref<128xi32, #tpu.memory_space<vmem>>
        %dma_start3A_500 = arith.constant 0 : i32
        %dma_start3A_501 = arith.constant 0 : i32
        %dma_start3A_502 = tpu.memref_slice %arg13[%dma_start3A_500, %dma_start3A_501] : memref<65536x16xf32, #tpu.memory_space<vmem_shared>> -> memref<65536x16xf32, #tpu.memory_space<vmem_shared>>
        tpu.enqueue_indirect_dma source(%dma_start3A_496 : memref<128x16xf32, #tpu.memory_space<vmem>>) target(%dma_start3A_502 : memref<65536x16xf32, #tpu.memory_space<vmem_shared>>) offsets(%dma_start3A_499 : memref<128xi32, #tpu.memory_space<vmem>>) semaphore(%arg15 : memref<!tpu.dma_semaphore, #tpu.memory_space<semaphore_mem>>) {add = true}
        %dma_start3A_503 = arith.constant 1 : i32
        %dma_start3A_504 = arith.constant 1 : i32
        %dma_start3A_505 = arith.constant 0 : i32
        %dma_start3A_506 = arith.constant 0 : i32
        %dma_start3A_507 = tpu.memref_slice %arg8[%dma_start3A_503, %dma_start3A_505, %dma_start3A_506] : memref<8x128x16xf32, #tpu.memory_space<vmem>> -> memref<1x128x16xf32, #tpu.memory_space<vmem>>
        %dma_start3A_508 = tpu.memref_squeeze %dma_start3A_507 : memref<1x128x16xf32, #tpu.memory_space<vmem>> -> memref<128x16xf32, #tpu.memory_space<vmem>>
        %dma_start3A_509 = arith.constant 0 : i32
        %dma_start3A_510 = tpu.memref_slice %arg7[%dma_start3A_504, %dma_start3A_509] : memref<8x128xi32, #tpu.memory_space<vmem>> -> memref<1x128xi32, #tpu.memory_space<vmem>>
        %dma_start3A_511 = tpu.memref_squeeze %dma_start3A_510 : memref<1x128xi32, #tpu.memory_space<vmem>> -> memref<128xi32, #tpu.memory_space<vmem>>
        %dma_start3A_512 = arith.constant 0 : i32
        %dma_start3A_513 = arith.constant 0 : i32
        %dma_start3A_514 = tpu.memref_slice %arg13[%dma_start3A_512, %dma_start3A_513] : memref<65536x16xf32, #tpu.memory_space<vmem_shared>> -> memref<65536x16xf32, #tpu.memory_space<vmem_shared>>
        tpu.enqueue_indirect_dma source(%dma_start3A_508 : memref<128x16xf32, #tpu.memory_space<vmem>>) target(%dma_start3A_514 : memref<65536x16xf32, #tpu.memory_space<vmem_shared>>) offsets(%dma_start3A_511 : memref<128xi32, #tpu.memory_space<vmem>>) semaphore(%arg15 : memref<!tpu.dma_semaphore, #tpu.memory_space<semaphore_mem>>) {add = true}
        %dma_start3A_515 = arith.constant 2 : i32
        %dma_start3A_516 = arith.constant 2 : i32
        %dma_start3A_517 = arith.constant 0 : i32
        %dma_start3A_518 = arith.constant 0 : i32
        %dma_start3A_519 = tpu.memref_slice %arg8[%dma_start3A_515, %dma_start3A_517, %dma_start3A_518] : memref<8x128x16xf32, #tpu.memory_space<vmem>> -> memref<1x128x16xf32, #tpu.memory_space<vmem>>
        %dma_start3A_520 = tpu.memref_squeeze %dma_start3A_519 : memref<1x128x16xf32, #tpu.memory_space<vmem>> -> memref<128x16xf32, #tpu.memory_space<vmem>>
        %dma_start3A_521 = arith.constant 0 : i32
        %dma_start3A_522 = tpu.memref_slice %arg7[%dma_start3A_516, %dma_start3A_521] : memref<8x128xi32, #tpu.memory_space<vmem>> -> memref<1x128xi32, #tpu.memory_space<vmem>>
        %dma_start3A_523 = tpu.memref_squeeze %dma_start3A_522 : memref<1x128xi32, #tpu.memory_space<vmem>> -> memref<128xi32, #tpu.memory_space<vmem>>
        %dma_start3A_524 = arith.constant 0 : i32
        %dma_start3A_525 = arith.constant 0 : i32
        %dma_start3A_526 = tpu.memref_slice %arg13[%dma_start3A_524, %dma_start3A_525] : memref<65536x16xf32, #tpu.memory_space<vmem_shared>> -> memref<65536x16xf32, #tpu.memory_space<vmem_shared>>
        tpu.enqueue_indirect_dma source(%dma_start3A_520 : memref<128x16xf32, #tpu.memory_space<vmem>>) target(%dma_start3A_526 : memref<65536x16xf32, #tpu.memory_space<vmem_shared>>) offsets(%dma_start3A_523 : memref<128xi32, #tpu.memory_space<vmem>>) semaphore(%arg15 : memref<!tpu.dma_semaphore, #tpu.memory_space<semaphore_mem>>) {add = true}
        %dma_start3A_527 = arith.constant 3 : i32
        %dma_start3A_528 = arith.constant 3 : i32
        %dma_start3A_529 = arith.constant 0 : i32
        %dma_start3A_530 = arith.constant 0 : i32
        %dma_start3A_531 = tpu.memref_slice %arg8[%dma_start3A_527, %dma_start3A_529, %dma_start3A_530] : memref<8x128x16xf32, #tpu.memory_space<vmem>> -> memref<1x128x16xf32, #tpu.memory_space<vmem>>
        %dma_start3A_532 = tpu.memref_squeeze %dma_start3A_531 : memref<1x128x16xf32, #tpu.memory_space<vmem>> -> memref<128x16xf32, #tpu.memory_space<vmem>>
        %dma_start3A_533 = arith.constant 0 : i32
        %dma_start3A_534 = tpu.memref_slice %arg7[%dma_start3A_528, %dma_start3A_533] : memref<8x128xi32, #tpu.memory_space<vmem>> -> memref<1x128xi32, #tpu.memory_space<vmem>>
        %dma_start3A_535 = tpu.memref_squeeze %dma_start3A_534 : memref<1x128xi32, #tpu.memory_space<vmem>> -> memref<128xi32, #tpu.memory_space<vmem>>
        %dma_start3A_536 = arith.constant 0 : i32
        %dma_start3A_537 = arith.constant 0 : i32
        %dma_start3A_538 = tpu.memref_slice %arg13[%dma_start3A_536, %dma_start3A_537] : memref<65536x16xf32, #tpu.memory_space<vmem_shared>> -> memref<65536x16xf32, #tpu.memory_space<vmem_shared>>
        tpu.enqueue_indirect_dma source(%dma_start3A_532 : memref<128x16xf32, #tpu.memory_space<vmem>>) target(%dma_start3A_538 : memref<65536x16xf32, #tpu.memory_space<vmem_shared>>) offsets(%dma_start3A_535 : memref<128xi32, #tpu.memory_space<vmem>>) semaphore(%arg15 : memref<!tpu.dma_semaphore, #tpu.memory_space<semaphore_mem>>) {add = true}
        %dma_start3A_539 = arith.constant 4 : i32
        %dma_start3A_540 = arith.constant 4 : i32
        %dma_start3A_541 = arith.constant 0 : i32
        %dma_start3A_542 = arith.constant 0 : i32
        %dma_start3A_543 = tpu.memref_slice %arg8[%dma_start3A_539, %dma_start3A_541, %dma_start3A_542] : memref<8x128x16xf32, #tpu.memory_space<vmem>> -> memref<1x128x16xf32, #tpu.memory_space<vmem>>
        %dma_start3A_544 = tpu.memref_squeeze %dma_start3A_543 : memref<1x128x16xf32, #tpu.memory_space<vmem>> -> memref<128x16xf32, #tpu.memory_space<vmem>>
        %dma_start3A_545 = arith.constant 0 : i32
        %dma_start3A_546 = tpu.memref_slice %arg7[%dma_start3A_540, %dma_start3A_545] : memref<8x128xi32, #tpu.memory_space<vmem>> -> memref<1x128xi32, #tpu.memory_space<vmem>>
        %dma_start3A_547 = tpu.memref_squeeze %dma_start3A_546 : memref<1x128xi32, #tpu.memory_space<vmem>> -> memref<128xi32, #tpu.memory_space<vmem>>
        %dma_start3A_548 = arith.constant 0 : i32
        %dma_start3A_549 = arith.constant 0 : i32
        %dma_start3A_550 = tpu.memref_slice %arg13[%dma_start3A_548, %dma_start3A_549] : memref<65536x16xf32, #tpu.memory_space<vmem_shared>> -> memref<65536x16xf32, #tpu.memory_space<vmem_shared>>
        tpu.enqueue_indirect_dma source(%dma_start3A_544 : memref<128x16xf32, #tpu.memory_space<vmem>>) target(%dma_start3A_550 : memref<65536x16xf32, #tpu.memory_space<vmem_shared>>) offsets(%dma_start3A_547 : memref<128xi32, #tpu.memory_space<vmem>>) semaphore(%arg15 : memref<!tpu.dma_semaphore, #tpu.memory_space<semaphore_mem>>) {add = true}
        %dma_start3A_551 = arith.constant 5 : i32
        %dma_start3A_552 = arith.constant 5 : i32
        %dma_start3A_553 = arith.constant 0 : i32
        %dma_start3A_554 = arith.constant 0 : i32
        %dma_start3A_555 = tpu.memref_slice %arg8[%dma_start3A_551, %dma_start3A_553, %dma_start3A_554] : memref<8x128x16xf32, #tpu.memory_space<vmem>> -> memref<1x128x16xf32, #tpu.memory_space<vmem>>
        %dma_start3A_556 = tpu.memref_squeeze %dma_start3A_555 : memref<1x128x16xf32, #tpu.memory_space<vmem>> -> memref<128x16xf32, #tpu.memory_space<vmem>>
        %dma_start3A_557 = arith.constant 0 : i32
        %dma_start3A_558 = tpu.memref_slice %arg7[%dma_start3A_552, %dma_start3A_557] : memref<8x128xi32, #tpu.memory_space<vmem>> -> memref<1x128xi32, #tpu.memory_space<vmem>>
        %dma_start3A_559 = tpu.memref_squeeze %dma_start3A_558 : memref<1x128xi32, #tpu.memory_space<vmem>> -> memref<128xi32, #tpu.memory_space<vmem>>
        %dma_start3A_560 = arith.constant 0 : i32
        %dma_start3A_561 = arith.constant 0 : i32
        %dma_start3A_562 = tpu.memref_slice %arg13[%dma_start3A_560, %dma_start3A_561] : memref<65536x16xf32, #tpu.memory_space<vmem_shared>> -> memref<65536x16xf32, #tpu.memory_space<vmem_shared>>
        tpu.enqueue_indirect_dma source(%dma_start3A_556 : memref<128x16xf32, #tpu.memory_space<vmem>>) target(%dma_start3A_562 : memref<65536x16xf32, #tpu.memory_space<vmem_shared>>) offsets(%dma_start3A_559 : memref<128xi32, #tpu.memory_space<vmem>>) semaphore(%arg15 : memref<!tpu.dma_semaphore, #tpu.memory_space<semaphore_mem>>) {add = true}
        %dma_start3A_563 = arith.constant 6 : i32
        %dma_start3A_564 = arith.constant 6 : i32
        %dma_start3A_565 = arith.constant 0 : i32
        %dma_start3A_566 = arith.constant 0 : i32
        %dma_start3A_567 = tpu.memref_slice %arg8[%dma_start3A_563, %dma_start3A_565, %dma_start3A_566] : memref<8x128x16xf32, #tpu.memory_space<vmem>> -> memref<1x128x16xf32, #tpu.memory_space<vmem>>
        %dma_start3A_568 = tpu.memref_squeeze %dma_start3A_567 : memref<1x128x16xf32, #tpu.memory_space<vmem>> -> memref<128x16xf32, #tpu.memory_space<vmem>>
        %dma_start3A_569 = arith.constant 0 : i32
        %dma_start3A_570 = tpu.memref_slice %arg7[%dma_start3A_564, %dma_start3A_569] : memref<8x128xi32, #tpu.memory_space<vmem>> -> memref<1x128xi32, #tpu.memory_space<vmem>>
        %dma_start3A_571 = tpu.memref_squeeze %dma_start3A_570 : memref<1x128xi32, #tpu.memory_space<vmem>> -> memref<128xi32, #tpu.memory_space<vmem>>
        %dma_start3A_572 = arith.constant 0 : i32
        %dma_start3A_573 = arith.constant 0 : i32
        %dma_start3A_574 = tpu.memref_slice %arg13[%dma_start3A_572, %dma_start3A_573] : memref<65536x16xf32, #tpu.memory_space<vmem_shared>> -> memref<65536x16xf32, #tpu.memory_space<vmem_shared>>
        tpu.enqueue_indirect_dma source(%dma_start3A_568 : memref<128x16xf32, #tpu.memory_space<vmem>>) target(%dma_start3A_574 : memref<65536x16xf32, #tpu.memory_space<vmem_shared>>) offsets(%dma_start3A_571 : memref<128xi32, #tpu.memory_space<vmem>>) semaphore(%arg15 : memref<!tpu.dma_semaphore, #tpu.memory_space<semaphore_mem>>) {add = true}
        %dma_start3A_575 = arith.constant 7 : i32
        %dma_start3A_576 = arith.constant 7 : i32
        %dma_start3A_577 = arith.constant 0 : i32
        %dma_start3A_578 = arith.constant 0 : i32
        %dma_start3A_579 = tpu.memref_slice %arg8[%dma_start3A_575, %dma_start3A_577, %dma_start3A_578] : memref<8x128x16xf32, #tpu.memory_space<vmem>> -> memref<1x128x16xf32, #tpu.memory_space<vmem>>
        %dma_start3A_580 = tpu.memref_squeeze %dma_start3A_579 : memref<1x128x16xf32, #tpu.memory_space<vmem>> -> memref<128x16xf32, #tpu.memory_space<vmem>>
        %dma_start3A_581 = arith.constant 0 : i32
        %dma_start3A_582 = tpu.memref_slice %arg7[%dma_start3A_576, %dma_start3A_581] : memref<8x128xi32, #tpu.memory_space<vmem>> -> memref<1x128xi32, #tpu.memory_space<vmem>>
        %dma_start3A_583 = tpu.memref_squeeze %dma_start3A_582 : memref<1x128xi32, #tpu.memory_space<vmem>> -> memref<128xi32, #tpu.memory_space<vmem>>
        %dma_start3A_584 = arith.constant 0 : i32
        %dma_start3A_585 = arith.constant 0 : i32
        %dma_start3A_586 = tpu.memref_slice %arg13[%dma_start3A_584, %dma_start3A_585] : memref<65536x16xf32, #tpu.memory_space<vmem_shared>> -> memref<65536x16xf32, #tpu.memory_space<vmem_shared>>
        tpu.enqueue_indirect_dma source(%dma_start3A_580 : memref<128x16xf32, #tpu.memory_space<vmem>>) target(%dma_start3A_586 : memref<65536x16xf32, #tpu.memory_space<vmem_shared>>) offsets(%dma_start3A_583 : memref<128xi32, #tpu.memory_space<vmem>>) semaphore(%arg15 : memref<!tpu.dma_semaphore, #tpu.memory_space<semaphore_mem>>) {add = true}
      } else {
      }
      %jit3A_272 = arith.constant 2 : i32
      %eq3A_273 = arith.constant 0 : i32
      %eq3A_274 = arith.cmpi eq, %jit3A_272, %eq3A_273 : i32
      %jit3A_275 = arith.constant 1 : i32
      %select_n3A_276 = arith.select %eq3A_274, %jit3A_275, %jit3A_272 : i32
      %rem3A_277 = arith.remsi %scan3A_259, %select_n3A_276 : i32
      %ne3A_278 = arith.constant 0 : i32
      %ne3A_279 = arith.cmpi ne, %rem3A_277, %ne3A_278 : i32
      %lt3A_280 = arith.constant 0 : i32
      %lt3A_281 = arith.cmpi slt, %rem3A_277, %lt3A_280 : i32
      %lt3A_282 = arith.constant 0 : i32
      %lt3A_283 = arith.cmpi slt, %select_n3A_276, %lt3A_282 : i32
      %ne3A_284 = arith.xori %lt3A_281, %lt3A_283 : i1
      %and3A_285 = arith.andi %ne3A_284, %ne3A_279 : i1
      %add3A_286 = arith.addi %rem3A_277, %select_n3A_276 : i32
      %select_n3A_287 = arith.select %and3A_285, %add3A_286, %rem3A_277 : i32
      %eq3A_288 = arith.constant 1 : i32
      %eq3A_289 = arith.cmpi eq, %select_n3A_287, %eq3A_288 : i32
      %convert_element_type3A_290 = arith.extui %eq3A_289 : i1 to i32
      %cond3A_291 = arith.constant 0 : i32
      %cond3A_292 = arith.cmpi ne, %convert_element_type3A_290, %cond3A_291 : i32
      scf.if %cond3A_292 {
        %ge3A = arith.constant 2 : i32
        %ge3A_293 = arith.cmpi sge, %scan3A_259, %ge3A : i32
        %convert_element_type3A_294 = arith.extui %ge3A_293 : i1 to i32
        %cond3A_295 = arith.constant 0 : i32
        %cond3A_296 = arith.cmpi ne, %convert_element_type3A_294, %cond3A_295 : i32
        scf.if %cond3A_296 {
          %dma_wait3A_587 = arith.constant 0 : i32
          %dma_wait3A_588 = arith.constant 0 : i32
          %dma_wait3A_589 = arith.constant 0 : i32
          %dma_wait3A_590 = arith.constant 0 : i32
          %dma_wait3A_591 = tpu.memref_slice %arg11[%dma_wait3A_587, %dma_wait3A_589, %dma_wait3A_590] : memref<8x128x16xf32, #tpu.memory_space<vmem>> -> memref<1x128x16xf32, #tpu.memory_space<vmem>>
          %dma_wait3A_592 = tpu.memref_squeeze %dma_wait3A_591 : memref<1x128x16xf32, #tpu.memory_space<vmem>> -> memref<128x16xf32, #tpu.memory_space<vmem>>
          %dma_wait3A_593 = arith.constant 0 : i32
          %dma_wait3A_594 = tpu.memref_slice %arg10[%dma_wait3A_588, %dma_wait3A_593] : memref<8x128xi32, #tpu.memory_space<vmem>> -> memref<1x128xi32, #tpu.memory_space<vmem>>
          %dma_wait3A_595 = tpu.memref_squeeze %dma_wait3A_594 : memref<1x128xi32, #tpu.memory_space<vmem>> -> memref<128xi32, #tpu.memory_space<vmem>>
          %dma_wait3A_596 = arith.constant 0 : i32
          %dma_wait3A_597 = arith.constant 0 : i32
          %dma_wait3A_598 = tpu.memref_slice %arg13[%dma_wait3A_596, %dma_wait3A_597] : memref<65536x16xf32, #tpu.memory_space<vmem_shared>> -> memref<65536x16xf32, #tpu.memory_space<vmem_shared>>
          tpu.wait_indirect_dma semaphore(%arg16 : memref<!tpu.dma_semaphore, #tpu.memory_space<semaphore_mem>>) src(%dma_wait3A_592 : memref<128x16xf32, #tpu.memory_space<vmem>>) dst(%dma_wait3A_598 : memref<65536x16xf32, #tpu.memory_space<vmem_shared>>)
          %dma_wait3A_599 = arith.constant 1 : i32
          %dma_wait3A_600 = arith.constant 1 : i32
          %dma_wait3A_601 = arith.constant 0 : i32
          %dma_wait3A_602 = arith.constant 0 : i32
          %dma_wait3A_603 = tpu.memref_slice %arg11[%dma_wait3A_599, %dma_wait3A_601, %dma_wait3A_602] : memref<8x128x16xf32, #tpu.memory_space<vmem>> -> memref<1x128x16xf32, #tpu.memory_space<vmem>>
          %dma_wait3A_604 = tpu.memref_squeeze %dma_wait3A_603 : memref<1x128x16xf32, #tpu.memory_space<vmem>> -> memref<128x16xf32, #tpu.memory_space<vmem>>
          %dma_wait3A_605 = arith.constant 0 : i32
          %dma_wait3A_606 = tpu.memref_slice %arg10[%dma_wait3A_600, %dma_wait3A_605] : memref<8x128xi32, #tpu.memory_space<vmem>> -> memref<1x128xi32, #tpu.memory_space<vmem>>
          %dma_wait3A_607 = tpu.memref_squeeze %dma_wait3A_606 : memref<1x128xi32, #tpu.memory_space<vmem>> -> memref<128xi32, #tpu.memory_space<vmem>>
          %dma_wait3A_608 = arith.constant 0 : i32
          %dma_wait3A_609 = arith.constant 0 : i32
          %dma_wait3A_610 = tpu.memref_slice %arg13[%dma_wait3A_608, %dma_wait3A_609] : memref<65536x16xf32, #tpu.memory_space<vmem_shared>> -> memref<65536x16xf32, #tpu.memory_space<vmem_shared>>
          tpu.wait_indirect_dma semaphore(%arg16 : memref<!tpu.dma_semaphore, #tpu.memory_space<semaphore_mem>>) src(%dma_wait3A_604 : memref<128x16xf32, #tpu.memory_space<vmem>>) dst(%dma_wait3A_610 : memref<65536x16xf32, #tpu.memory_space<vmem_shared>>)
          %dma_wait3A_611 = arith.constant 2 : i32
          %dma_wait3A_612 = arith.constant 2 : i32
          %dma_wait3A_613 = arith.constant 0 : i32
          %dma_wait3A_614 = arith.constant 0 : i32
          %dma_wait3A_615 = tpu.memref_slice %arg11[%dma_wait3A_611, %dma_wait3A_613, %dma_wait3A_614] : memref<8x128x16xf32, #tpu.memory_space<vmem>> -> memref<1x128x16xf32, #tpu.memory_space<vmem>>
          %dma_wait3A_616 = tpu.memref_squeeze %dma_wait3A_615 : memref<1x128x16xf32, #tpu.memory_space<vmem>> -> memref<128x16xf32, #tpu.memory_space<vmem>>
          %dma_wait3A_617 = arith.constant 0 : i32
          %dma_wait3A_618 = tpu.memref_slice %arg10[%dma_wait3A_612, %dma_wait3A_617] : memref<8x128xi32, #tpu.memory_space<vmem>> -> memref<1x128xi32, #tpu.memory_space<vmem>>
          %dma_wait3A_619 = tpu.memref_squeeze %dma_wait3A_618 : memref<1x128xi32, #tpu.memory_space<vmem>> -> memref<128xi32, #tpu.memory_space<vmem>>
          %dma_wait3A_620 = arith.constant 0 : i32
          %dma_wait3A_621 = arith.constant 0 : i32
          %dma_wait3A_622 = tpu.memref_slice %arg13[%dma_wait3A_620, %dma_wait3A_621] : memref<65536x16xf32, #tpu.memory_space<vmem_shared>> -> memref<65536x16xf32, #tpu.memory_space<vmem_shared>>
          tpu.wait_indirect_dma semaphore(%arg16 : memref<!tpu.dma_semaphore, #tpu.memory_space<semaphore_mem>>) src(%dma_wait3A_616 : memref<128x16xf32, #tpu.memory_space<vmem>>) dst(%dma_wait3A_622 : memref<65536x16xf32, #tpu.memory_space<vmem_shared>>)
          %dma_wait3A_623 = arith.constant 3 : i32
          %dma_wait3A_624 = arith.constant 3 : i32
          %dma_wait3A_625 = arith.constant 0 : i32
          %dma_wait3A_626 = arith.constant 0 : i32
          %dma_wait3A_627 = tpu.memref_slice %arg11[%dma_wait3A_623, %dma_wait3A_625, %dma_wait3A_626] : memref<8x128x16xf32, #tpu.memory_space<vmem>> -> memref<1x128x16xf32, #tpu.memory_space<vmem>>
          %dma_wait3A_628 = tpu.memref_squeeze %dma_wait3A_627 : memref<1x128x16xf32, #tpu.memory_space<vmem>> -> memref<128x16xf32, #tpu.memory_space<vmem>>
          %dma_wait3A_629 = arith.constant 0 : i32
          %dma_wait3A_630 = tpu.memref_slice %arg10[%dma_wait3A_624, %dma_wait3A_629] : memref<8x128xi32, #tpu.memory_space<vmem>> -> memref<1x128xi32, #tpu.memory_space<vmem>>
          %dma_wait3A_631 = tpu.memref_squeeze %dma_wait3A_630 : memref<1x128xi32, #tpu.memory_space<vmem>> -> memref<128xi32, #tpu.memory_space<vmem>>
          %dma_wait3A_632 = arith.constant 0 : i32
          %dma_wait3A_633 = arith.constant 0 : i32
          %dma_wait3A_634 = tpu.memref_slice %arg13[%dma_wait3A_632, %dma_wait3A_633] : memref<65536x16xf32, #tpu.memory_space<vmem_shared>> -> memref<65536x16xf32, #tpu.memory_space<vmem_shared>>
          tpu.wait_indirect_dma semaphore(%arg16 : memref<!tpu.dma_semaphore, #tpu.memory_space<semaphore_mem>>) src(%dma_wait3A_628 : memref<128x16xf32, #tpu.memory_space<vmem>>) dst(%dma_wait3A_634 : memref<65536x16xf32, #tpu.memory_space<vmem_shared>>)
          %dma_wait3A_635 = arith.constant 4 : i32
          %dma_wait3A_636 = arith.constant 4 : i32
          %dma_wait3A_637 = arith.constant 0 : i32
          %dma_wait3A_638 = arith.constant 0 : i32
          %dma_wait3A_639 = tpu.memref_slice %arg11[%dma_wait3A_635, %dma_wait3A_637, %dma_wait3A_638] : memref<8x128x16xf32, #tpu.memory_space<vmem>> -> memref<1x128x16xf32, #tpu.memory_space<vmem>>
          %dma_wait3A_640 = tpu.memref_squeeze %dma_wait3A_639 : memref<1x128x16xf32, #tpu.memory_space<vmem>> -> memref<128x16xf32, #tpu.memory_space<vmem>>
          %dma_wait3A_641 = arith.constant 0 : i32
          %dma_wait3A_642 = tpu.memref_slice %arg10[%dma_wait3A_636, %dma_wait3A_641] : memref<8x128xi32, #tpu.memory_space<vmem>> -> memref<1x128xi32, #tpu.memory_space<vmem>>
          %dma_wait3A_643 = tpu.memref_squeeze %dma_wait3A_642 : memref<1x128xi32, #tpu.memory_space<vmem>> -> memref<128xi32, #tpu.memory_space<vmem>>
          %dma_wait3A_644 = arith.constant 0 : i32
          %dma_wait3A_645 = arith.constant 0 : i32
          %dma_wait3A_646 = tpu.memref_slice %arg13[%dma_wait3A_644, %dma_wait3A_645] : memref<65536x16xf32, #tpu.memory_space<vmem_shared>> -> memref<65536x16xf32, #tpu.memory_space<vmem_shared>>
          tpu.wait_indirect_dma semaphore(%arg16 : memref<!tpu.dma_semaphore, #tpu.memory_space<semaphore_mem>>) src(%dma_wait3A_640 : memref<128x16xf32, #tpu.memory_space<vmem>>) dst(%dma_wait3A_646 : memref<65536x16xf32, #tpu.memory_space<vmem_shared>>)
          %dma_wait3A_647 = arith.constant 5 : i32
          %dma_wait3A_648 = arith.constant 5 : i32
          %dma_wait3A_649 = arith.constant 0 : i32
          %dma_wait3A_650 = arith.constant 0 : i32
          %dma_wait3A_651 = tpu.memref_slice %arg11[%dma_wait3A_647, %dma_wait3A_649, %dma_wait3A_650] : memref<8x128x16xf32, #tpu.memory_space<vmem>> -> memref<1x128x16xf32, #tpu.memory_space<vmem>>
          %dma_wait3A_652 = tpu.memref_squeeze %dma_wait3A_651 : memref<1x128x16xf32, #tpu.memory_space<vmem>> -> memref<128x16xf32, #tpu.memory_space<vmem>>
          %dma_wait3A_653 = arith.constant 0 : i32
          %dma_wait3A_654 = tpu.memref_slice %arg10[%dma_wait3A_648, %dma_wait3A_653] : memref<8x128xi32, #tpu.memory_space<vmem>> -> memref<1x128xi32, #tpu.memory_space<vmem>>
          %dma_wait3A_655 = tpu.memref_squeeze %dma_wait3A_654 : memref<1x128xi32, #tpu.memory_space<vmem>> -> memref<128xi32, #tpu.memory_space<vmem>>
          %dma_wait3A_656 = arith.constant 0 : i32
          %dma_wait3A_657 = arith.constant 0 : i32
          %dma_wait3A_658 = tpu.memref_slice %arg13[%dma_wait3A_656, %dma_wait3A_657] : memref<65536x16xf32, #tpu.memory_space<vmem_shared>> -> memref<65536x16xf32, #tpu.memory_space<vmem_shared>>
          tpu.wait_indirect_dma semaphore(%arg16 : memref<!tpu.dma_semaphore, #tpu.memory_space<semaphore_mem>>) src(%dma_wait3A_652 : memref<128x16xf32, #tpu.memory_space<vmem>>) dst(%dma_wait3A_658 : memref<65536x16xf32, #tpu.memory_space<vmem_shared>>)
          %dma_wait3A_659 = arith.constant 6 : i32
          %dma_wait3A_660 = arith.constant 6 : i32
          %dma_wait3A_661 = arith.constant 0 : i32
          %dma_wait3A_662 = arith.constant 0 : i32
          %dma_wait3A_663 = tpu.memref_slice %arg11[%dma_wait3A_659, %dma_wait3A_661, %dma_wait3A_662] : memref<8x128x16xf32, #tpu.memory_space<vmem>> -> memref<1x128x16xf32, #tpu.memory_space<vmem>>
          %dma_wait3A_664 = tpu.memref_squeeze %dma_wait3A_663 : memref<1x128x16xf32, #tpu.memory_space<vmem>> -> memref<128x16xf32, #tpu.memory_space<vmem>>
          %dma_wait3A_665 = arith.constant 0 : i32
          %dma_wait3A_666 = tpu.memref_slice %arg10[%dma_wait3A_660, %dma_wait3A_665] : memref<8x128xi32, #tpu.memory_space<vmem>> -> memref<1x128xi32, #tpu.memory_space<vmem>>
          %dma_wait3A_667 = tpu.memref_squeeze %dma_wait3A_666 : memref<1x128xi32, #tpu.memory_space<vmem>> -> memref<128xi32, #tpu.memory_space<vmem>>
          %dma_wait3A_668 = arith.constant 0 : i32
          %dma_wait3A_669 = arith.constant 0 : i32
          %dma_wait3A_670 = tpu.memref_slice %arg13[%dma_wait3A_668, %dma_wait3A_669] : memref<65536x16xf32, #tpu.memory_space<vmem_shared>> -> memref<65536x16xf32, #tpu.memory_space<vmem_shared>>
          tpu.wait_indirect_dma semaphore(%arg16 : memref<!tpu.dma_semaphore, #tpu.memory_space<semaphore_mem>>) src(%dma_wait3A_664 : memref<128x16xf32, #tpu.memory_space<vmem>>) dst(%dma_wait3A_670 : memref<65536x16xf32, #tpu.memory_space<vmem_shared>>)
          %dma_wait3A_671 = arith.constant 7 : i32
          %dma_wait3A_672 = arith.constant 7 : i32
          %dma_wait3A_673 = arith.constant 0 : i32
          %dma_wait3A_674 = arith.constant 0 : i32
          %dma_wait3A_675 = tpu.memref_slice %arg11[%dma_wait3A_671, %dma_wait3A_673, %dma_wait3A_674] : memref<8x128x16xf32, #tpu.memory_space<vmem>> -> memref<1x128x16xf32, #tpu.memory_space<vmem>>
          %dma_wait3A_676 = tpu.memref_squeeze %dma_wait3A_675 : memref<1x128x16xf32, #tpu.memory_space<vmem>> -> memref<128x16xf32, #tpu.memory_space<vmem>>
          %dma_wait3A_677 = arith.constant 0 : i32
          %dma_wait3A_678 = tpu.memref_slice %arg10[%dma_wait3A_672, %dma_wait3A_677] : memref<8x128xi32, #tpu.memory_space<vmem>> -> memref<1x128xi32, #tpu.memory_space<vmem>>
          %dma_wait3A_679 = tpu.memref_squeeze %dma_wait3A_678 : memref<1x128xi32, #tpu.memory_space<vmem>> -> memref<128xi32, #tpu.memory_space<vmem>>
          %dma_wait3A_680 = arith.constant 0 : i32
          %dma_wait3A_681 = arith.constant 0 : i32
          %dma_wait3A_682 = tpu.memref_slice %arg13[%dma_wait3A_680, %dma_wait3A_681] : memref<65536x16xf32, #tpu.memory_space<vmem_shared>> -> memref<65536x16xf32, #tpu.memory_space<vmem_shared>>
          tpu.wait_indirect_dma semaphore(%arg16 : memref<!tpu.dma_semaphore, #tpu.memory_space<semaphore_mem>>) src(%dma_wait3A_676 : memref<128x16xf32, #tpu.memory_space<vmem>>) dst(%dma_wait3A_682 : memref<65536x16xf32, #tpu.memory_space<vmem_shared>>)
        } else {
        }
        %mul3A_297 = arith.constant 8 : i32
        %mul3A_298 = arith.muli %scan3A_259, %mul3A_297 : i32
        %add3A_299 = arith.addi %mul3A_25, %mul3A_298 : i32
        "tpu.region"() ({
          %run_scoped3A = tpu.sem_alloc : memref<!tpu.dma_semaphore, #tpu.memory_space<semaphore_mem>>
          %dma_start3A_587 = arith.constant 0 : i32
          %dma_start3A_588 = tpu.memref_slice %arg3[%add3A_299, %dma_start3A_587] : memref<12800x128xi32, #tpu.memory_space<hbm>> -> memref<8x128xi32, #tpu.memory_space<hbm>>
          %dma_start3A_589 = arith.constant 0 : i32
          %dma_start3A_590 = tpu.memref_slice %arg3[%add3A_299, %dma_start3A_589] : memref<12800x128xi32, #tpu.memory_space<hbm>> -> memref<8x128xi32, #tpu.memory_space<hbm>>
          tpu.enqueue_dma source(%dma_start3A_590 : memref<8x128xi32, #tpu.memory_space<hbm>>) target(%arg9 : memref<8x128xi32, #tpu.memory_space<vmem>>) target_semaphore(%run_scoped3A : memref<!tpu.dma_semaphore, #tpu.memory_space<semaphore_mem>>)
          %dma_wait3A_591 = arith.constant 0 : i32
          %dma_wait3A_592 = tpu.memref_slice %arg3[%add3A_299, %dma_wait3A_591] : memref<12800x128xi32, #tpu.memory_space<hbm>> -> memref<8x128xi32, #tpu.memory_space<hbm>>
          %dma_wait3A_593 = arith.constant 0 : i32
          %dma_wait3A_594 = tpu.memref_slice %arg3[%add3A_299, %dma_wait3A_593] : memref<12800x128xi32, #tpu.memory_space<hbm>> -> memref<8x128xi32, #tpu.memory_space<hbm>>
          tpu.wait_dma2 semaphore(%run_scoped3A : memref<!tpu.dma_semaphore, #tpu.memory_space<semaphore_mem>>) src(%dma_wait3A_594 : memref<8x128xi32, #tpu.memory_space<hbm>>) dst(%arg9 : memref<8x128xi32, #tpu.memory_space<vmem>>)
          tpu.yield
        }) : () -> ()
        "tpu.region"() ({
          %run_scoped3A = tpu.sem_alloc : memref<!tpu.dma_semaphore, #tpu.memory_space<semaphore_mem>>
          %dma_start3A_587 = arith.constant 0 : i32
          %dma_start3A_588 = tpu.memref_slice %arg4[%add3A_299, %dma_start3A_587] : memref<12800x128xi32, #tpu.memory_space<hbm>> -> memref<8x128xi32, #tpu.memory_space<hbm>>
          %dma_start3A_589 = arith.constant 0 : i32
          %dma_start3A_590 = tpu.memref_slice %arg4[%add3A_299, %dma_start3A_589] : memref<12800x128xi32, #tpu.memory_space<hbm>> -> memref<8x128xi32, #tpu.memory_space<hbm>>
          tpu.enqueue_dma source(%dma_start3A_590 : memref<8x128xi32, #tpu.memory_space<hbm>>) target(%arg10 : memref<8x128xi32, #tpu.memory_space<vmem>>) target_semaphore(%run_scoped3A : memref<!tpu.dma_semaphore, #tpu.memory_space<semaphore_mem>>)
          %dma_wait3A_591 = arith.constant 0 : i32
          %dma_wait3A_592 = tpu.memref_slice %arg4[%add3A_299, %dma_wait3A_591] : memref<12800x128xi32, #tpu.memory_space<hbm>> -> memref<8x128xi32, #tpu.memory_space<hbm>>
          %dma_wait3A_593 = arith.constant 0 : i32
          %dma_wait3A_594 = tpu.memref_slice %arg4[%add3A_299, %dma_wait3A_593] : memref<12800x128xi32, #tpu.memory_space<hbm>> -> memref<8x128xi32, #tpu.memory_space<hbm>>
          tpu.wait_dma2 semaphore(%run_scoped3A : memref<!tpu.dma_semaphore, #tpu.memory_space<semaphore_mem>>) src(%dma_wait3A_594 : memref<8x128xi32, #tpu.memory_space<hbm>>) dst(%arg10 : memref<8x128xi32, #tpu.memory_space<vmem>>)
          tpu.yield
        }) : () -> ()
        %dma_start3A = arith.constant 0 : i32
        %dma_start3A_300 = arith.constant 0 : i32
        %dma_start3A_301 = arith.constant 0 : i32
        %dma_start3A_302 = arith.constant 0 : i32
        %dma_start3A_303 = tpu.memref_slice %arg11[%dma_start3A_300, %dma_start3A_301, %dma_start3A_302] : memref<8x128x16xf32, #tpu.memory_space<vmem>> -> memref<1x128x16xf32, #tpu.memory_space<vmem>>
        %dma_start3A_304 = tpu.memref_squeeze %dma_start3A_303 : memref<1x128x16xf32, #tpu.memory_space<vmem>> -> memref<128x16xf32, #tpu.memory_space<vmem>>
        %dma_start3A_305 = arith.constant 0 : i32
        %dma_start3A_306 = tpu.memref_slice %arg9[%dma_start3A, %dma_start3A_305] : memref<8x128xi32, #tpu.memory_space<vmem>> -> memref<1x128xi32, #tpu.memory_space<vmem>>
        %dma_start3A_307 = tpu.memref_squeeze %dma_start3A_306 : memref<1x128xi32, #tpu.memory_space<vmem>> -> memref<128xi32, #tpu.memory_space<vmem>>
        %dma_start3A_308 = arith.constant 0 : i32
        %dma_start3A_309 = arith.constant 0 : i32
        %dma_start3A_310 = tpu.memref_slice %arg2[%dma_start3A_308, %dma_start3A_309] : memref<65536x16xf32, #tpu.memory_space<hbm>> -> memref<65536x16xf32, #tpu.memory_space<hbm>>
        tpu.enqueue_indirect_dma source(%dma_start3A_310 : memref<65536x16xf32, #tpu.memory_space<hbm>>) target(%dma_start3A_304 : memref<128x16xf32, #tpu.memory_space<vmem>>) offsets(%dma_start3A_307 : memref<128xi32, #tpu.memory_space<vmem>>) semaphore(%arg14 : memref<!tpu.dma_semaphore, #tpu.memory_space<semaphore_mem>>)
        %dma_start3A_311 = arith.constant 1 : i32
        %dma_start3A_312 = arith.constant 1 : i32
        %dma_start3A_313 = arith.constant 0 : i32
        %dma_start3A_314 = arith.constant 0 : i32
        %dma_start3A_315 = tpu.memref_slice %arg11[%dma_start3A_312, %dma_start3A_313, %dma_start3A_314] : memref<8x128x16xf32, #tpu.memory_space<vmem>> -> memref<1x128x16xf32, #tpu.memory_space<vmem>>
        %dma_start3A_316 = tpu.memref_squeeze %dma_start3A_315 : memref<1x128x16xf32, #tpu.memory_space<vmem>> -> memref<128x16xf32, #tpu.memory_space<vmem>>
        %dma_start3A_317 = arith.constant 0 : i32
        %dma_start3A_318 = tpu.memref_slice %arg9[%dma_start3A_311, %dma_start3A_317] : memref<8x128xi32, #tpu.memory_space<vmem>> -> memref<1x128xi32, #tpu.memory_space<vmem>>
        %dma_start3A_319 = tpu.memref_squeeze %dma_start3A_318 : memref<1x128xi32, #tpu.memory_space<vmem>> -> memref<128xi32, #tpu.memory_space<vmem>>
        %dma_start3A_320 = arith.constant 0 : i32
        %dma_start3A_321 = arith.constant 0 : i32
        %dma_start3A_322 = tpu.memref_slice %arg2[%dma_start3A_320, %dma_start3A_321] : memref<65536x16xf32, #tpu.memory_space<hbm>> -> memref<65536x16xf32, #tpu.memory_space<hbm>>
        tpu.enqueue_indirect_dma source(%dma_start3A_322 : memref<65536x16xf32, #tpu.memory_space<hbm>>) target(%dma_start3A_316 : memref<128x16xf32, #tpu.memory_space<vmem>>) offsets(%dma_start3A_319 : memref<128xi32, #tpu.memory_space<vmem>>) semaphore(%arg14 : memref<!tpu.dma_semaphore, #tpu.memory_space<semaphore_mem>>)
        %dma_start3A_323 = arith.constant 2 : i32
        %dma_start3A_324 = arith.constant 2 : i32
        %dma_start3A_325 = arith.constant 0 : i32
        %dma_start3A_326 = arith.constant 0 : i32
        %dma_start3A_327 = tpu.memref_slice %arg11[%dma_start3A_324, %dma_start3A_325, %dma_start3A_326] : memref<8x128x16xf32, #tpu.memory_space<vmem>> -> memref<1x128x16xf32, #tpu.memory_space<vmem>>
        %dma_start3A_328 = tpu.memref_squeeze %dma_start3A_327 : memref<1x128x16xf32, #tpu.memory_space<vmem>> -> memref<128x16xf32, #tpu.memory_space<vmem>>
        %dma_start3A_329 = arith.constant 0 : i32
        %dma_start3A_330 = tpu.memref_slice %arg9[%dma_start3A_323, %dma_start3A_329] : memref<8x128xi32, #tpu.memory_space<vmem>> -> memref<1x128xi32, #tpu.memory_space<vmem>>
        %dma_start3A_331 = tpu.memref_squeeze %dma_start3A_330 : memref<1x128xi32, #tpu.memory_space<vmem>> -> memref<128xi32, #tpu.memory_space<vmem>>
        %dma_start3A_332 = arith.constant 0 : i32
        %dma_start3A_333 = arith.constant 0 : i32
        %dma_start3A_334 = tpu.memref_slice %arg2[%dma_start3A_332, %dma_start3A_333] : memref<65536x16xf32, #tpu.memory_space<hbm>> -> memref<65536x16xf32, #tpu.memory_space<hbm>>
        tpu.enqueue_indirect_dma source(%dma_start3A_334 : memref<65536x16xf32, #tpu.memory_space<hbm>>) target(%dma_start3A_328 : memref<128x16xf32, #tpu.memory_space<vmem>>) offsets(%dma_start3A_331 : memref<128xi32, #tpu.memory_space<vmem>>) semaphore(%arg14 : memref<!tpu.dma_semaphore, #tpu.memory_space<semaphore_mem>>)
        %dma_start3A_335 = arith.constant 3 : i32
        %dma_start3A_336 = arith.constant 3 : i32
        %dma_start3A_337 = arith.constant 0 : i32
        %dma_start3A_338 = arith.constant 0 : i32
        %dma_start3A_339 = tpu.memref_slice %arg11[%dma_start3A_336, %dma_start3A_337, %dma_start3A_338] : memref<8x128x16xf32, #tpu.memory_space<vmem>> -> memref<1x128x16xf32, #tpu.memory_space<vmem>>
        %dma_start3A_340 = tpu.memref_squeeze %dma_start3A_339 : memref<1x128x16xf32, #tpu.memory_space<vmem>> -> memref<128x16xf32, #tpu.memory_space<vmem>>
        %dma_start3A_341 = arith.constant 0 : i32
        %dma_start3A_342 = tpu.memref_slice %arg9[%dma_start3A_335, %dma_start3A_341] : memref<8x128xi32, #tpu.memory_space<vmem>> -> memref<1x128xi32, #tpu.memory_space<vmem>>
        %dma_start3A_343 = tpu.memref_squeeze %dma_start3A_342 : memref<1x128xi32, #tpu.memory_space<vmem>> -> memref<128xi32, #tpu.memory_space<vmem>>
        %dma_start3A_344 = arith.constant 0 : i32
        %dma_start3A_345 = arith.constant 0 : i32
        %dma_start3A_346 = tpu.memref_slice %arg2[%dma_start3A_344, %dma_start3A_345] : memref<65536x16xf32, #tpu.memory_space<hbm>> -> memref<65536x16xf32, #tpu.memory_space<hbm>>
        tpu.enqueue_indirect_dma source(%dma_start3A_346 : memref<65536x16xf32, #tpu.memory_space<hbm>>) target(%dma_start3A_340 : memref<128x16xf32, #tpu.memory_space<vmem>>) offsets(%dma_start3A_343 : memref<128xi32, #tpu.memory_space<vmem>>) semaphore(%arg14 : memref<!tpu.dma_semaphore, #tpu.memory_space<semaphore_mem>>)
        %dma_start3A_347 = arith.constant 4 : i32
        %dma_start3A_348 = arith.constant 4 : i32
        %dma_start3A_349 = arith.constant 0 : i32
        %dma_start3A_350 = arith.constant 0 : i32
        %dma_start3A_351 = tpu.memref_slice %arg11[%dma_start3A_348, %dma_start3A_349, %dma_start3A_350] : memref<8x128x16xf32, #tpu.memory_space<vmem>> -> memref<1x128x16xf32, #tpu.memory_space<vmem>>
        %dma_start3A_352 = tpu.memref_squeeze %dma_start3A_351 : memref<1x128x16xf32, #tpu.memory_space<vmem>> -> memref<128x16xf32, #tpu.memory_space<vmem>>
        %dma_start3A_353 = arith.constant 0 : i32
        %dma_start3A_354 = tpu.memref_slice %arg9[%dma_start3A_347, %dma_start3A_353] : memref<8x128xi32, #tpu.memory_space<vmem>> -> memref<1x128xi32, #tpu.memory_space<vmem>>
        %dma_start3A_355 = tpu.memref_squeeze %dma_start3A_354 : memref<1x128xi32, #tpu.memory_space<vmem>> -> memref<128xi32, #tpu.memory_space<vmem>>
        %dma_start3A_356 = arith.constant 0 : i32
        %dma_start3A_357 = arith.constant 0 : i32
        %dma_start3A_358 = tpu.memref_slice %arg2[%dma_start3A_356, %dma_start3A_357] : memref<65536x16xf32, #tpu.memory_space<hbm>> -> memref<65536x16xf32, #tpu.memory_space<hbm>>
        tpu.enqueue_indirect_dma source(%dma_start3A_358 : memref<65536x16xf32, #tpu.memory_space<hbm>>) target(%dma_start3A_352 : memref<128x16xf32, #tpu.memory_space<vmem>>) offsets(%dma_start3A_355 : memref<128xi32, #tpu.memory_space<vmem>>) semaphore(%arg14 : memref<!tpu.dma_semaphore, #tpu.memory_space<semaphore_mem>>)
        %dma_start3A_359 = arith.constant 5 : i32
        %dma_start3A_360 = arith.constant 5 : i32
        %dma_start3A_361 = arith.constant 0 : i32
        %dma_start3A_362 = arith.constant 0 : i32
        %dma_start3A_363 = tpu.memref_slice %arg11[%dma_start3A_360, %dma_start3A_361, %dma_start3A_362] : memref<8x128x16xf32, #tpu.memory_space<vmem>> -> memref<1x128x16xf32, #tpu.memory_space<vmem>>
        %dma_start3A_364 = tpu.memref_squeeze %dma_start3A_363 : memref<1x128x16xf32, #tpu.memory_space<vmem>> -> memref<128x16xf32, #tpu.memory_space<vmem>>
        %dma_start3A_365 = arith.constant 0 : i32
        %dma_start3A_366 = tpu.memref_slice %arg9[%dma_start3A_359, %dma_start3A_365] : memref<8x128xi32, #tpu.memory_space<vmem>> -> memref<1x128xi32, #tpu.memory_space<vmem>>
        %dma_start3A_367 = tpu.memref_squeeze %dma_start3A_366 : memref<1x128xi32, #tpu.memory_space<vmem>> -> memref<128xi32, #tpu.memory_space<vmem>>
        %dma_start3A_368 = arith.constant 0 : i32
        %dma_start3A_369 = arith.constant 0 : i32
        %dma_start3A_370 = tpu.memref_slice %arg2[%dma_start3A_368, %dma_start3A_369] : memref<65536x16xf32, #tpu.memory_space<hbm>> -> memref<65536x16xf32, #tpu.memory_space<hbm>>
        tpu.enqueue_indirect_dma source(%dma_start3A_370 : memref<65536x16xf32, #tpu.memory_space<hbm>>) target(%dma_start3A_364 : memref<128x16xf32, #tpu.memory_space<vmem>>) offsets(%dma_start3A_367 : memref<128xi32, #tpu.memory_space<vmem>>) semaphore(%arg14 : memref<!tpu.dma_semaphore, #tpu.memory_space<semaphore_mem>>)
        %dma_start3A_371 = arith.constant 6 : i32
        %dma_start3A_372 = arith.constant 6 : i32
        %dma_start3A_373 = arith.constant 0 : i32
        %dma_start3A_374 = arith.constant 0 : i32
        %dma_start3A_375 = tpu.memref_slice %arg11[%dma_start3A_372, %dma_start3A_373, %dma_start3A_374] : memref<8x128x16xf32, #tpu.memory_space<vmem>> -> memref<1x128x16xf32, #tpu.memory_space<vmem>>
        %dma_start3A_376 = tpu.memref_squeeze %dma_start3A_375 : memref<1x128x16xf32, #tpu.memory_space<vmem>> -> memref<128x16xf32, #tpu.memory_space<vmem>>
        %dma_start3A_377 = arith.constant 0 : i32
        %dma_start3A_378 = tpu.memref_slice %arg9[%dma_start3A_371, %dma_start3A_377] : memref<8x128xi32, #tpu.memory_space<vmem>> -> memref<1x128xi32, #tpu.memory_space<vmem>>
        %dma_start3A_379 = tpu.memref_squeeze %dma_start3A_378 : memref<1x128xi32, #tpu.memory_space<vmem>> -> memref<128xi32, #tpu.memory_space<vmem>>
        %dma_start3A_380 = arith.constant 0 : i32
        %dma_start3A_381 = arith.constant 0 : i32
        %dma_start3A_382 = tpu.memref_slice %arg2[%dma_start3A_380, %dma_start3A_381] : memref<65536x16xf32, #tpu.memory_space<hbm>> -> memref<65536x16xf32, #tpu.memory_space<hbm>>
        tpu.enqueue_indirect_dma source(%dma_start3A_382 : memref<65536x16xf32, #tpu.memory_space<hbm>>) target(%dma_start3A_376 : memref<128x16xf32, #tpu.memory_space<vmem>>) offsets(%dma_start3A_379 : memref<128xi32, #tpu.memory_space<vmem>>) semaphore(%arg14 : memref<!tpu.dma_semaphore, #tpu.memory_space<semaphore_mem>>)
        %dma_start3A_383 = arith.constant 7 : i32
        %dma_start3A_384 = arith.constant 7 : i32
        %dma_start3A_385 = arith.constant 0 : i32
        %dma_start3A_386 = arith.constant 0 : i32
        %dma_start3A_387 = tpu.memref_slice %arg11[%dma_start3A_384, %dma_start3A_385, %dma_start3A_386] : memref<8x128x16xf32, #tpu.memory_space<vmem>> -> memref<1x128x16xf32, #tpu.memory_space<vmem>>
        %dma_start3A_388 = tpu.memref_squeeze %dma_start3A_387 : memref<1x128x16xf32, #tpu.memory_space<vmem>> -> memref<128x16xf32, #tpu.memory_space<vmem>>
        %dma_start3A_389 = arith.constant 0 : i32
        %dma_start3A_390 = tpu.memref_slice %arg9[%dma_start3A_383, %dma_start3A_389] : memref<8x128xi32, #tpu.memory_space<vmem>> -> memref<1x128xi32, #tpu.memory_space<vmem>>
        %dma_start3A_391 = tpu.memref_squeeze %dma_start3A_390 : memref<1x128xi32, #tpu.memory_space<vmem>> -> memref<128xi32, #tpu.memory_space<vmem>>
        %dma_start3A_392 = arith.constant 0 : i32
        %dma_start3A_393 = arith.constant 0 : i32
        %dma_start3A_394 = tpu.memref_slice %arg2[%dma_start3A_392, %dma_start3A_393] : memref<65536x16xf32, #tpu.memory_space<hbm>> -> memref<65536x16xf32, #tpu.memory_space<hbm>>
        tpu.enqueue_indirect_dma source(%dma_start3A_394 : memref<65536x16xf32, #tpu.memory_space<hbm>>) target(%dma_start3A_388 : memref<128x16xf32, #tpu.memory_space<vmem>>) offsets(%dma_start3A_391 : memref<128xi32, #tpu.memory_space<vmem>>) semaphore(%arg14 : memref<!tpu.dma_semaphore, #tpu.memory_space<semaphore_mem>>)
        %dma_wait3A_395 = arith.constant 0 : i32
        %dma_wait3A_396 = arith.constant 0 : i32
        %dma_wait3A_397 = arith.constant 0 : i32
        %dma_wait3A_398 = arith.constant 0 : i32
        %dma_wait3A_399 = tpu.memref_slice %arg11[%dma_wait3A_396, %dma_wait3A_397, %dma_wait3A_398] : memref<8x128x16xf32, #tpu.memory_space<vmem>> -> memref<1x128x16xf32, #tpu.memory_space<vmem>>
        %dma_wait3A_400 = tpu.memref_squeeze %dma_wait3A_399 : memref<1x128x16xf32, #tpu.memory_space<vmem>> -> memref<128x16xf32, #tpu.memory_space<vmem>>
        %dma_wait3A_401 = arith.constant 0 : i32
        %dma_wait3A_402 = tpu.memref_slice %arg9[%dma_wait3A_395, %dma_wait3A_401] : memref<8x128xi32, #tpu.memory_space<vmem>> -> memref<1x128xi32, #tpu.memory_space<vmem>>
        %dma_wait3A_403 = tpu.memref_squeeze %dma_wait3A_402 : memref<1x128xi32, #tpu.memory_space<vmem>> -> memref<128xi32, #tpu.memory_space<vmem>>
        %dma_wait3A_404 = arith.constant 0 : i32
        %dma_wait3A_405 = arith.constant 0 : i32
        %dma_wait3A_406 = tpu.memref_slice %arg2[%dma_wait3A_404, %dma_wait3A_405] : memref<65536x16xf32, #tpu.memory_space<hbm>> -> memref<65536x16xf32, #tpu.memory_space<hbm>>
        tpu.wait_indirect_dma semaphore(%arg14 : memref<!tpu.dma_semaphore, #tpu.memory_space<semaphore_mem>>) src(%dma_wait3A_406 : memref<65536x16xf32, #tpu.memory_space<hbm>>) dst(%dma_wait3A_400 : memref<128x16xf32, #tpu.memory_space<vmem>>)
        %dma_wait3A_407 = arith.constant 1 : i32
        %dma_wait3A_408 = arith.constant 1 : i32
        %dma_wait3A_409 = arith.constant 0 : i32
        %dma_wait3A_410 = arith.constant 0 : i32
        %dma_wait3A_411 = tpu.memref_slice %arg11[%dma_wait3A_408, %dma_wait3A_409, %dma_wait3A_410] : memref<8x128x16xf32, #tpu.memory_space<vmem>> -> memref<1x128x16xf32, #tpu.memory_space<vmem>>
        %dma_wait3A_412 = tpu.memref_squeeze %dma_wait3A_411 : memref<1x128x16xf32, #tpu.memory_space<vmem>> -> memref<128x16xf32, #tpu.memory_space<vmem>>
        %dma_wait3A_413 = arith.constant 0 : i32
        %dma_wait3A_414 = tpu.memref_slice %arg9[%dma_wait3A_407, %dma_wait3A_413] : memref<8x128xi32, #tpu.memory_space<vmem>> -> memref<1x128xi32, #tpu.memory_space<vmem>>
        %dma_wait3A_415 = tpu.memref_squeeze %dma_wait3A_414 : memref<1x128xi32, #tpu.memory_space<vmem>> -> memref<128xi32, #tpu.memory_space<vmem>>
        %dma_wait3A_416 = arith.constant 0 : i32
        %dma_wait3A_417 = arith.constant 0 : i32
        %dma_wait3A_418 = tpu.memref_slice %arg2[%dma_wait3A_416, %dma_wait3A_417] : memref<65536x16xf32, #tpu.memory_space<hbm>> -> memref<65536x16xf32, #tpu.memory_space<hbm>>
        tpu.wait_indirect_dma semaphore(%arg14 : memref<!tpu.dma_semaphore, #tpu.memory_space<semaphore_mem>>) src(%dma_wait3A_418 : memref<65536x16xf32, #tpu.memory_space<hbm>>) dst(%dma_wait3A_412 : memref<128x16xf32, #tpu.memory_space<vmem>>)
        %dma_wait3A_419 = arith.constant 2 : i32
        %dma_wait3A_420 = arith.constant 2 : i32
        %dma_wait3A_421 = arith.constant 0 : i32
        %dma_wait3A_422 = arith.constant 0 : i32
        %dma_wait3A_423 = tpu.memref_slice %arg11[%dma_wait3A_420, %dma_wait3A_421, %dma_wait3A_422] : memref<8x128x16xf32, #tpu.memory_space<vmem>> -> memref<1x128x16xf32, #tpu.memory_space<vmem>>
        %dma_wait3A_424 = tpu.memref_squeeze %dma_wait3A_423 : memref<1x128x16xf32, #tpu.memory_space<vmem>> -> memref<128x16xf32, #tpu.memory_space<vmem>>
        %dma_wait3A_425 = arith.constant 0 : i32
        %dma_wait3A_426 = tpu.memref_slice %arg9[%dma_wait3A_419, %dma_wait3A_425] : memref<8x128xi32, #tpu.memory_space<vmem>> -> memref<1x128xi32, #tpu.memory_space<vmem>>
        %dma_wait3A_427 = tpu.memref_squeeze %dma_wait3A_426 : memref<1x128xi32, #tpu.memory_space<vmem>> -> memref<128xi32, #tpu.memory_space<vmem>>
        %dma_wait3A_428 = arith.constant 0 : i32
        %dma_wait3A_429 = arith.constant 0 : i32
        %dma_wait3A_430 = tpu.memref_slice %arg2[%dma_wait3A_428, %dma_wait3A_429] : memref<65536x16xf32, #tpu.memory_space<hbm>> -> memref<65536x16xf32, #tpu.memory_space<hbm>>
        tpu.wait_indirect_dma semaphore(%arg14 : memref<!tpu.dma_semaphore, #tpu.memory_space<semaphore_mem>>) src(%dma_wait3A_430 : memref<65536x16xf32, #tpu.memory_space<hbm>>) dst(%dma_wait3A_424 : memref<128x16xf32, #tpu.memory_space<vmem>>)
        %dma_wait3A_431 = arith.constant 3 : i32
        %dma_wait3A_432 = arith.constant 3 : i32
        %dma_wait3A_433 = arith.constant 0 : i32
        %dma_wait3A_434 = arith.constant 0 : i32
        %dma_wait3A_435 = tpu.memref_slice %arg11[%dma_wait3A_432, %dma_wait3A_433, %dma_wait3A_434] : memref<8x128x16xf32, #tpu.memory_space<vmem>> -> memref<1x128x16xf32, #tpu.memory_space<vmem>>
        %dma_wait3A_436 = tpu.memref_squeeze %dma_wait3A_435 : memref<1x128x16xf32, #tpu.memory_space<vmem>> -> memref<128x16xf32, #tpu.memory_space<vmem>>
        %dma_wait3A_437 = arith.constant 0 : i32
        %dma_wait3A_438 = tpu.memref_slice %arg9[%dma_wait3A_431, %dma_wait3A_437] : memref<8x128xi32, #tpu.memory_space<vmem>> -> memref<1x128xi32, #tpu.memory_space<vmem>>
        %dma_wait3A_439 = tpu.memref_squeeze %dma_wait3A_438 : memref<1x128xi32, #tpu.memory_space<vmem>> -> memref<128xi32, #tpu.memory_space<vmem>>
        %dma_wait3A_440 = arith.constant 0 : i32
        %dma_wait3A_441 = arith.constant 0 : i32
        %dma_wait3A_442 = tpu.memref_slice %arg2[%dma_wait3A_440, %dma_wait3A_441] : memref<65536x16xf32, #tpu.memory_space<hbm>> -> memref<65536x16xf32, #tpu.memory_space<hbm>>
        tpu.wait_indirect_dma semaphore(%arg14 : memref<!tpu.dma_semaphore, #tpu.memory_space<semaphore_mem>>) src(%dma_wait3A_442 : memref<65536x16xf32, #tpu.memory_space<hbm>>) dst(%dma_wait3A_436 : memref<128x16xf32, #tpu.memory_space<vmem>>)
        %dma_wait3A_443 = arith.constant 4 : i32
        %dma_wait3A_444 = arith.constant 4 : i32
        %dma_wait3A_445 = arith.constant 0 : i32
        %dma_wait3A_446 = arith.constant 0 : i32
        %dma_wait3A_447 = tpu.memref_slice %arg11[%dma_wait3A_444, %dma_wait3A_445, %dma_wait3A_446] : memref<8x128x16xf32, #tpu.memory_space<vmem>> -> memref<1x128x16xf32, #tpu.memory_space<vmem>>
        %dma_wait3A_448 = tpu.memref_squeeze %dma_wait3A_447 : memref<1x128x16xf32, #tpu.memory_space<vmem>> -> memref<128x16xf32, #tpu.memory_space<vmem>>
        %dma_wait3A_449 = arith.constant 0 : i32
        %dma_wait3A_450 = tpu.memref_slice %arg9[%dma_wait3A_443, %dma_wait3A_449] : memref<8x128xi32, #tpu.memory_space<vmem>> -> memref<1x128xi32, #tpu.memory_space<vmem>>
        %dma_wait3A_451 = tpu.memref_squeeze %dma_wait3A_450 : memref<1x128xi32, #tpu.memory_space<vmem>> -> memref<128xi32, #tpu.memory_space<vmem>>
        %dma_wait3A_452 = arith.constant 0 : i32
        %dma_wait3A_453 = arith.constant 0 : i32
        %dma_wait3A_454 = tpu.memref_slice %arg2[%dma_wait3A_452, %dma_wait3A_453] : memref<65536x16xf32, #tpu.memory_space<hbm>> -> memref<65536x16xf32, #tpu.memory_space<hbm>>
        tpu.wait_indirect_dma semaphore(%arg14 : memref<!tpu.dma_semaphore, #tpu.memory_space<semaphore_mem>>) src(%dma_wait3A_454 : memref<65536x16xf32, #tpu.memory_space<hbm>>) dst(%dma_wait3A_448 : memref<128x16xf32, #tpu.memory_space<vmem>>)
        %dma_wait3A_455 = arith.constant 5 : i32
        %dma_wait3A_456 = arith.constant 5 : i32
        %dma_wait3A_457 = arith.constant 0 : i32
        %dma_wait3A_458 = arith.constant 0 : i32
        %dma_wait3A_459 = tpu.memref_slice %arg11[%dma_wait3A_456, %dma_wait3A_457, %dma_wait3A_458] : memref<8x128x16xf32, #tpu.memory_space<vmem>> -> memref<1x128x16xf32, #tpu.memory_space<vmem>>
        %dma_wait3A_460 = tpu.memref_squeeze %dma_wait3A_459 : memref<1x128x16xf32, #tpu.memory_space<vmem>> -> memref<128x16xf32, #tpu.memory_space<vmem>>
        %dma_wait3A_461 = arith.constant 0 : i32
        %dma_wait3A_462 = tpu.memref_slice %arg9[%dma_wait3A_455, %dma_wait3A_461] : memref<8x128xi32, #tpu.memory_space<vmem>> -> memref<1x128xi32, #tpu.memory_space<vmem>>
        %dma_wait3A_463 = tpu.memref_squeeze %dma_wait3A_462 : memref<1x128xi32, #tpu.memory_space<vmem>> -> memref<128xi32, #tpu.memory_space<vmem>>
        %dma_wait3A_464 = arith.constant 0 : i32
        %dma_wait3A_465 = arith.constant 0 : i32
        %dma_wait3A_466 = tpu.memref_slice %arg2[%dma_wait3A_464, %dma_wait3A_465] : memref<65536x16xf32, #tpu.memory_space<hbm>> -> memref<65536x16xf32, #tpu.memory_space<hbm>>
        tpu.wait_indirect_dma semaphore(%arg14 : memref<!tpu.dma_semaphore, #tpu.memory_space<semaphore_mem>>) src(%dma_wait3A_466 : memref<65536x16xf32, #tpu.memory_space<hbm>>) dst(%dma_wait3A_460 : memref<128x16xf32, #tpu.memory_space<vmem>>)
        %dma_wait3A_467 = arith.constant 6 : i32
        %dma_wait3A_468 = arith.constant 6 : i32
        %dma_wait3A_469 = arith.constant 0 : i32
        %dma_wait3A_470 = arith.constant 0 : i32
        %dma_wait3A_471 = tpu.memref_slice %arg11[%dma_wait3A_468, %dma_wait3A_469, %dma_wait3A_470] : memref<8x128x16xf32, #tpu.memory_space<vmem>> -> memref<1x128x16xf32, #tpu.memory_space<vmem>>
        %dma_wait3A_472 = tpu.memref_squeeze %dma_wait3A_471 : memref<1x128x16xf32, #tpu.memory_space<vmem>> -> memref<128x16xf32, #tpu.memory_space<vmem>>
        %dma_wait3A_473 = arith.constant 0 : i32
        %dma_wait3A_474 = tpu.memref_slice %arg9[%dma_wait3A_467, %dma_wait3A_473] : memref<8x128xi32, #tpu.memory_space<vmem>> -> memref<1x128xi32, #tpu.memory_space<vmem>>
        %dma_wait3A_475 = tpu.memref_squeeze %dma_wait3A_474 : memref<1x128xi32, #tpu.memory_space<vmem>> -> memref<128xi32, #tpu.memory_space<vmem>>
        %dma_wait3A_476 = arith.constant 0 : i32
        %dma_wait3A_477 = arith.constant 0 : i32
        %dma_wait3A_478 = tpu.memref_slice %arg2[%dma_wait3A_476, %dma_wait3A_477] : memref<65536x16xf32, #tpu.memory_space<hbm>> -> memref<65536x16xf32, #tpu.memory_space<hbm>>
        tpu.wait_indirect_dma semaphore(%arg14 : memref<!tpu.dma_semaphore, #tpu.memory_space<semaphore_mem>>) src(%dma_wait3A_478 : memref<65536x16xf32, #tpu.memory_space<hbm>>) dst(%dma_wait3A_472 : memref<128x16xf32, #tpu.memory_space<vmem>>)
        %dma_wait3A_479 = arith.constant 7 : i32
        %dma_wait3A_480 = arith.constant 7 : i32
        %dma_wait3A_481 = arith.constant 0 : i32
        %dma_wait3A_482 = arith.constant 0 : i32
        %dma_wait3A_483 = tpu.memref_slice %arg11[%dma_wait3A_480, %dma_wait3A_481, %dma_wait3A_482] : memref<8x128x16xf32, #tpu.memory_space<vmem>> -> memref<1x128x16xf32, #tpu.memory_space<vmem>>
        %dma_wait3A_484 = tpu.memref_squeeze %dma_wait3A_483 : memref<1x128x16xf32, #tpu.memory_space<vmem>> -> memref<128x16xf32, #tpu.memory_space<vmem>>
        %dma_wait3A_485 = arith.constant 0 : i32
        %dma_wait3A_486 = tpu.memref_slice %arg9[%dma_wait3A_479, %dma_wait3A_485] : memref<8x128xi32, #tpu.memory_space<vmem>> -> memref<1x128xi32, #tpu.memory_space<vmem>>
        %dma_wait3A_487 = tpu.memref_squeeze %dma_wait3A_486 : memref<1x128xi32, #tpu.memory_space<vmem>> -> memref<128xi32, #tpu.memory_space<vmem>>
        %dma_wait3A_488 = arith.constant 0 : i32
        %dma_wait3A_489 = arith.constant 0 : i32
        %dma_wait3A_490 = tpu.memref_slice %arg2[%dma_wait3A_488, %dma_wait3A_489] : memref<65536x16xf32, #tpu.memory_space<hbm>> -> memref<65536x16xf32, #tpu.memory_space<hbm>>
        tpu.wait_indirect_dma semaphore(%arg14 : memref<!tpu.dma_semaphore, #tpu.memory_space<semaphore_mem>>) src(%dma_wait3A_490 : memref<65536x16xf32, #tpu.memory_space<hbm>>) dst(%dma_wait3A_484 : memref<128x16xf32, #tpu.memory_space<vmem>>)
        %dma_start3A_491 = arith.constant 0 : i32
        %dma_start3A_492 = arith.constant 0 : i32
        %dma_start3A_493 = arith.constant 0 : i32
        %dma_start3A_494 = arith.constant 0 : i32
        %dma_start3A_495 = tpu.memref_slice %arg11[%dma_start3A_491, %dma_start3A_493, %dma_start3A_494] : memref<8x128x16xf32, #tpu.memory_space<vmem>> -> memref<1x128x16xf32, #tpu.memory_space<vmem>>
        %dma_start3A_496 = tpu.memref_squeeze %dma_start3A_495 : memref<1x128x16xf32, #tpu.memory_space<vmem>> -> memref<128x16xf32, #tpu.memory_space<vmem>>
        %dma_start3A_497 = arith.constant 0 : i32
        %dma_start3A_498 = tpu.memref_slice %arg10[%dma_start3A_492, %dma_start3A_497] : memref<8x128xi32, #tpu.memory_space<vmem>> -> memref<1x128xi32, #tpu.memory_space<vmem>>
        %dma_start3A_499 = tpu.memref_squeeze %dma_start3A_498 : memref<1x128xi32, #tpu.memory_space<vmem>> -> memref<128xi32, #tpu.memory_space<vmem>>
        %dma_start3A_500 = arith.constant 0 : i32
        %dma_start3A_501 = arith.constant 0 : i32
        %dma_start3A_502 = tpu.memref_slice %arg13[%dma_start3A_500, %dma_start3A_501] : memref<65536x16xf32, #tpu.memory_space<vmem_shared>> -> memref<65536x16xf32, #tpu.memory_space<vmem_shared>>
        tpu.enqueue_indirect_dma source(%dma_start3A_496 : memref<128x16xf32, #tpu.memory_space<vmem>>) target(%dma_start3A_502 : memref<65536x16xf32, #tpu.memory_space<vmem_shared>>) offsets(%dma_start3A_499 : memref<128xi32, #tpu.memory_space<vmem>>) semaphore(%arg16 : memref<!tpu.dma_semaphore, #tpu.memory_space<semaphore_mem>>) {add = true}
        %dma_start3A_503 = arith.constant 1 : i32
        %dma_start3A_504 = arith.constant 1 : i32
        %dma_start3A_505 = arith.constant 0 : i32
        %dma_start3A_506 = arith.constant 0 : i32
        %dma_start3A_507 = tpu.memref_slice %arg11[%dma_start3A_503, %dma_start3A_505, %dma_start3A_506] : memref<8x128x16xf32, #tpu.memory_space<vmem>> -> memref<1x128x16xf32, #tpu.memory_space<vmem>>
        %dma_start3A_508 = tpu.memref_squeeze %dma_start3A_507 : memref<1x128x16xf32, #tpu.memory_space<vmem>> -> memref<128x16xf32, #tpu.memory_space<vmem>>
        %dma_start3A_509 = arith.constant 0 : i32
        %dma_start3A_510 = tpu.memref_slice %arg10[%dma_start3A_504, %dma_start3A_509] : memref<8x128xi32, #tpu.memory_space<vmem>> -> memref<1x128xi32, #tpu.memory_space<vmem>>
        %dma_start3A_511 = tpu.memref_squeeze %dma_start3A_510 : memref<1x128xi32, #tpu.memory_space<vmem>> -> memref<128xi32, #tpu.memory_space<vmem>>
        %dma_start3A_512 = arith.constant 0 : i32
        %dma_start3A_513 = arith.constant 0 : i32
        %dma_start3A_514 = tpu.memref_slice %arg13[%dma_start3A_512, %dma_start3A_513] : memref<65536x16xf32, #tpu.memory_space<vmem_shared>> -> memref<65536x16xf32, #tpu.memory_space<vmem_shared>>
        tpu.enqueue_indirect_dma source(%dma_start3A_508 : memref<128x16xf32, #tpu.memory_space<vmem>>) target(%dma_start3A_514 : memref<65536x16xf32, #tpu.memory_space<vmem_shared>>) offsets(%dma_start3A_511 : memref<128xi32, #tpu.memory_space<vmem>>) semaphore(%arg16 : memref<!tpu.dma_semaphore, #tpu.memory_space<semaphore_mem>>) {add = true}
        %dma_start3A_515 = arith.constant 2 : i32
        %dma_start3A_516 = arith.constant 2 : i32
        %dma_start3A_517 = arith.constant 0 : i32
        %dma_start3A_518 = arith.constant 0 : i32
        %dma_start3A_519 = tpu.memref_slice %arg11[%dma_start3A_515, %dma_start3A_517, %dma_start3A_518] : memref<8x128x16xf32, #tpu.memory_space<vmem>> -> memref<1x128x16xf32, #tpu.memory_space<vmem>>
        %dma_start3A_520 = tpu.memref_squeeze %dma_start3A_519 : memref<1x128x16xf32, #tpu.memory_space<vmem>> -> memref<128x16xf32, #tpu.memory_space<vmem>>
        %dma_start3A_521 = arith.constant 0 : i32
        %dma_start3A_522 = tpu.memref_slice %arg10[%dma_start3A_516, %dma_start3A_521] : memref<8x128xi32, #tpu.memory_space<vmem>> -> memref<1x128xi32, #tpu.memory_space<vmem>>
        %dma_start3A_523 = tpu.memref_squeeze %dma_start3A_522 : memref<1x128xi32, #tpu.memory_space<vmem>> -> memref<128xi32, #tpu.memory_space<vmem>>
        %dma_start3A_524 = arith.constant 0 : i32
        %dma_start3A_525 = arith.constant 0 : i32
        %dma_start3A_526 = tpu.memref_slice %arg13[%dma_start3A_524, %dma_start3A_525] : memref<65536x16xf32, #tpu.memory_space<vmem_shared>> -> memref<65536x16xf32, #tpu.memory_space<vmem_shared>>
        tpu.enqueue_indirect_dma source(%dma_start3A_520 : memref<128x16xf32, #tpu.memory_space<vmem>>) target(%dma_start3A_526 : memref<65536x16xf32, #tpu.memory_space<vmem_shared>>) offsets(%dma_start3A_523 : memref<128xi32, #tpu.memory_space<vmem>>) semaphore(%arg16 : memref<!tpu.dma_semaphore, #tpu.memory_space<semaphore_mem>>) {add = true}
        %dma_start3A_527 = arith.constant 3 : i32
        %dma_start3A_528 = arith.constant 3 : i32
        %dma_start3A_529 = arith.constant 0 : i32
        %dma_start3A_530 = arith.constant 0 : i32
        %dma_start3A_531 = tpu.memref_slice %arg11[%dma_start3A_527, %dma_start3A_529, %dma_start3A_530] : memref<8x128x16xf32, #tpu.memory_space<vmem>> -> memref<1x128x16xf32, #tpu.memory_space<vmem>>
        %dma_start3A_532 = tpu.memref_squeeze %dma_start3A_531 : memref<1x128x16xf32, #tpu.memory_space<vmem>> -> memref<128x16xf32, #tpu.memory_space<vmem>>
        %dma_start3A_533 = arith.constant 0 : i32
        %dma_start3A_534 = tpu.memref_slice %arg10[%dma_start3A_528, %dma_start3A_533] : memref<8x128xi32, #tpu.memory_space<vmem>> -> memref<1x128xi32, #tpu.memory_space<vmem>>
        %dma_start3A_535 = tpu.memref_squeeze %dma_start3A_534 : memref<1x128xi32, #tpu.memory_space<vmem>> -> memref<128xi32, #tpu.memory_space<vmem>>
        %dma_start3A_536 = arith.constant 0 : i32
        %dma_start3A_537 = arith.constant 0 : i32
        %dma_start3A_538 = tpu.memref_slice %arg13[%dma_start3A_536, %dma_start3A_537] : memref<65536x16xf32, #tpu.memory_space<vmem_shared>> -> memref<65536x16xf32, #tpu.memory_space<vmem_shared>>
        tpu.enqueue_indirect_dma source(%dma_start3A_532 : memref<128x16xf32, #tpu.memory_space<vmem>>) target(%dma_start3A_538 : memref<65536x16xf32, #tpu.memory_space<vmem_shared>>) offsets(%dma_start3A_535 : memref<128xi32, #tpu.memory_space<vmem>>) semaphore(%arg16 : memref<!tpu.dma_semaphore, #tpu.memory_space<semaphore_mem>>) {add = true}
        %dma_start3A_539 = arith.constant 4 : i32
        %dma_start3A_540 = arith.constant 4 : i32
        %dma_start3A_541 = arith.constant 0 : i32
        %dma_start3A_542 = arith.constant 0 : i32
        %dma_start3A_543 = tpu.memref_slice %arg11[%dma_start3A_539, %dma_start3A_541, %dma_start3A_542] : memref<8x128x16xf32, #tpu.memory_space<vmem>> -> memref<1x128x16xf32, #tpu.memory_space<vmem>>
        %dma_start3A_544 = tpu.memref_squeeze %dma_start3A_543 : memref<1x128x16xf32, #tpu.memory_space<vmem>> -> memref<128x16xf32, #tpu.memory_space<vmem>>
        %dma_start3A_545 = arith.constant 0 : i32
        %dma_start3A_546 = tpu.memref_slice %arg10[%dma_start3A_540, %dma_start3A_545] : memref<8x128xi32, #tpu.memory_space<vmem>> -> memref<1x128xi32, #tpu.memory_space<vmem>>
        %dma_start3A_547 = tpu.memref_squeeze %dma_start3A_546 : memref<1x128xi32, #tpu.memory_space<vmem>> -> memref<128xi32, #tpu.memory_space<vmem>>
        %dma_start3A_548 = arith.constant 0 : i32
        %dma_start3A_549 = arith.constant 0 : i32
        %dma_start3A_550 = tpu.memref_slice %arg13[%dma_start3A_548, %dma_start3A_549] : memref<65536x16xf32, #tpu.memory_space<vmem_shared>> -> memref<65536x16xf32, #tpu.memory_space<vmem_shared>>
        tpu.enqueue_indirect_dma source(%dma_start3A_544 : memref<128x16xf32, #tpu.memory_space<vmem>>) target(%dma_start3A_550 : memref<65536x16xf32, #tpu.memory_space<vmem_shared>>) offsets(%dma_start3A_547 : memref<128xi32, #tpu.memory_space<vmem>>) semaphore(%arg16 : memref<!tpu.dma_semaphore, #tpu.memory_space<semaphore_mem>>) {add = true}
        %dma_start3A_551 = arith.constant 5 : i32
        %dma_start3A_552 = arith.constant 5 : i32
        %dma_start3A_553 = arith.constant 0 : i32
        %dma_start3A_554 = arith.constant 0 : i32
        %dma_start3A_555 = tpu.memref_slice %arg11[%dma_start3A_551, %dma_start3A_553, %dma_start3A_554] : memref<8x128x16xf32, #tpu.memory_space<vmem>> -> memref<1x128x16xf32, #tpu.memory_space<vmem>>
        %dma_start3A_556 = tpu.memref_squeeze %dma_start3A_555 : memref<1x128x16xf32, #tpu.memory_space<vmem>> -> memref<128x16xf32, #tpu.memory_space<vmem>>
        %dma_start3A_557 = arith.constant 0 : i32
        %dma_start3A_558 = tpu.memref_slice %arg10[%dma_start3A_552, %dma_start3A_557] : memref<8x128xi32, #tpu.memory_space<vmem>> -> memref<1x128xi32, #tpu.memory_space<vmem>>
        %dma_start3A_559 = tpu.memref_squeeze %dma_start3A_558 : memref<1x128xi32, #tpu.memory_space<vmem>> -> memref<128xi32, #tpu.memory_space<vmem>>
        %dma_start3A_560 = arith.constant 0 : i32
        %dma_start3A_561 = arith.constant 0 : i32
        %dma_start3A_562 = tpu.memref_slice %arg13[%dma_start3A_560, %dma_start3A_561] : memref<65536x16xf32, #tpu.memory_space<vmem_shared>> -> memref<65536x16xf32, #tpu.memory_space<vmem_shared>>
        tpu.enqueue_indirect_dma source(%dma_start3A_556 : memref<128x16xf32, #tpu.memory_space<vmem>>) target(%dma_start3A_562 : memref<65536x16xf32, #tpu.memory_space<vmem_shared>>) offsets(%dma_start3A_559 : memref<128xi32, #tpu.memory_space<vmem>>) semaphore(%arg16 : memref<!tpu.dma_semaphore, #tpu.memory_space<semaphore_mem>>) {add = true}
        %dma_start3A_563 = arith.constant 6 : i32
        %dma_start3A_564 = arith.constant 6 : i32
        %dma_start3A_565 = arith.constant 0 : i32
        %dma_start3A_566 = arith.constant 0 : i32
        %dma_start3A_567 = tpu.memref_slice %arg11[%dma_start3A_563, %dma_start3A_565, %dma_start3A_566] : memref<8x128x16xf32, #tpu.memory_space<vmem>> -> memref<1x128x16xf32, #tpu.memory_space<vmem>>
        %dma_start3A_568 = tpu.memref_squeeze %dma_start3A_567 : memref<1x128x16xf32, #tpu.memory_space<vmem>> -> memref<128x16xf32, #tpu.memory_space<vmem>>
        %dma_start3A_569 = arith.constant 0 : i32
        %dma_start3A_570 = tpu.memref_slice %arg10[%dma_start3A_564, %dma_start3A_569] : memref<8x128xi32, #tpu.memory_space<vmem>> -> memref<1x128xi32, #tpu.memory_space<vmem>>
        %dma_start3A_571 = tpu.memref_squeeze %dma_start3A_570 : memref<1x128xi32, #tpu.memory_space<vmem>> -> memref<128xi32, #tpu.memory_space<vmem>>
        %dma_start3A_572 = arith.constant 0 : i32
        %dma_start3A_573 = arith.constant 0 : i32
        %dma_start3A_574 = tpu.memref_slice %arg13[%dma_start3A_572, %dma_start3A_573] : memref<65536x16xf32, #tpu.memory_space<vmem_shared>> -> memref<65536x16xf32, #tpu.memory_space<vmem_shared>>
        tpu.enqueue_indirect_dma source(%dma_start3A_568 : memref<128x16xf32, #tpu.memory_space<vmem>>) target(%dma_start3A_574 : memref<65536x16xf32, #tpu.memory_space<vmem_shared>>) offsets(%dma_start3A_571 : memref<128xi32, #tpu.memory_space<vmem>>) semaphore(%arg16 : memref<!tpu.dma_semaphore, #tpu.memory_space<semaphore_mem>>) {add = true}
        %dma_start3A_575 = arith.constant 7 : i32
        %dma_start3A_576 = arith.constant 7 : i32
        %dma_start3A_577 = arith.constant 0 : i32
        %dma_start3A_578 = arith.constant 0 : i32
        %dma_start3A_579 = tpu.memref_slice %arg11[%dma_start3A_575, %dma_start3A_577, %dma_start3A_578] : memref<8x128x16xf32, #tpu.memory_space<vmem>> -> memref<1x128x16xf32, #tpu.memory_space<vmem>>
        %dma_start3A_580 = tpu.memref_squeeze %dma_start3A_579 : memref<1x128x16xf32, #tpu.memory_space<vmem>> -> memref<128x16xf32, #tpu.memory_space<vmem>>
        %dma_start3A_581 = arith.constant 0 : i32
        %dma_start3A_582 = tpu.memref_slice %arg10[%dma_start3A_576, %dma_start3A_581] : memref<8x128xi32, #tpu.memory_space<vmem>> -> memref<1x128xi32, #tpu.memory_space<vmem>>
        %dma_start3A_583 = tpu.memref_squeeze %dma_start3A_582 : memref<1x128xi32, #tpu.memory_space<vmem>> -> memref<128xi32, #tpu.memory_space<vmem>>
        %dma_start3A_584 = arith.constant 0 : i32
        %dma_start3A_585 = arith.constant 0 : i32
        %dma_start3A_586 = tpu.memref_slice %arg13[%dma_start3A_584, %dma_start3A_585] : memref<65536x16xf32, #tpu.memory_space<vmem_shared>> -> memref<65536x16xf32, #tpu.memory_space<vmem_shared>>
        tpu.enqueue_indirect_dma source(%dma_start3A_580 : memref<128x16xf32, #tpu.memory_space<vmem>>) target(%dma_start3A_586 : memref<65536x16xf32, #tpu.memory_space<vmem_shared>>) offsets(%dma_start3A_583 : memref<128xi32, #tpu.memory_space<vmem>>) semaphore(%arg16 : memref<!tpu.dma_semaphore, #tpu.memory_space<semaphore_mem>>) {add = true}
      } else {
      }
    }
    %scan3A_31 = arith.constant 50 : i32
    %dma_wait3A = arith.constant 0 : i32
    %dma_wait3A_32 = arith.constant 0 : i32
    %dma_wait3A_33 = arith.constant 0 : i32
    %dma_wait3A_34 = arith.constant 0 : i32
    %dma_wait3A_35 = tpu.memref_slice %arg8[%dma_wait3A, %dma_wait3A_33, %dma_wait3A_34] : memref<8x128x16xf32, #tpu.memory_space<vmem>> -> memref<1x128x16xf32, #tpu.memory_space<vmem>>
    %dma_wait3A_36 = tpu.memref_squeeze %dma_wait3A_35 : memref<1x128x16xf32, #tpu.memory_space<vmem>> -> memref<128x16xf32, #tpu.memory_space<vmem>>
    %dma_wait3A_37 = arith.constant 0 : i32
    %dma_wait3A_38 = tpu.memref_slice %arg7[%dma_wait3A_32, %dma_wait3A_37] : memref<8x128xi32, #tpu.memory_space<vmem>> -> memref<1x128xi32, #tpu.memory_space<vmem>>
    %dma_wait3A_39 = tpu.memref_squeeze %dma_wait3A_38 : memref<1x128xi32, #tpu.memory_space<vmem>> -> memref<128xi32, #tpu.memory_space<vmem>>
    %dma_wait3A_40 = arith.constant 0 : i32
    %dma_wait3A_41 = arith.constant 0 : i32
    %dma_wait3A_42 = tpu.memref_slice %arg13[%dma_wait3A_40, %dma_wait3A_41] : memref<65536x16xf32, #tpu.memory_space<vmem_shared>> -> memref<65536x16xf32, #tpu.memory_space<vmem_shared>>
    tpu.wait_indirect_dma semaphore(%arg15 : memref<!tpu.dma_semaphore, #tpu.memory_space<semaphore_mem>>) src(%dma_wait3A_36 : memref<128x16xf32, #tpu.memory_space<vmem>>) dst(%dma_wait3A_42 : memref<65536x16xf32, #tpu.memory_space<vmem_shared>>)
    %dma_wait3A_43 = arith.constant 1 : i32
    %dma_wait3A_44 = arith.constant 1 : i32
    %dma_wait3A_45 = arith.constant 0 : i32
    %dma_wait3A_46 = arith.constant 0 : i32
    %dma_wait3A_47 = tpu.memref_slice %arg8[%dma_wait3A_43, %dma_wait3A_45, %dma_wait3A_46] : memref<8x128x16xf32, #tpu.memory_space<vmem>> -> memref<1x128x16xf32, #tpu.memory_space<vmem>>
    %dma_wait3A_48 = tpu.memref_squeeze %dma_wait3A_47 : memref<1x128x16xf32, #tpu.memory_space<vmem>> -> memref<128x16xf32, #tpu.memory_space<vmem>>
    %dma_wait3A_49 = arith.constant 0 : i32
    %dma_wait3A_50 = tpu.memref_slice %arg7[%dma_wait3A_44, %dma_wait3A_49] : memref<8x128xi32, #tpu.memory_space<vmem>> -> memref<1x128xi32, #tpu.memory_space<vmem>>
    %dma_wait3A_51 = tpu.memref_squeeze %dma_wait3A_50 : memref<1x128xi32, #tpu.memory_space<vmem>> -> memref<128xi32, #tpu.memory_space<vmem>>
    %dma_wait3A_52 = arith.constant 0 : i32
    %dma_wait3A_53 = arith.constant 0 : i32
    %dma_wait3A_54 = tpu.memref_slice %arg13[%dma_wait3A_52, %dma_wait3A_53] : memref<65536x16xf32, #tpu.memory_space<vmem_shared>> -> memref<65536x16xf32, #tpu.memory_space<vmem_shared>>
    tpu.wait_indirect_dma semaphore(%arg15 : memref<!tpu.dma_semaphore, #tpu.memory_space<semaphore_mem>>) src(%dma_wait3A_48 : memref<128x16xf32, #tpu.memory_space<vmem>>) dst(%dma_wait3A_54 : memref<65536x16xf32, #tpu.memory_space<vmem_shared>>)
    %dma_wait3A_55 = arith.constant 2 : i32
    %dma_wait3A_56 = arith.constant 2 : i32
    %dma_wait3A_57 = arith.constant 0 : i32
    %dma_wait3A_58 = arith.constant 0 : i32
    %dma_wait3A_59 = tpu.memref_slice %arg8[%dma_wait3A_55, %dma_wait3A_57, %dma_wait3A_58] : memref<8x128x16xf32, #tpu.memory_space<vmem>> -> memref<1x128x16xf32, #tpu.memory_space<vmem>>
    %dma_wait3A_60 = tpu.memref_squeeze %dma_wait3A_59 : memref<1x128x16xf32, #tpu.memory_space<vmem>> -> memref<128x16xf32, #tpu.memory_space<vmem>>
    %dma_wait3A_61 = arith.constant 0 : i32
    %dma_wait3A_62 = tpu.memref_slice %arg7[%dma_wait3A_56, %dma_wait3A_61] : memref<8x128xi32, #tpu.memory_space<vmem>> -> memref<1x128xi32, #tpu.memory_space<vmem>>
    %dma_wait3A_63 = tpu.memref_squeeze %dma_wait3A_62 : memref<1x128xi32, #tpu.memory_space<vmem>> -> memref<128xi32, #tpu.memory_space<vmem>>
    %dma_wait3A_64 = arith.constant 0 : i32
    %dma_wait3A_65 = arith.constant 0 : i32
    %dma_wait3A_66 = tpu.memref_slice %arg13[%dma_wait3A_64, %dma_wait3A_65] : memref<65536x16xf32, #tpu.memory_space<vmem_shared>> -> memref<65536x16xf32, #tpu.memory_space<vmem_shared>>
    tpu.wait_indirect_dma semaphore(%arg15 : memref<!tpu.dma_semaphore, #tpu.memory_space<semaphore_mem>>) src(%dma_wait3A_60 : memref<128x16xf32, #tpu.memory_space<vmem>>) dst(%dma_wait3A_66 : memref<65536x16xf32, #tpu.memory_space<vmem_shared>>)
    %dma_wait3A_67 = arith.constant 3 : i32
    %dma_wait3A_68 = arith.constant 3 : i32
    %dma_wait3A_69 = arith.constant 0 : i32
    %dma_wait3A_70 = arith.constant 0 : i32
    %dma_wait3A_71 = tpu.memref_slice %arg8[%dma_wait3A_67, %dma_wait3A_69, %dma_wait3A_70] : memref<8x128x16xf32, #tpu.memory_space<vmem>> -> memref<1x128x16xf32, #tpu.memory_space<vmem>>
    %dma_wait3A_72 = tpu.memref_squeeze %dma_wait3A_71 : memref<1x128x16xf32, #tpu.memory_space<vmem>> -> memref<128x16xf32, #tpu.memory_space<vmem>>
    %dma_wait3A_73 = arith.constant 0 : i32
    %dma_wait3A_74 = tpu.memref_slice %arg7[%dma_wait3A_68, %dma_wait3A_73] : memref<8x128xi32, #tpu.memory_space<vmem>> -> memref<1x128xi32, #tpu.memory_space<vmem>>
    %dma_wait3A_75 = tpu.memref_squeeze %dma_wait3A_74 : memref<1x128xi32, #tpu.memory_space<vmem>> -> memref<128xi32, #tpu.memory_space<vmem>>
    %dma_wait3A_76 = arith.constant 0 : i32
    %dma_wait3A_77 = arith.constant 0 : i32
    %dma_wait3A_78 = tpu.memref_slice %arg13[%dma_wait3A_76, %dma_wait3A_77] : memref<65536x16xf32, #tpu.memory_space<vmem_shared>> -> memref<65536x16xf32, #tpu.memory_space<vmem_shared>>
    tpu.wait_indirect_dma semaphore(%arg15 : memref<!tpu.dma_semaphore, #tpu.memory_space<semaphore_mem>>) src(%dma_wait3A_72 : memref<128x16xf32, #tpu.memory_space<vmem>>) dst(%dma_wait3A_78 : memref<65536x16xf32, #tpu.memory_space<vmem_shared>>)
    %dma_wait3A_79 = arith.constant 4 : i32
    %dma_wait3A_80 = arith.constant 4 : i32
    %dma_wait3A_81 = arith.constant 0 : i32
    %dma_wait3A_82 = arith.constant 0 : i32
    %dma_wait3A_83 = tpu.memref_slice %arg8[%dma_wait3A_79, %dma_wait3A_81, %dma_wait3A_82] : memref<8x128x16xf32, #tpu.memory_space<vmem>> -> memref<1x128x16xf32, #tpu.memory_space<vmem>>
    %dma_wait3A_84 = tpu.memref_squeeze %dma_wait3A_83 : memref<1x128x16xf32, #tpu.memory_space<vmem>> -> memref<128x16xf32, #tpu.memory_space<vmem>>
    %dma_wait3A_85 = arith.constant 0 : i32
    %dma_wait3A_86 = tpu.memref_slice %arg7[%dma_wait3A_80, %dma_wait3A_85] : memref<8x128xi32, #tpu.memory_space<vmem>> -> memref<1x128xi32, #tpu.memory_space<vmem>>
    %dma_wait3A_87 = tpu.memref_squeeze %dma_wait3A_86 : memref<1x128xi32, #tpu.memory_space<vmem>> -> memref<128xi32, #tpu.memory_space<vmem>>
    %dma_wait3A_88 = arith.constant 0 : i32
    %dma_wait3A_89 = arith.constant 0 : i32
    %dma_wait3A_90 = tpu.memref_slice %arg13[%dma_wait3A_88, %dma_wait3A_89] : memref<65536x16xf32, #tpu.memory_space<vmem_shared>> -> memref<65536x16xf32, #tpu.memory_space<vmem_shared>>
    tpu.wait_indirect_dma semaphore(%arg15 : memref<!tpu.dma_semaphore, #tpu.memory_space<semaphore_mem>>) src(%dma_wait3A_84 : memref<128x16xf32, #tpu.memory_space<vmem>>) dst(%dma_wait3A_90 : memref<65536x16xf32, #tpu.memory_space<vmem_shared>>)
    %dma_wait3A_91 = arith.constant 5 : i32
    %dma_wait3A_92 = arith.constant 5 : i32
    %dma_wait3A_93 = arith.constant 0 : i32
    %dma_wait3A_94 = arith.constant 0 : i32
    %dma_wait3A_95 = tpu.memref_slice %arg8[%dma_wait3A_91, %dma_wait3A_93, %dma_wait3A_94] : memref<8x128x16xf32, #tpu.memory_space<vmem>> -> memref<1x128x16xf32, #tpu.memory_space<vmem>>
    %dma_wait3A_96 = tpu.memref_squeeze %dma_wait3A_95 : memref<1x128x16xf32, #tpu.memory_space<vmem>> -> memref<128x16xf32, #tpu.memory_space<vmem>>
    %dma_wait3A_97 = arith.constant 0 : i32
    %dma_wait3A_98 = tpu.memref_slice %arg7[%dma_wait3A_92, %dma_wait3A_97] : memref<8x128xi32, #tpu.memory_space<vmem>> -> memref<1x128xi32, #tpu.memory_space<vmem>>
    %dma_wait3A_99 = tpu.memref_squeeze %dma_wait3A_98 : memref<1x128xi32, #tpu.memory_space<vmem>> -> memref<128xi32, #tpu.memory_space<vmem>>
    %dma_wait3A_100 = arith.constant 0 : i32
    %dma_wait3A_101 = arith.constant 0 : i32
    %dma_wait3A_102 = tpu.memref_slice %arg13[%dma_wait3A_100, %dma_wait3A_101] : memref<65536x16xf32, #tpu.memory_space<vmem_shared>> -> memref<65536x16xf32, #tpu.memory_space<vmem_shared>>
    tpu.wait_indirect_dma semaphore(%arg15 : memref<!tpu.dma_semaphore, #tpu.memory_space<semaphore_mem>>) src(%dma_wait3A_96 : memref<128x16xf32, #tpu.memory_space<vmem>>) dst(%dma_wait3A_102 : memref<65536x16xf32, #tpu.memory_space<vmem_shared>>)
    %dma_wait3A_103 = arith.constant 6 : i32
    %dma_wait3A_104 = arith.constant 6 : i32
    %dma_wait3A_105 = arith.constant 0 : i32
    %dma_wait3A_106 = arith.constant 0 : i32
    %dma_wait3A_107 = tpu.memref_slice %arg8[%dma_wait3A_103, %dma_wait3A_105, %dma_wait3A_106] : memref<8x128x16xf32, #tpu.memory_space<vmem>> -> memref<1x128x16xf32, #tpu.memory_space<vmem>>
    %dma_wait3A_108 = tpu.memref_squeeze %dma_wait3A_107 : memref<1x128x16xf32, #tpu.memory_space<vmem>> -> memref<128x16xf32, #tpu.memory_space<vmem>>
    %dma_wait3A_109 = arith.constant 0 : i32
    %dma_wait3A_110 = tpu.memref_slice %arg7[%dma_wait3A_104, %dma_wait3A_109] : memref<8x128xi32, #tpu.memory_space<vmem>> -> memref<1x128xi32, #tpu.memory_space<vmem>>
    %dma_wait3A_111 = tpu.memref_squeeze %dma_wait3A_110 : memref<1x128xi32, #tpu.memory_space<vmem>> -> memref<128xi32, #tpu.memory_space<vmem>>
    %dma_wait3A_112 = arith.constant 0 : i32
    %dma_wait3A_113 = arith.constant 0 : i32
    %dma_wait3A_114 = tpu.memref_slice %arg13[%dma_wait3A_112, %dma_wait3A_113] : memref<65536x16xf32, #tpu.memory_space<vmem_shared>> -> memref<65536x16xf32, #tpu.memory_space<vmem_shared>>
    tpu.wait_indirect_dma semaphore(%arg15 : memref<!tpu.dma_semaphore, #tpu.memory_space<semaphore_mem>>) src(%dma_wait3A_108 : memref<128x16xf32, #tpu.memory_space<vmem>>) dst(%dma_wait3A_114 : memref<65536x16xf32, #tpu.memory_space<vmem_shared>>)
    %dma_wait3A_115 = arith.constant 7 : i32
    %dma_wait3A_116 = arith.constant 7 : i32
    %dma_wait3A_117 = arith.constant 0 : i32
    %dma_wait3A_118 = arith.constant 0 : i32
    %dma_wait3A_119 = tpu.memref_slice %arg8[%dma_wait3A_115, %dma_wait3A_117, %dma_wait3A_118] : memref<8x128x16xf32, #tpu.memory_space<vmem>> -> memref<1x128x16xf32, #tpu.memory_space<vmem>>
    %dma_wait3A_120 = tpu.memref_squeeze %dma_wait3A_119 : memref<1x128x16xf32, #tpu.memory_space<vmem>> -> memref<128x16xf32, #tpu.memory_space<vmem>>
    %dma_wait3A_121 = arith.constant 0 : i32
    %dma_wait3A_122 = tpu.memref_slice %arg7[%dma_wait3A_116, %dma_wait3A_121] : memref<8x128xi32, #tpu.memory_space<vmem>> -> memref<1x128xi32, #tpu.memory_space<vmem>>
    %dma_wait3A_123 = tpu.memref_squeeze %dma_wait3A_122 : memref<1x128xi32, #tpu.memory_space<vmem>> -> memref<128xi32, #tpu.memory_space<vmem>>
    %dma_wait3A_124 = arith.constant 0 : i32
    %dma_wait3A_125 = arith.constant 0 : i32
    %dma_wait3A_126 = tpu.memref_slice %arg13[%dma_wait3A_124, %dma_wait3A_125] : memref<65536x16xf32, #tpu.memory_space<vmem_shared>> -> memref<65536x16xf32, #tpu.memory_space<vmem_shared>>
    tpu.wait_indirect_dma semaphore(%arg15 : memref<!tpu.dma_semaphore, #tpu.memory_space<semaphore_mem>>) src(%dma_wait3A_120 : memref<128x16xf32, #tpu.memory_space<vmem>>) dst(%dma_wait3A_126 : memref<65536x16xf32, #tpu.memory_space<vmem_shared>>)
    %dma_wait3A_127 = arith.constant 0 : i32
    %dma_wait3A_128 = arith.constant 0 : i32
    %dma_wait3A_129 = arith.constant 0 : i32
    %dma_wait3A_130 = arith.constant 0 : i32
    %dma_wait3A_131 = tpu.memref_slice %arg11[%dma_wait3A_127, %dma_wait3A_129, %dma_wait3A_130] : memref<8x128x16xf32, #tpu.memory_space<vmem>> -> memref<1x128x16xf32, #tpu.memory_space<vmem>>
    %dma_wait3A_132 = tpu.memref_squeeze %dma_wait3A_131 : memref<1x128x16xf32, #tpu.memory_space<vmem>> -> memref<128x16xf32, #tpu.memory_space<vmem>>
    %dma_wait3A_133 = arith.constant 0 : i32
    %dma_wait3A_134 = tpu.memref_slice %arg10[%dma_wait3A_128, %dma_wait3A_133] : memref<8x128xi32, #tpu.memory_space<vmem>> -> memref<1x128xi32, #tpu.memory_space<vmem>>
    %dma_wait3A_135 = tpu.memref_squeeze %dma_wait3A_134 : memref<1x128xi32, #tpu.memory_space<vmem>> -> memref<128xi32, #tpu.memory_space<vmem>>
    %dma_wait3A_136 = arith.constant 0 : i32
    %dma_wait3A_137 = arith.constant 0 : i32
    %dma_wait3A_138 = tpu.memref_slice %arg13[%dma_wait3A_136, %dma_wait3A_137] : memref<65536x16xf32, #tpu.memory_space<vmem_shared>> -> memref<65536x16xf32, #tpu.memory_space<vmem_shared>>
    tpu.wait_indirect_dma semaphore(%arg16 : memref<!tpu.dma_semaphore, #tpu.memory_space<semaphore_mem>>) src(%dma_wait3A_132 : memref<128x16xf32, #tpu.memory_space<vmem>>) dst(%dma_wait3A_138 : memref<65536x16xf32, #tpu.memory_space<vmem_shared>>)
    %dma_wait3A_139 = arith.constant 1 : i32
    %dma_wait3A_140 = arith.constant 1 : i32
    %dma_wait3A_141 = arith.constant 0 : i32
    %dma_wait3A_142 = arith.constant 0 : i32
    %dma_wait3A_143 = tpu.memref_slice %arg11[%dma_wait3A_139, %dma_wait3A_141, %dma_wait3A_142] : memref<8x128x16xf32, #tpu.memory_space<vmem>> -> memref<1x128x16xf32, #tpu.memory_space<vmem>>
    %dma_wait3A_144 = tpu.memref_squeeze %dma_wait3A_143 : memref<1x128x16xf32, #tpu.memory_space<vmem>> -> memref<128x16xf32, #tpu.memory_space<vmem>>
    %dma_wait3A_145 = arith.constant 0 : i32
    %dma_wait3A_146 = tpu.memref_slice %arg10[%dma_wait3A_140, %dma_wait3A_145] : memref<8x128xi32, #tpu.memory_space<vmem>> -> memref<1x128xi32, #tpu.memory_space<vmem>>
    %dma_wait3A_147 = tpu.memref_squeeze %dma_wait3A_146 : memref<1x128xi32, #tpu.memory_space<vmem>> -> memref<128xi32, #tpu.memory_space<vmem>>
    %dma_wait3A_148 = arith.constant 0 : i32
    %dma_wait3A_149 = arith.constant 0 : i32
    %dma_wait3A_150 = tpu.memref_slice %arg13[%dma_wait3A_148, %dma_wait3A_149] : memref<65536x16xf32, #tpu.memory_space<vmem_shared>> -> memref<65536x16xf32, #tpu.memory_space<vmem_shared>>
    tpu.wait_indirect_dma semaphore(%arg16 : memref<!tpu.dma_semaphore, #tpu.memory_space<semaphore_mem>>) src(%dma_wait3A_144 : memref<128x16xf32, #tpu.memory_space<vmem>>) dst(%dma_wait3A_150 : memref<65536x16xf32, #tpu.memory_space<vmem_shared>>)
    %dma_wait3A_151 = arith.constant 2 : i32
    %dma_wait3A_152 = arith.constant 2 : i32
    %dma_wait3A_153 = arith.constant 0 : i32
    %dma_wait3A_154 = arith.constant 0 : i32
    %dma_wait3A_155 = tpu.memref_slice %arg11[%dma_wait3A_151, %dma_wait3A_153, %dma_wait3A_154] : memref<8x128x16xf32, #tpu.memory_space<vmem>> -> memref<1x128x16xf32, #tpu.memory_space<vmem>>
    %dma_wait3A_156 = tpu.memref_squeeze %dma_wait3A_155 : memref<1x128x16xf32, #tpu.memory_space<vmem>> -> memref<128x16xf32, #tpu.memory_space<vmem>>
    %dma_wait3A_157 = arith.constant 0 : i32
    %dma_wait3A_158 = tpu.memref_slice %arg10[%dma_wait3A_152, %dma_wait3A_157] : memref<8x128xi32, #tpu.memory_space<vmem>> -> memref<1x128xi32, #tpu.memory_space<vmem>>
    %dma_wait3A_159 = tpu.memref_squeeze %dma_wait3A_158 : memref<1x128xi32, #tpu.memory_space<vmem>> -> memref<128xi32, #tpu.memory_space<vmem>>
    %dma_wait3A_160 = arith.constant 0 : i32
    %dma_wait3A_161 = arith.constant 0 : i32
    %dma_wait3A_162 = tpu.memref_slice %arg13[%dma_wait3A_160, %dma_wait3A_161] : memref<65536x16xf32, #tpu.memory_space<vmem_shared>> -> memref<65536x16xf32, #tpu.memory_space<vmem_shared>>
    tpu.wait_indirect_dma semaphore(%arg16 : memref<!tpu.dma_semaphore, #tpu.memory_space<semaphore_mem>>) src(%dma_wait3A_156 : memref<128x16xf32, #tpu.memory_space<vmem>>) dst(%dma_wait3A_162 : memref<65536x16xf32, #tpu.memory_space<vmem_shared>>)
    %dma_wait3A_163 = arith.constant 3 : i32
    %dma_wait3A_164 = arith.constant 3 : i32
    %dma_wait3A_165 = arith.constant 0 : i32
    %dma_wait3A_166 = arith.constant 0 : i32
    %dma_wait3A_167 = tpu.memref_slice %arg11[%dma_wait3A_163, %dma_wait3A_165, %dma_wait3A_166] : memref<8x128x16xf32, #tpu.memory_space<vmem>> -> memref<1x128x16xf32, #tpu.memory_space<vmem>>
    %dma_wait3A_168 = tpu.memref_squeeze %dma_wait3A_167 : memref<1x128x16xf32, #tpu.memory_space<vmem>> -> memref<128x16xf32, #tpu.memory_space<vmem>>
    %dma_wait3A_169 = arith.constant 0 : i32
    %dma_wait3A_170 = tpu.memref_slice %arg10[%dma_wait3A_164, %dma_wait3A_169] : memref<8x128xi32, #tpu.memory_space<vmem>> -> memref<1x128xi32, #tpu.memory_space<vmem>>
    %dma_wait3A_171 = tpu.memref_squeeze %dma_wait3A_170 : memref<1x128xi32, #tpu.memory_space<vmem>> -> memref<128xi32, #tpu.memory_space<vmem>>
    %dma_wait3A_172 = arith.constant 0 : i32
    %dma_wait3A_173 = arith.constant 0 : i32
    %dma_wait3A_174 = tpu.memref_slice %arg13[%dma_wait3A_172, %dma_wait3A_173] : memref<65536x16xf32, #tpu.memory_space<vmem_shared>> -> memref<65536x16xf32, #tpu.memory_space<vmem_shared>>
    tpu.wait_indirect_dma semaphore(%arg16 : memref<!tpu.dma_semaphore, #tpu.memory_space<semaphore_mem>>) src(%dma_wait3A_168 : memref<128x16xf32, #tpu.memory_space<vmem>>) dst(%dma_wait3A_174 : memref<65536x16xf32, #tpu.memory_space<vmem_shared>>)
    %dma_wait3A_175 = arith.constant 4 : i32
    %dma_wait3A_176 = arith.constant 4 : i32
    %dma_wait3A_177 = arith.constant 0 : i32
    %dma_wait3A_178 = arith.constant 0 : i32
    %dma_wait3A_179 = tpu.memref_slice %arg11[%dma_wait3A_175, %dma_wait3A_177, %dma_wait3A_178] : memref<8x128x16xf32, #tpu.memory_space<vmem>> -> memref<1x128x16xf32, #tpu.memory_space<vmem>>
    %dma_wait3A_180 = tpu.memref_squeeze %dma_wait3A_179 : memref<1x128x16xf32, #tpu.memory_space<vmem>> -> memref<128x16xf32, #tpu.memory_space<vmem>>
    %dma_wait3A_181 = arith.constant 0 : i32
    %dma_wait3A_182 = tpu.memref_slice %arg10[%dma_wait3A_176, %dma_wait3A_181] : memref<8x128xi32, #tpu.memory_space<vmem>> -> memref<1x128xi32, #tpu.memory_space<vmem>>
    %dma_wait3A_183 = tpu.memref_squeeze %dma_wait3A_182 : memref<1x128xi32, #tpu.memory_space<vmem>> -> memref<128xi32, #tpu.memory_space<vmem>>
    %dma_wait3A_184 = arith.constant 0 : i32
    %dma_wait3A_185 = arith.constant 0 : i32
    %dma_wait3A_186 = tpu.memref_slice %arg13[%dma_wait3A_184, %dma_wait3A_185] : memref<65536x16xf32, #tpu.memory_space<vmem_shared>> -> memref<65536x16xf32, #tpu.memory_space<vmem_shared>>
    tpu.wait_indirect_dma semaphore(%arg16 : memref<!tpu.dma_semaphore, #tpu.memory_space<semaphore_mem>>) src(%dma_wait3A_180 : memref<128x16xf32, #tpu.memory_space<vmem>>) dst(%dma_wait3A_186 : memref<65536x16xf32, #tpu.memory_space<vmem_shared>>)
    %dma_wait3A_187 = arith.constant 5 : i32
    %dma_wait3A_188 = arith.constant 5 : i32
    %dma_wait3A_189 = arith.constant 0 : i32
    %dma_wait3A_190 = arith.constant 0 : i32
    %dma_wait3A_191 = tpu.memref_slice %arg11[%dma_wait3A_187, %dma_wait3A_189, %dma_wait3A_190] : memref<8x128x16xf32, #tpu.memory_space<vmem>> -> memref<1x128x16xf32, #tpu.memory_space<vmem>>
    %dma_wait3A_192 = tpu.memref_squeeze %dma_wait3A_191 : memref<1x128x16xf32, #tpu.memory_space<vmem>> -> memref<128x16xf32, #tpu.memory_space<vmem>>
    %dma_wait3A_193 = arith.constant 0 : i32
    %dma_wait3A_194 = tpu.memref_slice %arg10[%dma_wait3A_188, %dma_wait3A_193] : memref<8x128xi32, #tpu.memory_space<vmem>> -> memref<1x128xi32, #tpu.memory_space<vmem>>
    %dma_wait3A_195 = tpu.memref_squeeze %dma_wait3A_194 : memref<1x128xi32, #tpu.memory_space<vmem>> -> memref<128xi32, #tpu.memory_space<vmem>>
    %dma_wait3A_196 = arith.constant 0 : i32
    %dma_wait3A_197 = arith.constant 0 : i32
    %dma_wait3A_198 = tpu.memref_slice %arg13[%dma_wait3A_196, %dma_wait3A_197] : memref<65536x16xf32, #tpu.memory_space<vmem_shared>> -> memref<65536x16xf32, #tpu.memory_space<vmem_shared>>
    tpu.wait_indirect_dma semaphore(%arg16 : memref<!tpu.dma_semaphore, #tpu.memory_space<semaphore_mem>>) src(%dma_wait3A_192 : memref<128x16xf32, #tpu.memory_space<vmem>>) dst(%dma_wait3A_198 : memref<65536x16xf32, #tpu.memory_space<vmem_shared>>)
    %dma_wait3A_199 = arith.constant 6 : i32
    %dma_wait3A_200 = arith.constant 6 : i32
    %dma_wait3A_201 = arith.constant 0 : i32
    %dma_wait3A_202 = arith.constant 0 : i32
    %dma_wait3A_203 = tpu.memref_slice %arg11[%dma_wait3A_199, %dma_wait3A_201, %dma_wait3A_202] : memref<8x128x16xf32, #tpu.memory_space<vmem>> -> memref<1x128x16xf32, #tpu.memory_space<vmem>>
    %dma_wait3A_204 = tpu.memref_squeeze %dma_wait3A_203 : memref<1x128x16xf32, #tpu.memory_space<vmem>> -> memref<128x16xf32, #tpu.memory_space<vmem>>
    %dma_wait3A_205 = arith.constant 0 : i32
    %dma_wait3A_206 = tpu.memref_slice %arg10[%dma_wait3A_200, %dma_wait3A_205] : memref<8x128xi32, #tpu.memory_space<vmem>> -> memref<1x128xi32, #tpu.memory_space<vmem>>
    %dma_wait3A_207 = tpu.memref_squeeze %dma_wait3A_206 : memref<1x128xi32, #tpu.memory_space<vmem>> -> memref<128xi32, #tpu.memory_space<vmem>>
    %dma_wait3A_208 = arith.constant 0 : i32
    %dma_wait3A_209 = arith.constant 0 : i32
    %dma_wait3A_210 = tpu.memref_slice %arg13[%dma_wait3A_208, %dma_wait3A_209] : memref<65536x16xf32, #tpu.memory_space<vmem_shared>> -> memref<65536x16xf32, #tpu.memory_space<vmem_shared>>
    tpu.wait_indirect_dma semaphore(%arg16 : memref<!tpu.dma_semaphore, #tpu.memory_space<semaphore_mem>>) src(%dma_wait3A_204 : memref<128x16xf32, #tpu.memory_space<vmem>>) dst(%dma_wait3A_210 : memref<65536x16xf32, #tpu.memory_space<vmem_shared>>)
    %dma_wait3A_211 = arith.constant 7 : i32
    %dma_wait3A_212 = arith.constant 7 : i32
    %dma_wait3A_213 = arith.constant 0 : i32
    %dma_wait3A_214 = arith.constant 0 : i32
    %dma_wait3A_215 = tpu.memref_slice %arg11[%dma_wait3A_211, %dma_wait3A_213, %dma_wait3A_214] : memref<8x128x16xf32, #tpu.memory_space<vmem>> -> memref<1x128x16xf32, #tpu.memory_space<vmem>>
    %dma_wait3A_216 = tpu.memref_squeeze %dma_wait3A_215 : memref<1x128x16xf32, #tpu.memory_space<vmem>> -> memref<128x16xf32, #tpu.memory_space<vmem>>
    %dma_wait3A_217 = arith.constant 0 : i32
    %dma_wait3A_218 = tpu.memref_slice %arg10[%dma_wait3A_212, %dma_wait3A_217] : memref<8x128xi32, #tpu.memory_space<vmem>> -> memref<1x128xi32, #tpu.memory_space<vmem>>
    %dma_wait3A_219 = tpu.memref_squeeze %dma_wait3A_218 : memref<1x128xi32, #tpu.memory_space<vmem>> -> memref<128xi32, #tpu.memory_space<vmem>>
    %dma_wait3A_220 = arith.constant 0 : i32
    %dma_wait3A_221 = arith.constant 0 : i32
    %dma_wait3A_222 = tpu.memref_slice %arg13[%dma_wait3A_220, %dma_wait3A_221] : memref<65536x16xf32, #tpu.memory_space<vmem_shared>> -> memref<65536x16xf32, #tpu.memory_space<vmem_shared>>
    tpu.wait_indirect_dma semaphore(%arg16 : memref<!tpu.dma_semaphore, #tpu.memory_space<semaphore_mem>>) src(%dma_wait3A_216 : memref<128x16xf32, #tpu.memory_space<vmem>>) dst(%dma_wait3A_222 : memref<65536x16xf32, #tpu.memory_space<vmem_shared>>)
    %barrier3A_223 = arith.constant 0 : index
    tpu.barrier barrier_id(%barrier3A_223)
    %mul3A_224 = arith.constant 65536 : i32
    %mul3A_225 = arith.muli %arg0, %mul3A_224 : i32
    %add3A_226 = arith.addi %mul3A_225, %mul3A_2 : i32
    %add3A_227 = arith.constant 0 : i32
    %add3A_228 = arith.addi %mul3A_2, %add3A_227 : i32
    "tpu.region"() ({
      %run_scoped3A = tpu.sem_alloc : memref<!tpu.dma_semaphore, #tpu.memory_space<semaphore_mem>>
      %dma_start3A = arith.constant 0 : i32
      %dma_start3A_259 = tpu.memref_slice %arg13[%add3A_228, %dma_start3A] : memref<65536x16xf32, #tpu.memory_space<vmem_shared>> -> memref<512x16xf32, #tpu.memory_space<vmem_shared>>
      %dma_start3A_260 = arith.constant 0 : i32
      %dma_start3A_261 = tpu.memref_slice %arg13[%add3A_228, %dma_start3A_260] : memref<65536x16xf32, #tpu.memory_space<vmem_shared>> -> memref<512x16xf32, #tpu.memory_space<vmem_shared>>
      tpu.enqueue_dma source(%dma_start3A_261 : memref<512x16xf32, #tpu.memory_space<vmem_shared>>) target(%arg12 : memref<512x16xf32, #tpu.memory_space<vmem>>) target_semaphore(%run_scoped3A : memref<!tpu.dma_semaphore, #tpu.memory_space<semaphore_mem>>)
      %dma_wait3A_262 = arith.constant 0 : i32
      %dma_wait3A_263 = tpu.memref_slice %arg13[%add3A_228, %dma_wait3A_262] : memref<65536x16xf32, #tpu.memory_space<vmem_shared>> -> memref<512x16xf32, #tpu.memory_space<vmem_shared>>
      %dma_wait3A_264 = arith.constant 0 : i32
      %dma_wait3A_265 = tpu.memref_slice %arg13[%add3A_228, %dma_wait3A_264] : memref<65536x16xf32, #tpu.memory_space<vmem_shared>> -> memref<512x16xf32, #tpu.memory_space<vmem_shared>>
      tpu.wait_dma2 semaphore(%run_scoped3A : memref<!tpu.dma_semaphore, #tpu.memory_space<semaphore_mem>>) src(%dma_wait3A_265 : memref<512x16xf32, #tpu.memory_space<vmem_shared>>) dst(%arg12 : memref<512x16xf32, #tpu.memory_space<vmem>>)
      tpu.yield
    }) : () -> ()
    %add3A_229 = arith.constant 0 : i32
    %add3A_230 = arith.addi %add3A_226, %add3A_229 : i32
    "tpu.region"() ({
      %run_scoped3A = tpu.sem_alloc : memref<!tpu.dma_semaphore, #tpu.memory_space<semaphore_mem>>
      %dma_start3A = arith.constant 0 : i32
      %dma_start3A_259 = tpu.memref_slice %arg5[%add3A_230, %dma_start3A] : memref<131072x16xf32, #tpu.memory_space<hbm>> -> memref<512x16xf32, #tpu.memory_space<hbm>>
      %dma_start3A_260 = arith.constant 0 : i32
      %dma_start3A_261 = tpu.memref_slice %arg5[%add3A_230, %dma_start3A_260] : memref<131072x16xf32, #tpu.memory_space<hbm>> -> memref<512x16xf32, #tpu.memory_space<hbm>>
      tpu.enqueue_dma source(%arg12 : memref<512x16xf32, #tpu.memory_space<vmem>>) target(%dma_start3A_261 : memref<512x16xf32, #tpu.memory_space<hbm>>) target_semaphore(%run_scoped3A : memref<!tpu.dma_semaphore, #tpu.memory_space<semaphore_mem>>)
      %dma_wait3A_262 = arith.constant 0 : i32
      %dma_wait3A_263 = tpu.memref_slice %arg5[%add3A_230, %dma_wait3A_262] : memref<131072x16xf32, #tpu.memory_space<hbm>> -> memref<512x16xf32, #tpu.memory_space<hbm>>
      %dma_wait3A_264 = arith.constant 0 : i32
      %dma_wait3A_265 = tpu.memref_slice %arg5[%add3A_230, %dma_wait3A_264] : memref<131072x16xf32, #tpu.memory_space<hbm>> -> memref<512x16xf32, #tpu.memory_space<hbm>>
      tpu.wait_dma2 semaphore(%run_scoped3A : memref<!tpu.dma_semaphore, #tpu.memory_space<semaphore_mem>>) src(%arg12 : memref<512x16xf32, #tpu.memory_space<vmem>>) dst(%dma_wait3A_265 : memref<512x16xf32, #tpu.memory_space<hbm>>)
      tpu.yield
    }) : () -> ()
    %add3A_231 = arith.constant 512 : i32
    %add3A_232 = arith.addi %mul3A_2, %add3A_231 : i32
    "tpu.region"() ({
      %run_scoped3A = tpu.sem_alloc : memref<!tpu.dma_semaphore, #tpu.memory_space<semaphore_mem>>
      %dma_start3A = arith.constant 0 : i32
      %dma_start3A_259 = tpu.memref_slice %arg13[%add3A_232, %dma_start3A] : memref<65536x16xf32, #tpu.memory_space<vmem_shared>> -> memref<512x16xf32, #tpu.memory_space<vmem_shared>>
      %dma_start3A_260 = arith.constant 0 : i32
      %dma_start3A_261 = tpu.memref_slice %arg13[%add3A_232, %dma_start3A_260] : memref<65536x16xf32, #tpu.memory_space<vmem_shared>> -> memref<512x16xf32, #tpu.memory_space<vmem_shared>>
      tpu.enqueue_dma source(%dma_start3A_261 : memref<512x16xf32, #tpu.memory_space<vmem_shared>>) target(%arg12 : memref<512x16xf32, #tpu.memory_space<vmem>>) target_semaphore(%run_scoped3A : memref<!tpu.dma_semaphore, #tpu.memory_space<semaphore_mem>>)
      %dma_wait3A_262 = arith.constant 0 : i32
      %dma_wait3A_263 = tpu.memref_slice %arg13[%add3A_232, %dma_wait3A_262] : memref<65536x16xf32, #tpu.memory_space<vmem_shared>> -> memref<512x16xf32, #tpu.memory_space<vmem_shared>>
      %dma_wait3A_264 = arith.constant 0 : i32
      %dma_wait3A_265 = tpu.memref_slice %arg13[%add3A_232, %dma_wait3A_264] : memref<65536x16xf32, #tpu.memory_space<vmem_shared>> -> memref<512x16xf32, #tpu.memory_space<vmem_shared>>
      tpu.wait_dma2 semaphore(%run_scoped3A : memref<!tpu.dma_semaphore, #tpu.memory_space<semaphore_mem>>) src(%dma_wait3A_265 : memref<512x16xf32, #tpu.memory_space<vmem_shared>>) dst(%arg12 : memref<512x16xf32, #tpu.memory_space<vmem>>)
      tpu.yield
    }) : () -> ()
    %add3A_233 = arith.constant 512 : i32
    %add3A_234 = arith.addi %add3A_226, %add3A_233 : i32
    "tpu.region"() ({
      %run_scoped3A = tpu.sem_alloc : memref<!tpu.dma_semaphore, #tpu.memory_space<semaphore_mem>>
      %dma_start3A = arith.constant 0 : i32
      %dma_start3A_259 = tpu.memref_slice %arg5[%add3A_234, %dma_start3A] : memref<131072x16xf32, #tpu.memory_space<hbm>> -> memref<512x16xf32, #tpu.memory_space<hbm>>
      %dma_start3A_260 = arith.constant 0 : i32
      %dma_start3A_261 = tpu.memref_slice %arg5[%add3A_234, %dma_start3A_260] : memref<131072x16xf32, #tpu.memory_space<hbm>> -> memref<512x16xf32, #tpu.memory_space<hbm>>
      tpu.enqueue_dma source(%arg12 : memref<512x16xf32, #tpu.memory_space<vmem>>) target(%dma_start3A_261 : memref<512x16xf32, #tpu.memory_space<hbm>>) target_semaphore(%run_scoped3A : memref<!tpu.dma_semaphore, #tpu.memory_space<semaphore_mem>>)
      %dma_wait3A_262 = arith.constant 0 : i32
      %dma_wait3A_263 = tpu.memref_slice %arg5[%add3A_234, %dma_wait3A_262] : memref<131072x16xf32, #tpu.memory_space<hbm>> -> memref<512x16xf32, #tpu.memory_space<hbm>>
      %dma_wait3A_264 = arith.constant 0 : i32
      %dma_wait3A_265 = tpu.memref_slice %arg5[%add3A_234, %dma_wait3A_264] : memref<131072x16xf32, #tpu.memory_space<hbm>> -> memref<512x16xf32, #tpu.memory_space<hbm>>
      tpu.wait_dma2 semaphore(%run_scoped3A : memref<!tpu.dma_semaphore, #tpu.memory_space<semaphore_mem>>) src(%arg12 : memref<512x16xf32, #tpu.memory_space<vmem>>) dst(%dma_wait3A_265 : memref<512x16xf32, #tpu.memory_space<hbm>>)
      tpu.yield
    }) : () -> ()
    %add3A_235 = arith.constant 1024 : i32
    %add3A_236 = arith.addi %mul3A_2, %add3A_235 : i32
    "tpu.region"() ({
      %run_scoped3A = tpu.sem_alloc : memref<!tpu.dma_semaphore, #tpu.memory_space<semaphore_mem>>
      %dma_start3A = arith.constant 0 : i32
      %dma_start3A_259 = tpu.memref_slice %arg13[%add3A_236, %dma_start3A] : memref<65536x16xf32, #tpu.memory_space<vmem_shared>> -> memref<512x16xf32, #tpu.memory_space<vmem_shared>>
      %dma_start3A_260 = arith.constant 0 : i32
      %dma_start3A_261 = tpu.memref_slice %arg13[%add3A_236, %dma_start3A_260] : memref<65536x16xf32, #tpu.memory_space<vmem_shared>> -> memref<512x16xf32, #tpu.memory_space<vmem_shared>>
      tpu.enqueue_dma source(%dma_start3A_261 : memref<512x16xf32, #tpu.memory_space<vmem_shared>>) target(%arg12 : memref<512x16xf32, #tpu.memory_space<vmem>>) target_semaphore(%run_scoped3A : memref<!tpu.dma_semaphore, #tpu.memory_space<semaphore_mem>>)
      %dma_wait3A_262 = arith.constant 0 : i32
      %dma_wait3A_263 = tpu.memref_slice %arg13[%add3A_236, %dma_wait3A_262] : memref<65536x16xf32, #tpu.memory_space<vmem_shared>> -> memref<512x16xf32, #tpu.memory_space<vmem_shared>>
      %dma_wait3A_264 = arith.constant 0 : i32
      %dma_wait3A_265 = tpu.memref_slice %arg13[%add3A_236, %dma_wait3A_264] : memref<65536x16xf32, #tpu.memory_space<vmem_shared>> -> memref<512x16xf32, #tpu.memory_space<vmem_shared>>
      tpu.wait_dma2 semaphore(%run_scoped3A : memref<!tpu.dma_semaphore, #tpu.memory_space<semaphore_mem>>) src(%dma_wait3A_265 : memref<512x16xf32, #tpu.memory_space<vmem_shared>>) dst(%arg12 : memref<512x16xf32, #tpu.memory_space<vmem>>)
      tpu.yield
    }) : () -> ()
    %add3A_237 = arith.constant 1024 : i32
    %add3A_238 = arith.addi %add3A_226, %add3A_237 : i32
    "tpu.region"() ({
      %run_scoped3A = tpu.sem_alloc : memref<!tpu.dma_semaphore, #tpu.memory_space<semaphore_mem>>
      %dma_start3A = arith.constant 0 : i32
      %dma_start3A_259 = tpu.memref_slice %arg5[%add3A_238, %dma_start3A] : memref<131072x16xf32, #tpu.memory_space<hbm>> -> memref<512x16xf32, #tpu.memory_space<hbm>>
      %dma_start3A_260 = arith.constant 0 : i32
      %dma_start3A_261 = tpu.memref_slice %arg5[%add3A_238, %dma_start3A_260] : memref<131072x16xf32, #tpu.memory_space<hbm>> -> memref<512x16xf32, #tpu.memory_space<hbm>>
      tpu.enqueue_dma source(%arg12 : memref<512x16xf32, #tpu.memory_space<vmem>>) target(%dma_start3A_261 : memref<512x16xf32, #tpu.memory_space<hbm>>) target_semaphore(%run_scoped3A : memref<!tpu.dma_semaphore, #tpu.memory_space<semaphore_mem>>)
      %dma_wait3A_262 = arith.constant 0 : i32
      %dma_wait3A_263 = tpu.memref_slice %arg5[%add3A_238, %dma_wait3A_262] : memref<131072x16xf32, #tpu.memory_space<hbm>> -> memref<512x16xf32, #tpu.memory_space<hbm>>
      %dma_wait3A_264 = arith.constant 0 : i32
      %dma_wait3A_265 = tpu.memref_slice %arg5[%add3A_238, %dma_wait3A_264] : memref<131072x16xf32, #tpu.memory_space<hbm>> -> memref<512x16xf32, #tpu.memory_space<hbm>>
      tpu.wait_dma2 semaphore(%run_scoped3A : memref<!tpu.dma_semaphore, #tpu.memory_space<semaphore_mem>>) src(%arg12 : memref<512x16xf32, #tpu.memory_space<vmem>>) dst(%dma_wait3A_265 : memref<512x16xf32, #tpu.memory_space<hbm>>)
      tpu.yield
    }) : () -> ()
    %add3A_239 = arith.constant 1536 : i32
    %add3A_240 = arith.addi %mul3A_2, %add3A_239 : i32
    "tpu.region"() ({
      %run_scoped3A = tpu.sem_alloc : memref<!tpu.dma_semaphore, #tpu.memory_space<semaphore_mem>>
      %dma_start3A = arith.constant 0 : i32
      %dma_start3A_259 = tpu.memref_slice %arg13[%add3A_240, %dma_start3A] : memref<65536x16xf32, #tpu.memory_space<vmem_shared>> -> memref<512x16xf32, #tpu.memory_space<vmem_shared>>
      %dma_start3A_260 = arith.constant 0 : i32
      %dma_start3A_261 = tpu.memref_slice %arg13[%add3A_240, %dma_start3A_260] : memref<65536x16xf32, #tpu.memory_space<vmem_shared>> -> memref<512x16xf32, #tpu.memory_space<vmem_shared>>
      tpu.enqueue_dma source(%dma_start3A_261 : memref<512x16xf32, #tpu.memory_space<vmem_shared>>) target(%arg12 : memref<512x16xf32, #tpu.memory_space<vmem>>) target_semaphore(%run_scoped3A : memref<!tpu.dma_semaphore, #tpu.memory_space<semaphore_mem>>)
      %dma_wait3A_262 = arith.constant 0 : i32
      %dma_wait3A_263 = tpu.memref_slice %arg13[%add3A_240, %dma_wait3A_262] : memref<65536x16xf32, #tpu.memory_space<vmem_shared>> -> memref<512x16xf32, #tpu.memory_space<vmem_shared>>
      %dma_wait3A_264 = arith.constant 0 : i32
      %dma_wait3A_265 = tpu.memref_slice %arg13[%add3A_240, %dma_wait3A_264] : memref<65536x16xf32, #tpu.memory_space<vmem_shared>> -> memref<512x16xf32, #tpu.memory_space<vmem_shared>>
      tpu.wait_dma2 semaphore(%run_scoped3A : memref<!tpu.dma_semaphore, #tpu.memory_space<semaphore_mem>>) src(%dma_wait3A_265 : memref<512x16xf32, #tpu.memory_space<vmem_shared>>) dst(%arg12 : memref<512x16xf32, #tpu.memory_space<vmem>>)
      tpu.yield
    }) : () -> ()
    %add3A_241 = arith.constant 1536 : i32
    %add3A_242 = arith.addi %add3A_226, %add3A_241 : i32
    "tpu.region"() ({
      %run_scoped3A = tpu.sem_alloc : memref<!tpu.dma_semaphore, #tpu.memory_space<semaphore_mem>>
      %dma_start3A = arith.constant 0 : i32
      %dma_start3A_259 = tpu.memref_slice %arg5[%add3A_242, %dma_start3A] : memref<131072x16xf32, #tpu.memory_space<hbm>> -> memref<512x16xf32, #tpu.memory_space<hbm>>
      %dma_start3A_260 = arith.constant 0 : i32
      %dma_start3A_261 = tpu.memref_slice %arg5[%add3A_242, %dma_start3A_260] : memref<131072x16xf32, #tpu.memory_space<hbm>> -> memref<512x16xf32, #tpu.memory_space<hbm>>
      tpu.enqueue_dma source(%arg12 : memref<512x16xf32, #tpu.memory_space<vmem>>) target(%dma_start3A_261 : memref<512x16xf32, #tpu.memory_space<hbm>>) target_semaphore(%run_scoped3A : memref<!tpu.dma_semaphore, #tpu.memory_space<semaphore_mem>>)
      %dma_wait3A_262 = arith.constant 0 : i32
      %dma_wait3A_263 = tpu.memref_slice %arg5[%add3A_242, %dma_wait3A_262] : memref<131072x16xf32, #tpu.memory_space<hbm>> -> memref<512x16xf32, #tpu.memory_space<hbm>>
      %dma_wait3A_264 = arith.constant 0 : i32
      %dma_wait3A_265 = tpu.memref_slice %arg5[%add3A_242, %dma_wait3A_264] : memref<131072x16xf32, #tpu.memory_space<hbm>> -> memref<512x16xf32, #tpu.memory_space<hbm>>
      tpu.wait_dma2 semaphore(%run_scoped3A : memref<!tpu.dma_semaphore, #tpu.memory_space<semaphore_mem>>) src(%arg12 : memref<512x16xf32, #tpu.memory_space<vmem>>) dst(%dma_wait3A_265 : memref<512x16xf32, #tpu.memory_space<hbm>>)
      tpu.yield
    }) : () -> ()
    %add3A_243 = arith.constant 2048 : i32
    %add3A_244 = arith.addi %mul3A_2, %add3A_243 : i32
    "tpu.region"() ({
      %run_scoped3A = tpu.sem_alloc : memref<!tpu.dma_semaphore, #tpu.memory_space<semaphore_mem>>
      %dma_start3A = arith.constant 0 : i32
      %dma_start3A_259 = tpu.memref_slice %arg13[%add3A_244, %dma_start3A] : memref<65536x16xf32, #tpu.memory_space<vmem_shared>> -> memref<512x16xf32, #tpu.memory_space<vmem_shared>>
      %dma_start3A_260 = arith.constant 0 : i32
      %dma_start3A_261 = tpu.memref_slice %arg13[%add3A_244, %dma_start3A_260] : memref<65536x16xf32, #tpu.memory_space<vmem_shared>> -> memref<512x16xf32, #tpu.memory_space<vmem_shared>>
      tpu.enqueue_dma source(%dma_start3A_261 : memref<512x16xf32, #tpu.memory_space<vmem_shared>>) target(%arg12 : memref<512x16xf32, #tpu.memory_space<vmem>>) target_semaphore(%run_scoped3A : memref<!tpu.dma_semaphore, #tpu.memory_space<semaphore_mem>>)
      %dma_wait3A_262 = arith.constant 0 : i32
      %dma_wait3A_263 = tpu.memref_slice %arg13[%add3A_244, %dma_wait3A_262] : memref<65536x16xf32, #tpu.memory_space<vmem_shared>> -> memref<512x16xf32, #tpu.memory_space<vmem_shared>>
      %dma_wait3A_264 = arith.constant 0 : i32
      %dma_wait3A_265 = tpu.memref_slice %arg13[%add3A_244, %dma_wait3A_264] : memref<65536x16xf32, #tpu.memory_space<vmem_shared>> -> memref<512x16xf32, #tpu.memory_space<vmem_shared>>
      tpu.wait_dma2 semaphore(%run_scoped3A : memref<!tpu.dma_semaphore, #tpu.memory_space<semaphore_mem>>) src(%dma_wait3A_265 : memref<512x16xf32, #tpu.memory_space<vmem_shared>>) dst(%arg12 : memref<512x16xf32, #tpu.memory_space<vmem>>)
      tpu.yield
    }) : () -> ()
    %add3A_245 = arith.constant 2048 : i32
    %add3A_246 = arith.addi %add3A_226, %add3A_245 : i32
    "tpu.region"() ({
      %run_scoped3A = tpu.sem_alloc : memref<!tpu.dma_semaphore, #tpu.memory_space<semaphore_mem>>
      %dma_start3A = arith.constant 0 : i32
      %dma_start3A_259 = tpu.memref_slice %arg5[%add3A_246, %dma_start3A] : memref<131072x16xf32, #tpu.memory_space<hbm>> -> memref<512x16xf32, #tpu.memory_space<hbm>>
      %dma_start3A_260 = arith.constant 0 : i32
      %dma_start3A_261 = tpu.memref_slice %arg5[%add3A_246, %dma_start3A_260] : memref<131072x16xf32, #tpu.memory_space<hbm>> -> memref<512x16xf32, #tpu.memory_space<hbm>>
      tpu.enqueue_dma source(%arg12 : memref<512x16xf32, #tpu.memory_space<vmem>>) target(%dma_start3A_261 : memref<512x16xf32, #tpu.memory_space<hbm>>) target_semaphore(%run_scoped3A : memref<!tpu.dma_semaphore, #tpu.memory_space<semaphore_mem>>)
      %dma_wait3A_262 = arith.constant 0 : i32
      %dma_wait3A_263 = tpu.memref_slice %arg5[%add3A_246, %dma_wait3A_262] : memref<131072x16xf32, #tpu.memory_space<hbm>> -> memref<512x16xf32, #tpu.memory_space<hbm>>
      %dma_wait3A_264 = arith.constant 0 : i32
      %dma_wait3A_265 = tpu.memref_slice %arg5[%add3A_246, %dma_wait3A_264] : memref<131072x16xf32, #tpu.memory_space<hbm>> -> memref<512x16xf32, #tpu.memory_space<hbm>>
      tpu.wait_dma2 semaphore(%run_scoped3A : memref<!tpu.dma_semaphore, #tpu.memory_space<semaphore_mem>>) src(%arg12 : memref<512x16xf32, #tpu.memory_space<vmem>>) dst(%dma_wait3A_265 : memref<512x16xf32, #tpu.memory_space<hbm>>)
      tpu.yield
    }) : () -> ()
    %add3A_247 = arith.constant 2560 : i32
    %add3A_248 = arith.addi %mul3A_2, %add3A_247 : i32
    "tpu.region"() ({
      %run_scoped3A = tpu.sem_alloc : memref<!tpu.dma_semaphore, #tpu.memory_space<semaphore_mem>>
      %dma_start3A = arith.constant 0 : i32
      %dma_start3A_259 = tpu.memref_slice %arg13[%add3A_248, %dma_start3A] : memref<65536x16xf32, #tpu.memory_space<vmem_shared>> -> memref<512x16xf32, #tpu.memory_space<vmem_shared>>
      %dma_start3A_260 = arith.constant 0 : i32
      %dma_start3A_261 = tpu.memref_slice %arg13[%add3A_248, %dma_start3A_260] : memref<65536x16xf32, #tpu.memory_space<vmem_shared>> -> memref<512x16xf32, #tpu.memory_space<vmem_shared>>
      tpu.enqueue_dma source(%dma_start3A_261 : memref<512x16xf32, #tpu.memory_space<vmem_shared>>) target(%arg12 : memref<512x16xf32, #tpu.memory_space<vmem>>) target_semaphore(%run_scoped3A : memref<!tpu.dma_semaphore, #tpu.memory_space<semaphore_mem>>)
      %dma_wait3A_262 = arith.constant 0 : i32
      %dma_wait3A_263 = tpu.memref_slice %arg13[%add3A_248, %dma_wait3A_262] : memref<65536x16xf32, #tpu.memory_space<vmem_shared>> -> memref<512x16xf32, #tpu.memory_space<vmem_shared>>
      %dma_wait3A_264 = arith.constant 0 : i32
      %dma_wait3A_265 = tpu.memref_slice %arg13[%add3A_248, %dma_wait3A_264] : memref<65536x16xf32, #tpu.memory_space<vmem_shared>> -> memref<512x16xf32, #tpu.memory_space<vmem_shared>>
      tpu.wait_dma2 semaphore(%run_scoped3A : memref<!tpu.dma_semaphore, #tpu.memory_space<semaphore_mem>>) src(%dma_wait3A_265 : memref<512x16xf32, #tpu.memory_space<vmem_shared>>) dst(%arg12 : memref<512x16xf32, #tpu.memory_space<vmem>>)
      tpu.yield
    }) : () -> ()
    %add3A_249 = arith.constant 2560 : i32
    %add3A_250 = arith.addi %add3A_226, %add3A_249 : i32
    "tpu.region"() ({
      %run_scoped3A = tpu.sem_alloc : memref<!tpu.dma_semaphore, #tpu.memory_space<semaphore_mem>>
      %dma_start3A = arith.constant 0 : i32
      %dma_start3A_259 = tpu.memref_slice %arg5[%add3A_250, %dma_start3A] : memref<131072x16xf32, #tpu.memory_space<hbm>> -> memref<512x16xf32, #tpu.memory_space<hbm>>
      %dma_start3A_260 = arith.constant 0 : i32
      %dma_start3A_261 = tpu.memref_slice %arg5[%add3A_250, %dma_start3A_260] : memref<131072x16xf32, #tpu.memory_space<hbm>> -> memref<512x16xf32, #tpu.memory_space<hbm>>
      tpu.enqueue_dma source(%arg12 : memref<512x16xf32, #tpu.memory_space<vmem>>) target(%dma_start3A_261 : memref<512x16xf32, #tpu.memory_space<hbm>>) target_semaphore(%run_scoped3A : memref<!tpu.dma_semaphore, #tpu.memory_space<semaphore_mem>>)
      %dma_wait3A_262 = arith.constant 0 : i32
      %dma_wait3A_263 = tpu.memref_slice %arg5[%add3A_250, %dma_wait3A_262] : memref<131072x16xf32, #tpu.memory_space<hbm>> -> memref<512x16xf32, #tpu.memory_space<hbm>>
      %dma_wait3A_264 = arith.constant 0 : i32
      %dma_wait3A_265 = tpu.memref_slice %arg5[%add3A_250, %dma_wait3A_264] : memref<131072x16xf32, #tpu.memory_space<hbm>> -> memref<512x16xf32, #tpu.memory_space<hbm>>
      tpu.wait_dma2 semaphore(%run_scoped3A : memref<!tpu.dma_semaphore, #tpu.memory_space<semaphore_mem>>) src(%arg12 : memref<512x16xf32, #tpu.memory_space<vmem>>) dst(%dma_wait3A_265 : memref<512x16xf32, #tpu.memory_space<hbm>>)
      tpu.yield
    }) : () -> ()
    %add3A_251 = arith.constant 3072 : i32
    %add3A_252 = arith.addi %mul3A_2, %add3A_251 : i32
    "tpu.region"() ({
      %run_scoped3A = tpu.sem_alloc : memref<!tpu.dma_semaphore, #tpu.memory_space<semaphore_mem>>
      %dma_start3A = arith.constant 0 : i32
      %dma_start3A_259 = tpu.memref_slice %arg13[%add3A_252, %dma_start3A] : memref<65536x16xf32, #tpu.memory_space<vmem_shared>> -> memref<512x16xf32, #tpu.memory_space<vmem_shared>>
      %dma_start3A_260 = arith.constant 0 : i32
      %dma_start3A_261 = tpu.memref_slice %arg13[%add3A_252, %dma_start3A_260] : memref<65536x16xf32, #tpu.memory_space<vmem_shared>> -> memref<512x16xf32, #tpu.memory_space<vmem_shared>>
      tpu.enqueue_dma source(%dma_start3A_261 : memref<512x16xf32, #tpu.memory_space<vmem_shared>>) target(%arg12 : memref<512x16xf32, #tpu.memory_space<vmem>>) target_semaphore(%run_scoped3A : memref<!tpu.dma_semaphore, #tpu.memory_space<semaphore_mem>>)
      %dma_wait3A_262 = arith.constant 0 : i32
      %dma_wait3A_263 = tpu.memref_slice %arg13[%add3A_252, %dma_wait3A_262] : memref<65536x16xf32, #tpu.memory_space<vmem_shared>> -> memref<512x16xf32, #tpu.memory_space<vmem_shared>>
      %dma_wait3A_264 = arith.constant 0 : i32
      %dma_wait3A_265 = tpu.memref_slice %arg13[%add3A_252, %dma_wait3A_264] : memref<65536x16xf32, #tpu.memory_space<vmem_shared>> -> memref<512x16xf32, #tpu.memory_space<vmem_shared>>
      tpu.wait_dma2 semaphore(%run_scoped3A : memref<!tpu.dma_semaphore, #tpu.memory_space<semaphore_mem>>) src(%dma_wait3A_265 : memref<512x16xf32, #tpu.memory_space<vmem_shared>>) dst(%arg12 : memref<512x16xf32, #tpu.memory_space<vmem>>)
      tpu.yield
    }) : () -> ()
    %add3A_253 = arith.constant 3072 : i32
    %add3A_254 = arith.addi %add3A_226, %add3A_253 : i32
    "tpu.region"() ({
      %run_scoped3A = tpu.sem_alloc : memref<!tpu.dma_semaphore, #tpu.memory_space<semaphore_mem>>
      %dma_start3A = arith.constant 0 : i32
      %dma_start3A_259 = tpu.memref_slice %arg5[%add3A_254, %dma_start3A] : memref<131072x16xf32, #tpu.memory_space<hbm>> -> memref<512x16xf32, #tpu.memory_space<hbm>>
      %dma_start3A_260 = arith.constant 0 : i32
      %dma_start3A_261 = tpu.memref_slice %arg5[%add3A_254, %dma_start3A_260] : memref<131072x16xf32, #tpu.memory_space<hbm>> -> memref<512x16xf32, #tpu.memory_space<hbm>>
      tpu.enqueue_dma source(%arg12 : memref<512x16xf32, #tpu.memory_space<vmem>>) target(%dma_start3A_261 : memref<512x16xf32, #tpu.memory_space<hbm>>) target_semaphore(%run_scoped3A : memref<!tpu.dma_semaphore, #tpu.memory_space<semaphore_mem>>)
      %dma_wait3A_262 = arith.constant 0 : i32
      %dma_wait3A_263 = tpu.memref_slice %arg5[%add3A_254, %dma_wait3A_262] : memref<131072x16xf32, #tpu.memory_space<hbm>> -> memref<512x16xf32, #tpu.memory_space<hbm>>
      %dma_wait3A_264 = arith.constant 0 : i32
      %dma_wait3A_265 = tpu.memref_slice %arg5[%add3A_254, %dma_wait3A_264] : memref<131072x16xf32, #tpu.memory_space<hbm>> -> memref<512x16xf32, #tpu.memory_space<hbm>>
      tpu.wait_dma2 semaphore(%run_scoped3A : memref<!tpu.dma_semaphore, #tpu.memory_space<semaphore_mem>>) src(%arg12 : memref<512x16xf32, #tpu.memory_space<vmem>>) dst(%dma_wait3A_265 : memref<512x16xf32, #tpu.memory_space<hbm>>)
      tpu.yield
    }) : () -> ()
    %add3A_255 = arith.constant 3584 : i32
    %add3A_256 = arith.addi %mul3A_2, %add3A_255 : i32
    "tpu.region"() ({
      %run_scoped3A = tpu.sem_alloc : memref<!tpu.dma_semaphore, #tpu.memory_space<semaphore_mem>>
      %dma_start3A = arith.constant 0 : i32
      %dma_start3A_259 = tpu.memref_slice %arg13[%add3A_256, %dma_start3A] : memref<65536x16xf32, #tpu.memory_space<vmem_shared>> -> memref<512x16xf32, #tpu.memory_space<vmem_shared>>
      %dma_start3A_260 = arith.constant 0 : i32
      %dma_start3A_261 = tpu.memref_slice %arg13[%add3A_256, %dma_start3A_260] : memref<65536x16xf32, #tpu.memory_space<vmem_shared>> -> memref<512x16xf32, #tpu.memory_space<vmem_shared>>
      tpu.enqueue_dma source(%dma_start3A_261 : memref<512x16xf32, #tpu.memory_space<vmem_shared>>) target(%arg12 : memref<512x16xf32, #tpu.memory_space<vmem>>) target_semaphore(%run_scoped3A : memref<!tpu.dma_semaphore, #tpu.memory_space<semaphore_mem>>)
      %dma_wait3A_262 = arith.constant 0 : i32
      %dma_wait3A_263 = tpu.memref_slice %arg13[%add3A_256, %dma_wait3A_262] : memref<65536x16xf32, #tpu.memory_space<vmem_shared>> -> memref<512x16xf32, #tpu.memory_space<vmem_shared>>
      %dma_wait3A_264 = arith.constant 0 : i32
      %dma_wait3A_265 = tpu.memref_slice %arg13[%add3A_256, %dma_wait3A_264] : memref<65536x16xf32, #tpu.memory_space<vmem_shared>> -> memref<512x16xf32, #tpu.memory_space<vmem_shared>>
      tpu.wait_dma2 semaphore(%run_scoped3A : memref<!tpu.dma_semaphore, #tpu.memory_space<semaphore_mem>>) src(%dma_wait3A_265 : memref<512x16xf32, #tpu.memory_space<vmem_shared>>) dst(%arg12 : memref<512x16xf32, #tpu.memory_space<vmem>>)
      tpu.yield
    }) : () -> ()
    %add3A_257 = arith.constant 3584 : i32
    %add3A_258 = arith.addi %add3A_226, %add3A_257 : i32
    "tpu.region"() ({
      %run_scoped3A = tpu.sem_alloc : memref<!tpu.dma_semaphore, #tpu.memory_space<semaphore_mem>>
      %dma_start3A = arith.constant 0 : i32
      %dma_start3A_259 = tpu.memref_slice %arg5[%add3A_258, %dma_start3A] : memref<131072x16xf32, #tpu.memory_space<hbm>> -> memref<512x16xf32, #tpu.memory_space<hbm>>
      %dma_start3A_260 = arith.constant 0 : i32
      %dma_start3A_261 = tpu.memref_slice %arg5[%add3A_258, %dma_start3A_260] : memref<131072x16xf32, #tpu.memory_space<hbm>> -> memref<512x16xf32, #tpu.memory_space<hbm>>
      tpu.enqueue_dma source(%arg12 : memref<512x16xf32, #tpu.memory_space<vmem>>) target(%dma_start3A_261 : memref<512x16xf32, #tpu.memory_space<hbm>>) target_semaphore(%run_scoped3A : memref<!tpu.dma_semaphore, #tpu.memory_space<semaphore_mem>>)
      %dma_wait3A_262 = arith.constant 0 : i32
      %dma_wait3A_263 = tpu.memref_slice %arg5[%add3A_258, %dma_wait3A_262] : memref<131072x16xf32, #tpu.memory_space<hbm>> -> memref<512x16xf32, #tpu.memory_space<hbm>>
      %dma_wait3A_264 = arith.constant 0 : i32
      %dma_wait3A_265 = tpu.memref_slice %arg5[%add3A_258, %dma_wait3A_264] : memref<131072x16xf32, #tpu.memory_space<hbm>> -> memref<512x16xf32, #tpu.memory_space<hbm>>
      tpu.wait_dma2 semaphore(%run_scoped3A : memref<!tpu.dma_semaphore, #tpu.memory_space<semaphore_mem>>) src(%arg12 : memref<512x16xf32, #tpu.memory_space<vmem>>) dst(%dma_wait3A_265 : memref<512x16xf32, #tpu.memory_space<hbm>>)
      tpu.yield
    }) : () -> ()
    return
  }
}

#map = affine_map<(d0, d1) -> (0, 0)>
#map1 = affine_map<(d0, d1) -> (0)>
module attributes {stable_mosaic.version = 14 : i64} {
  func.func @_deg_body(%arg0: i32, %arg1: i32, %arg2: memref<12800x128xi32, #tpu.memory_space<hbm>>, %arg3: memref<131072xf32, #tpu.memory_space<hbm>>, %arg4: memref<8x128xi32, #tpu.memory_space<vmem>>, %arg5: memref<128xf32, #tpu.memory_space<vmem>>, %arg6: memref<4096xf32, #tpu.memory_space<vmem>>, %arg7: memref<4096xf32, #tpu.memory_space<vmem>>, %arg8: memref<65536xf32, #tpu.memory_space<vmem_shared>>, %arg9: memref<!tpu.dma_semaphore, #tpu.memory_space<semaphore_mem>>) attributes {dimension_semantics = [#tpu.dimension_semantics<core_parallel>, #tpu.dimension_semantics<subcore_parallel>], iteration_bounds = array<i64: 2, 16>, scalar_prefetch = 0 : i64, scratch_operands = 6 : i64, tpu.core_type = #tpu.core_type<sc_vector_subcore>, window_params = [{transform_indices = #map}, {transform_indices = #map1}]} {
    %mul3A = arith.constant 2 : i32
    %mul3A_0 = arith.muli %arg1, %mul3A : i32
    %add3A = arith.addi %mul3A_0, %arg0 : i32
    %mul3A_1 = arith.constant 4096 : i32
    %mul3A_2 = arith.muli %arg1, %mul3A_1 : i32
    %scan3A = arith.constant 0 : i32
    %scan3A_3 = arith.constant 0 : i32
    %scan3A_4 = arith.constant 256 : i32
    %scan3A_5 = arith.addi %scan3A_3, %scan3A_4 : i32
    %scan3A_6 = arith.constant 1 : i32
    scf.for %scan3A_66 = %scan3A_3 to %scan3A_5 step %scan3A_6  : i32 {
      %broadcast_in_dim3A_67 = arith.constant 0.000000e+00 : f32
      %broadcast_in_dim3A_68 = vector.broadcast %broadcast_in_dim3A_67 : f32 to vector<16xf32>
      %mul3A_69 = arith.constant 16 : i32
      %mul3A_70 = arith.muli %scan3A_66, %mul3A_69 : i32
      %swap3A_71 = arith.index_cast %mul3A_70 : i32 to index
      %swap3A_72 = tpu.vector_load %arg6[%swap3A_71] {strides = array<i32>} : memref<4096xf32, #tpu.memory_space<vmem>>, vector<16xf32>,
      %swap3A_73 = vector.shape_cast %swap3A_72 : vector<16xf32> to vector<16xf32>
      %swap3A_74 = vector.shape_cast %broadcast_in_dim3A_68 : vector<16xf32> to vector<16xf32>
      tpu.vector_store %arg6[%swap3A_71], %swap3A_74 {strides = array<i32>} : memref<4096xf32, #tpu.memory_space<vmem>>, vector<16xf32>,
    }
    %scan3A_7 = arith.constant 256 : i32
    %broadcast_in_dim3A = arith.constant 1.000000e+00 : f32
    %broadcast_in_dim3A_8 = vector.broadcast %broadcast_in_dim3A : f32 to vector<16xf32>
    %swap3A = arith.constant 0 : index
    %swap3A_9 = tpu.vector_load %arg5[%swap3A] {strides = array<i32>} : memref<128xf32, #tpu.memory_space<vmem>>, vector<16xf32>,
    %swap3A_10 = vector.shape_cast %swap3A_9 : vector<16xf32> to vector<16xf32>
    %swap3A_11 = vector.shape_cast %broadcast_in_dim3A_8 : vector<16xf32> to vector<16xf32>
    tpu.vector_store %arg5[%swap3A], %swap3A_11 {strides = array<i32>} : memref<128xf32, #tpu.memory_space<vmem>>, vector<16xf32>,
    %broadcast_in_dim3A_12 = arith.constant 1.000000e+00 : f32
    %broadcast_in_dim3A_13 = vector.broadcast %broadcast_in_dim3A_12 : f32 to vector<16xf32>
    %swap3A_14 = arith.constant 16 : index
    %swap3A_15 = tpu.vector_load %arg5[%swap3A_14] {strides = array<i32>} : memref<128xf32, #tpu.memory_space<vmem>>, vector<16xf32>,
    %swap3A_16 = vector.shape_cast %swap3A_15 : vector<16xf32> to vector<16xf32>
    %swap3A_17 = vector.shape_cast %broadcast_in_dim3A_13 : vector<16xf32> to vector<16xf32>
    tpu.vector_store %arg5[%swap3A_14], %swap3A_17 {strides = array<i32>} : memref<128xf32, #tpu.memory_space<vmem>>, vector<16xf32>,
    %broadcast_in_dim3A_18 = arith.constant 1.000000e+00 : f32
    %broadcast_in_dim3A_19 = vector.broadcast %broadcast_in_dim3A_18 : f32 to vector<16xf32>
    %swap3A_20 = arith.constant 32 : index
    %swap3A_21 = tpu.vector_load %arg5[%swap3A_20] {strides = array<i32>} : memref<128xf32, #tpu.memory_space<vmem>>, vector<16xf32>,
    %swap3A_22 = vector.shape_cast %swap3A_21 : vector<16xf32> to vector<16xf32>
    %swap3A_23 = vector.shape_cast %broadcast_in_dim3A_19 : vector<16xf32> to vector<16xf32>
    tpu.vector_store %arg5[%swap3A_20], %swap3A_23 {strides = array<i32>} : memref<128xf32, #tpu.memory_space<vmem>>, vector<16xf32>,
    %broadcast_in_dim3A_24 = arith.constant 1.000000e+00 : f32
    %broadcast_in_dim3A_25 = vector.broadcast %broadcast_in_dim3A_24 : f32 to vector<16xf32>
    %swap3A_26 = arith.constant 48 : index
    %swap3A_27 = tpu.vector_load %arg5[%swap3A_26] {strides = array<i32>} : memref<128xf32, #tpu.memory_space<vmem>>, vector<16xf32>,
    %swap3A_28 = vector.shape_cast %swap3A_27 : vector<16xf32> to vector<16xf32>
    %swap3A_29 = vector.shape_cast %broadcast_in_dim3A_25 : vector<16xf32> to vector<16xf32>
    tpu.vector_store %arg5[%swap3A_26], %swap3A_29 {strides = array<i32>} : memref<128xf32, #tpu.memory_space<vmem>>, vector<16xf32>,
    %broadcast_in_dim3A_30 = arith.constant 1.000000e+00 : f32
    %broadcast_in_dim3A_31 = vector.broadcast %broadcast_in_dim3A_30 : f32 to vector<16xf32>
    %swap3A_32 = arith.constant 64 : index
    %swap3A_33 = tpu.vector_load %arg5[%swap3A_32] {strides = array<i32>} : memref<128xf32, #tpu.memory_space<vmem>>, vector<16xf32>,
    %swap3A_34 = vector.shape_cast %swap3A_33 : vector<16xf32> to vector<16xf32>
    %swap3A_35 = vector.shape_cast %broadcast_in_dim3A_31 : vector<16xf32> to vector<16xf32>
    tpu.vector_store %arg5[%swap3A_32], %swap3A_35 {strides = array<i32>} : memref<128xf32, #tpu.memory_space<vmem>>, vector<16xf32>,
    %broadcast_in_dim3A_36 = arith.constant 1.000000e+00 : f32
    %broadcast_in_dim3A_37 = vector.broadcast %broadcast_in_dim3A_36 : f32 to vector<16xf32>
    %swap3A_38 = arith.constant 80 : index
    %swap3A_39 = tpu.vector_load %arg5[%swap3A_38] {strides = array<i32>} : memref<128xf32, #tpu.memory_space<vmem>>, vector<16xf32>,
    %swap3A_40 = vector.shape_cast %swap3A_39 : vector<16xf32> to vector<16xf32>
    %swap3A_41 = vector.shape_cast %broadcast_in_dim3A_37 : vector<16xf32> to vector<16xf32>
    tpu.vector_store %arg5[%swap3A_38], %swap3A_41 {strides = array<i32>} : memref<128xf32, #tpu.memory_space<vmem>>, vector<16xf32>,
    %broadcast_in_dim3A_42 = arith.constant 1.000000e+00 : f32
    %broadcast_in_dim3A_43 = vector.broadcast %broadcast_in_dim3A_42 : f32 to vector<16xf32>
    %swap3A_44 = arith.constant 96 : index
    %swap3A_45 = tpu.vector_load %arg5[%swap3A_44] {strides = array<i32>} : memref<128xf32, #tpu.memory_space<vmem>>, vector<16xf32>,
    %swap3A_46 = vector.shape_cast %swap3A_45 : vector<16xf32> to vector<16xf32>
    %swap3A_47 = vector.shape_cast %broadcast_in_dim3A_43 : vector<16xf32> to vector<16xf32>
    tpu.vector_store %arg5[%swap3A_44], %swap3A_47 {strides = array<i32>} : memref<128xf32, #tpu.memory_space<vmem>>, vector<16xf32>,
    %broadcast_in_dim3A_48 = arith.constant 1.000000e+00 : f32
    %broadcast_in_dim3A_49 = vector.broadcast %broadcast_in_dim3A_48 : f32 to vector<16xf32>
    %swap3A_50 = arith.constant 112 : index
    %swap3A_51 = tpu.vector_load %arg5[%swap3A_50] {strides = array<i32>} : memref<128xf32, #tpu.memory_space<vmem>>, vector<16xf32>,
    %swap3A_52 = vector.shape_cast %swap3A_51 : vector<16xf32> to vector<16xf32>
    %swap3A_53 = vector.shape_cast %broadcast_in_dim3A_49 : vector<16xf32> to vector<16xf32>
    tpu.vector_store %arg5[%swap3A_50], %swap3A_53 {strides = array<i32>} : memref<128xf32, #tpu.memory_space<vmem>>, vector<16xf32>,
    "tpu.region"() ({
      %run_scoped3A = tpu.sem_alloc : memref<!tpu.dma_semaphore, #tpu.memory_space<semaphore_mem>>
      %dma_start3A = arith.constant 0 : i32
      %dma_start3A_66 = tpu.memref_slice %arg6[%dma_start3A] : memref<4096xf32, #tpu.memory_space<vmem>> -> memref<4096xf32, #tpu.memory_space<vmem>>
      %dma_start3A_67 = tpu.memref_slice %arg8[%mul3A_2] : memref<65536xf32, #tpu.memory_space<vmem_shared>> -> memref<4096xf32, #tpu.memory_space<vmem_shared>>
      %dma_start3A_68 = tpu.memref_slice %arg8[%mul3A_2] : memref<65536xf32, #tpu.memory_space<vmem_shared>> -> memref<4096xf32, #tpu.memory_space<vmem_shared>>
      %dma_start3A_69 = arith.constant 0 : i32
      %dma_start3A_70 = tpu.memref_slice %arg6[%dma_start3A_69] : memref<4096xf32, #tpu.memory_space<vmem>> -> memref<4096xf32, #tpu.memory_space<vmem>>
      tpu.enqueue_dma source(%dma_start3A_70 : memref<4096xf32, #tpu.memory_space<vmem>>) target(%dma_start3A_68 : memref<4096xf32, #tpu.memory_space<vmem_shared>>) target_semaphore(%run_scoped3A : memref<!tpu.dma_semaphore, #tpu.memory_space<semaphore_mem>>)
      %dma_wait3A = arith.constant 0 : i32
      %dma_wait3A_71 = tpu.memref_slice %arg6[%dma_wait3A] : memref<4096xf32, #tpu.memory_space<vmem>> -> memref<4096xf32, #tpu.memory_space<vmem>>
      %dma_wait3A_72 = tpu.memref_slice %arg8[%mul3A_2] : memref<65536xf32, #tpu.memory_space<vmem_shared>> -> memref<4096xf32, #tpu.memory_space<vmem_shared>>
      %dma_wait3A_73 = tpu.memref_slice %arg8[%mul3A_2] : memref<65536xf32, #tpu.memory_space<vmem_shared>> -> memref<4096xf32, #tpu.memory_space<vmem_shared>>
      %dma_wait3A_74 = arith.constant 0 : i32
      %dma_wait3A_75 = tpu.memref_slice %arg6[%dma_wait3A_74] : memref<4096xf32, #tpu.memory_space<vmem>> -> memref<4096xf32, #tpu.memory_space<vmem>>
      tpu.wait_dma2 semaphore(%run_scoped3A : memref<!tpu.dma_semaphore, #tpu.memory_space<semaphore_mem>>) src(%dma_wait3A_75 : memref<4096xf32, #tpu.memory_space<vmem>>) dst(%dma_wait3A_73 : memref<4096xf32, #tpu.memory_space<vmem_shared>>)
      tpu.yield
    }) : () -> ()
    %barrier3A = arith.constant 0 : index
    tpu.barrier barrier_id(%barrier3A)
    %mul3A_54 = arith.constant 400 : i32
    %mul3A_55 = arith.muli %add3A, %mul3A_54 : i32
    %scan3A_56 = arith.constant 0 : i32
    %scan3A_57 = arith.constant 0 : i32
    %scan3A_58 = arith.constant 50 : i32
    %scan3A_59 = arith.addi %scan3A_57, %scan3A_58 : i32
    %scan3A_60 = arith.constant 1 : i32
    scf.for %scan3A_66 = %scan3A_57 to %scan3A_59 step %scan3A_60  : i32 {
      %mul3A_67 = arith.constant 8 : i32
      %mul3A_68 = arith.muli %scan3A_66, %mul3A_67 : i32
      %add3A_69 = arith.addi %mul3A_55, %mul3A_68 : i32
      "tpu.region"() ({
        %run_scoped3A = tpu.sem_alloc : memref<!tpu.dma_semaphore, #tpu.memory_space<semaphore_mem>>
        %dma_start3A_164 = arith.constant 0 : i32
        %dma_start3A_165 = tpu.memref_slice %arg2[%add3A_69, %dma_start3A_164] : memref<12800x128xi32, #tpu.memory_space<hbm>> -> memref<8x128xi32, #tpu.memory_space<hbm>>
        %dma_start3A_166 = arith.constant 0 : i32
        %dma_start3A_167 = tpu.memref_slice %arg2[%add3A_69, %dma_start3A_166] : memref<12800x128xi32, #tpu.memory_space<hbm>> -> memref<8x128xi32, #tpu.memory_space<hbm>>
        tpu.enqueue_dma source(%dma_start3A_167 : memref<8x128xi32, #tpu.memory_space<hbm>>) target(%arg4 : memref<8x128xi32, #tpu.memory_space<vmem>>) target_semaphore(%run_scoped3A : memref<!tpu.dma_semaphore, #tpu.memory_space<semaphore_mem>>)
        %dma_wait3A_168 = arith.constant 0 : i32
        %dma_wait3A_169 = tpu.memref_slice %arg2[%add3A_69, %dma_wait3A_168] : memref<12800x128xi32, #tpu.memory_space<hbm>> -> memref<8x128xi32, #tpu.memory_space<hbm>>
        %dma_wait3A_170 = arith.constant 0 : i32
        %dma_wait3A_171 = tpu.memref_slice %arg2[%add3A_69, %dma_wait3A_170] : memref<12800x128xi32, #tpu.memory_space<hbm>> -> memref<8x128xi32, #tpu.memory_space<hbm>>
        tpu.wait_dma2 semaphore(%run_scoped3A : memref<!tpu.dma_semaphore, #tpu.memory_space<semaphore_mem>>) src(%dma_wait3A_171 : memref<8x128xi32, #tpu.memory_space<hbm>>) dst(%arg4 : memref<8x128xi32, #tpu.memory_space<vmem>>)
        tpu.yield
      }) : () -> ()
      %dma_start3A = arith.constant 0 : i32
      %dma_start3A_70 = arith.constant 0 : i32
      %dma_start3A_71 = tpu.memref_slice %arg4[%dma_start3A, %dma_start3A_70] : memref<8x128xi32, #tpu.memory_space<vmem>> -> memref<1x128xi32, #tpu.memory_space<vmem>>
      %dma_start3A_72 = tpu.memref_squeeze %dma_start3A_71 : memref<1x128xi32, #tpu.memory_space<vmem>> -> memref<128xi32, #tpu.memory_space<vmem>>
      %dma_start3A_73 = arith.constant 0 : i32
      %dma_start3A_74 = tpu.memref_slice %arg8[%dma_start3A_73] : memref<65536xf32, #tpu.memory_space<vmem_shared>> -> memref<65536xf32, #tpu.memory_space<vmem_shared>>
      tpu.enqueue_indirect_dma source(%arg5 : memref<128xf32, #tpu.memory_space<vmem>>) target(%dma_start3A_74 : memref<65536xf32, #tpu.memory_space<vmem_shared>>) offsets(%dma_start3A_72 : memref<128xi32, #tpu.memory_space<vmem>>) semaphore(%arg9 : memref<!tpu.dma_semaphore, #tpu.memory_space<semaphore_mem>>) {add = true}
      %dma_start3A_75 = arith.constant 1 : i32
      %dma_start3A_76 = arith.constant 0 : i32
      %dma_start3A_77 = tpu.memref_slice %arg4[%dma_start3A_75, %dma_start3A_76] : memref<8x128xi32, #tpu.memory_space<vmem>> -> memref<1x128xi32, #tpu.memory_space<vmem>>
      %dma_start3A_78 = tpu.memref_squeeze %dma_start3A_77 : memref<1x128xi32, #tpu.memory_space<vmem>> -> memref<128xi32, #tpu.memory_space<vmem>>
      %dma_start3A_79 = arith.constant 0 : i32
      %dma_start3A_80 = tpu.memref_slice %arg8[%dma_start3A_79] : memref<65536xf32, #tpu.memory_space<vmem_shared>> -> memref<65536xf32, #tpu.memory_space<vmem_shared>>
      tpu.enqueue_indirect_dma source(%arg5 : memref<128xf32, #tpu.memory_space<vmem>>) target(%dma_start3A_80 : memref<65536xf32, #tpu.memory_space<vmem_shared>>) offsets(%dma_start3A_78 : memref<128xi32, #tpu.memory_space<vmem>>) semaphore(%arg9 : memref<!tpu.dma_semaphore, #tpu.memory_space<semaphore_mem>>) {add = true}
      %dma_start3A_81 = arith.constant 2 : i32
      %dma_start3A_82 = arith.constant 0 : i32
      %dma_start3A_83 = tpu.memref_slice %arg4[%dma_start3A_81, %dma_start3A_82] : memref<8x128xi32, #tpu.memory_space<vmem>> -> memref<1x128xi32, #tpu.memory_space<vmem>>
      %dma_start3A_84 = tpu.memref_squeeze %dma_start3A_83 : memref<1x128xi32, #tpu.memory_space<vmem>> -> memref<128xi32, #tpu.memory_space<vmem>>
      %dma_start3A_85 = arith.constant 0 : i32
      %dma_start3A_86 = tpu.memref_slice %arg8[%dma_start3A_85] : memref<65536xf32, #tpu.memory_space<vmem_shared>> -> memref<65536xf32, #tpu.memory_space<vmem_shared>>
      tpu.enqueue_indirect_dma source(%arg5 : memref<128xf32, #tpu.memory_space<vmem>>) target(%dma_start3A_86 : memref<65536xf32, #tpu.memory_space<vmem_shared>>) offsets(%dma_start3A_84 : memref<128xi32, #tpu.memory_space<vmem>>) semaphore(%arg9 : memref<!tpu.dma_semaphore, #tpu.memory_space<semaphore_mem>>) {add = true}
      %dma_start3A_87 = arith.constant 3 : i32
      %dma_start3A_88 = arith.constant 0 : i32
      %dma_start3A_89 = tpu.memref_slice %arg4[%dma_start3A_87, %dma_start3A_88] : memref<8x128xi32, #tpu.memory_space<vmem>> -> memref<1x128xi32, #tpu.memory_space<vmem>>
      %dma_start3A_90 = tpu.memref_squeeze %dma_start3A_89 : memref<1x128xi32, #tpu.memory_space<vmem>> -> memref<128xi32, #tpu.memory_space<vmem>>
      %dma_start3A_91 = arith.constant 0 : i32
      %dma_start3A_92 = tpu.memref_slice %arg8[%dma_start3A_91] : memref<65536xf32, #tpu.memory_space<vmem_shared>> -> memref<65536xf32, #tpu.memory_space<vmem_shared>>
      tpu.enqueue_indirect_dma source(%arg5 : memref<128xf32, #tpu.memory_space<vmem>>) target(%dma_start3A_92 : memref<65536xf32, #tpu.memory_space<vmem_shared>>) offsets(%dma_start3A_90 : memref<128xi32, #tpu.memory_space<vmem>>) semaphore(%arg9 : memref<!tpu.dma_semaphore, #tpu.memory_space<semaphore_mem>>) {add = true}
      %dma_start3A_93 = arith.constant 4 : i32
      %dma_start3A_94 = arith.constant 0 : i32
      %dma_start3A_95 = tpu.memref_slice %arg4[%dma_start3A_93, %dma_start3A_94] : memref<8x128xi32, #tpu.memory_space<vmem>> -> memref<1x128xi32, #tpu.memory_space<vmem>>
      %dma_start3A_96 = tpu.memref_squeeze %dma_start3A_95 : memref<1x128xi32, #tpu.memory_space<vmem>> -> memref<128xi32, #tpu.memory_space<vmem>>
      %dma_start3A_97 = arith.constant 0 : i32
      %dma_start3A_98 = tpu.memref_slice %arg8[%dma_start3A_97] : memref<65536xf32, #tpu.memory_space<vmem_shared>> -> memref<65536xf32, #tpu.memory_space<vmem_shared>>
      tpu.enqueue_indirect_dma source(%arg5 : memref<128xf32, #tpu.memory_space<vmem>>) target(%dma_start3A_98 : memref<65536xf32, #tpu.memory_space<vmem_shared>>) offsets(%dma_start3A_96 : memref<128xi32, #tpu.memory_space<vmem>>) semaphore(%arg9 : memref<!tpu.dma_semaphore, #tpu.memory_space<semaphore_mem>>) {add = true}
      %dma_start3A_99 = arith.constant 5 : i32
      %dma_start3A_100 = arith.constant 0 : i32
      %dma_start3A_101 = tpu.memref_slice %arg4[%dma_start3A_99, %dma_start3A_100] : memref<8x128xi32, #tpu.memory_space<vmem>> -> memref<1x128xi32, #tpu.memory_space<vmem>>
      %dma_start3A_102 = tpu.memref_squeeze %dma_start3A_101 : memref<1x128xi32, #tpu.memory_space<vmem>> -> memref<128xi32, #tpu.memory_space<vmem>>
      %dma_start3A_103 = arith.constant 0 : i32
      %dma_start3A_104 = tpu.memref_slice %arg8[%dma_start3A_103] : memref<65536xf32, #tpu.memory_space<vmem_shared>> -> memref<65536xf32, #tpu.memory_space<vmem_shared>>
      tpu.enqueue_indirect_dma source(%arg5 : memref<128xf32, #tpu.memory_space<vmem>>) target(%dma_start3A_104 : memref<65536xf32, #tpu.memory_space<vmem_shared>>) offsets(%dma_start3A_102 : memref<128xi32, #tpu.memory_space<vmem>>) semaphore(%arg9 : memref<!tpu.dma_semaphore, #tpu.memory_space<semaphore_mem>>) {add = true}
      %dma_start3A_105 = arith.constant 6 : i32
      %dma_start3A_106 = arith.constant 0 : i32
      %dma_start3A_107 = tpu.memref_slice %arg4[%dma_start3A_105, %dma_start3A_106] : memref<8x128xi32, #tpu.memory_space<vmem>> -> memref<1x128xi32, #tpu.memory_space<vmem>>
      %dma_start3A_108 = tpu.memref_squeeze %dma_start3A_107 : memref<1x128xi32, #tpu.memory_space<vmem>> -> memref<128xi32, #tpu.memory_space<vmem>>
      %dma_start3A_109 = arith.constant 0 : i32
      %dma_start3A_110 = tpu.memref_slice %arg8[%dma_start3A_109] : memref<65536xf32, #tpu.memory_space<vmem_shared>> -> memref<65536xf32, #tpu.memory_space<vmem_shared>>
      tpu.enqueue_indirect_dma source(%arg5 : memref<128xf32, #tpu.memory_space<vmem>>) target(%dma_start3A_110 : memref<65536xf32, #tpu.memory_space<vmem_shared>>) offsets(%dma_start3A_108 : memref<128xi32, #tpu.memory_space<vmem>>) semaphore(%arg9 : memref<!tpu.dma_semaphore, #tpu.memory_space<semaphore_mem>>) {add = true}
      %dma_start3A_111 = arith.constant 7 : i32
      %dma_start3A_112 = arith.constant 0 : i32
      %dma_start3A_113 = tpu.memref_slice %arg4[%dma_start3A_111, %dma_start3A_112] : memref<8x128xi32, #tpu.memory_space<vmem>> -> memref<1x128xi32, #tpu.memory_space<vmem>>
      %dma_start3A_114 = tpu.memref_squeeze %dma_start3A_113 : memref<1x128xi32, #tpu.memory_space<vmem>> -> memref<128xi32, #tpu.memory_space<vmem>>
      %dma_start3A_115 = arith.constant 0 : i32
      %dma_start3A_116 = tpu.memref_slice %arg8[%dma_start3A_115] : memref<65536xf32, #tpu.memory_space<vmem_shared>> -> memref<65536xf32, #tpu.memory_space<vmem_shared>>
      tpu.enqueue_indirect_dma source(%arg5 : memref<128xf32, #tpu.memory_space<vmem>>) target(%dma_start3A_116 : memref<65536xf32, #tpu.memory_space<vmem_shared>>) offsets(%dma_start3A_114 : memref<128xi32, #tpu.memory_space<vmem>>) semaphore(%arg9 : memref<!tpu.dma_semaphore, #tpu.memory_space<semaphore_mem>>) {add = true}
      %dma_wait3A = arith.constant 0 : i32
      %dma_wait3A_117 = arith.constant 0 : i32
      %dma_wait3A_118 = tpu.memref_slice %arg4[%dma_wait3A, %dma_wait3A_117] : memref<8x128xi32, #tpu.memory_space<vmem>> -> memref<1x128xi32, #tpu.memory_space<vmem>>
      %dma_wait3A_119 = tpu.memref_squeeze %dma_wait3A_118 : memref<1x128xi32, #tpu.memory_space<vmem>> -> memref<128xi32, #tpu.memory_space<vmem>>
      %dma_wait3A_120 = arith.constant 0 : i32
      %dma_wait3A_121 = tpu.memref_slice %arg8[%dma_wait3A_120] : memref<65536xf32, #tpu.memory_space<vmem_shared>> -> memref<65536xf32, #tpu.memory_space<vmem_shared>>
      tpu.wait_indirect_dma semaphore(%arg9 : memref<!tpu.dma_semaphore, #tpu.memory_space<semaphore_mem>>) src(%arg5 : memref<128xf32, #tpu.memory_space<vmem>>) dst(%dma_wait3A_121 : memref<65536xf32, #tpu.memory_space<vmem_shared>>)
      %dma_wait3A_122 = arith.constant 1 : i32
      %dma_wait3A_123 = arith.constant 0 : i32
      %dma_wait3A_124 = tpu.memref_slice %arg4[%dma_wait3A_122, %dma_wait3A_123] : memref<8x128xi32, #tpu.memory_space<vmem>> -> memref<1x128xi32, #tpu.memory_space<vmem>>
      %dma_wait3A_125 = tpu.memref_squeeze %dma_wait3A_124 : memref<1x128xi32, #tpu.memory_space<vmem>> -> memref<128xi32, #tpu.memory_space<vmem>>
      %dma_wait3A_126 = arith.constant 0 : i32
      %dma_wait3A_127 = tpu.memref_slice %arg8[%dma_wait3A_126] : memref<65536xf32, #tpu.memory_space<vmem_shared>> -> memref<65536xf32, #tpu.memory_space<vmem_shared>>
      tpu.wait_indirect_dma semaphore(%arg9 : memref<!tpu.dma_semaphore, #tpu.memory_space<semaphore_mem>>) src(%arg5 : memref<128xf32, #tpu.memory_space<vmem>>) dst(%dma_wait3A_127 : memref<65536xf32, #tpu.memory_space<vmem_shared>>)
      %dma_wait3A_128 = arith.constant 2 : i32
      %dma_wait3A_129 = arith.constant 0 : i32
      %dma_wait3A_130 = tpu.memref_slice %arg4[%dma_wait3A_128, %dma_wait3A_129] : memref<8x128xi32, #tpu.memory_space<vmem>> -> memref<1x128xi32, #tpu.memory_space<vmem>>
      %dma_wait3A_131 = tpu.memref_squeeze %dma_wait3A_130 : memref<1x128xi32, #tpu.memory_space<vmem>> -> memref<128xi32, #tpu.memory_space<vmem>>
      %dma_wait3A_132 = arith.constant 0 : i32
      %dma_wait3A_133 = tpu.memref_slice %arg8[%dma_wait3A_132] : memref<65536xf32, #tpu.memory_space<vmem_shared>> -> memref<65536xf32, #tpu.memory_space<vmem_shared>>
      tpu.wait_indirect_dma semaphore(%arg9 : memref<!tpu.dma_semaphore, #tpu.memory_space<semaphore_mem>>) src(%arg5 : memref<128xf32, #tpu.memory_space<vmem>>) dst(%dma_wait3A_133 : memref<65536xf32, #tpu.memory_space<vmem_shared>>)
      %dma_wait3A_134 = arith.constant 3 : i32
      %dma_wait3A_135 = arith.constant 0 : i32
      %dma_wait3A_136 = tpu.memref_slice %arg4[%dma_wait3A_134, %dma_wait3A_135] : memref<8x128xi32, #tpu.memory_space<vmem>> -> memref<1x128xi32, #tpu.memory_space<vmem>>
      %dma_wait3A_137 = tpu.memref_squeeze %dma_wait3A_136 : memref<1x128xi32, #tpu.memory_space<vmem>> -> memref<128xi32, #tpu.memory_space<vmem>>
      %dma_wait3A_138 = arith.constant 0 : i32
      %dma_wait3A_139 = tpu.memref_slice %arg8[%dma_wait3A_138] : memref<65536xf32, #tpu.memory_space<vmem_shared>> -> memref<65536xf32, #tpu.memory_space<vmem_shared>>
      tpu.wait_indirect_dma semaphore(%arg9 : memref<!tpu.dma_semaphore, #tpu.memory_space<semaphore_mem>>) src(%arg5 : memref<128xf32, #tpu.memory_space<vmem>>) dst(%dma_wait3A_139 : memref<65536xf32, #tpu.memory_space<vmem_shared>>)
      %dma_wait3A_140 = arith.constant 4 : i32
      %dma_wait3A_141 = arith.constant 0 : i32
      %dma_wait3A_142 = tpu.memref_slice %arg4[%dma_wait3A_140, %dma_wait3A_141] : memref<8x128xi32, #tpu.memory_space<vmem>> -> memref<1x128xi32, #tpu.memory_space<vmem>>
      %dma_wait3A_143 = tpu.memref_squeeze %dma_wait3A_142 : memref<1x128xi32, #tpu.memory_space<vmem>> -> memref<128xi32, #tpu.memory_space<vmem>>
      %dma_wait3A_144 = arith.constant 0 : i32
      %dma_wait3A_145 = tpu.memref_slice %arg8[%dma_wait3A_144] : memref<65536xf32, #tpu.memory_space<vmem_shared>> -> memref<65536xf32, #tpu.memory_space<vmem_shared>>
      tpu.wait_indirect_dma semaphore(%arg9 : memref<!tpu.dma_semaphore, #tpu.memory_space<semaphore_mem>>) src(%arg5 : memref<128xf32, #tpu.memory_space<vmem>>) dst(%dma_wait3A_145 : memref<65536xf32, #tpu.memory_space<vmem_shared>>)
      %dma_wait3A_146 = arith.constant 5 : i32
      %dma_wait3A_147 = arith.constant 0 : i32
      %dma_wait3A_148 = tpu.memref_slice %arg4[%dma_wait3A_146, %dma_wait3A_147] : memref<8x128xi32, #tpu.memory_space<vmem>> -> memref<1x128xi32, #tpu.memory_space<vmem>>
      %dma_wait3A_149 = tpu.memref_squeeze %dma_wait3A_148 : memref<1x128xi32, #tpu.memory_space<vmem>> -> memref<128xi32, #tpu.memory_space<vmem>>
      %dma_wait3A_150 = arith.constant 0 : i32
      %dma_wait3A_151 = tpu.memref_slice %arg8[%dma_wait3A_150] : memref<65536xf32, #tpu.memory_space<vmem_shared>> -> memref<65536xf32, #tpu.memory_space<vmem_shared>>
      tpu.wait_indirect_dma semaphore(%arg9 : memref<!tpu.dma_semaphore, #tpu.memory_space<semaphore_mem>>) src(%arg5 : memref<128xf32, #tpu.memory_space<vmem>>) dst(%dma_wait3A_151 : memref<65536xf32, #tpu.memory_space<vmem_shared>>)
      %dma_wait3A_152 = arith.constant 6 : i32
      %dma_wait3A_153 = arith.constant 0 : i32
      %dma_wait3A_154 = tpu.memref_slice %arg4[%dma_wait3A_152, %dma_wait3A_153] : memref<8x128xi32, #tpu.memory_space<vmem>> -> memref<1x128xi32, #tpu.memory_space<vmem>>
      %dma_wait3A_155 = tpu.memref_squeeze %dma_wait3A_154 : memref<1x128xi32, #tpu.memory_space<vmem>> -> memref<128xi32, #tpu.memory_space<vmem>>
      %dma_wait3A_156 = arith.constant 0 : i32
      %dma_wait3A_157 = tpu.memref_slice %arg8[%dma_wait3A_156] : memref<65536xf32, #tpu.memory_space<vmem_shared>> -> memref<65536xf32, #tpu.memory_space<vmem_shared>>
      tpu.wait_indirect_dma semaphore(%arg9 : memref<!tpu.dma_semaphore, #tpu.memory_space<semaphore_mem>>) src(%arg5 : memref<128xf32, #tpu.memory_space<vmem>>) dst(%dma_wait3A_157 : memref<65536xf32, #tpu.memory_space<vmem_shared>>)
      %dma_wait3A_158 = arith.constant 7 : i32
      %dma_wait3A_159 = arith.constant 0 : i32
      %dma_wait3A_160 = tpu.memref_slice %arg4[%dma_wait3A_158, %dma_wait3A_159] : memref<8x128xi32, #tpu.memory_space<vmem>> -> memref<1x128xi32, #tpu.memory_space<vmem>>
      %dma_wait3A_161 = tpu.memref_squeeze %dma_wait3A_160 : memref<1x128xi32, #tpu.memory_space<vmem>> -> memref<128xi32, #tpu.memory_space<vmem>>
      %dma_wait3A_162 = arith.constant 0 : i32
      %dma_wait3A_163 = tpu.memref_slice %arg8[%dma_wait3A_162] : memref<65536xf32, #tpu.memory_space<vmem_shared>> -> memref<65536xf32, #tpu.memory_space<vmem_shared>>
      tpu.wait_indirect_dma semaphore(%arg9 : memref<!tpu.dma_semaphore, #tpu.memory_space<semaphore_mem>>) src(%arg5 : memref<128xf32, #tpu.memory_space<vmem>>) dst(%dma_wait3A_163 : memref<65536xf32, #tpu.memory_space<vmem_shared>>)
    }
    %scan3A_61 = arith.constant 50 : i32
    %barrier3A_62 = arith.constant 0 : index
    tpu.barrier barrier_id(%barrier3A_62)
    "tpu.region"() ({
      %run_scoped3A = tpu.sem_alloc : memref<!tpu.dma_semaphore, #tpu.memory_space<semaphore_mem>>
      %dma_start3A = tpu.memref_slice %arg8[%mul3A_2] : memref<65536xf32, #tpu.memory_space<vmem_shared>> -> memref<4096xf32, #tpu.memory_space<vmem_shared>>
      %dma_start3A_66 = tpu.memref_slice %arg8[%mul3A_2] : memref<65536xf32, #tpu.memory_space<vmem_shared>> -> memref<4096xf32, #tpu.memory_space<vmem_shared>>
      tpu.enqueue_dma source(%dma_start3A_66 : memref<4096xf32, #tpu.memory_space<vmem_shared>>) target(%arg7 : memref<4096xf32, #tpu.memory_space<vmem>>) target_semaphore(%run_scoped3A : memref<!tpu.dma_semaphore, #tpu.memory_space<semaphore_mem>>)
      %dma_wait3A = tpu.memref_slice %arg8[%mul3A_2] : memref<65536xf32, #tpu.memory_space<vmem_shared>> -> memref<4096xf32, #tpu.memory_space<vmem_shared>>
      %dma_wait3A_67 = tpu.memref_slice %arg8[%mul3A_2] : memref<65536xf32, #tpu.memory_space<vmem_shared>> -> memref<4096xf32, #tpu.memory_space<vmem_shared>>
      tpu.wait_dma2 semaphore(%run_scoped3A : memref<!tpu.dma_semaphore, #tpu.memory_space<semaphore_mem>>) src(%dma_wait3A_67 : memref<4096xf32, #tpu.memory_space<vmem_shared>>) dst(%arg7 : memref<4096xf32, #tpu.memory_space<vmem>>)
      tpu.yield
    }) : () -> ()
    %mul3A_63 = arith.constant 65536 : i32
    %mul3A_64 = arith.muli %arg0, %mul3A_63 : i32
    %add3A_65 = arith.addi %mul3A_64, %mul3A_2 : i32
    "tpu.region"() ({
      %run_scoped3A = tpu.sem_alloc : memref<!tpu.dma_semaphore, #tpu.memory_space<semaphore_mem>>
      %dma_start3A = tpu.memref_slice %arg3[%add3A_65] : memref<131072xf32, #tpu.memory_space<hbm>> -> memref<4096xf32, #tpu.memory_space<hbm>>
      %dma_start3A_66 = tpu.memref_slice %arg3[%add3A_65] : memref<131072xf32, #tpu.memory_space<hbm>> -> memref<4096xf32, #tpu.memory_space<hbm>>
      tpu.enqueue_dma source(%arg7 : memref<4096xf32, #tpu.memory_space<vmem>>) target(%dma_start3A_66 : memref<4096xf32, #tpu.memory_space<hbm>>) target_semaphore(%run_scoped3A : memref<!tpu.dma_semaphore, #tpu.memory_space<semaphore_mem>>)
      %dma_wait3A = tpu.memref_slice %arg3[%add3A_65] : memref<131072xf32, #tpu.memory_space<hbm>> -> memref<4096xf32, #tpu.memory_space<hbm>>
      %dma_wait3A_67 = tpu.memref_slice %arg3[%add3A_65] : memref<131072xf32, #tpu.memory_space<hbm>> -> memref<4096xf32, #tpu.memory_space<hbm>>
      tpu.wait_dma2 semaphore(%run_scoped3A : memref<!tpu.dma_semaphore, #tpu.memory_space<semaphore_mem>>) src(%arg7 : memref<4096xf32, #tpu.memory_space<vmem>>) dst(%dma_wait3A_67 : memref<4096xf32, #tpu.memory_space<hbm>>)
      tpu.yield
    }) : () -> ()
    return
  }
}

module attributes {stable_mosaic.version = 14 : i64} {
  func.func @_xw_body(%arg0: i32, %arg1: memref<4096x30xf32, #tpu.memory_space<vmem>>, %arg2: memref<30x16xf32, #tpu.memory_space<vmem>>, %arg3: memref<4096x16xf32, #tpu.memory_space<vmem>>) attributes {dimension_semantics = [#tpu.dimension_semantics<arbitrary>], iteration_bounds = array<i64: 16>, scalar_prefetch = 0 : i64, scratch_operands = 0 : i64, tpu.core_type = #tpu.core_type<tc>, window_params = [{transform_indices = @transform_0, window_bounds = array<i64: 4096, 30>}, {pipeline_mode = #tpu.pipeline_mode<synchronous>, transform_indices = @transform_1, window_bounds = array<i64: 30, 16>}, {transform_indices = @transform_2, window_bounds = array<i64: 4096, 16>}]} {
    %get3A = arith.constant 0 : index
    %get3A_0 = arith.constant 0 : index
    %get3A_1 = vector.load %arg1[%get3A, %get3A_0] : memref<4096x30xf32, #tpu.memory_space<vmem>>, vector<4096x30xf32>
    %get3A_2 = arith.constant 0 : index
    %get3A_3 = arith.constant 0 : index
    %get3A_4 = vector.load %arg2[%get3A_2, %get3A_3] : memref<30x16xf32, #tpu.memory_space<vmem>>, vector<30x16xf32>
    %dot_general3A = arith.constant dense<0.000000e+00> : vector<4096x16xf32>
    %dot_general3A_5 = tpu.matmul %get3A_1, %get3A_4, %dot_general3A {dimension_numbers = #tpu.dot_dimension_numbers<[1], [0], [0], [1], [0, 0, 1, 1], [], []>, transpose_lhs_hint = false} : vector<4096x30xf32>, vector<30x16xf32>, vector<4096x16xf32> -> vector<4096x16xf32>
    %swap3A = arith.constant 0 : index
    %swap3A_6 = arith.constant 0 : index
    %swap3A_7 = vector.load %arg3[%swap3A, %swap3A_6] : memref<4096x16xf32, #tpu.memory_space<vmem>>, vector<4096x16xf32>
    tpu.vector_store %arg3[%swap3A, %swap3A_6], %dot_general3A_5 {strides = array<i32>} : memref<4096x16xf32, #tpu.memory_space<vmem>>, vector<4096x16xf32>,
    return
  }
  func.func @transform_0(%arg0: i32) -> (i32, i32) {
    %c0_i32 = arith.constant 0 : i32
    %c0_i32_0 = arith.constant 0 : i32
    return %arg0, %c0_i32 : i32, i32
  }
  func.func @transform_1(%arg0: i32) -> (i32, i32) {
    %c0_i32 = arith.constant 0 : i32
    %c0_i32_0 = arith.constant 0 : i32
    %c0_i32_1 = arith.constant 0 : i32
    return %c0_i32, %c0_i32_0 : i32, i32
  }
  func.func @transform_2(%arg0: i32) -> (i32, i32) {
    %c0_i32 = arith.constant 0 : i32
    %c0_i32_0 = arith.constant 0 : i32
    return %arg0, %c0_i32 : i32, i32
  }
}

module attributes {stable_mosaic.version = 14 : i64} {
  func.func @_y1_body(%arg0: i32, %arg1: memref<4096x16xf32, #tpu.memory_space<vmem>>, %arg2: memref<4096xf32, #tpu.memory_space<vmem>>, %arg3: memref<4096xf32, #tpu.memory_space<vmem>>, %arg4: memref<4096x16xf32, #tpu.memory_space<vmem>>, %arg5: memref<4096x16xf32, #tpu.memory_space<vmem>>) attributes {dimension_semantics = [#tpu.dimension_semantics<arbitrary>], iteration_bounds = array<i64: 16>, scalar_prefetch = 0 : i64, scratch_operands = 0 : i64, tpu.core_type = #tpu.core_type<tc>, window_params = [{transform_indices = @transform_0, window_bounds = array<i64: 4096, 16>}, {transform_indices = @transform_1, window_bounds = array<i64: 4096>}, {transform_indices = @transform_2, window_bounds = array<i64: 4096>}, {transform_indices = @transform_3, window_bounds = array<i64: 4096, 16>}, {transform_indices = @transform_4, window_bounds = array<i64: 4096, 16>}]} {
    %get3A = arith.constant 0 : index
    %get3A_0 = vector.load %arg2[%get3A] : memref<4096xf32, #tpu.memory_space<vmem>>, vector<4096xf32>
    %get3A_1 = arith.constant 0 : index
    %get3A_2 = vector.load %arg3[%get3A_1] : memref<4096xf32, #tpu.memory_space<vmem>>, vector<4096xf32>
    %add3A = arith.addf %get3A_0, %get3A_2 : vector<4096xf32>
    %add3A_3 = arith.constant 1.000000e+00 : f32
    %add3A_4 = vector.broadcast %add3A_3 : f32 to vector<4096xf32>
    %add3A_5 = arith.addf %add3A, %add3A_4 : vector<4096xf32>
    %rsqrt3A = math.rsqrt %add3A_5 : vector<4096xf32>
    %broadcast_in_dim3A = vector.shape_cast %rsqrt3A : vector<4096xf32> to vector<4096x1xf32>
    %broadcast_in_dim3A_6 = vector.shape_cast %broadcast_in_dim3A : vector<4096x1xf32> to vector<4096x1xf32>
    %broadcast_in_dim3A_7 = vector.broadcast %broadcast_in_dim3A_6 : vector<4096x1xf32> to vector<4096x16xf32>
    %swap3A = arith.constant 0 : index
    %swap3A_8 = arith.constant 0 : index
    %swap3A_9 = vector.load %arg5[%swap3A, %swap3A_8] : memref<4096x16xf32, #tpu.memory_space<vmem>>, vector<4096x16xf32>
    tpu.vector_store %arg5[%swap3A, %swap3A_8], %broadcast_in_dim3A_7 {strides = array<i32>} : memref<4096x16xf32, #tpu.memory_space<vmem>>, vector<4096x16xf32>,
    %get3A_10 = arith.constant 0 : index
    %get3A_11 = arith.constant 0 : index
    %get3A_12 = vector.load %arg1[%get3A_10, %get3A_11] : memref<4096x16xf32, #tpu.memory_space<vmem>>, vector<4096x16xf32>
    %mul3A = arith.mulf %get3A_12, %broadcast_in_dim3A_7 : vector<4096x16xf32>
    %swap3A_13 = arith.constant 0 : index
    %swap3A_14 = arith.constant 0 : index
    %swap3A_15 = vector.load %arg4[%swap3A_13, %swap3A_14] : memref<4096x16xf32, #tpu.memory_space<vmem>>, vector<4096x16xf32>
    tpu.vector_store %arg4[%swap3A_13, %swap3A_14], %mul3A {strides = array<i32>} : memref<4096x16xf32, #tpu.memory_space<vmem>>, vector<4096x16xf32>,
    return
  }
  func.func @transform_0(%arg0: i32) -> (i32, i32) {
    %c0_i32 = arith.constant 0 : i32
    %c0_i32_0 = arith.constant 0 : i32
    return %arg0, %c0_i32 : i32, i32
  }
  func.func @transform_1(%arg0: i32) -> i32 {
    %c0_i32 = arith.constant 0 : i32
    return %arg0 : i32
  }
  func.func @transform_2(%arg0: i32) -> i32 {
    %add3A = arith.constant 16 : i32
    %add3A_0 = arith.addi %arg0, %add3A : i32
    %c0_i32 = arith.constant 0 : i32
    return %add3A_0 : i32
  }
  func.func @transform_3(%arg0: i32) -> (i32, i32) {
    %c0_i32 = arith.constant 0 : i32
    %c0_i32_0 = arith.constant 0 : i32
    return %arg0, %c0_i32 : i32, i32
  }
  func.func @transform_4(%arg0: i32) -> (i32, i32) {
    %c0_i32 = arith.constant 0 : i32
    %c0_i32_0 = arith.constant 0 : i32
    return %arg0, %c0_i32 : i32, i32
  }
}

module attributes {stable_mosaic.version = 14 : i64} {
  func.func @_mid_body(%arg0: i32, %arg1: memref<4096x16xf32, #tpu.memory_space<vmem>>, %arg2: memref<4096x16xf32, #tpu.memory_space<vmem>>, %arg3: memref<4096x16xf32, #tpu.memory_space<vmem>>, %arg4: memref<4096x16xf32, #tpu.memory_space<vmem>>, %arg5: memref<16x16xf32, #tpu.memory_space<vmem>>, %arg6: memref<1x16xf32, #tpu.memory_space<vmem>>, %arg7: memref<4096x16xf32, #tpu.memory_space<vmem>>) attributes {dimension_semantics = [#tpu.dimension_semantics<arbitrary>], iteration_bounds = array<i64: 16>, scalar_prefetch = 0 : i64, scratch_operands = 0 : i64, tpu.core_type = #tpu.core_type<tc>, window_params = [{transform_indices = @transform_0, window_bounds = array<i64: 4096, 16>}, {transform_indices = @transform_1, window_bounds = array<i64: 4096, 16>}, {transform_indices = @transform_2, window_bounds = array<i64: 4096, 16>}, {transform_indices = @transform_3, window_bounds = array<i64: 4096, 16>}, {pipeline_mode = #tpu.pipeline_mode<synchronous>, transform_indices = @transform_4, window_bounds = array<i64: 16, 16>}, {pipeline_mode = #tpu.pipeline_mode<synchronous>, transform_indices = @transform_5, window_bounds = array<i64: 1, 16>}, {transform_indices = @transform_6, window_bounds = array<i64: 4096, 16>}]} {
    %get3A = arith.constant 0 : index
    %get3A_0 = arith.constant 0 : index
    %get3A_1 = vector.load %arg4[%get3A, %get3A_0] : memref<4096x16xf32, #tpu.memory_space<vmem>>, vector<4096x16xf32>
    %get3A_2 = arith.constant 0 : index
    %get3A_3 = arith.constant 0 : index
    %get3A_4 = vector.load %arg1[%get3A_2, %get3A_3] : memref<4096x16xf32, #tpu.memory_space<vmem>>, vector<4096x16xf32>
    %get3A_5 = arith.constant 0 : index
    %get3A_6 = arith.constant 0 : index
    %get3A_7 = vector.load %arg2[%get3A_5, %get3A_6] : memref<4096x16xf32, #tpu.memory_space<vmem>>, vector<4096x16xf32>
    %add3A = arith.addf %get3A_4, %get3A_7 : vector<4096x16xf32>
    %get3A_8 = arith.constant 0 : index
    %get3A_9 = arith.constant 0 : index
    %get3A_10 = vector.load %arg3[%get3A_8, %get3A_9] : memref<4096x16xf32, #tpu.memory_space<vmem>>, vector<4096x16xf32>
    %add3A_11 = arith.addf %add3A, %get3A_10 : vector<4096x16xf32>
    %mul3A = arith.mulf %add3A_11, %get3A_1 : vector<4096x16xf32>
    %get3A_12 = arith.constant 0 : index
    %get3A_13 = arith.constant 0 : index
    %get3A_14 = vector.load %arg6[%get3A_12, %get3A_13] : memref<1x16xf32, #tpu.memory_space<vmem>>, vector<1x16xf32>
    %add3A_15 = vector.broadcast %get3A_14 : vector<1x16xf32> to vector<4096x16xf32>
    %add3A_16 = arith.addf %mul3A, %add3A_15 : vector<4096x16xf32>
    %max3A = arith.constant 0.000000e+00 : f32
    %max3A_17 = vector.broadcast %max3A : f32 to vector<4096x16xf32>
    %max3A_18 = arith.maximumf %add3A_16, %max3A_17 : vector<4096x16xf32>
    %get3A_19 = arith.constant 0 : index
    %get3A_20 = arith.constant 0 : index
    %get3A_21 = vector.load %arg5[%get3A_19, %get3A_20] : memref<16x16xf32, #tpu.memory_space<vmem>>, vector<16x16xf32>
    %dot_general3A = arith.constant dense<0.000000e+00> : vector<4096x16xf32>
    %dot_general3A_22 = tpu.matmul %max3A_18, %get3A_21, %dot_general3A {dimension_numbers = #tpu.dot_dimension_numbers<[1], [0], [0], [1], [0, 0, 1, 1], [], []>, transpose_lhs_hint = false} : vector<4096x16xf32>, vector<16x16xf32>, vector<4096x16xf32> -> vector<4096x16xf32>
    %mul3A_23 = arith.mulf %dot_general3A_22, %get3A_1 : vector<4096x16xf32>
    %swap3A = arith.constant 0 : index
    %swap3A_24 = arith.constant 0 : index
    %swap3A_25 = vector.load %arg7[%swap3A, %swap3A_24] : memref<4096x16xf32, #tpu.memory_space<vmem>>, vector<4096x16xf32>
    tpu.vector_store %arg7[%swap3A, %swap3A_24], %mul3A_23 {strides = array<i32>} : memref<4096x16xf32, #tpu.memory_space<vmem>>, vector<4096x16xf32>,
    return
  }
  func.func @transform_0(%arg0: i32) -> (i32, i32) {
    %c0_i32 = arith.constant 0 : i32
    %c0_i32_0 = arith.constant 0 : i32
    return %arg0, %c0_i32 : i32, i32
  }
  func.func @transform_1(%arg0: i32) -> (i32, i32) {
    %add3A = arith.constant 16 : i32
    %add3A_0 = arith.addi %arg0, %add3A : i32
    %c0_i32 = arith.constant 0 : i32
    %c0_i32_1 = arith.constant 0 : i32
    return %add3A_0, %c0_i32 : i32, i32
  }
  func.func @transform_2(%arg0: i32) -> (i32, i32) {
    %c0_i32 = arith.constant 0 : i32
    %c0_i32_0 = arith.constant 0 : i32
    return %arg0, %c0_i32 : i32, i32
  }
  func.func @transform_3(%arg0: i32) -> (i32, i32) {
    %c0_i32 = arith.constant 0 : i32
    %c0_i32_0 = arith.constant 0 : i32
    return %arg0, %c0_i32 : i32, i32
  }
  func.func @transform_4(%arg0: i32) -> (i32, i32) {
    %c0_i32 = arith.constant 0 : i32
    %c0_i32_0 = arith.constant 0 : i32
    %c0_i32_1 = arith.constant 0 : i32
    return %c0_i32, %c0_i32_0 : i32, i32
  }
  func.func @transform_5(%arg0: i32) -> (i32, i32) {
    %c0_i32 = arith.constant 0 : i32
    %c0_i32_0 = arith.constant 0 : i32
    %c0_i32_1 = arith.constant 0 : i32
    return %c0_i32, %c0_i32_0 : i32, i32
  }
  func.func @transform_6(%arg0: i32) -> (i32, i32) {
    %c0_i32 = arith.constant 0 : i32
    %c0_i32_0 = arith.constant 0 : i32
    return %arg0, %c0_i32 : i32, i32
  }
}

module attributes {stable_mosaic.version = 14 : i64} {
  func.func @_fin_body(%arg0: i32, %arg1: memref<4096x16xf32, #tpu.memory_space<vmem>>, %arg2: memref<4096x16xf32, #tpu.memory_space<vmem>>, %arg3: memref<4096x16xf32, #tpu.memory_space<vmem>>, %arg4: memref<4096x16xf32, #tpu.memory_space<vmem>>, %arg5: memref<1x16xf32, #tpu.memory_space<vmem>>, %arg6: memref<16x2xf32, #tpu.memory_space<vmem>>, %arg7: memref<4096xi32, #tpu.memory_space<vmem>>, %arg8: memref<1x2xf32, #tpu.memory_space<vmem>>, %arg9: memref<128x2xf32, #tpu.memory_space<vmem>>, %arg10: memref<128x3xf32, #tpu.memory_space<vmem>>) attributes {dimension_semantics = [#tpu.dimension_semantics<arbitrary>], iteration_bounds = array<i64: 16>, scalar_prefetch = 0 : i64, scratch_operands = 1 : i64, tpu.core_type = #tpu.core_type<tc>, window_params = [{transform_indices = @transform_0, window_bounds = array<i64: 4096, 16>}, {transform_indices = @transform_1, window_bounds = array<i64: 4096, 16>}, {transform_indices = @transform_2, window_bounds = array<i64: 4096, 16>}, {transform_indices = @transform_3, window_bounds = array<i64: 4096, 16>}, {pipeline_mode = #tpu.pipeline_mode<synchronous>, transform_indices = @transform_4, window_bounds = array<i64: 1, 16>}, {pipeline_mode = #tpu.pipeline_mode<synchronous>, transform_indices = @transform_5, window_bounds = array<i64: 16, 2>}, {transform_indices = @transform_6, window_bounds = array<i64: 4096>}, {pipeline_mode = #tpu.pipeline_mode<synchronous>, transform_indices = @transform_7, window_bounds = array<i64: 1, 2>}, {pipeline_mode = #tpu.pipeline_mode<synchronous>, transform_indices = @transform_8, window_bounds = array<i64: 128, 2>}]} {
    %eq3A = arith.constant 0 : i32
    %eq3A_0 = arith.cmpi eq, %arg0, %eq3A : i32
    %convert_element_type3A = arith.extui %eq3A_0 : i1 to i32
    %cond3A = arith.constant 0 : i32
    %cond3A_1 = arith.cmpi ne, %convert_element_type3A, %cond3A : i32
    scf.if %cond3A_1 {
      %broadcast_in_dim3A_46 = arith.constant 0.000000e+00 : f32
      %broadcast_in_dim3A_47 = vector.broadcast %broadcast_in_dim3A_46 : f32 to vector<128x3xf32>
      %swap3A_48 = arith.constant 0 : index
      %swap3A_49 = arith.constant 0 : index
      %swap3A_50 = vector.load %arg10[%swap3A_48, %swap3A_49] : memref<128x3xf32, #tpu.memory_space<vmem>>, vector<128x3xf32>
      tpu.vector_store %arg10[%swap3A_48, %swap3A_49], %broadcast_in_dim3A_47 {strides = array<i32>} : memref<128x3xf32, #tpu.memory_space<vmem>>, vector<128x3xf32>,
    } else {
    }
    %get3A = arith.constant 0 : index
    %get3A_2 = arith.constant 0 : index
    %get3A_3 = vector.load %arg4[%get3A, %get3A_2] : memref<4096x16xf32, #tpu.memory_space<vmem>>, vector<4096x16xf32>
    %get3A_4 = arith.constant 0 : index
    %get3A_5 = arith.constant 0 : index
    %get3A_6 = vector.load %arg1[%get3A_4, %get3A_5] : memref<4096x16xf32, #tpu.memory_space<vmem>>, vector<4096x16xf32>
    %get3A_7 = arith.constant 0 : index
    %get3A_8 = arith.constant 0 : index
    %get3A_9 = vector.load %arg2[%get3A_7, %get3A_8] : memref<4096x16xf32, #tpu.memory_space<vmem>>, vector<4096x16xf32>
    %add3A = arith.addf %get3A_6, %get3A_9 : vector<4096x16xf32>
    %get3A_10 = arith.constant 0 : index
    %get3A_11 = arith.constant 0 : index
    %get3A_12 = vector.load %arg3[%get3A_10, %get3A_11] : memref<4096x16xf32, #tpu.memory_space<vmem>>, vector<4096x16xf32>
    %add3A_13 = arith.addf %add3A, %get3A_12 : vector<4096x16xf32>
    %mul3A = arith.mulf %add3A_13, %get3A_3 : vector<4096x16xf32>
    %get3A_14 = arith.constant 0 : index
    %get3A_15 = arith.constant 0 : index
    %get3A_16 = vector.load %arg5[%get3A_14, %get3A_15] : memref<1x16xf32, #tpu.memory_space<vmem>>, vector<1x16xf32>
    %add3A_17 = vector.broadcast %get3A_16 : vector<1x16xf32> to vector<4096x16xf32>
    %add3A_18 = arith.addf %mul3A, %add3A_17 : vector<4096x16xf32>
    %max3A = arith.constant 0.000000e+00 : f32
    %max3A_19 = vector.broadcast %max3A : f32 to vector<4096x16xf32>
    %max3A_20 = arith.maximumf %add3A_18, %max3A_19 : vector<4096x16xf32>
    %get3A_21 = arith.constant 0 : index
    %get3A_22 = arith.constant 0 : index
    %get3A_23 = vector.load %arg6[%get3A_21, %get3A_22] : memref<16x2xf32, #tpu.memory_space<vmem>>, vector<16x2xf32>
    %dot_general3A = arith.constant dense<0.000000e+00> : vector<4096x2xf32>
    %dot_general3A_24 = tpu.matmul %max3A_20, %get3A_23, %dot_general3A {dimension_numbers = #tpu.dot_dimension_numbers<[1], [0], [0], [1], [0, 0, 1, 1], [], []>, transpose_lhs_hint = false} : vector<4096x16xf32>, vector<16x2xf32>, vector<4096x2xf32> -> vector<4096x2xf32>
    %broadcast_in_dim3A = arith.constant 1.000000e+00 : f32
    %broadcast_in_dim3A_25 = vector.broadcast %broadcast_in_dim3A : f32 to vector<4096x1xf32>
    %concatenate3A = tpu.concatenate %dot_general3A_24, %broadcast_in_dim3A_25 in 1 : vector<4096x2xf32>, vector<4096x1xf32> -> vector<4096x3xf32>
    %iota3A = tpu.iota {dimensions = array<i32: 1>} : vector<4096x128xi32>
    %get3A_26 = arith.constant 0 : index
    %get3A_27 = vector.load %arg7[%get3A_26] : memref<4096xi32, #tpu.memory_space<vmem>>, vector<4096xi32>
    %broadcast_in_dim3A_28 = vector.shape_cast %get3A_27 : vector<4096xi32> to vector<4096x1xi32>
    %eq3A_29 = vector.broadcast %broadcast_in_dim3A_28 : vector<4096x1xi32> to vector<4096x128xi32>
    %eq3A_30 = arith.cmpi eq, %eq3A_29, %iota3A : vector<4096x128xi32>
    %convert_element_type3A_31 = arith.extui %eq3A_30 : vector<4096x128xi1> to vector<4096x128xi32>
    %convert_element_type3A_32 = arith.sitofp %convert_element_type3A_31 : vector<4096x128xi32> to vector<4096x128xf32>
    %get3A_33 = arith.constant 0 : index
    %get3A_34 = arith.constant 0 : index
    %get3A_35 = vector.load %arg10[%get3A_33, %get3A_34] : memref<128x3xf32, #tpu.memory_space<vmem>>, vector<128x3xf32>
    %dot_general3A_36 = arith.constant dense<0.000000e+00> : vector<128x3xf32>
    %dot_general3A_37 = tpu.matmul %convert_element_type3A_32, %concatenate3A, %dot_general3A_36 {dimension_numbers = #tpu.dot_dimension_numbers<[0], [0], [1], [1], [0, 1, 1, 1], [], []>, transpose_lhs_hint = false} : vector<4096x128xf32>, vector<4096x3xf32>, vector<128x3xf32> -> vector<128x3xf32>
    %add3A_38 = arith.addf %get3A_35, %dot_general3A_37 : vector<128x3xf32>
    %swap3A = arith.constant 0 : index
    %swap3A_39 = arith.constant 0 : index
    %swap3A_40 = vector.load %arg10[%swap3A, %swap3A_39] : memref<128x3xf32, #tpu.memory_space<vmem>>, vector<128x3xf32>
    tpu.vector_store %arg10[%swap3A, %swap3A_39], %add3A_38 {strides = array<i32>} : memref<128x3xf32, #tpu.memory_space<vmem>>, vector<128x3xf32>,
    %eq3A_41 = arith.constant 15 : i32
    %eq3A_42 = arith.cmpi eq, %arg0, %eq3A_41 : i32
    %convert_element_type3A_43 = arith.extui %eq3A_42 : i1 to i32
    %cond3A_44 = arith.constant 0 : i32
    %cond3A_45 = arith.cmpi ne, %convert_element_type3A_43, %cond3A_44 : i32
    scf.if %cond3A_45 {
      %get3A_46 = arith.constant 0 : index
      %get3A_47 = arith.constant 0 : index
      %get3A_48 = vector.load %arg10[%get3A_46, %get3A_47] : memref<128x3xf32, #tpu.memory_space<vmem>>, vector<128x3xf32>
      %slice3A = vector.extract_strided_slice %get3A_48 {offsets = [0, 0], sizes = [128, 2], strides = [1, 1]} : vector<128x3xf32> to vector<128x2xf32>
      %slice3A_49 = vector.extract_strided_slice %get3A_48 {offsets = [0, 2], sizes = [128, 1], strides = [1, 1]} : vector<128x3xf32> to vector<128x1xf32>
      %max3A_50 = arith.constant 1.000000e+00 : f32
      %max3A_51 = vector.broadcast %max3A_50 : f32 to vector<128x1xf32>
      %max3A_52 = arith.maximumf %slice3A_49, %max3A_51 : vector<128x1xf32>
      %div3A = vector.broadcast %max3A_52 : vector<128x1xf32> to vector<128x2xf32>
      %div3A_53 = arith.divf %slice3A, %div3A : vector<128x2xf32>
      %get3A_54 = arith.constant 0 : index
      %get3A_55 = arith.constant 0 : index
      %get3A_56 = vector.load %arg8[%get3A_54, %get3A_55] : memref<1x2xf32, #tpu.memory_space<vmem>>, vector<1x2xf32>
      %add3A_57 = vector.broadcast %get3A_56 : vector<1x2xf32> to vector<128x2xf32>
      %add3A_58 = arith.addf %div3A_53, %add3A_57 : vector<128x2xf32>
      %swap3A_59 = arith.constant 0 : index
      %swap3A_60 = arith.constant 0 : index
      %swap3A_61 = vector.load %arg9[%swap3A_59, %swap3A_60] : memref<128x2xf32, #tpu.memory_space<vmem>>, vector<128x2xf32>
      tpu.vector_store %arg9[%swap3A_59, %swap3A_60], %add3A_58 {strides = array<i32>} : memref<128x2xf32, #tpu.memory_space<vmem>>, vector<128x2xf32>,
    } else {
    }
    return
  }
  func.func @transform_0(%arg0: i32) -> (i32, i32) {
    %c0_i32 = arith.constant 0 : i32
    %c0_i32_0 = arith.constant 0 : i32
    return %arg0, %c0_i32 : i32, i32
  }
  func.func @transform_1(%arg0: i32) -> (i32, i32) {
    %add3A = arith.constant 16 : i32
    %add3A_0 = arith.addi %arg0, %add3A : i32
    %c0_i32 = arith.constant 0 : i32
    %c0_i32_1 = arith.constant 0 : i32
    return %add3A_0, %c0_i32 : i32, i32
  }
  func.func @transform_2(%arg0: i32) -> (i32, i32) {
    %c0_i32 = arith.constant 0 : i32
    %c0_i32_0 = arith.constant 0 : i32
    return %arg0, %c0_i32 : i32, i32
  }
  func.func @transform_3(%arg0: i32) -> (i32, i32) {
    %c0_i32 = arith.constant 0 : i32
    %c0_i32_0 = arith.constant 0 : i32
    return %arg0, %c0_i32 : i32, i32
  }
  func.func @transform_4(%arg0: i32) -> (i32, i32) {
    %c0_i32 = arith.constant 0 : i32
    %c0_i32_0 = arith.constant 0 : i32
    %c0_i32_1 = arith.constant 0 : i32
    return %c0_i32, %c0_i32_0 : i32, i32
  }
  func.func @transform_5(%arg0: i32) -> (i32, i32) {
    %c0_i32 = arith.constant 0 : i32
    %c0_i32_0 = arith.constant 0 : i32
    %c0_i32_1 = arith.constant 0 : i32
    return %c0_i32, %c0_i32_0 : i32, i32
  }
  func.func @transform_6(%arg0: i32) -> i32 {
    %c0_i32 = arith.constant 0 : i32
    return %arg0 : i32
  }
  func.func @transform_7(%arg0: i32) -> (i32, i32) {
    %c0_i32 = arith.constant 0 : i32
    %c0_i32_0 = arith.constant 0 : i32
    %c0_i32_1 = arith.constant 0 : i32
    return %c0_i32, %c0_i32_0 : i32, i32
  }
  func.func @transform_8(%arg0: i32) -> (i32, i32) {
    %c0_i32 = arith.constant 0 : i32
    %c0_i32_0 = arith.constant 0 : i32
    %c0_i32_1 = arith.constant 0 : i32
    return %c0_i32, %c0_i32_0 : i32, i32
  }
}

</mosaic_0001>

<sc_bundles>
// kernel: kernel.12.cloned.1.call-start
scs
__scs_entry_jumppad:
0x0: {  	(pc) =	sbr.rel $0x88, $3  }
0x1: {  	(tag) =	ssettag $0x0;
	lr =	simm.s32 $0x1  }
0x2: {  	[smem:$0x3F98] =	sst lr;
	_ =	strace $0xD0000000  }
0x3: {  	_ = 	snop  }
0x4: {  	_ = 	snop  }
0x5: {  	_ = 	snop  }
0x6: {  	_ = 	snop  }
0x7: {  	_ = 	snop  }
__scs_overlays_trampoline_lowered:
0x8: {  	[smem:$0x3FA7] =	sst s0  }
0x9: {  	[smem:$0x3FA8] =	sst s1  }
0xa: {  	[smem:$0x3FA9] =	sst s2  }
0xb: {  	[smem:$0x3FAA] =	sst s3  }
0xc: {  	[smem:$0x3FAB] =	sst s4  }
0xd: {  	[smem:$0x3FAC] =	sst s5  }
0xe: {  	[smem:$0x3FAD] =	sst s6  }
0xf: {  	[smem:$0x3FAE] =	sst s7  }
0x10: {  	[smem:$0x3FAF] =	sst s8  }
0x11: {  	[smem:$0x3FB0] =	sst s9;
	s0 =	simm.s32 @!p0 $0x0  }
0x12: {  	s1 =	sld [smem:$0x3F96];
	s0 =	simm.s32 @p0 $0x1  }
0x13: {  	[smem:$0x3FB1] =	sst s0;
	s0 =	simm.s32 @!p1 $0x0  }
0x14: {  	s2 =	sld [smem:$0x3F95];
	s0 =	simm.s32 @p1 $0x1  }
0x15: {  	[smem:$0x3FB2] =	sst s0;
	s0 =	simm.s32 @!p2 $0x0  }
0x16: {  	s3 =	sld [smem:$0x3FDB];
	s0 =	simm.s32 @p2 $0x1  }
0x17: {  	s4 =	simm.s32 $0x1BF5;
	[smem:$0x3FB4] =	sst s0  }
0x18: {  	s0 =	sld [smem:$0x3F97];
	_ =	swait.ge [sflag:s4], $0x0  }
0x19: {  	s7 =	sld [smem:$0x3F98]  }
0x1a: {  	s8 =	sadd.s32 $0xFFFFE003, lr  }
0x1b: {  	s9 =	sadd.s32 $0xFFFFFEF7, lr;
	s5 =	simm.s32 $0xFFFFFFFF;
	p2 =	slt.u32 s8, $0xFFFFF086  }
0x1c: {  	p1 =	slt.u32 s9, $0xF7A;
	s5 =	simm.s32 @!p2 $0x0  }
0x1d: {  	s5 =	simm.s32 @p1 $0x1;
	p0 =	seq.s32 s7, s2  }
0x1e: {  	s7 =	smul.u32 @!p0 $0xF7A, s2;
	p2 =	seq.s32 @!p0 s5, $0x0  }
0x1f: {  	s9 =	smul.u32 $0xF7A, s1;
	s8 =	simm.s32 @!p0 $0x1BF5;
	p2 =	por !p2, p0  }
0x20: {  	[sflag:s8] =	ssyncset.s32 @!p0 $0xFFFFF086;
	s6 =	sadd.s32 @!p0 s3, s7;
	s7 =	simm.s32 @!p0 $0x108  }
0x21: {  	s3 =	sadd.s32 s3, s9;
	s6 =	sadd.s32 @!p0 $0x88, s6;
	s7 =	simm.s32 @p2 $0x1082  }
0x22: {  	[simem:s7], [sflag:s8] =	dma.local @!p0 [hbm:s6], $0xF7A  }
0x23: {  	s9 =	sor.u32 $0xD0000000, s2;
	s6 =	simm.s32 $0x108;
	_ =	swait.ge @!p0 [sflag:s8], $0x0  }
0x24: {  	s3 =	sadd.s32 $0x88, s3;
	s6 =	simm.s32 @!p1 $0x1082;
	[sflag:s4] =	ssyncset.s32 $0xFFFFF086  }
0x25: {  	[simem:s6], [sflag:s4] =	dma.local [hbm:s3], $0xF7A  }
0x26: {  	[smem:$0x3F98] =	sst s1;
	(tag) =	ssettag s2;
	_ =	strace s9  }
0x27: {  	s1 =	sld [smem:$0x3FA8]  }
0x28: {  	s2 =	sld [smem:$0x3FA9]  }
0x29: {  	s4 =	sld [smem:$0x3FAB]  }
0x2a: {  	p0 =	seq.s32 s5, $0x0;
	s5 =	sld [smem:$0x3FAC]  }
0x2b: {  	s6 =	sld [smem:$0x3FAD]  }
0x2c: {  	s7 =	sld [smem:$0x3FAE]  }
0x2d: {  	s3 =	simm.s32 $0x108;
	s8 =	sld [smem:$0x3FAF]  }
0x2e: {  	s3 =	simm.s32 @!p0 $0x1082;
	s9 =	sld [smem:$0x3FB0]  }
0x2f: {  	lr =	sadd.s32 s0, s3;
	s0 =	sld [smem:$0x3FA7]  }
0x30: {  	s3 =	sld [smem:$0x3FAA]  }
0x31: {  	[smem:$0x3FB3] =	sst s10  }
0x32: {  	s10 =	sld [smem:$0x3FB1];
	_ =	sdelay $0x3  }
0x33: {  	p0 =	seq.s32 s10, $0x1;
	s10 =	sld [smem:$0x3FB3];
	_ =	sdelay $0x3  }
0x34: {  	[smem:$0x3FB3] =	sst s10  }
0x35: {  	s10 =	sld [smem:$0x3FB2];
	_ =	sdelay $0x3  }
0x36: {  	p1 =	seq.s32 s10, $0x1;
	s10 =	sld [smem:$0x3FB3];
	_ =	sdelay $0x3  }
0x37: {  	[smem:$0x3FB3] =	sst s10  }
0x38: {  	s10 =	sld [smem:$0x3FB4]  }
0x39: {  	_ = 	snop;
	(pc) =	sbr.ind lr, $3  }
0x3a: {  	_ = 	snop  }
0x3b: {  	_ = 	snop  }
0x3c: {  	p2 =	seq.s32 s10, $0x1;
	s10 =	sld [smem:$0x3FB3]  }
0x3d: {  	_ =	shalt  }
0x3e: {  	_ =	shalt  }
0x3f: {  	_ =	shalt  }
0x40: {  	_ =	shalt  }
0x41: {  	_ =	shalt  }
0x42: {  	_ =	shalt  }
0x43: {  	_ =	shalt  }
0x44: {  	_ =	shalt  }
0x45: {  	_ =	shalt  }
0x46: {  	_ =	shalt  }
0x47: {  	_ =	shalt  }
0x48: {  	_ =	shalt  }
0x49: {  	_ =	shalt  }
0x4a: {  	_ =	shalt  }
0x4b: {  	_ =	shalt  }
0x4c: {  	_ =	shalt  }
0x4d: {  	_ =	shalt  }
0x4e: {  	_ =	shalt  }
0x4f: {  	_ =	shalt  }
0x50: {  	_ =	shalt  }
0x51: {  	_ =	shalt  }
0x52: {  	_ =	shalt  }
0x53: {  	_ =	shalt  }
0x54: {  	_ =	shalt  }
0x55: {  	_ =	shalt  }
0x56: {  	_ =	shalt  }
0x57: {  	_ =	shalt  }
0x58: {  	_ =	shalt  }
0x59: {  	_ =	shalt  }
0x5a: {  	_ =	shalt  }
0x5b: {  	_ =	shalt  }
0x5c: {  	_ =	shalt  }
0x5d: {  	_ =	shalt  }
0x5e: {  	_ =	shalt  }
0x5f: {  	_ =	shalt  }
0x60: {  	_ =	shalt  }
0x61: {  	_ =	shalt  }
0x62: {  	_ =	shalt  }
0x63: {  	_ =	shalt  }
0x64: {  	_ =	shalt  }
0x65: {  	_ =	shalt  }
0x66: {  	_ =	shalt  }
0x67: {  	_ =	shalt  }
0x68: {  	_ =	shalt  }
0x69: {  	_ =	shalt  }
0x6a: {  	_ =	shalt  }
0x6b: {  	_ =	shalt  }
0x6c: {  	_ =	shalt  }
0x6d: {  	_ =	shalt  }
0x6e: {  	_ =	shalt  }
0x6f: {  	_ =	shalt  }
0x70: {  	_ =	shalt  }
0x71: {  	_ =	shalt  }
0x72: {  	_ =	shalt  }
0x73: {  	_ =	shalt  }
0x74: {  	_ =	shalt  }
0x75: {  	_ =	shalt  }
0x76: {  	_ =	shalt  }
0x77: {  	_ =	shalt  }
0x78: {  	_ =	shalt  }
0x79: {  	_ =	shalt  }
0x7a: {  	_ =	shalt  }
0x7b: {  	_ =	shalt  }
0x7c: {  	_ =	shalt  }
0x7d: {  	_ =	shalt  }
0x7e: {  	_ =	shalt  }
0x7f: {  	_ =	shalt  }
0x80: {  	_ =	shalt  }
0x81: {  	_ =	shalt  }
0x82: {  	_ =	shalt  }
0x83: {  	_ =	shalt  }
0x84: {  	_ =	shalt  }
0x85: {  	_ =	shalt  }
0x86: {  	_ =	shalt  }
0x87: {  	_ =	shalt  }
.Lfunc_end0:
.L_simem_size_0:
called_computation.1_lowered:
.L_overlay_start_0:
0x88: {  	s2 =	sld [smem:$0x3FD9]  }
0x89: {  	s3 =	sld [smem:$0x3FFE];
	_ =	sdelay $0x1  }
0x8a: {  	s1 =	srdreg.scid  }
0x8b: {  	s0 =	sand.u32 $0x1, s1  }
0x8c: {  	s16 =	sshll.u32 s0, $0xA;
	s2 =	sadd.s32 s3, s2  }
0x8d: {  	s2 =	sadd.s32 s2, s16  }
0x8e: {  	[smem:$0x3FBF] =	sst s2  }
0x8f: {  	_ = 	snop  }
0x90: {  	(tm) =	ssettm $0x1  }
0x91: {  	s17 =	sld [smem:$0x3FFB];
	_ =	sdelay $0x3  }
0x92: {  	_ =	strace s17  }
0x93: {  	s2 =	sld [smem:$0x3FFC];
	_ =	sdelay $0x3  }
0x94: {  	_ =	strace s2  }
0x95: {  	s2 =	sld [smem:$0x3FFD];
	_ =	sdelay $0x3  }
0x96: {  	_ =	strace s2  }
0x97: {  	_ =	strace $0x8FFFFFFF  }
0x98: {  	s18 =	sld [smem:$0x3FDB];
	_ =	sdelay $0x1  }
0x99: {  	s19 =	simm.s32 $_scs_section_size  }
0x9a: {  	s4 =	simm.s32 $_size__tile_overlayer_lowered;
	s5 =	simm.s32 $_tile_overlayer_lowered  }
0x9b: {  	s22 =	simm.s32 $0x1BFF;
	s21 =	sshll.u32 s5, $0x1;
	s2 =	sadd.s32 s19, s18  }
0x9c: {  	s6 =	simm.s32 $0x0;
	s20 =	sshll.u32 s4, $0x1;
	s4 =	sadd.s32 s21, s2  }
0x9d: {  	[timem:s6], [sflag:s22] =	dma.local [hbm:s4], s20  }
0x9e: {  	_ =	swait.ge [sflag:s22], s20  }
0x9f: {  	s3 =	ssub.s32 $0x0, s20;
	[sflag:s22] =	ssyncset.done $0x0  }
0xa0: {  	[sflag:s22] =	ssyncadd.s32 s3;
	_ =	sdelay $0x1  }
0xa1: {  	s23 =	simm.s32 $0x1B8B  }
0xa2: {  	_ =	swait.ge [sflag:s23], $0x1  }
0xa3: {  	[sflag:s23] =	ssyncset.done $0x0  }
0xa4: {  	s25 =	simm.s32 $0x1B8E;
	s24 =	sld [smem:$0x3FFE];
	[sflag:s23] =	ssyncadd.s32 $0xFFFFFFFF  }
0xa5: {  	s26 =	simm.s32 $execute0_lowered;
	[smem:$0x3FD2] =	sst s25  }
0xa6: {  	s4 =	sshll.u32 s26, $0x1;
	_ =	strace $0x80000049;
	[dreg:$0x1] =	wrdreg $0xFFFFFFFF  }
0xa7: {  	s28 =	simm.s32 $_size_execute0_lowered;
	s2 =	sadd.s32 s2, s4;
	[dreg:$0x0] =	wrdreg $0x0  }
0xa8: {  	s4 =	sshll.u32 s28, $0x1;
	[dreg:$0x2] =	wrdreg s2  }
0xa9: {  	[dreg:$0x3] =	wrdreg s4  }
0xaa: {  	[dreg:$0x4] =	wrdreg $0xC0  }
0xab: {  	_ =	task [dreg:s6], $0x5FFFF  }
0xac: {  	[dreg:$0x1] =	wrdreg $0xFFFFFFFF  }
0xad: {  	[dreg:$0x0] =	wrdreg $0x60  }
0xae: {  	[dreg:$0x2] =	wrdreg s24  }
0xaf: {  	[dreg:$0x3] =	wrdreg $0xB0000  }
0xb0: {  	[dreg:$0x4] =	wrdreg $0x9  }
0xb1: {  	_ =	task.clear_ibuf [dreg:s6], $0x5FFFF;
	_ =	strace $0x90000049  }
0xb2: {  	s29 =	simm.s32 $0x9;
	_ =	strace $0x8000004B  }
0xb3: {  	_ =	swait.ge [sflag:s29], $0x1  }
0xb4: {  	[sflag:s29] =	ssyncadd.s32 $0xFFFFFFFF  }
0xb5: {  	_ =	strace $0x9000004B  }
0xb6: {  	_ =	sfence  }
0xb7: {  	s30 =	sld [smem:$0x0];
	_ =	sdelay $0x2  }
0xb8: {  	s31 =	sshll.u32 s1, $0xD;
	s1 =	sshrl.u32 s1, $0x2  }
0xb9: {  	s3 =	sand.u32 $0x4000, s31;
	s1 =	sadd.s32 s1, s30  }
0xba: {  	s0 =	sor.u32 s3, s0;
	s1 =	sshll.u32 s1, $0x11  }
0xbb: {  	s0 =	sor.u32 s1, s0  }
0xbc: {  	s0 =	sadd.s32 $0x8F2B, s0  }
0xbd: {  	[sflag:s0] =	ssyncadd.remote.s32 $0x1  }
0xbe: {  	_ =	sfence.sel $0xFFFF  }
0xbf: {  	[dreg:$0x0] =	wrdreg $0xFFFFFFFF;
	(pc) =	sbr.abs _section_cstart, $3  }
0xc0: {  	[dreg:$0x1] =	wrdreg $0xFFFFFFFF  }
0xc1: {  	_ =	task.clear_ibuf [dreg:s6], $0x2FFFF;
	_ =	strace $0x9FFFFFFF  }
0xc2: {  	(tm) =	ssettm $0x7FFFFFFF  }
0xc3: {  	_ =	shalt  }
tec
execute0_lowered:
.L_overlay_start_1:
0x0: {  	(tag) =	ssettag $0x1  }
0x1: {  	s0 =	rddreg [dreg:$0x0];
	s1 =	srdreg.scid  }
0x2: {  	s8 =	stileid.u32;
	s2 =	rddreg [dreg:$0x1]  }
0x3: {  	s3 =	simm.s32 $0x0;
	s29 =	simm.s32 $0x4800;
	s1 =	sand.u32 $0x1, s1  }
0x4: {  	s5 =	smul.u32 $0x19000, s8;
	[smem:$0x7FF] =	sst s3;
	s4 =	sadd.s32 $0x166000, s0  }
0x5: {  	s11 =	sshll.u32 s8, $0xD;
	s12 =	sshll.u32 s8, $0x10;
	s6 =	smul.u32 $0xC800, s1  }
0x6: {  	_ =	strace $0x8000004A;
	s7 =	sshll.u32 s1, $0x11;
	s9 =	sadd.s32 s12, s2  }
0x7: {  	s1 =	ssub.s32 $0x2, s1;
	s10 =	sadd.s32 $0x2000, s9;
	[dreg:$0x3] =	wrdreg s9  }
0x8: {  	s13 =	sshrl.u32 s1, $0x1;
	s12 =	sadd.s32 $0x6000, s9;
	[dreg:$0x4] =	wrdreg s10  }
0x9: {  	s14 =	sadd.s32 $0x8000, s9;
	s20 =	sadd.s32 $0xA000, s9;
	[dreg:$0x6] =	wrdreg s12  }
0xa: {  	s22 =	sadd.s32 $0xC000, s9;
	s24 =	sadd.s32 $0xE000, s9;
	[dreg:$0x7] =	wrdreg s14  }
0xb: {  	s5 =	sadd.s32 s6, s5;
	s6 =	sor.u32 s11, s7;
	[dreg:$0x8] =	wrdreg s20  }
0xc: {  	s11 =	sadd.s32 $0x4000, s9;
	s1 =	ssub.s32 s1, s13;
	[dreg:$0x9] =	wrdreg s22  }
0xd: {  	[dreg:$0xa] =	wrdreg s24;
	s5 =	sshrl.u32 s5, $0x3;
	s25 =	smax.u32 s1, $0x1  }
0xe: {  	[dreg:$0x5] =	wrdreg s11;
	s5 =	sadd.s32 s5, s0;
	s0 =	sadd.s32 s6, s0  }
0xf: {  	s30 =	simm.s32 $0x4C00;
	[dreg:$0x13] =	wrdreg s25;
	s15 =	sadd.s32 $0x186400, s0  }
0x10: {  	s31 =	simm.s32 $0x80;
	s16 =	sadd.s32 $0x186800, s0;
	[dreg:$0xb] =	wrdreg s15  }
0x11: {  	s8 =	simm.s32 $0x1;
	s17 =	sadd.s32 $0x186C00, s0;
	[dreg:$0xc] =	wrdreg s16  }
0x12: {  	s13 =	simm.s32 $0x5800;
	s18 =	sadd.s32 $0x186000, s0;
	[dreg:$0xd] =	wrdreg s17  }
0x13: {  	s7 =	simm.s32 $0x8800;
	s19 =	sadd.s32 $0x187000, s0;
	[dreg:$0xe] =	wrdreg s18  }
0x14: {  	s1 =	simm.s32 $0x5000;
	s21 =	sadd.s32 $0x187400, s0;
	[dreg:$0xf] =	wrdreg s19  }
0x15: {  	s25 =	simm.s32 $0x4;
	s23 =	sadd.s32 $0x187800, s0;
	[dreg:$0x10] =	wrdreg s21  }
.Ltmp0:
0x16: {  	s0 =	sadd.s32 $0x187C00, s0;
	[dreg:$0x11] =	wrdreg s23;
	(pc) =	sbr.rel .LBB2_1-.Ltmp0, $4  }
0x17: {  	s6 =	simm.s32 $0x0;
	s26 =	sadd.s32 $0x34000, s5;
	[dreg:$0x12] =	wrdreg s0  }
0x18: {  	s28 =	sadd.s32 $0x2000, s5;
	s5 =	simm.s32 $0x9000;
	[dreg:$0x14] =	wrdreg s26  }
0x19: {  	[dreg:$0x15] =	wrdreg s28;
	s15 =	simm.s32 $0x6000;
	s17 =	simm.s32 $0x6800  }
0x1a: {  	v0 =	vimm.f32 $0.0e+00;
	s19 =	simm.s32 $0x7000;
	s21 =	simm.s32 $0x7800;
	s23 =	simm.s32 $0x8000  }
.LBB2_7:
0x1b: {  	s0 =	simm.s32 $0x2  }
0x1c: {  	_ =	swait.ge [sflag:s0], $0x800  }
0x1d: {  	[sflag:s0] =	ssyncset.done $0x0  }
0x1e: {  	[sflag:s0] =	ssyncadd.s32 $0xFFFFF800  }
0x1f: {  	_ =	swait.ge [sflag:s0], $0x800  }
0x20: {  	[sflag:s0] =	ssyncset.done $0x0  }
0x21: {  	[sflag:s0] =	ssyncadd.s32 $0xFFFFF800  }
0x22: {  	_ =	swait.ge [sflag:s0], $0x800  }
0x23: {  	[sflag:s0] =	ssyncset.done $0x0  }
0x24: {  	[sflag:s0] =	ssyncadd.s32 $0xFFFFF800  }
0x25: {  	_ =	swait.ge [sflag:s0], $0x800  }
0x26: {  	[sflag:s0] =	ssyncset.done $0x0  }
0x27: {  	[sflag:s0] =	ssyncadd.s32 $0xFFFFF800  }
0x28: {  	_ =	swait.ge [sflag:s0], $0x800  }
0x29: {  	[sflag:s0] =	ssyncset.done $0x0  }
0x2a: {  	[sflag:s0] =	ssyncadd.s32 $0xFFFFF800  }
0x2b: {  	_ =	swait.ge [sflag:s0], $0x800  }
0x2c: {  	[sflag:s0] =	ssyncset.done $0x0  }
0x2d: {  	[sflag:s0] =	ssyncadd.s32 $0xFFFFF800  }
0x2e: {  	_ =	swait.ge [sflag:s0], $0x800  }
0x2f: {  	[sflag:s0] =	ssyncset.done $0x0  }
0x30: {  	[sflag:s0] =	ssyncadd.s32 $0xFFFFF800  }
0x31: {  	_ =	swait.ge [sflag:s0], $0x800  }
0x32: {  	[sflag:s0] =	ssyncset.done $0x0  }
0x33: {  	s11 =	simm.s32 $0x3;
	[sflag:s0] =	ssyncadd.s32 $0xFFFFF800  }
0x34: {  	_ =	swait.ge [sflag:s11], $0x800  }
0x35: {  	[sflag:s11] =	ssyncset.done $0x0  }
0x36: {  	[sflag:s11] =	ssyncadd.s32 $0xFFFFF800  }
0x37: {  	_ =	swait.ge [sflag:s11], $0x800  }
0x38: {  	[sflag:s11] =	ssyncset.done $0x0  }
0x39: {  	[sflag:s11] =	ssyncadd.s32 $0xFFFFF800  }
0x3a: {  	_ =	swait.ge [sflag:s11], $0x800  }
0x3b: {  	[sflag:s11] =	ssyncset.done $0x0  }
0x3c: {  	[sflag:s11] =	ssyncadd.s32 $0xFFFFF800  }
0x3d: {  	_ =	swait.ge [sflag:s11], $0x800  }
0x3e: {  	[sflag:s11] =	ssyncset.done $0x0  }
0x3f: {  	[sflag:s11] =	ssyncadd.s32 $0xFFFFF800  }
0x40: {  	_ =	swait.ge [sflag:s11], $0x800  }
0x41: {  	[sflag:s11] =	ssyncset.done $0x0  }
0x42: {  	[sflag:s11] =	ssyncadd.s32 $0xFFFFF800  }
0x43: {  	_ =	swait.ge [sflag:s11], $0x800  }
0x44: {  	[sflag:s11] =	ssyncset.done $0x0  }
0x45: {  	[sflag:s11] =	ssyncadd.s32 $0xFFFFF800  }
0x46: {  	_ =	swait.ge [sflag:s11], $0x800  }
0x47: {  	[sflag:s11] =	ssyncset.done $0x0  }
0x48: {  	[sflag:s11] =	ssyncadd.s32 $0xFFFFF800  }
0x49: {  	_ =	swait.ge [sflag:s11], $0x800  }
0x4a: {  	[sflag:s11] =	ssyncset.done $0x0  }
0x4b: {  	[sflag:s11] =	ssyncadd.s32 $0xFFFFF800  }
0x4c: {  	[bflag:$0x0] =	sbarrier.arrive $0xFFFF  }
0x4d: {  	s5 =	simm.s32 $0x9000;
	s9 =	rddreg [dreg:$0x3]  }
0x4e: {  	[tilespmem:s5], [sflag:$0x4] =	stream.linear.gather [spmem:s9], $0x2000, $0x38;
	[tilespmem:$0x1B000] =	vst v63  }
0x4f: {  	_ =	swait.ge [sflag:s25], $0x2000  }
0x50: {  	[sflag:s25] =	ssyncset.done $0x0  }
0x51: {  	s12 =	rddreg [dreg:$0xe];
	[sflag:s25] =	ssyncadd.s32 $0xFFFFE000  }
0x52: {  	[hbm4b:s12+s3] =	stream.linear.scatter [tilespmem:s5], [sflag:$0x4], $0x2000, $0x38;
	[tilespmem:$0x1B000] =	vst v63  }
0x53: {  	_ =	swait.ge [sflag:s25], $0x2000  }
0x54: {  	[sflag:s25] =	ssyncset.done $0x0  }
0x55: {  	s10 =	rddreg [dreg:$0x4];
	[sflag:s25] =	ssyncadd.s32 $0xFFFFE000  }
0x56: {  	[tilespmem:s5], [sflag:$0x4] =	stream.linear.gather [spmem:s10], $0x2000, $0x38;
	[tilespmem:$0x1B000] =	vst v63  }
0x57: {  	_ =	swait.ge [sflag:s25], $0x2000  }
0x58: {  	[sflag:s25] =	ssyncset.done $0x0  }
0x59: {  	s14 =	rddreg [dreg:$0xb];
	[sflag:s25] =	ssyncadd.s32 $0xFFFFE000  }
0x5a: {  	[hbm4b:s14+s3] =	stream.linear.scatter [tilespmem:s5], [sflag:$0x4], $0x2000, $0x38;
	[tilespmem:$0x1B000] =	vst v63  }
0x5b: {  	_ =	swait.ge [sflag:s25], $0x2000  }
0x5c: {  	[sflag:s25] =	ssyncset.done $0x0  }
0x5d: {  	s11 =	rddreg [dreg:$0x5];
	[sflag:s25] =	ssyncadd.s32 $0xFFFFE000  }
0x5e: {  	[tilespmem:s5], [sflag:$0x4] =	stream.linear.gather [spmem:s11], $0x2000, $0x38;
	[tilespmem:$0x1B000] =	vst v63  }
0x5f: {  	_ =	swait.ge [sflag:s25], $0x2000  }
0x60: {  	[sflag:s25] =	ssyncset.done $0x0  }
0x61: {  	s16 =	rddreg [dreg:$0xc];
	[sflag:s25] =	ssyncadd.s32 $0xFFFFE000  }
0x62: {  	[hbm4b:s16+s3] =	stream.linear.scatter [tilespmem:s5], [sflag:$0x4], $0x2000, $0x38;
	[tilespmem:$0x1B000] =	vst v63  }
0x63: {  	_ =	swait.ge [sflag:s25], $0x2000  }
0x64: {  	[sflag:s25] =	ssyncset.done $0x0  }
0x65: {  	s12 =	rddreg [dreg:$0x6];
	[sflag:s25] =	ssyncadd.s32 $0xFFFFE000  }
0x66: {  	[tilespmem:s5], [sflag:$0x4] =	stream.linear.gather [spmem:s12], $0x2000, $0x38;
	[tilespmem:$0x1B000] =	vst v63  }
0x67: {  	_ =	swait.ge [sflag:s25], $0x2000  }
0x68: {  	[sflag:s25] =	ssyncset.done $0x0  }
0x69: {  	s18 =	rddreg [dreg:$0xd];
	[sflag:s25] =	ssyncadd.s32 $0xFFFFE000  }
0x6a: {  	[hbm4b:s18+s3] =	stream.linear.scatter [tilespmem:s5], [sflag:$0x4], $0x2000, $0x38;
	[tilespmem:$0x1B000] =	vst v63  }
0x6b: {  	_ =	swait.ge [sflag:s25], $0x2000  }
0x6c: {  	[sflag:s25] =	ssyncset.done $0x0  }
0x6d: {  	s14 =	rddreg [dreg:$0x7];
	[sflag:s25] =	ssyncadd.s32 $0xFFFFE000  }
0x6e: {  	[tilespmem:s5], [sflag:$0x4] =	stream.linear.gather [spmem:s14], $0x2000, $0x38;
	[tilespmem:$0x1B000] =	vst v63  }
0x6f: {  	_ =	swait.ge [sflag:s25], $0x2000  }
0x70: {  	[sflag:s25] =	ssyncset.done $0x0  }
0x71: {  	s20 =	rddreg [dreg:$0xf];
	[sflag:s25] =	ssyncadd.s32 $0xFFFFE000  }
0x72: {  	[hbm4b:s20+s3] =	stream.linear.scatter [tilespmem:s5], [sflag:$0x4], $0x2000, $0x38;
	[tilespmem:$0x1B000] =	vst v63  }
0x73: {  	_ =	swait.ge [sflag:s25], $0x2000  }
0x74: {  	[sflag:s25] =	ssyncset.done $0x0  }
0x75: {  	s20 =	rddreg [dreg:$0x8];
	[sflag:s25] =	ssyncadd.s32 $0xFFFFE000  }
0x76: {  	[tilespmem:s5], [sflag:$0x4] =	stream.linear.gather [spmem:s20], $0x2000, $0x38;
	[tilespmem:$0x1B000] =	vst v63  }
0x77: {  	_ =	swait.ge [sflag:s25], $0x2000  }
0x78: {  	[sflag:s25] =	ssyncset.done $0x0  }
0x79: {  	s22 =	rddreg [dreg:$0x10];
	[sflag:s25] =	ssyncadd.s32 $0xFFFFE000  }
0x7a: {  	[hbm4b:s22+s3] =	stream.linear.scatter [tilespmem:s5], [sflag:$0x4], $0x2000, $0x38;
	[tilespmem:$0x1B000] =	vst v63  }
0x7b: {  	_ =	swait.ge [sflag:s25], $0x2000  }
0x7c: {  	[sflag:s25] =	ssyncset.done $0x0  }
0x7d: {  	s22 =	rddreg [dreg:$0x9];
	[sflag:s25] =	ssyncadd.s32 $0xFFFFE000  }
0x7e: {  	[tilespmem:s5], [sflag:$0x4] =	stream.linear.gather [spmem:s22], $0x2000, $0x38;
	[tilespmem:$0x1B000] =	vst v63  }
0x7f: {  	_ =	swait.ge [sflag:s25], $0x2000  }
0x80: {  	[sflag:s25] =	ssyncset.done $0x0  }
0x81: {  	s24 =	rddreg [dreg:$0x11];
	[sflag:s25] =	ssyncadd.s32 $0xFFFFE000  }
0x82: {  	[hbm4b:s24+s3] =	stream.linear.scatter [tilespmem:s5], [sflag:$0x4], $0x2000, $0x38;
	[tilespmem:$0x1B000] =	vst v63  }
0x83: {  	_ =	swait.ge [sflag:s25], $0x2000  }
0x84: {  	[sflag:s25] =	ssyncset.done $0x0  }
0x85: {  	s24 =	rddreg [dreg:$0xa];
	[sflag:s25] =	ssyncadd.s32 $0xFFFFE000  }
0x86: {  	[tilespmem:s5], [sflag:$0x4] =	stream.linear.gather [spmem:s24], $0x2000, $0x38;
	[tilespmem:$0x1B000] =	vst v63  }
0x87: {  	_ =	swait.ge [sflag:s25], $0x2000  }
0x88: {  	[sflag:s25] =	ssyncset.done $0x0  }
0x89: {  	s26 =	rddreg [dreg:$0x12];
	[sflag:s25] =	ssyncadd.s32 $0xFFFFE000  }
0x8a: {  	[hbm4b:s26+s3] =	stream.linear.scatter [tilespmem:s5], [sflag:$0x4], $0x2000, $0x38;
	[tilespmem:$0x1B000] =	vst v63  }
0x8b: {  	_ =	swait.ge [sflag:s25], $0x2000  }
0x8c: {  	s6 =	rddreg [dreg:$0x16]  }
0x8d: {  	s28 =	rddreg [dreg:$0x13];
	s6 =	sadd.s32 $0x1, s6  }
0x8e: {  	p0 =	sne.s32 s6, s28  }
.Ltmp1:
0x8f: {  	_ = 	snop;
	(pc) =	sbr.rel @!p0 .LBB2_8-.Ltmp1, $3  }
0x90: {  	_ =	sdelay $0x1  }
0x91: {  	[sflag:s25] =	ssyncset.done $0x0  }
0x92: {  	[sflag:s25] =	ssyncadd.s32 $0xFFFFE000  }
.LBB2_1:
0x93: {  	[dreg:$0x16] =	wrdreg s6;
	s16 =	simm.s32 $0x40;
	s18 =	simm.s32 $0x0  }
.LBB2_2:
0x94: {  	p0 =	sne.s32 s16, $0x7FC0;
	[tilespmem:s18+$0x9000] =	vst v0;
	s18 =	smov.u32 s16;
	s16 =	sadd.s32 $0x40, s16  }
.Ltmp2:
0x95: {  	(pc) =	sbr.rel @p0 .LBB2_2-.Ltmp2, $2  }
0x96: {  	_ =	sdelay $0x2  }
0x97: {  	s18 =	sshra.s32 s18, $0x2  }
0x98: {  	[tilespmem:s18+$0x9000] =	vst v0  }
0x99: {  	[spmem:s9] =	stream.linear.scatter [tilespmem:s5], [sflag:$0x4], $0x2000, $0x38;
	[tilespmem:$0x1B000] =	vst v63  }
0x9a: {  	_ =	swait.ge [sflag:s25], $0x2000  }
0x9b: {  	[sflag:s25] =	ssyncset.done $0x0  }
0x9c: {  	[sflag:s25] =	ssyncadd.s32 $0xFFFFE000  }
0x9d: {  	[spmem:s10] =	stream.linear.scatter [tilespmem:s5], [sflag:$0x4], $0x2000, $0x38;
	[tilespmem:$0x1B000] =	vst v63  }
0x9e: {  	_ =	swait.ge [sflag:s25], $0x2000  }
0x9f: {  	[sflag:s25] =	ssyncset.done $0x0  }
0xa0: {  	[sflag:s25] =	ssyncadd.s32 $0xFFFFE000  }
0xa1: {  	[spmem:s11] =	stream.linear.scatter [tilespmem:s5], [sflag:$0x4], $0x2000, $0x38;
	[tilespmem:$0x1B000] =	vst v63  }
0xa2: {  	_ =	swait.ge [sflag:s25], $0x2000  }
0xa3: {  	[sflag:s25] =	ssyncset.done $0x0  }
0xa4: {  	[sflag:s25] =	ssyncadd.s32 $0xFFFFE000  }
0xa5: {  	[spmem:s12] =	stream.linear.scatter [tilespmem:s5], [sflag:$0x4], $0x2000, $0x38;
	[tilespmem:$0x1B000] =	vst v63  }
0xa6: {  	_ =	swait.ge [sflag:s25], $0x2000  }
0xa7: {  	[sflag:s25] =	ssyncset.done $0x0  }
0xa8: {  	[sflag:s25] =	ssyncadd.s32 $0xFFFFE000  }
0xa9: {  	[spmem:s14] =	stream.linear.scatter [tilespmem:s5], [sflag:$0x4], $0x2000, $0x38;
	[tilespmem:$0x1B000] =	vst v63  }
0xaa: {  	_ =	swait.ge [sflag:s25], $0x2000  }
0xab: {  	[sflag:s25] =	ssyncset.done $0x0  }
0xac: {  	[sflag:s25] =	ssyncadd.s32 $0xFFFFE000  }
0xad: {  	[spmem:s20] =	stream.linear.scatter [tilespmem:s5], [sflag:$0x4], $0x2000, $0x38;
	[tilespmem:$0x1B000] =	vst v63  }
0xae: {  	_ =	swait.ge [sflag:s25], $0x2000  }
0xaf: {  	[sflag:s25] =	ssyncset.done $0x0  }
0xb0: {  	[sflag:s25] =	ssyncadd.s32 $0xFFFFE000  }
0xb1: {  	[spmem:s22] =	stream.linear.scatter [tilespmem:s5], [sflag:$0x4], $0x2000, $0x38;
	[tilespmem:$0x1B000] =	vst v63  }
0xb2: {  	_ =	swait.ge [sflag:s25], $0x2000  }
0xb3: {  	[sflag:s25] =	ssyncset.done $0x0  }
0xb4: {  	[sflag:s25] =	ssyncadd.s32 $0xFFFFE000  }
0xb5: {  	[spmem:s24] =	stream.linear.scatter [tilespmem:s5], [sflag:$0x4], $0x2000, $0x38;
	[tilespmem:$0x1B000] =	vst v63  }
0xb6: {  	_ =	swait.ge [sflag:s25], $0x2000  }
.Ltmp3:
0xb7: {  	[sflag:s25] =	ssyncset.done $0x0;
	(pc) =	sbr.rel .LBB2_4-.Ltmp3, $4  }
0xb8: {  	[sflag:s25] =	ssyncadd.s32 $0xFFFFE000  }
0xb9: {  	[bflag:$0x0] =	sbarrier.arrive $0xFFFF  }
0xba: {  	s18 =	rddreg [dreg:$0x15]  }
0xbb: {  	s16 =	simm.s32 $0x0;
	s20 =	rddreg [dreg:$0x14]  }
.LBB2_6:
0xbc: {  	s16 =	sadd.s32 $0x1, s16  }
0xbd: {  	p0 =	sne.s32 s16, $0x32  }
.Ltmp4:
0xbe: {  	_ = 	snop;
	(pc) =	sbr.rel @!p0 .LBB2_7-.Ltmp4, $2  }
0xbf: {  	_ =	sdelay $0x2  }
0xc0: {  	s20 =	sadd.s32 $0x80, s20;
	s18 =	sadd.s32 $0x80, s18  }
.LBB2_4:
0xc1: {  	s22 =	sand.u32 $0x1, s16  }
0xc2: {  	p0 =	seq.s32 s22, $0x1  }
0xc3: {  	p1 =	slt.u32 @!p0 s16, $0x2  }
0xc4: {  	p1 =	por p1, p0  }
0xc5: {  	s6 =	simm.s32 @!p1 $0x2  }
0xc6: {  	_ =	swait.ge @!p1 [sflag:s6], $0x800  }
0xc7: {  	[sflag:s6] =	ssyncset.done @!p1 $0x0  }
0xc8: {  	[sflag:s6] =	ssyncadd.s32 @!p1 $0xFFFFF800  }
0xc9: {  	_ =	swait.ge @!p1 [sflag:s6], $0x800  }
0xca: {  	[sflag:s6] =	ssyncset.done @!p1 $0x0  }
0xcb: {  	[sflag:s6] =	ssyncadd.s32 @!p1 $0xFFFFF800  }
0xcc: {  	_ =	swait.ge @!p1 [sflag:s6], $0x800  }
0xcd: {  	[sflag:s6] =	ssyncset.done @!p1 $0x0  }
0xce: {  	[sflag:s6] =	ssyncadd.s32 @!p1 $0xFFFFF800  }
0xcf: {  	_ =	swait.ge @!p1 [sflag:s6], $0x800  }
0xd0: {  	[sflag:s6] =	ssyncset.done @!p1 $0x0  }
0xd1: {  	[sflag:s6] =	ssyncadd.s32 @!p1 $0xFFFFF800  }
0xd2: {  	_ =	swait.ge @!p1 [sflag:s6], $0x800  }
0xd3: {  	[sflag:s6] =	ssyncset.done @!p1 $0x0  }
0xd4: {  	[sflag:s6] =	ssyncadd.s32 @!p1 $0xFFFFF800  }
0xd5: {  	_ =	swait.ge @!p1 [sflag:s6], $0x800  }
0xd6: {  	[sflag:s6] =	ssyncset.done @!p1 $0x0  }
0xd7: {  	[sflag:s6] =	ssyncadd.s32 @!p1 $0xFFFFF800  }
0xd8: {  	_ =	swait.ge @!p1 [sflag:s6], $0x800  }
0xd9: {  	[sflag:s6] =	ssyncset.done @!p1 $0x0  }
0xda: {  	[sflag:s6] =	ssyncadd.s32 @!p1 $0xFFFFF800  }
0xdb: {  	_ =	swait.ge @!p1 [sflag:s6], $0x800  }
0xdc: {  	[sflag:s6] =	ssyncset.done @!p1 $0x0  }
0xdd: {  	s9 =	simm.s32 @!p0 $0x4;
	[sflag:s6] =	ssyncadd.s32 @!p1 $0xFFFFF800;
	s6 =	simm.s32 @!p0 $0x0  }
0xde: {  	[tilespmem:s6], [sflag:$0x4] =	stream.linear.gather @!p0 [hbm4b:s18+s6], $0x400, $0x38;
	[tilespmem:$0x1B000] =	vst v63  }
0xdf: {  	_ =	swait.ge @!p0 [sflag:s9], $0x400  }
0xe0: {  	[sflag:s9] =	ssyncset.done @!p0 $0x0  }
0xe1: {  	s10 =	simm.s32 @!p0 $0x400;
	[sflag:s9] =	ssyncadd.s32 @!p0 $0xFFFFFC00  }
0xe2: {  	[tilespmem:s10], [sflag:$0x4] =	stream.linear.gather @!p0 [hbm4b:s20+s6], $0x400, $0x38;
	[tilespmem:$0x1B000] =	vst v63  }
0xe3: {  	_ =	swait.ge @!p0 [sflag:s9], $0x400  }
0xe4: {  	[sflag:s9] =	ssyncset.done @!p0 $0x0  }
0xe5: {  	s11 =	simm.s32 @!p0 $0x800;
	[sflag:s9] =	ssyncadd.s32 @!p0 $0xFFFFFC00;
	s9 =	simm.s32 @!p0 $0x80  }
0xe6: {  	[tilespmem:s11], [sflag:$0x1] =	stream.indirect.gather @!p0 [hbm4b:s4+s9], $0x10, s6, s9, $0xb8;
	[tilespmem:$0x1B000] =	vst v63  }
0xe7: {  	s6 =	simm.s32 @!p0 $0x1000  }
0xe8: {  	[tilespmem:s6], [sflag:$0x1] =	stream.indirect.gather @!p0 [hbm4b:s4+s9], $0x10, s9, s9, $0xb8;
	[tilespmem:$0x1B000] =	vst v63  }
0xe9: {  	s12 =	simm.s32 @!p0 $0x100;
	s5 =	simm.s32 @!p0 $0x1800  }
0xea: {  	[tilespmem:s5], [sflag:$0x1] =	stream.indirect.gather @!p0 [hbm4b:s4+s9], $0x10, s12, s9, $0xb8;
	[tilespmem:$0x1B000] =	vst v63  }
0xeb: {  	s0 =	simm.s32 @!p0 $0x2000;
	s12 =	simm.s32 @!p0 $0x180  }
0xec: {  	[tilespmem:s0], [sflag:$0x1] =	stream.indirect.gather @!p0 [hbm4b:s4+s9], $0x10, s12, s9, $0xb8;
	[tilespmem:$0x1B000] =	vst v63  }
0xed: {  	s14 =	simm.s32 @!p0 $0x2800;
	s12 =	simm.s32 @!p0 $0x200  }
0xee: {  	[tilespmem:s14], [sflag:$0x1] =	stream.indirect.gather @!p0 [hbm4b:s4+s9], $0x10, s12, s9, $0xb8;
	[tilespmem:$0x1B000] =	vst v63  }
0xef: {  	s24 =	simm.s32 @!p0 $0x3000;
	s12 =	simm.s32 @!p0 $0x280  }
0xf0: {  	[tilespmem:s24], [sflag:$0x1] =	stream.indirect.gather @!p0 [hbm4b:s4+s9], $0x10, s12, s9, $0xb8;
	[tilespmem:$0x1B000] =	vst v63  }
0xf1: {  	s26 =	simm.s32 @!p0 $0x3800;
	s12 =	simm.s32 @!p0 $0x300  }
0xf2: {  	[tilespmem:s26], [sflag:$0x1] =	stream.indirect.gather @!p0 [hbm4b:s4+s9], $0x10, s12, s9, $0xb8;
	[tilespmem:$0x1B000] =	vst v63  }
0xf3: {  	s28 =	simm.s32 @!p0 $0x4000;
	s12 =	simm.s32 @!p0 $0x380  }
0xf4: {  	[tilespmem:s28], [sflag:$0x1] =	stream.indirect.gather @!p0 [hbm4b:s4+s9], $0x10, s12, s9, $0xb8;
	[tilespmem:$0x1B000] =	vst v63  }
0xf5: {  	s12 =	simm.s32 @!p0 $0x1  }
0xf6: {  	_ =	swait.ge @!p0 [sflag:s12], $0x800  }
0xf7: {  	[sflag:s12] =	ssyncset.done @!p0 $0x0  }
0xf8: {  	[sflag:s12] =	ssyncadd.s32 @!p0 $0xFFFFF800  }
0xf9: {  	_ =	swait.ge @!p0 [sflag:s12], $0x800  }
0xfa: {  	[sflag:s12] =	ssyncset.done @!p0 $0x0  }
0xfb: {  	[sflag:s12] =	ssyncadd.s32 @!p0 $0xFFFFF800  }
0xfc: {  	_ =	swait.ge @!p0 [sflag:s12], $0x800  }
0xfd: {  	[sflag:s12] =	ssyncset.done @!p0 $0x0  }
0xfe: {  	[sflag:s12] =	ssyncadd.s32 @!p0 $0xFFFFF800  }
0xff: {  	_ =	swait.ge @!p0 [sflag:s12], $0x800  }
0x100: {  	[sflag:s12] =	ssyncset.done @!p0 $0x0  }
0x101: {  	[sflag:s12] =	ssyncadd.s32 @!p0 $0xFFFFF800  }
0x102: {  	_ =	swait.ge @!p0 [sflag:s12], $0x800  }
0x103: {  	[sflag:s12] =	ssyncset.done @!p0 $0x0  }
0x104: {  	[sflag:s12] =	ssyncadd.s32 @!p0 $0xFFFFF800  }
0x105: {  	_ =	swait.ge @!p0 [sflag:s12], $0x800  }
0x106: {  	[sflag:s12] =	ssyncset.done @!p0 $0x0  }
0x107: {  	[sflag:s12] =	ssyncadd.s32 @!p0 $0xFFFFF800  }
0x108: {  	_ =	swait.ge @!p0 [sflag:s12], $0x800  }
0x109: {  	[sflag:s12] =	ssyncset.done @!p0 $0x0  }
0x10a: {  	[sflag:s12] =	ssyncadd.s32 @!p0 $0xFFFFF800  }
0x10b: {  	_ =	swait.ge @!p0 [sflag:s12], $0x800  }
0x10c: {  	[sflag:s12] =	ssyncset.done @!p0 $0x0  }
0x10d: {  	[sflag:s12] =	ssyncadd.s32 @!p0 $0xFFFFF800  }
0x10e: {  	[spmem:s2] =	stream.indirect.scatter.add.f32 @!p0 [tilespmem:s11], [sflag:$0x2], $0x10, s10, s9, $0xb8;
	[tilespmem:$0x1B000] =	vst v63  }
0x10f: {  	s10 =	simm.s32 @!p0 $0x480  }
0x110: {  	[spmem:s2] =	stream.indirect.scatter.add.f32 @!p0 [tilespmem:s6], [sflag:$0x2], $0x10, s10, s9, $0xb8;
	[tilespmem:$0x1B000] =	vst v63  }
0x111: {  	s6 =	simm.s32 @!p0 $0x500  }
0x112: {  	[spmem:s2] =	stream.indirect.scatter.add.f32 @!p0 [tilespmem:s5], [sflag:$0x2], $0x10, s6, s9, $0xb8;
	[tilespmem:$0x1B000] =	vst v63  }
0x113: {  	s5 =	simm.s32 @!p0 $0x580  }
0x114: {  	[spmem:s2] =	stream.indirect.scatter.add.f32 @!p0 [tilespmem:s0], [sflag:$0x2], $0x10, s5, s9, $0xb8;
	[tilespmem:$0x1B000] =	vst v63  }
0x115: {  	s0 =	simm.s32 @!p0 $0x600  }
0x116: {  	[spmem:s2] =	stream.indirect.scatter.add.f32 @!p0 [tilespmem:s14], [sflag:$0x2], $0x10, s0, s9, $0xb8;
	[tilespmem:$0x1B000] =	vst v63  }
0x117: {  	s0 =	simm.s32 @!p0 $0x680  }
0x118: {  	[spmem:s2] =	stream.indirect.scatter.add.f32 @!p0 [tilespmem:s24], [sflag:$0x2], $0x10, s0, s9, $0xb8;
	[tilespmem:$0x1B000] =	vst v63  }
0x119: {  	s0 =	simm.s32 @!p0 $0x700  }
0x11a: {  	[spmem:s2] =	stream.indirect.scatter.add.f32 @!p0 [tilespmem:s26], [sflag:$0x2], $0x10, s0, s9, $0xb8;
	[tilespmem:$0x1B000] =	vst v63  }
0x11b: {  	p1 =	seq.s32 @!p0 s22, $0x0;
	s0 =	simm.s32 @!p0 $0x780  }
0x11c: {  	[spmem:s2] =	stream.indirect.scatter.add.f32 @!p0 [tilespmem:s28], [sflag:$0x2], $0x10, s0, s9, $0xb8;
	[tilespmem:$0x1B000] =	vst v63  }
0x11d: {  	p0 =	por p0, !p1  }
.Ltmp5:
0x11e: {  	_ = 	snop;
	(pc) =	sbr.rel @!p0 .LBB2_6-.Ltmp5, $1  }
0x11f: {  	_ =	sdelay $0x3  }
0x120: {  	p0 =	slt.u32 s16, $0x2  }
0x121: {  	s0 =	simm.s32 @!p0 $0x3  }
0x122: {  	_ =	swait.ge @!p0 [sflag:s0], $0x800  }
0x123: {  	[sflag:s0] =	ssyncset.done @!p0 $0x0  }
0x124: {  	[sflag:s0] =	ssyncadd.s32 @!p0 $0xFFFFF800  }
0x125: {  	_ =	swait.ge @!p0 [sflag:s0], $0x800  }
0x126: {  	[sflag:s0] =	ssyncset.done @!p0 $0x0  }
0x127: {  	[sflag:s0] =	ssyncadd.s32 @!p0 $0xFFFFF800  }
0x128: {  	_ =	swait.ge @!p0 [sflag:s0], $0x800  }
0x129: {  	[sflag:s0] =	ssyncset.done @!p0 $0x0  }
0x12a: {  	[sflag:s0] =	ssyncadd.s32 @!p0 $0xFFFFF800  }
0x12b: {  	_ =	swait.ge @!p0 [sflag:s0], $0x800  }
0x12c: {  	[sflag:s0] =	ssyncset.done @!p0 $0x0  }
0x12d: {  	[sflag:s0] =	ssyncadd.s32 @!p0 $0xFFFFF800  }
0x12e: {  	_ =	swait.ge @!p0 [sflag:s0], $0x800  }
0x12f: {  	[sflag:s0] =	ssyncset.done @!p0 $0x0  }
0x130: {  	[sflag:s0] =	ssyncadd.s32 @!p0 $0xFFFFF800  }
0x131: {  	_ =	swait.ge @!p0 [sflag:s0], $0x800  }
0x132: {  	[sflag:s0] =	ssyncset.done @!p0 $0x0  }
0x133: {  	[sflag:s0] =	ssyncadd.s32 @!p0 $0xFFFFF800  }
0x134: {  	_ =	swait.ge @!p0 [sflag:s0], $0x800  }
0x135: {  	[sflag:s0] =	ssyncset.done @!p0 $0x0  }
0x136: {  	[sflag:s0] =	ssyncadd.s32 @!p0 $0xFFFFF800  }
0x137: {  	_ =	swait.ge @!p0 [sflag:s0], $0x800  }
0x138: {  	[sflag:s0] =	ssyncset.done @!p0 $0x0  }
0x139: {  	[sflag:s0] =	ssyncadd.s32 @!p0 $0xFFFFF800  }
0x13a: {  	[tilespmem:s29], [sflag:$0x4] =	stream.linear.gather [hbm4b:s18+s3], $0x400, $0x38;
	[tilespmem:$0x1B000] =	vst v63  }
0x13b: {  	_ =	swait.ge [sflag:s25], $0x400  }
0x13c: {  	[sflag:s25] =	ssyncset.done $0x0  }
0x13d: {  	[sflag:s25] =	ssyncadd.s32 $0xFFFFFC00  }
0x13e: {  	[tilespmem:s30], [sflag:$0x4] =	stream.linear.gather [hbm4b:s20+s3], $0x400, $0x38;
	[tilespmem:$0x1B000] =	vst v63  }
0x13f: {  	_ =	swait.ge [sflag:s25], $0x400  }
0x140: {  	[sflag:s25] =	ssyncset.done $0x0  }
0x141: {  	[sflag:s25] =	ssyncadd.s32 $0xFFFFFC00  }
0x142: {  	[tilespmem:s1], [sflag:$0x1] =	stream.indirect.gather [hbm4b:s4+s31], $0x10, s29, s31, $0xb8;
	[tilespmem:$0x1B000] =	vst v63  }
0x143: {  	s24 =	simm.s32 $0x4880  }
0x144: {  	[tilespmem:s13], [sflag:$0x1] =	stream.indirect.gather [hbm4b:s4+s31], $0x10, s24, s31, $0xb8;
	[tilespmem:$0x1B000] =	vst v63  }
0x145: {  	s26 =	simm.s32 $0x4900  }
0x146: {  	[tilespmem:s15], [sflag:$0x1] =	stream.indirect.gather [hbm4b:s4+s31], $0x10, s26, s31, $0xb8;
	[tilespmem:$0x1B000] =	vst v63  }
0x147: {  	s28 =	simm.s32 $0x4980  }
0x148: {  	[tilespmem:s17], [sflag:$0x1] =	stream.indirect.gather [hbm4b:s4+s31], $0x10, s28, s31, $0xb8;
	[tilespmem:$0x1B000] =	vst v63  }
0x149: {  	s5 =	simm.s32 $0x4A00  }
0x14a: {  	[tilespmem:s19], [sflag:$0x1] =	stream.indirect.gather [hbm4b:s4+s31], $0x10, s5, s31, $0xb8;
	[tilespmem:$0x1B000] =	vst v63  }
0x14b: {  	s6 =	simm.s32 $0x4A80  }
0x14c: {  	[tilespmem:s21], [sflag:$0x1] =	stream.indirect.gather [hbm4b:s4+s31], $0x10, s6, s31, $0xb8;
	[tilespmem:$0x1B000] =	vst v63  }
0x14d: {  	s9 =	simm.s32 $0x4B00  }
0x14e: {  	[tilespmem:s23], [sflag:$0x1] =	stream.indirect.gather [hbm4b:s4+s31], $0x10, s9, s31, $0xb8;
	[tilespmem:$0x1B000] =	vst v63  }
0x14f: {  	s10 =	simm.s32 $0x4B80  }
0x150: {  	[tilespmem:s7], [sflag:$0x1] =	stream.indirect.gather [hbm4b:s4+s31], $0x10, s10, s31, $0xb8;
	[tilespmem:$0x1B000] =	vst v63  }
0x151: {  	_ =	swait.ge [sflag:s8], $0x800  }
0x152: {  	[sflag:s8] =	ssyncset.done $0x0  }
0x153: {  	[sflag:s8] =	ssyncadd.s32 $0xFFFFF800  }
0x154: {  	_ =	swait.ge [sflag:s8], $0x800  }
0x155: {  	[sflag:s8] =	ssyncset.done $0x0  }
0x156: {  	[sflag:s8] =	ssyncadd.s32 $0xFFFFF800  }
0x157: {  	_ =	swait.ge [sflag:s8], $0x800  }
0x158: {  	[sflag:s8] =	ssyncset.done $0x0  }
0x159: {  	[sflag:s8] =	ssyncadd.s32 $0xFFFFF800  }
0x15a: {  	_ =	swait.ge [sflag:s8], $0x800  }
0x15b: {  	[sflag:s8] =	ssyncset.done $0x0  }
0x15c: {  	[sflag:s8] =	ssyncadd.s32 $0xFFFFF800  }
0x15d: {  	_ =	swait.ge [sflag:s8], $0x800  }
0x15e: {  	[sflag:s8] =	ssyncset.done $0x0  }
0x15f: {  	[sflag:s8] =	ssyncadd.s32 $0xFFFFF800  }
0x160: {  	_ =	swait.ge [sflag:s8], $0x800  }
0x161: {  	[sflag:s8] =	ssyncset.done $0x0  }
0x162: {  	[sflag:s8] =	ssyncadd.s32 $0xFFFFF800  }
0x163: {  	_ =	swait.ge [sflag:s8], $0x800  }
0x164: {  	[sflag:s8] =	ssyncset.done $0x0  }
0x165: {  	[sflag:s8] =	ssyncadd.s32 $0xFFFFF800  }
0x166: {  	_ =	swait.ge [sflag:s8], $0x800  }
0x167: {  	[sflag:s8] =	ssyncset.done $0x0  }
0x168: {  	[sflag:s8] =	ssyncadd.s32 $0xFFFFF800  }
0x169: {  	[spmem:s2] =	stream.indirect.scatter.add.f32 [tilespmem:s1], [sflag:$0x3], $0x10, s30, s31, $0xb8;
	[tilespmem:$0x1B000] =	vst v63  }
0x16a: {  	s11 =	simm.s32 $0x4C80  }
0x16b: {  	[spmem:s2] =	stream.indirect.scatter.add.f32 [tilespmem:s13], [sflag:$0x3], $0x10, s11, s31, $0xb8;
	[tilespmem:$0x1B000] =	vst v63  }
0x16c: {  	s12 =	simm.s32 $0x4D00  }
0x16d: {  	[spmem:s2] =	stream.indirect.scatter.add.f32 [tilespmem:s15], [sflag:$0x3], $0x10, s12, s31, $0xb8;
	[tilespmem:$0x1B000] =	vst v63  }
0x16e: {  	s14 =	simm.s32 $0x4D80  }
0x16f: {  	[spmem:s2] =	stream.indirect.scatter.add.f32 [tilespmem:s17], [sflag:$0x3], $0x10, s14, s31, $0xb8;
	[tilespmem:$0x1B000] =	vst v63  }
0x170: {  	s22 =	simm.s32 $0x4E00  }
0x171: {  	[spmem:s2] =	stream.indirect.scatter.add.f32 [tilespmem:s19], [sflag:$0x3], $0x10, s22, s31, $0xb8;
	[tilespmem:$0x1B000] =	vst v63  }
0x172: {  	s24 =	simm.s32 $0x4E80  }
0x173: {  	[spmem:s2] =	stream.indirect.scatter.add.f32 [tilespmem:s21], [sflag:$0x3], $0x10, s24, s31, $0xb8;
	[tilespmem:$0x1B000] =	vst v63  }
.Ltmp6:
0x174: {  	_ = 	snop;
	(pc) =	sbr.rel .LBB2_6-.Ltmp6, $4  }
0x175: {  	s26 =	simm.s32 $0x4F00  }
0x176: {  	[spmem:s2] =	stream.indirect.scatter.add.f32 [tilespmem:s23], [sflag:$0x3], $0x10, s26, s31, $0xb8;
	[tilespmem:$0x1B000] =	vst v63  }
0x177: {  	s28 =	simm.s32 $0x4F80  }
0x178: {  	[spmem:s2] =	stream.indirect.scatter.add.f32 [tilespmem:s7], [sflag:$0x3], $0x10, s28, s31, $0xb8;
	[tilespmem:$0x1B000] =	vst v63  }
.LBB2_8:
0x179: {  	_ =	sfence.sel $0x180000  }
0x17a: {  	[bflag:$0x0] =	sbarrier.arrive $0xFFFF  }
0x17b: {  	_ =	strace $0x9000004A  }
0x17c: {  	s0 =	stileid.u32;
	[bflag:$0x2] =	sbarrier.arrive $0xFFFF  }
0x17d: {  	p0 =	sne.s32 s0, $0x0;
	s0 =	rddreg [dreg:$0x2]  }
0x17e: {  	s0 =	sadd.s32 @!p0 $0x100000, s0  }
0x17f: {  	[sflag:s0] =	ssyncadd.tile.s32 @!p0 $0x1;
	_ =	shalt  }
.Lfunc_end2:
_tile_overlayer_lowered:
.L_overlay_start_2:
0x180: {  	(tag) =	ssettag $0x2  }
0x181: {  	s0 =	rddreg [dreg:$0x0];
	s2 =	stileid.u32  }
0x182: {  	s1 =	rddreg [dreg:$0x1];
	p0 =	sne.s32 s2, $0x0  }
0x183: {  	s3 =	rddreg [dreg:$0x2];
	[bflag:$0x3] =	sbarrier.arrive $0xFFFF;
	s2 =	simm.s32 @!p0 $0x1C04  }
0x184: {  	[timem:s3], [sflag:s2] =	dma.local @!p0 [hbm:s0], s1  }
0x185: {  	s0 =	simm.s32 @!p0 $0x4  }
0x186: {  	_ =	swait.ge @!p0 [sflag:s0], s1  }
0x187: {  	s1 =	ssub.s32 @!p0 $0x0, s1;
	[sflag:s0] =	ssyncset.done @!p0 $0x0  }
0x188: {  	[sflag:s0] =	ssyncadd.s32 @!p0 s1  }
0x189: {  	[bflag:$0x3] =	sbarrier.arrive $0xFFFF  }
0x18a: {  	_ =	shalt  }

// kernel: kernel.15.cloned.1.call-start
scs
__scs_entry_jumppad:
0x0: {  	(pc) =	sbr.rel $0x88, $3  }
0x1: {  	(tag) =	ssettag $0x0;
	lr =	simm.s32 $0x1  }
0x2: {  	[smem:$0x3F98] =	sst lr;
	_ =	strace $0xD0000000  }
0x3: {  	_ = 	snop  }
0x4: {  	_ = 	snop  }
0x5: {  	_ = 	snop  }
0x6: {  	_ = 	snop  }
0x7: {  	_ = 	snop  }
__scs_overlays_trampoline_lowered:
0x8: {  	[smem:$0x3FA7] =	sst s0  }
0x9: {  	[smem:$0x3FA8] =	sst s1  }
0xa: {  	[smem:$0x3FA9] =	sst s2  }
0xb: {  	[smem:$0x3FAA] =	sst s3  }
0xc: {  	[smem:$0x3FAB] =	sst s4  }
0xd: {  	[smem:$0x3FAC] =	sst s5  }
0xe: {  	[smem:$0x3FAD] =	sst s6  }
0xf: {  	[smem:$0x3FAE] =	sst s7  }
0x10: {  	[smem:$0x3FAF] =	sst s8  }
0x11: {  	[smem:$0x3FB0] =	sst s9;
	s0 =	simm.s32 @!p0 $0x0  }
0x12: {  	s1 =	sld [smem:$0x3F96];
	s0 =	simm.s32 @p0 $0x1  }
0x13: {  	[smem:$0x3FB1] =	sst s0;
	s0 =	simm.s32 @!p1 $0x0  }
0x14: {  	s2 =	sld [smem:$0x3F95];
	s0 =	simm.s32 @p1 $0x1  }
0x15: {  	[smem:$0x3FB2] =	sst s0;
	s0 =	simm.s32 @!p2 $0x0  }
0x16: {  	s3 =	sld [smem:$0x3FDB];
	s0 =	simm.s32 @p2 $0x1  }
0x17: {  	s4 =	simm.s32 $0x1BF5;
	[smem:$0x3FB4] =	sst s0  }
0x18: {  	s0 =	sld [smem:$0x3F97];
	_ =	swait.ge [sflag:s4], $0x0  }
0x19: {  	s7 =	sld [smem:$0x3F98]  }
0x1a: {  	s8 =	sadd.s32 $0xFFFFE003, lr  }
0x1b: {  	s9 =	sadd.s32 $0xFFFFFEF7, lr;
	s5 =	simm.s32 $0xFFFFFFFF;
	p2 =	slt.u32 s8, $0xFFFFF086  }
0x1c: {  	p1 =	slt.u32 s9, $0xF7A;
	s5 =	simm.s32 @!p2 $0x0  }
0x1d: {  	s5 =	simm.s32 @p1 $0x1;
	p0 =	seq.s32 s7, s2  }
0x1e: {  	s7 =	smul.u32 @!p0 $0xF7A, s2;
	p2 =	seq.s32 @!p0 s5, $0x0  }
0x1f: {  	s9 =	smul.u32 $0xF7A, s1;
	s8 =	simm.s32 @!p0 $0x1BF5;
	p2 =	por !p2, p0  }
0x20: {  	[sflag:s8] =	ssyncset.s32 @!p0 $0xFFFFF086;
	s6 =	sadd.s32 @!p0 s3, s7;
	s7 =	simm.s32 @!p0 $0x108  }
0x21: {  	s3 =	sadd.s32 s3, s9;
	s6 =	sadd.s32 @!p0 $0x88, s6;
	s7 =	simm.s32 @p2 $0x1082  }
0x22: {  	[simem:s7], [sflag:s8] =	dma.local @!p0 [hbm:s6], $0xF7A  }
0x23: {  	s9 =	sor.u32 $0xD0000000, s2;
	s6 =	simm.s32 $0x108;
	_ =	swait.ge @!p0 [sflag:s8], $0x0  }
0x24: {  	s3 =	sadd.s32 $0x88, s3;
	s6 =	simm.s32 @!p1 $0x1082;
	[sflag:s4] =	ssyncset.s32 $0xFFFFF086  }
0x25: {  	[simem:s6], [sflag:s4] =	dma.local [hbm:s3], $0xF7A  }
0x26: {  	[smem:$0x3F98] =	sst s1;
	(tag) =	ssettag s2;
	_ =	strace s9  }
0x27: {  	s1 =	sld [smem:$0x3FA8]  }
0x28: {  	s2 =	sld [smem:$0x3FA9]  }
0x29: {  	s4 =	sld [smem:$0x3FAB]  }
0x2a: {  	p0 =	seq.s32 s5, $0x0;
	s5 =	sld [smem:$0x3FAC]  }
0x2b: {  	s6 =	sld [smem:$0x3FAD]  }
0x2c: {  	s7 =	sld [smem:$0x3FAE]  }
0x2d: {  	s3 =	simm.s32 $0x108;
	s8 =	sld [smem:$0x3FAF]  }
0x2e: {  	s3 =	simm.s32 @!p0 $0x1082;
	s9 =	sld [smem:$0x3FB0]  }
0x2f: {  	lr =	sadd.s32 s0, s3;
	s0 =	sld [smem:$0x3FA7]  }
0x30: {  	s3 =	sld [smem:$0x3FAA]  }
0x31: {  	[smem:$0x3FB3] =	sst s10  }
0x32: {  	s10 =	sld [smem:$0x3FB1];
	_ =	sdelay $0x3  }
0x33: {  	p0 =	seq.s32 s10, $0x1;
	s10 =	sld [smem:$0x3FB3];
	_ =	sdelay $0x3  }
0x34: {  	[smem:$0x3FB3] =	sst s10  }
0x35: {  	s10 =	sld [smem:$0x3FB2];
	_ =	sdelay $0x3  }
0x36: {  	p1 =	seq.s32 s10, $0x1;
	s10 =	sld [smem:$0x3FB3];
	_ =	sdelay $0x3  }
0x37: {  	[smem:$0x3FB3] =	sst s10  }
0x38: {  	s10 =	sld [smem:$0x3FB4]  }
0x39: {  	_ = 	snop;
	(pc) =	sbr.ind lr, $3  }
0x3a: {  	_ = 	snop  }
0x3b: {  	_ = 	snop  }
0x3c: {  	p2 =	seq.s32 s10, $0x1;
	s10 =	sld [smem:$0x3FB3]  }
0x3d: {  	_ =	shalt  }
0x3e: {  	_ =	shalt  }
0x3f: {  	_ =	shalt  }
0x40: {  	_ =	shalt  }
0x41: {  	_ =	shalt  }
0x42: {  	_ =	shalt  }
0x43: {  	_ =	shalt  }
0x44: {  	_ =	shalt  }
0x45: {  	_ =	shalt  }
0x46: {  	_ =	shalt  }
0x47: {  	_ =	shalt  }
0x48: {  	_ =	shalt  }
0x49: {  	_ =	shalt  }
0x4a: {  	_ =	shalt  }
0x4b: {  	_ =	shalt  }
0x4c: {  	_ =	shalt  }
0x4d: {  	_ =	shalt  }
0x4e: {  	_ =	shalt  }
0x4f: {  	_ =	shalt  }
0x50: {  	_ =	shalt  }
0x51: {  	_ =	shalt  }
0x52: {  	_ =	shalt  }
0x53: {  	_ =	shalt  }
0x54: {  	_ =	shalt  }
0x55: {  	_ =	shalt  }
0x56: {  	_ =	shalt  }
0x57: {  	_ =	shalt  }
0x58: {  	_ =	shalt  }
0x59: {  	_ =	shalt  }
0x5a: {  	_ =	shalt  }
0x5b: {  	_ =	shalt  }
0x5c: {  	_ =	shalt  }
0x5d: {  	_ =	shalt  }
0x5e: {  	_ =	shalt  }
0x5f: {  	_ =	shalt  }
0x60: {  	_ =	shalt  }
0x61: {  	_ =	shalt  }
0x62: {  	_ =	shalt  }
0x63: {  	_ =	shalt  }
0x64: {  	_ =	shalt  }
0x65: {  	_ =	shalt  }
0x66: {  	_ =	shalt  }
0x67: {  	_ =	shalt  }
0x68: {  	_ =	shalt  }
0x69: {  	_ =	shalt  }
0x6a: {  	_ =	shalt  }
0x6b: {  	_ =	shalt  }
0x6c: {  	_ =	shalt  }
0x6d: {  	_ =	shalt  }
0x6e: {  	_ =	shalt  }
0x6f: {  	_ =	shalt  }
0x70: {  	_ =	shalt  }
0x71: {  	_ =	shalt  }
0x72: {  	_ =	shalt  }
0x73: {  	_ =	shalt  }
0x74: {  	_ =	shalt  }
0x75: {  	_ =	shalt  }
0x76: {  	_ =	shalt  }
0x77: {  	_ =	shalt  }
0x78: {  	_ =	shalt  }
0x79: {  	_ =	shalt  }
0x7a: {  	_ =	shalt  }
0x7b: {  	_ =	shalt  }
0x7c: {  	_ =	shalt  }
0x7d: {  	_ =	shalt  }
0x7e: {  	_ =	shalt  }
0x7f: {  	_ =	shalt  }
0x80: {  	_ =	shalt  }
0x81: {  	_ =	shalt  }
0x82: {  	_ =	shalt  }
0x83: {  	_ =	shalt  }
0x84: {  	_ =	shalt  }
0x85: {  	_ =	shalt  }
0x86: {  	_ =	shalt  }
0x87: {  	_ =	shalt  }
.Lfunc_end0:
.L_simem_size_0:
called_computation.2_lowered:
.L_overlay_start_0:
0x88: {  	s2 =	sld [smem:$0x3FD9]  }
0x89: {  	s3 =	sld [smem:$0x3FFE];
	_ =	sdelay $0x1  }
0x8a: {  	s1 =	srdreg.scid  }
0x8b: {  	s0 =	sand.u32 $0x1, s1  }
0x8c: {  	s16 =	sshll.u32 s0, $0xA;
	s2 =	sadd.s32 s3, s2  }
0x8d: {  	s2 =	sadd.s32 s2, s16  }
0x8e: {  	[smem:$0x3FBF] =	sst s2  }
0x8f: {  	_ = 	snop  }
0x90: {  	(tm) =	ssettm $0x1  }
0x91: {  	s17 =	sld [smem:$0x3FFB];
	_ =	sdelay $0x3  }
0x92: {  	_ =	strace s17  }
0x93: {  	s2 =	sld [smem:$0x3FFC];
	_ =	sdelay $0x3  }
0x94: {  	_ =	strace s2  }
0x95: {  	s2 =	sld [smem:$0x3FFD];
	_ =	sdelay $0x3  }
0x96: {  	_ =	strace s2  }
0x97: {  	_ =	strace $0x8FFFFFFF  }
0x98: {  	s18 =	sld [smem:$0x3FDB];
	_ =	sdelay $0x1  }
0x99: {  	s19 =	simm.s32 $_scs_section_size  }
0x9a: {  	s4 =	simm.s32 $_size__tile_overlayer_lowered;
	s5 =	simm.s32 $_tile_overlayer_lowered  }
0x9b: {  	s22 =	simm.s32 $0x1BFF;
	s21 =	sshll.u32 s5, $0x1;
	s2 =	sadd.s32 s19, s18  }
0x9c: {  	s6 =	simm.s32 $0x0;
	s20 =	sshll.u32 s4, $0x1;
	s4 =	sadd.s32 s21, s2  }
0x9d: {  	[timem:s6], [sflag:s22] =	dma.local [hbm:s4], s20  }
0x9e: {  	_ =	swait.ge [sflag:s22], s20  }
0x9f: {  	s3 =	ssub.s32 $0x0, s20;
	[sflag:s22] =	ssyncset.done $0x0  }
0xa0: {  	[sflag:s22] =	ssyncadd.s32 s3;
	_ =	sdelay $0x1  }
0xa1: {  	s23 =	simm.s32 $0x1B8B  }
0xa2: {  	_ =	swait.ge [sflag:s23], $0x1  }
0xa3: {  	[sflag:s23] =	ssyncset.done $0x0  }
0xa4: {  	s25 =	simm.s32 $0x1B8E;
	s24 =	sld [smem:$0x3FFE];
	[sflag:s23] =	ssyncadd.s32 $0xFFFFFFFF  }
0xa5: {  	s26 =	simm.s32 $execute0_lowered;
	[smem:$0x3FD2] =	sst s25  }
0xa6: {  	s4 =	sshll.u32 s26, $0x1;
	_ =	strace $0x8000004C;
	[dreg:$0x1] =	wrdreg $0xFFFFFFFF  }
0xa7: {  	s28 =	simm.s32 $_size_execute0_lowered;
	s2 =	sadd.s32 s2, s4;
	[dreg:$0x0] =	wrdreg $0x0  }
0xa8: {  	s4 =	sshll.u32 s28, $0x1;
	[dreg:$0x2] =	wrdreg s2  }
0xa9: {  	[dreg:$0x3] =	wrdreg s4  }
0xaa: {  	[dreg:$0x4] =	wrdreg $0xC0  }
0xab: {  	_ =	task [dreg:s6], $0x5FFFF  }
0xac: {  	[dreg:$0x1] =	wrdreg $0xFFFFFFFF  }
0xad: {  	[dreg:$0x0] =	wrdreg $0x60  }
0xae: {  	[dreg:$0x2] =	wrdreg s24  }
0xaf: {  	[dreg:$0x3] =	wrdreg $0xB0000  }
0xb0: {  	[dreg:$0x4] =	wrdreg $0x9  }
0xb1: {  	_ =	task.clear_ibuf [dreg:s6], $0x5FFFF;
	_ =	strace $0x9000004C  }
0xb2: {  	s29 =	simm.s32 $0x9;
	_ =	strace $0x8000004E  }
0xb3: {  	_ =	swait.ge [sflag:s29], $0x1  }
0xb4: {  	[sflag:s29] =	ssyncadd.s32 $0xFFFFFFFF  }
0xb5: {  	_ =	strace $0x9000004E  }
0xb6: {  	_ =	sfence  }
0xb7: {  	s30 =	sld [smem:$0x0];
	_ =	sdelay $0x2  }
0xb8: {  	s31 =	sshll.u32 s1, $0xD;
	s1 =	sshrl.u32 s1, $0x2  }
0xb9: {  	s3 =	sand.u32 $0x4000, s31;
	s1 =	sadd.s32 s1, s30  }
0xba: {  	s0 =	sor.u32 s3, s0;
	s1 =	sshll.u32 s1, $0x11  }
0xbb: {  	s0 =	sor.u32 s1, s0  }
0xbc: {  	s0 =	sadd.s32 $0x8F2B, s0  }
0xbd: {  	[sflag:s0] =	ssyncadd.remote.s32 $0x1  }
0xbe: {  	_ =	sfence.sel $0xFFFF  }
0xbf: {  	[dreg:$0x0] =	wrdreg $0xFFFFFFFF;
	(pc) =	sbr.abs _section_cstart, $3  }
0xc0: {  	[dreg:$0x1] =	wrdreg $0xFFFFFFFF  }
0xc1: {  	_ =	task.clear_ibuf [dreg:s6], $0x2FFFF;
	_ =	strace $0x9FFFFFFF  }
0xc2: {  	(tm) =	ssettm $0x7FFFFFFF  }
0xc3: {  	_ =	shalt  }
tec
execute0_lowered:
.L_overlay_start_1:
0x0: {  	(tag) =	ssettag $0x1  }
0x1: {  	s0 =	srdreg.scid  }
0x2: {  	s8 =	stileid.u32;
	s1 =	rddreg [dreg:$0x0]  }
0x3: {  	s2 =	rddreg [dreg:$0x1];
	s3 =	simm.s32 $0x0;
	s0 =	sand.u32 $0x1, s0  }
0x4: {  	s4 =	smul.u32 $0x19000, s8;
	s6 =	sshll.u32 s8, $0xD;
	s8 =	sshll.u32 s8, $0x10  }
0x5: {  	[smem:$0x7FF] =	sst s3;
	s5 =	smul.u32 $0xC800, s0;
	s9 =	sadd.s32 s8, s2  }
0x6: {  	_ =	strace $0x8000004D;
	s10 =	sadd.s32 $0x4000, s9;
	[dreg:$0x3] =	wrdreg s9  }
0x7: {  	s7 =	sshll.u32 s0, $0x11;
	s11 =	sadd.s32 $0x6000, s9;
	[dreg:$0x5] =	wrdreg s10  }
0x8: {  	s0 =	ssub.s32 $0x2, s0;
	s12 =	sadd.s32 $0x8000, s9;
	[dreg:$0x6] =	wrdreg s11  }
0x9: {  	s6 =	sor.u32 s6, s7;
	s14 =	sadd.s32 $0xA000, s9;
	[dreg:$0x7] =	wrdreg s12  }
0xa: {  	s16 =	sshrl.u32 s0, $0x1;
	s20 =	sadd.s32 $0xC000, s9;
	[dreg:$0x8] =	wrdreg s14  }
0xb: {  	s22 =	sadd.s32 $0xE000, s9;
	s4 =	sadd.s32 s5, s4;
	[dreg:$0x9] =	wrdreg s20  }
0xc: {  	s0 =	ssub.s32 s0, s16;
	[dreg:$0xa] =	wrdreg s22;
	s5 =	sshrl.u32 s4, $0x3  }
0xd: {  	s4 =	sadd.s32 $0x66000, s1;
	s0 =	smax.u32 s0, $0x1;
	s5 =	sadd.s32 s5, s1  }
0xe: {  	s1 =	sadd.s32 s6, s1;
	s6 =	sadd.s32 $0x2000, s9;
	[dreg:$0x13] =	wrdreg s0  }
0xf: {  	s17 =	sadd.s32 $0x86000, s1;
	[dreg:$0x4] =	wrdreg s6  }
0x10: {  	s18 =	sadd.s32 $0x86400, s1;
	[dreg:$0xb] =	wrdreg s17  }
0x11: {  	s29 =	simm.s32 $0x4800;
	s19 =	sadd.s32 $0x86800, s1;
	[dreg:$0xc] =	wrdreg s18  }
0x12: {  	s30 =	simm.s32 $0x4C00;
	s21 =	sadd.s32 $0x86C00, s1;
	[dreg:$0xd] =	wrdreg s19  }
0x13: {  	s31 =	simm.s32 $0x80;
	s23 =	sadd.s32 $0x87000, s1;
	[dreg:$0xe] =	wrdreg s21  }
0x14: {  	s13 =	simm.s32 $0x5800;
	s24 =	sadd.s32 $0x87400, s1;
	[dreg:$0xf] =	wrdreg s23  }
0x15: {  	s15 =	simm.s32 $0x6000;
	s25 =	sadd.s32 $0x87800, s1;
	[dreg:$0x10] =	wrdreg s24  }
0x16: {  	s8 =	simm.s32 $0x1;
	s1 =	sadd.s32 $0x87C00, s1;
	[dreg:$0x11] =	wrdreg s25  }
.Ltmp0:
0x17: {  	s26 =	sadd.s32 $0x34000, s5;
	[dreg:$0x12] =	wrdreg s1;
	(pc) =	sbr.rel .LBB2_1-.Ltmp0, $4  }
0x18: {  	s7 =	simm.s32 $0x8800;
	s28 =	sadd.s32 $0x2000, s5;
	[dreg:$0x14] =	wrdreg s26  }
0x19: {  	s16 =	simm.s32 $0x0;
	s5 =	simm.s32 $0x9000;
	[dreg:$0x15] =	wrdreg s28  }
0x1a: {  	s25 =	simm.s32 $0x4;
	s1 =	simm.s32 $0x5000;
	s17 =	simm.s32 $0x6800  }
0x1b: {  	v0 =	vimm.f32 $0.0e+00;
	s19 =	simm.s32 $0x7000;
	s21 =	simm.s32 $0x7800;
	s23 =	simm.s32 $0x8000  }
.LBB2_7:
0x1c: {  	s0 =	simm.s32 $0x2  }
0x1d: {  	_ =	swait.ge [sflag:s0], $0x800  }
0x1e: {  	[sflag:s0] =	ssyncset.done $0x0  }
0x1f: {  	[sflag:s0] =	ssyncadd.s32 $0xFFFFF800  }
0x20: {  	_ =	swait.ge [sflag:s0], $0x800  }
0x21: {  	[sflag:s0] =	ssyncset.done $0x0  }
0x22: {  	[sflag:s0] =	ssyncadd.s32 $0xFFFFF800  }
0x23: {  	_ =	swait.ge [sflag:s0], $0x800  }
0x24: {  	[sflag:s0] =	ssyncset.done $0x0  }
0x25: {  	[sflag:s0] =	ssyncadd.s32 $0xFFFFF800  }
0x26: {  	_ =	swait.ge [sflag:s0], $0x800  }
0x27: {  	[sflag:s0] =	ssyncset.done $0x0  }
0x28: {  	[sflag:s0] =	ssyncadd.s32 $0xFFFFF800  }
0x29: {  	_ =	swait.ge [sflag:s0], $0x800  }
0x2a: {  	[sflag:s0] =	ssyncset.done $0x0  }
0x2b: {  	[sflag:s0] =	ssyncadd.s32 $0xFFFFF800  }
0x2c: {  	_ =	swait.ge [sflag:s0], $0x800  }
0x2d: {  	[sflag:s0] =	ssyncset.done $0x0  }
0x2e: {  	[sflag:s0] =	ssyncadd.s32 $0xFFFFF800  }
0x2f: {  	_ =	swait.ge [sflag:s0], $0x800  }
0x30: {  	[sflag:s0] =	ssyncset.done $0x0  }
0x31: {  	[sflag:s0] =	ssyncadd.s32 $0xFFFFF800  }
0x32: {  	_ =	swait.ge [sflag:s0], $0x800  }
0x33: {  	[sflag:s0] =	ssyncset.done $0x0  }
0x34: {  	s11 =	simm.s32 $0x3;
	[sflag:s0] =	ssyncadd.s32 $0xFFFFF800  }
0x35: {  	_ =	swait.ge [sflag:s11], $0x800  }
0x36: {  	[sflag:s11] =	ssyncset.done $0x0  }
0x37: {  	[sflag:s11] =	ssyncadd.s32 $0xFFFFF800  }
0x38: {  	_ =	swait.ge [sflag:s11], $0x800  }
0x39: {  	[sflag:s11] =	ssyncset.done $0x0  }
0x3a: {  	[sflag:s11] =	ssyncadd.s32 $0xFFFFF800  }
0x3b: {  	_ =	swait.ge [sflag:s11], $0x800  }
0x3c: {  	[sflag:s11] =	ssyncset.done $0x0  }
0x3d: {  	[sflag:s11] =	ssyncadd.s32 $0xFFFFF800  }
0x3e: {  	_ =	swait.ge [sflag:s11], $0x800  }
0x3f: {  	[sflag:s11] =	ssyncset.done $0x0  }
0x40: {  	[sflag:s11] =	ssyncadd.s32 $0xFFFFF800  }
0x41: {  	_ =	swait.ge [sflag:s11], $0x800  }
0x42: {  	[sflag:s11] =	ssyncset.done $0x0  }
0x43: {  	[sflag:s11] =	ssyncadd.s32 $0xFFFFF800  }
0x44: {  	_ =	swait.ge [sflag:s11], $0x800  }
0x45: {  	[sflag:s11] =	ssyncset.done $0x0  }
0x46: {  	[sflag:s11] =	ssyncadd.s32 $0xFFFFF800  }
0x47: {  	_ =	swait.ge [sflag:s11], $0x800  }
0x48: {  	[sflag:s11] =	ssyncset.done $0x0  }
0x49: {  	[sflag:s11] =	ssyncadd.s32 $0xFFFFF800  }
0x4a: {  	_ =	swait.ge [sflag:s11], $0x800  }
0x4b: {  	[sflag:s11] =	ssyncset.done $0x0  }
0x4c: {  	[sflag:s11] =	ssyncadd.s32 $0xFFFFF800  }
0x4d: {  	[bflag:$0x0] =	sbarrier.arrive $0xFFFF  }
0x4e: {  	s5 =	simm.s32 $0x9000;
	s9 =	rddreg [dreg:$0x3]  }
0x4f: {  	[tilespmem:s5], [sflag:$0x4] =	stream.linear.gather [spmem:s9], $0x2000, $0x38;
	[tilespmem:$0x1B000] =	vst v63  }
0x50: {  	_ =	swait.ge [sflag:s25], $0x2000  }
0x51: {  	[sflag:s25] =	ssyncset.done $0x0  }
0x52: {  	s12 =	rddreg [dreg:$0xb];
	[sflag:s25] =	ssyncadd.s32 $0xFFFFE000  }
0x53: {  	[hbm4b:s12+s3] =	stream.linear.scatter [tilespmem:s5], [sflag:$0x4], $0x2000, $0x38;
	[tilespmem:$0x1B000] =	vst v63  }
0x54: {  	_ =	swait.ge [sflag:s25], $0x2000  }
0x55: {  	[sflag:s25] =	ssyncset.done $0x0  }
0x56: {  	s6 =	rddreg [dreg:$0x4];
	[sflag:s25] =	ssyncadd.s32 $0xFFFFE000  }
0x57: {  	[tilespmem:s5], [sflag:$0x4] =	stream.linear.gather [spmem:s6], $0x2000, $0x38;
	[tilespmem:$0x1B000] =	vst v63  }
0x58: {  	_ =	swait.ge [sflag:s25], $0x2000  }
0x59: {  	[sflag:s25] =	ssyncset.done $0x0  }
0x5a: {  	s14 =	rddreg [dreg:$0xc];
	[sflag:s25] =	ssyncadd.s32 $0xFFFFE000  }
0x5b: {  	[hbm4b:s14+s3] =	stream.linear.scatter [tilespmem:s5], [sflag:$0x4], $0x2000, $0x38;
	[tilespmem:$0x1B000] =	vst v63  }
0x5c: {  	_ =	swait.ge [sflag:s25], $0x2000  }
0x5d: {  	[sflag:s25] =	ssyncset.done $0x0  }
0x5e: {  	s10 =	rddreg [dreg:$0x5];
	[sflag:s25] =	ssyncadd.s32 $0xFFFFE000  }
0x5f: {  	[tilespmem:s5], [sflag:$0x4] =	stream.linear.gather [spmem:s10], $0x2000, $0x38;
	[tilespmem:$0x1B000] =	vst v63  }
0x60: {  	_ =	swait.ge [sflag:s25], $0x2000  }
0x61: {  	[sflag:s25] =	ssyncset.done $0x0  }
0x62: {  	s16 =	rddreg [dreg:$0xd];
	[sflag:s25] =	ssyncadd.s32 $0xFFFFE000  }
0x63: {  	[hbm4b:s16+s3] =	stream.linear.scatter [tilespmem:s5], [sflag:$0x4], $0x2000, $0x38;
	[tilespmem:$0x1B000] =	vst v63  }
0x64: {  	_ =	swait.ge [sflag:s25], $0x2000  }
0x65: {  	[sflag:s25] =	ssyncset.done $0x0  }
0x66: {  	s11 =	rddreg [dreg:$0x6];
	[sflag:s25] =	ssyncadd.s32 $0xFFFFE000  }
0x67: {  	[tilespmem:s5], [sflag:$0x4] =	stream.linear.gather [spmem:s11], $0x2000, $0x38;
	[tilespmem:$0x1B000] =	vst v63  }
0x68: {  	_ =	swait.ge [sflag:s25], $0x2000  }
0x69: {  	[sflag:s25] =	ssyncset.done $0x0  }
0x6a: {  	s18 =	rddreg [dreg:$0xe];
	[sflag:s25] =	ssyncadd.s32 $0xFFFFE000  }
0x6b: {  	[hbm4b:s18+s3] =	stream.linear.scatter [tilespmem:s5], [sflag:$0x4], $0x2000, $0x38;
	[tilespmem:$0x1B000] =	vst v63  }
0x6c: {  	_ =	swait.ge [sflag:s25], $0x2000  }
0x6d: {  	[sflag:s25] =	ssyncset.done $0x0  }
0x6e: {  	s12 =	rddreg [dreg:$0x7];
	[sflag:s25] =	ssyncadd.s32 $0xFFFFE000  }
0x6f: {  	[tilespmem:s5], [sflag:$0x4] =	stream.linear.gather [spmem:s12], $0x2000, $0x38;
	[tilespmem:$0x1B000] =	vst v63  }
0x70: {  	_ =	swait.ge [sflag:s25], $0x2000  }
0x71: {  	[sflag:s25] =	ssyncset.done $0x0  }
0x72: {  	s20 =	rddreg [dreg:$0xf];
	[sflag:s25] =	ssyncadd.s32 $0xFFFFE000  }
0x73: {  	[hbm4b:s20+s3] =	stream.linear.scatter [tilespmem:s5], [sflag:$0x4], $0x2000, $0x38;
	[tilespmem:$0x1B000] =	vst v63  }
0x74: {  	_ =	swait.ge [sflag:s25], $0x2000  }
0x75: {  	[sflag:s25] =	ssyncset.done $0x0  }
0x76: {  	s14 =	rddreg [dreg:$0x8];
	[sflag:s25] =	ssyncadd.s32 $0xFFFFE000  }
0x77: {  	[tilespmem:s5], [sflag:$0x4] =	stream.linear.gather [spmem:s14], $0x2000, $0x38;
	[tilespmem:$0x1B000] =	vst v63  }
0x78: {  	_ =	swait.ge [sflag:s25], $0x2000  }
0x79: {  	[sflag:s25] =	ssyncset.done $0x0  }
0x7a: {  	s22 =	rddreg [dreg:$0x10];
	[sflag:s25] =	ssyncadd.s32 $0xFFFFE000  }
0x7b: {  	[hbm4b:s22+s3] =	stream.linear.scatter [tilespmem:s5], [sflag:$0x4], $0x2000, $0x38;
	[tilespmem:$0x1B000] =	vst v63  }
0x7c: {  	_ =	swait.ge [sflag:s25], $0x2000  }
0x7d: {  	[sflag:s25] =	ssyncset.done $0x0  }
0x7e: {  	s20 =	rddreg [dreg:$0x9];
	[sflag:s25] =	ssyncadd.s32 $0xFFFFE000  }
0x7f: {  	[tilespmem:s5], [sflag:$0x4] =	stream.linear.gather [spmem:s20], $0x2000, $0x38;
	[tilespmem:$0x1B000] =	vst v63  }
0x80: {  	_ =	swait.ge [sflag:s25], $0x2000  }
0x81: {  	[sflag:s25] =	ssyncset.done $0x0  }
0x82: {  	s24 =	rddreg [dreg:$0x11];
	[sflag:s25] =	ssyncadd.s32 $0xFFFFE000  }
0x83: {  	[hbm4b:s24+s3] =	stream.linear.scatter [tilespmem:s5], [sflag:$0x4], $0x2000, $0x38;
	[tilespmem:$0x1B000] =	vst v63  }
0x84: {  	_ =	swait.ge [sflag:s25], $0x2000  }
0x85: {  	[sflag:s25] =	ssyncset.done $0x0  }
0x86: {  	s22 =	rddreg [dreg:$0xa];
	[sflag:s25] =	ssyncadd.s32 $0xFFFFE000  }
0x87: {  	[tilespmem:s5], [sflag:$0x4] =	stream.linear.gather [spmem:s22], $0x2000, $0x38;
	[tilespmem:$0x1B000] =	vst v63  }
0x88: {  	_ =	swait.ge [sflag:s25], $0x2000  }
0x89: {  	[sflag:s25] =	ssyncset.done $0x0  }
0x8a: {  	s26 =	rddreg [dreg:$0x12];
	[sflag:s25] =	ssyncadd.s32 $0xFFFFE000  }
0x8b: {  	[hbm4b:s26+s3] =	stream.linear.scatter [tilespmem:s5], [sflag:$0x4], $0x2000, $0x38;
	[tilespmem:$0x1B000] =	vst v63  }
0x8c: {  	_ =	swait.ge [sflag:s25], $0x2000  }
0x8d: {  	s16 =	rddreg [dreg:$0x16]  }
0x8e: {  	s28 =	rddreg [dreg:$0x13];
	s16 =	sadd.s32 $0x1, s16  }
0x8f: {  	p0 =	sne.s32 s16, s28  }
.Ltmp1:
0x90: {  	_ = 	snop;
	(pc) =	sbr.rel @!p0 .LBB2_8-.Ltmp1, $3  }
0x91: {  	_ =	sdelay $0x1  }
0x92: {  	[sflag:s25] =	ssyncset.done $0x0  }
0x93: {  	[sflag:s25] =	ssyncadd.s32 $0xFFFFE000  }
.LBB2_1:
0x94: {  	[dreg:$0x16] =	wrdreg s16;
	s16 =	simm.s32 $0x40;
	s18 =	simm.s32 $0x0  }
.LBB2_2:
0x95: {  	p0 =	sne.s32 s16, $0x7FC0;
	[tilespmem:s18+$0x9000] =	vst v0;
	s18 =	smov.u32 s16;
	s16 =	sadd.s32 $0x40, s16  }
.Ltmp2:
0x96: {  	(pc) =	sbr.rel @p0 .LBB2_2-.Ltmp2, $2  }
0x97: {  	_ =	sdelay $0x2  }
0x98: {  	s18 =	sshra.s32 s18, $0x2  }
0x99: {  	[tilespmem:s18+$0x9000] =	vst v0  }
0x9a: {  	[spmem:s9] =	stream.linear.scatter [tilespmem:s5], [sflag:$0x4], $0x2000, $0x38;
	[tilespmem:$0x1B000] =	vst v63  }
0x9b: {  	_ =	swait.ge [sflag:s25], $0x2000  }
0x9c: {  	[sflag:s25] =	ssyncset.done $0x0  }
0x9d: {  	[sflag:s25] =	ssyncadd.s32 $0xFFFFE000  }
0x9e: {  	[spmem:s6] =	stream.linear.scatter [tilespmem:s5], [sflag:$0x4], $0x2000, $0x38;
	[tilespmem:$0x1B000] =	vst v63  }
0x9f: {  	_ =	swait.ge [sflag:s25], $0x2000  }
0xa0: {  	[sflag:s25] =	ssyncset.done $0x0  }
0xa1: {  	[sflag:s25] =	ssyncadd.s32 $0xFFFFE000  }
0xa2: {  	[spmem:s10] =	stream.linear.scatter [tilespmem:s5], [sflag:$0x4], $0x2000, $0x38;
	[tilespmem:$0x1B000] =	vst v63  }
0xa3: {  	_ =	swait.ge [sflag:s25], $0x2000  }
0xa4: {  	[sflag:s25] =	ssyncset.done $0x0  }
0xa5: {  	[sflag:s25] =	ssyncadd.s32 $0xFFFFE000  }
0xa6: {  	[spmem:s11] =	stream.linear.scatter [tilespmem:s5], [sflag:$0x4], $0x2000, $0x38;
	[tilespmem:$0x1B000] =	vst v63  }
0xa7: {  	_ =	swait.ge [sflag:s25], $0x2000  }
0xa8: {  	[sflag:s25] =	ssyncset.done $0x0  }
0xa9: {  	[sflag:s25] =	ssyncadd.s32 $0xFFFFE000  }
0xaa: {  	[spmem:s12] =	stream.linear.scatter [tilespmem:s5], [sflag:$0x4], $0x2000, $0x38;
	[tilespmem:$0x1B000] =	vst v63  }
0xab: {  	_ =	swait.ge [sflag:s25], $0x2000  }
0xac: {  	[sflag:s25] =	ssyncset.done $0x0  }
0xad: {  	[sflag:s25] =	ssyncadd.s32 $0xFFFFE000  }
0xae: {  	[spmem:s14] =	stream.linear.scatter [tilespmem:s5], [sflag:$0x4], $0x2000, $0x38;
	[tilespmem:$0x1B000] =	vst v63  }
0xaf: {  	_ =	swait.ge [sflag:s25], $0x2000  }
0xb0: {  	[sflag:s25] =	ssyncset.done $0x0  }
0xb1: {  	[sflag:s25] =	ssyncadd.s32 $0xFFFFE000  }
0xb2: {  	[spmem:s20] =	stream.linear.scatter [tilespmem:s5], [sflag:$0x4], $0x2000, $0x38;
	[tilespmem:$0x1B000] =	vst v63  }
0xb3: {  	_ =	swait.ge [sflag:s25], $0x2000  }
0xb4: {  	[sflag:s25] =	ssyncset.done $0x0  }
0xb5: {  	[sflag:s25] =	ssyncadd.s32 $0xFFFFE000  }
0xb6: {  	[spmem:s22] =	stream.linear.scatter [tilespmem:s5], [sflag:$0x4], $0x2000, $0x38;
	[tilespmem:$0x1B000] =	vst v63  }
0xb7: {  	_ =	swait.ge [sflag:s25], $0x2000  }
.Ltmp3:
0xb8: {  	[sflag:s25] =	ssyncset.done $0x0;
	(pc) =	sbr.rel .LBB2_4-.Ltmp3, $4  }
0xb9: {  	[sflag:s25] =	ssyncadd.s32 $0xFFFFE000  }
0xba: {  	[bflag:$0x0] =	sbarrier.arrive $0xFFFF  }
0xbb: {  	s18 =	rddreg [dreg:$0x15]  }
0xbc: {  	s16 =	simm.s32 $0x0;
	s20 =	rddreg [dreg:$0x14]  }
.LBB2_6:
0xbd: {  	s16 =	sadd.s32 $0x1, s16  }
0xbe: {  	p0 =	sne.s32 s16, $0x32  }
.Ltmp4:
0xbf: {  	_ = 	snop;
	(pc) =	sbr.rel @!p0 .LBB2_7-.Ltmp4, $2  }
0xc0: {  	_ =	sdelay $0x2  }
0xc1: {  	s20 =	sadd.s32 $0x80, s20;
	s18 =	sadd.s32 $0x80, s18  }
.LBB2_4:
0xc2: {  	s22 =	sand.u32 $0x1, s16  }
0xc3: {  	p0 =	seq.s32 s22, $0x1  }
0xc4: {  	p1 =	slt.u32 @!p0 s16, $0x2  }
0xc5: {  	p1 =	por p1, p0  }
0xc6: {  	s6 =	simm.s32 @!p1 $0x2  }
0xc7: {  	_ =	swait.ge @!p1 [sflag:s6], $0x800  }
0xc8: {  	[sflag:s6] =	ssyncset.done @!p1 $0x0  }
0xc9: {  	[sflag:s6] =	ssyncadd.s32 @!p1 $0xFFFFF800  }
0xca: {  	_ =	swait.ge @!p1 [sflag:s6], $0x800  }
0xcb: {  	[sflag:s6] =	ssyncset.done @!p1 $0x0  }
0xcc: {  	[sflag:s6] =	ssyncadd.s32 @!p1 $0xFFFFF800  }
0xcd: {  	_ =	swait.ge @!p1 [sflag:s6], $0x800  }
0xce: {  	[sflag:s6] =	ssyncset.done @!p1 $0x0  }
0xcf: {  	[sflag:s6] =	ssyncadd.s32 @!p1 $0xFFFFF800  }
0xd0: {  	_ =	swait.ge @!p1 [sflag:s6], $0x800  }
0xd1: {  	[sflag:s6] =	ssyncset.done @!p1 $0x0  }
0xd2: {  	[sflag:s6] =	ssyncadd.s32 @!p1 $0xFFFFF800  }
0xd3: {  	_ =	swait.ge @!p1 [sflag:s6], $0x800  }
0xd4: {  	[sflag:s6] =	ssyncset.done @!p1 $0x0  }
0xd5: {  	[sflag:s6] =	ssyncadd.s32 @!p1 $0xFFFFF800  }
0xd6: {  	_ =	swait.ge @!p1 [sflag:s6], $0x800  }
0xd7: {  	[sflag:s6] =	ssyncset.done @!p1 $0x0  }
0xd8: {  	[sflag:s6] =	ssyncadd.s32 @!p1 $0xFFFFF800  }
0xd9: {  	_ =	swait.ge @!p1 [sflag:s6], $0x800  }
0xda: {  	[sflag:s6] =	ssyncset.done @!p1 $0x0  }
0xdb: {  	[sflag:s6] =	ssyncadd.s32 @!p1 $0xFFFFF800  }
0xdc: {  	_ =	swait.ge @!p1 [sflag:s6], $0x800  }
0xdd: {  	[sflag:s6] =	ssyncset.done @!p1 $0x0  }
0xde: {  	s9 =	simm.s32 @!p0 $0x4;
	[sflag:s6] =	ssyncadd.s32 @!p1 $0xFFFFF800;
	s6 =	simm.s32 @!p0 $0x0  }
0xdf: {  	[tilespmem:s6], [sflag:$0x4] =	stream.linear.gather @!p0 [hbm4b:s18+s6], $0x400, $0x38;
	[tilespmem:$0x1B000] =	vst v63  }
0xe0: {  	_ =	swait.ge @!p0 [sflag:s9], $0x400  }
0xe1: {  	[sflag:s9] =	ssyncset.done @!p0 $0x0  }
0xe2: {  	s10 =	simm.s32 @!p0 $0x400;
	[sflag:s9] =	ssyncadd.s32 @!p0 $0xFFFFFC00  }
0xe3: {  	[tilespmem:s10], [sflag:$0x4] =	stream.linear.gather @!p0 [hbm4b:s20+s6], $0x400, $0x38;
	[tilespmem:$0x1B000] =	vst v63  }
0xe4: {  	_ =	swait.ge @!p0 [sflag:s9], $0x400  }
0xe5: {  	[sflag:s9] =	ssyncset.done @!p0 $0x0  }
0xe6: {  	s11 =	simm.s32 @!p0 $0x800;
	[sflag:s9] =	ssyncadd.s32 @!p0 $0xFFFFFC00;
	s9 =	simm.s32 @!p0 $0x80  }
0xe7: {  	[tilespmem:s11], [sflag:$0x1] =	stream.indirect.gather @!p0 [hbm4b:s4+s9], $0x10, s6, s9, $0xb8;
	[tilespmem:$0x1B000] =	vst v63  }
0xe8: {  	s6 =	simm.s32 @!p0 $0x1000  }
0xe9: {  	[tilespmem:s6], [sflag:$0x1] =	stream.indirect.gather @!p0 [hbm4b:s4+s9], $0x10, s9, s9, $0xb8;
	[tilespmem:$0x1B000] =	vst v63  }
0xea: {  	s12 =	simm.s32 @!p0 $0x100;
	s5 =	simm.s32 @!p0 $0x1800  }
0xeb: {  	[tilespmem:s5], [sflag:$0x1] =	stream.indirect.gather @!p0 [hbm4b:s4+s9], $0x10, s12, s9, $0xb8;
	[tilespmem:$0x1B000] =	vst v63  }
0xec: {  	s0 =	simm.s32 @!p0 $0x2000;
	s12 =	simm.s32 @!p0 $0x180  }
0xed: {  	[tilespmem:s0], [sflag:$0x1] =	stream.indirect.gather @!p0 [hbm4b:s4+s9], $0x10, s12, s9, $0xb8;
	[tilespmem:$0x1B000] =	vst v63  }
0xee: {  	s14 =	simm.s32 @!p0 $0x2800;
	s12 =	simm.s32 @!p0 $0x200  }
0xef: {  	[tilespmem:s14], [sflag:$0x1] =	stream.indirect.gather @!p0 [hbm4b:s4+s9], $0x10, s12, s9, $0xb8;
	[tilespmem:$0x1B000] =	vst v63  }
0xf0: {  	s24 =	simm.s32 @!p0 $0x3000;
	s12 =	simm.s32 @!p0 $0x280  }
0xf1: {  	[tilespmem:s24], [sflag:$0x1] =	stream.indirect.gather @!p0 [hbm4b:s4+s9], $0x10, s12, s9, $0xb8;
	[tilespmem:$0x1B000] =	vst v63  }
0xf2: {  	s26 =	simm.s32 @!p0 $0x3800;
	s12 =	simm.s32 @!p0 $0x300  }
0xf3: {  	[tilespmem:s26], [sflag:$0x1] =	stream.indirect.gather @!p0 [hbm4b:s4+s9], $0x10, s12, s9, $0xb8;
	[tilespmem:$0x1B000] =	vst v63  }
0xf4: {  	s28 =	simm.s32 @!p0 $0x4000;
	s12 =	simm.s32 @!p0 $0x380  }
0xf5: {  	[tilespmem:s28], [sflag:$0x1] =	stream.indirect.gather @!p0 [hbm4b:s4+s9], $0x10, s12, s9, $0xb8;
	[tilespmem:$0x1B000] =	vst v63  }
0xf6: {  	s12 =	simm.s32 @!p0 $0x1  }
0xf7: {  	_ =	swait.ge @!p0 [sflag:s12], $0x800  }
0xf8: {  	[sflag:s12] =	ssyncset.done @!p0 $0x0  }
0xf9: {  	[sflag:s12] =	ssyncadd.s32 @!p0 $0xFFFFF800  }
0xfa: {  	_ =	swait.ge @!p0 [sflag:s12], $0x800  }
0xfb: {  	[sflag:s12] =	ssyncset.done @!p0 $0x0  }
0xfc: {  	[sflag:s12] =	ssyncadd.s32 @!p0 $0xFFFFF800  }
0xfd: {  	_ =	swait.ge @!p0 [sflag:s12], $0x800  }
0xfe: {  	[sflag:s12] =	ssyncset.done @!p0 $0x0  }
0xff: {  	[sflag:s12] =	ssyncadd.s32 @!p0 $0xFFFFF800  }
0x100: {  	_ =	swait.ge @!p0 [sflag:s12], $0x800  }
0x101: {  	[sflag:s12] =	ssyncset.done @!p0 $0x0  }
0x102: {  	[sflag:s12] =	ssyncadd.s32 @!p0 $0xFFFFF800  }
0x103: {  	_ =	swait.ge @!p0 [sflag:s12], $0x800  }
0x104: {  	[sflag:s12] =	ssyncset.done @!p0 $0x0  }
0x105: {  	[sflag:s12] =	ssyncadd.s32 @!p0 $0xFFFFF800  }
0x106: {  	_ =	swait.ge @!p0 [sflag:s12], $0x800  }
0x107: {  	[sflag:s12] =	ssyncset.done @!p0 $0x0  }
0x108: {  	[sflag:s12] =	ssyncadd.s32 @!p0 $0xFFFFF800  }
0x109: {  	_ =	swait.ge @!p0 [sflag:s12], $0x800  }
0x10a: {  	[sflag:s12] =	ssyncset.done @!p0 $0x0  }
0x10b: {  	[sflag:s12] =	ssyncadd.s32 @!p0 $0xFFFFF800  }
0x10c: {  	_ =	swait.ge @!p0 [sflag:s12], $0x800  }
0x10d: {  	[sflag:s12] =	ssyncset.done @!p0 $0x0  }
0x10e: {  	[sflag:s12] =	ssyncadd.s32 @!p0 $0xFFFFF800  }
0x10f: {  	[spmem:s2] =	stream.indirect.scatter.add.f32 @!p0 [tilespmem:s11], [sflag:$0x2], $0x10, s10, s9, $0xb8;
	[tilespmem:$0x1B000] =	vst v63  }
0x110: {  	s10 =	simm.s32 @!p0 $0x480  }
0x111: {  	[spmem:s2] =	stream.indirect.scatter.add.f32 @!p0 [tilespmem:s6], [sflag:$0x2], $0x10, s10, s9, $0xb8;
	[tilespmem:$0x1B000] =	vst v63  }
0x112: {  	s6 =	simm.s32 @!p0 $0x500  }
0x113: {  	[spmem:s2] =	stream.indirect.scatter.add.f32 @!p0 [tilespmem:s5], [sflag:$0x2], $0x10, s6, s9, $0xb8;
	[tilespmem:$0x1B000] =	vst v63  }
0x114: {  	s5 =	simm.s32 @!p0 $0x580  }
0x115: {  	[spmem:s2] =	stream.indirect.scatter.add.f32 @!p0 [tilespmem:s0], [sflag:$0x2], $0x10, s5, s9, $0xb8;
	[tilespmem:$0x1B000] =	vst v63  }
0x116: {  	s0 =	simm.s32 @!p0 $0x600  }
0x117: {  	[spmem:s2] =	stream.indirect.scatter.add.f32 @!p0 [tilespmem:s14], [sflag:$0x2], $0x10, s0, s9, $0xb8;
	[tilespmem:$0x1B000] =	vst v63  }
0x118: {  	s0 =	simm.s32 @!p0 $0x680  }
0x119: {  	[spmem:s2] =	stream.indirect.scatter.add.f32 @!p0 [tilespmem:s24], [sflag:$0x2], $0x10, s0, s9, $0xb8;
	[tilespmem:$0x1B000] =	vst v63  }
0x11a: {  	s0 =	simm.s32 @!p0 $0x700  }
0x11b: {  	[spmem:s2] =	stream.indirect.scatter.add.f32 @!p0 [tilespmem:s26], [sflag:$0x2], $0x10, s0, s9, $0xb8;
	[tilespmem:$0x1B000] =	vst v63  }
0x11c: {  	p1 =	seq.s32 @!p0 s22, $0x0;
	s0 =	simm.s32 @!p0 $0x780  }
0x11d: {  	[spmem:s2] =	stream.indirect.scatter.add.f32 @!p0 [tilespmem:s28], [sflag:$0x2], $0x10, s0, s9, $0xb8;
	[tilespmem:$0x1B000] =	vst v63  }
0x11e: {  	p0 =	por p0, !p1  }
.Ltmp5:
0x11f: {  	_ = 	snop;
	(pc) =	sbr.rel @!p0 .LBB2_6-.Ltmp5, $1  }
0x120: {  	_ =	sdelay $0x3  }
0x121: {  	p0 =	slt.u32 s16, $0x2  }
0x122: {  	s0 =	simm.s32 @!p0 $0x3  }
0x123: {  	_ =	swait.ge @!p0 [sflag:s0], $0x800  }
0x124: {  	[sflag:s0] =	ssyncset.done @!p0 $0x0  }
0x125: {  	[sflag:s0] =	ssyncadd.s32 @!p0 $0xFFFFF800  }
0x126: {  	_ =	swait.ge @!p0 [sflag:s0], $0x800  }
0x127: {  	[sflag:s0] =	ssyncset.done @!p0 $0x0  }
0x128: {  	[sflag:s0] =	ssyncadd.s32 @!p0 $0xFFFFF800  }
0x129: {  	_ =	swait.ge @!p0 [sflag:s0], $0x800  }
0x12a: {  	[sflag:s0] =	ssyncset.done @!p0 $0x0  }
0x12b: {  	[sflag:s0] =	ssyncadd.s32 @!p0 $0xFFFFF800  }
0x12c: {  	_ =	swait.ge @!p0 [sflag:s0], $0x800  }
0x12d: {  	[sflag:s0] =	ssyncset.done @!p0 $0x0  }
0x12e: {  	[sflag:s0] =	ssyncadd.s32 @!p0 $0xFFFFF800  }
0x12f: {  	_ =	swait.ge @!p0 [sflag:s0], $0x800  }
0x130: {  	[sflag:s0] =	ssyncset.done @!p0 $0x0  }
0x131: {  	[sflag:s0] =	ssyncadd.s32 @!p0 $0xFFFFF800  }
0x132: {  	_ =	swait.ge @!p0 [sflag:s0], $0x800  }
0x133: {  	[sflag:s0] =	ssyncset.done @!p0 $0x0  }
0x134: {  	[sflag:s0] =	ssyncadd.s32 @!p0 $0xFFFFF800  }
0x135: {  	_ =	swait.ge @!p0 [sflag:s0], $0x800  }
0x136: {  	[sflag:s0] =	ssyncset.done @!p0 $0x0  }
0x137: {  	[sflag:s0] =	ssyncadd.s32 @!p0 $0xFFFFF800  }
0x138: {  	_ =	swait.ge @!p0 [sflag:s0], $0x800  }
0x139: {  	[sflag:s0] =	ssyncset.done @!p0 $0x0  }
0x13a: {  	[sflag:s0] =	ssyncadd.s32 @!p0 $0xFFFFF800  }
0x13b: {  	[tilespmem:s29], [sflag:$0x4] =	stream.linear.gather [hbm4b:s18+s3], $0x400, $0x38;
	[tilespmem:$0x1B000] =	vst v63  }
0x13c: {  	_ =	swait.ge [sflag:s25], $0x400  }
0x13d: {  	[sflag:s25] =	ssyncset.done $0x0  }
0x13e: {  	[sflag:s25] =	ssyncadd.s32 $0xFFFFFC00  }
0x13f: {  	[tilespmem:s30], [sflag:$0x4] =	stream.linear.gather [hbm4b:s20+s3], $0x400, $0x38;
	[tilespmem:$0x1B000] =	vst v63  }
0x140: {  	_ =	swait.ge [sflag:s25], $0x400  }
0x141: {  	[sflag:s25] =	ssyncset.done $0x0  }
0x142: {  	[sflag:s25] =	ssyncadd.s32 $0xFFFFFC00  }
0x143: {  	[tilespmem:s1], [sflag:$0x1] =	stream.indirect.gather [hbm4b:s4+s31], $0x10, s29, s31, $0xb8;
	[tilespmem:$0x1B000] =	vst v63  }
0x144: {  	s24 =	simm.s32 $0x4880  }
0x145: {  	[tilespmem:s13], [sflag:$0x1] =	stream.indirect.gather [hbm4b:s4+s31], $0x10, s24, s31, $0xb8;
	[tilespmem:$0x1B000] =	vst v63  }
0x146: {  	s26 =	simm.s32 $0x4900  }
0x147: {  	[tilespmem:s15], [sflag:$0x1] =	stream.indirect.gather [hbm4b:s4+s31], $0x10, s26, s31, $0xb8;
	[tilespmem:$0x1B000] =	vst v63  }
0x148: {  	s28 =	simm.s32 $0x4980  }
0x149: {  	[tilespmem:s17], [sflag:$0x1] =	stream.indirect.gather [hbm4b:s4+s31], $0x10, s28, s31, $0xb8;
	[tilespmem:$0x1B000] =	vst v63  }
0x14a: {  	s5 =	simm.s32 $0x4A00  }
0x14b: {  	[tilespmem:s19], [sflag:$0x1] =	stream.indirect.gather [hbm4b:s4+s31], $0x10, s5, s31, $0xb8;
	[tilespmem:$0x1B000] =	vst v63  }
0x14c: {  	s6 =	simm.s32 $0x4A80  }
0x14d: {  	[tilespmem:s21], [sflag:$0x1] =	stream.indirect.gather [hbm4b:s4+s31], $0x10, s6, s31, $0xb8;
	[tilespmem:$0x1B000] =	vst v63  }
0x14e: {  	s9 =	simm.s32 $0x4B00  }
0x14f: {  	[tilespmem:s23], [sflag:$0x1] =	stream.indirect.gather [hbm4b:s4+s31], $0x10, s9, s31, $0xb8;
	[tilespmem:$0x1B000] =	vst v63  }
0x150: {  	s10 =	simm.s32 $0x4B80  }
0x151: {  	[tilespmem:s7], [sflag:$0x1] =	stream.indirect.gather [hbm4b:s4+s31], $0x10, s10, s31, $0xb8;
	[tilespmem:$0x1B000] =	vst v63  }
0x152: {  	_ =	swait.ge [sflag:s8], $0x800  }
0x153: {  	[sflag:s8] =	ssyncset.done $0x0  }
0x154: {  	[sflag:s8] =	ssyncadd.s32 $0xFFFFF800  }
0x155: {  	_ =	swait.ge [sflag:s8], $0x800  }
0x156: {  	[sflag:s8] =	ssyncset.done $0x0  }
0x157: {  	[sflag:s8] =	ssyncadd.s32 $0xFFFFF800  }
0x158: {  	_ =	swait.ge [sflag:s8], $0x800  }
0x159: {  	[sflag:s8] =	ssyncset.done $0x0  }
0x15a: {  	[sflag:s8] =	ssyncadd.s32 $0xFFFFF800  }
0x15b: {  	_ =	swait.ge [sflag:s8], $0x800  }
0x15c: {  	[sflag:s8] =	ssyncset.done $0x0  }
0x15d: {  	[sflag:s8] =	ssyncadd.s32 $0xFFFFF800  }
0x15e: {  	_ =	swait.ge [sflag:s8], $0x800  }
0x15f: {  	[sflag:s8] =	ssyncset.done $0x0  }
0x160: {  	[sflag:s8] =	ssyncadd.s32 $0xFFFFF800  }
0x161: {  	_ =	swait.ge [sflag:s8], $0x800  }
0x162: {  	[sflag:s8] =	ssyncset.done $0x0  }
0x163: {  	[sflag:s8] =	ssyncadd.s32 $0xFFFFF800  }
0x164: {  	_ =	swait.ge [sflag:s8], $0x800  }
0x165: {  	[sflag:s8] =	ssyncset.done $0x0  }
0x166: {  	[sflag:s8] =	ssyncadd.s32 $0xFFFFF800  }
0x167: {  	_ =	swait.ge [sflag:s8], $0x800  }
0x168: {  	[sflag:s8] =	ssyncset.done $0x0  }
0x169: {  	[sflag:s8] =	ssyncadd.s32 $0xFFFFF800  }
0x16a: {  	[spmem:s2] =	stream.indirect.scatter.add.f32 [tilespmem:s1], [sflag:$0x3], $0x10, s30, s31, $0xb8;
	[tilespmem:$0x1B000] =	vst v63  }
0x16b: {  	s11 =	simm.s32 $0x4C80  }
0x16c: {  	[spmem:s2] =	stream.indirect.scatter.add.f32 [tilespmem:s13], [sflag:$0x3], $0x10, s11, s31, $0xb8;
	[tilespmem:$0x1B000] =	vst v63  }
0x16d: {  	s12 =	simm.s32 $0x4D00  }
0x16e: {  	[spmem:s2] =	stream.indirect.scatter.add.f32 [tilespmem:s15], [sflag:$0x3], $0x10, s12, s31, $0xb8;
	[tilespmem:$0x1B000] =	vst v63  }
0x16f: {  	s14 =	simm.s32 $0x4D80  }
0x170: {  	[spmem:s2] =	stream.indirect.scatter.add.f32 [tilespmem:s17], [sflag:$0x3], $0x10, s14, s31, $0xb8;
	[tilespmem:$0x1B000] =	vst v63  }
0x171: {  	s22 =	simm.s32 $0x4E00  }
0x172: {  	[spmem:s2] =	stream.indirect.scatter.add.f32 [tilespmem:s19], [sflag:$0x3], $0x10, s22, s31, $0xb8;
	[tilespmem:$0x1B000] =	vst v63  }
0x173: {  	s24 =	simm.s32 $0x4E80  }
0x174: {  	[spmem:s2] =	stream.indirect.scatter.add.f32 [tilespmem:s21], [sflag:$0x3], $0x10, s24, s31, $0xb8;
	[tilespmem:$0x1B000] =	vst v63  }
.Ltmp6:
0x175: {  	_ = 	snop;
	(pc) =	sbr.rel .LBB2_6-.Ltmp6, $4  }
0x176: {  	s26 =	simm.s32 $0x4F00  }
0x177: {  	[spmem:s2] =	stream.indirect.scatter.add.f32 [tilespmem:s23], [sflag:$0x3], $0x10, s26, s31, $0xb8;
	[tilespmem:$0x1B000] =	vst v63  }
0x178: {  	s28 =	simm.s32 $0x4F80  }
0x179: {  	[spmem:s2] =	stream.indirect.scatter.add.f32 [tilespmem:s7], [sflag:$0x3], $0x10, s28, s31, $0xb8;
	[tilespmem:$0x1B000] =	vst v63  }
.LBB2_8:
0x17a: {  	_ =	sfence.sel $0x180000  }
0x17b: {  	[bflag:$0x0] =	sbarrier.arrive $0xFFFF  }
0x17c: {  	_ =	strace $0x9000004D  }
0x17d: {  	s0 =	stileid.u32;
	[bflag:$0x2] =	sbarrier.arrive $0xFFFF  }
0x17e: {  	p0 =	sne.s32 s0, $0x0;
	s0 =	rddreg [dreg:$0x2]  }
0x17f: {  	s0 =	sadd.s32 @!p0 $0x100000, s0  }
0x180: {  	[sflag:s0] =	ssyncadd.tile.s32 @!p0 $0x1;
	_ =	shalt  }
.Lfunc_end2:
_tile_overlayer_lowered:
.L_overlay_start_2:
0x181: {  	(tag) =	ssettag $0x2  }
0x182: {  	s0 =	rddreg [dreg:$0x0];
	s2 =	stileid.u32  }
0x183: {  	s1 =	rddreg [dreg:$0x1];
	p0 =	sne.s32 s2, $0x0  }
0x184: {  	s3 =	rddreg [dreg:$0x2];
	[bflag:$0x3] =	sbarrier.arrive $0xFFFF;
	s2 =	simm.s32 @!p0 $0x1C04  }
0x185: {  	[timem:s3], [sflag:s2] =	dma.local @!p0 [hbm:s0], s1  }
0x186: {  	s0 =	simm.s32 @!p0 $0x4  }
0x187: {  	_ =	swait.ge @!p0 [sflag:s0], s1  }
0x188: {  	s1 =	ssub.s32 @!p0 $0x0, s1;
	[sflag:s0] =	ssyncset.done @!p0 $0x0  }
0x189: {  	[sflag:s0] =	ssyncadd.s32 @!p0 s1  }
0x18a: {  	[bflag:$0x3] =	sbarrier.arrive $0xFFFF  }
0x18b: {  	_ =	shalt  }

// kernel: kernel.9.cloned.1.call-start
scs
__scs_entry_jumppad:
0x0: {  	(pc) =	sbr.rel $0x88, $3  }
0x1: {  	(tag) =	ssettag $0x0;
	lr =	simm.s32 $0x1  }
0x2: {  	[smem:$0x3F98] =	sst lr;
	_ =	strace $0xD0000000  }
0x3: {  	_ = 	snop  }
0x4: {  	_ = 	snop  }
0x5: {  	_ = 	snop  }
0x6: {  	_ = 	snop  }
0x7: {  	_ = 	snop  }
__scs_overlays_trampoline_lowered:
0x8: {  	[smem:$0x3FA7] =	sst s0  }
0x9: {  	[smem:$0x3FA8] =	sst s1  }
0xa: {  	[smem:$0x3FA9] =	sst s2  }
0xb: {  	[smem:$0x3FAA] =	sst s3  }
0xc: {  	[smem:$0x3FAB] =	sst s4  }
0xd: {  	[smem:$0x3FAC] =	sst s5  }
0xe: {  	[smem:$0x3FAD] =	sst s6  }
0xf: {  	[smem:$0x3FAE] =	sst s7  }
0x10: {  	[smem:$0x3FAF] =	sst s8  }
0x11: {  	[smem:$0x3FB0] =	sst s9;
	s0 =	simm.s32 @!p0 $0x0  }
0x12: {  	s1 =	sld [smem:$0x3F96];
	s0 =	simm.s32 @p0 $0x1  }
0x13: {  	[smem:$0x3FB1] =	sst s0;
	s0 =	simm.s32 @!p1 $0x0  }
0x14: {  	s2 =	sld [smem:$0x3F95];
	s0 =	simm.s32 @p1 $0x1  }
0x15: {  	[smem:$0x3FB2] =	sst s0;
	s0 =	simm.s32 @!p2 $0x0  }
0x16: {  	s3 =	sld [smem:$0x3FDB];
	s0 =	simm.s32 @p2 $0x1  }
0x17: {  	s4 =	simm.s32 $0x1BF5;
	[smem:$0x3FB4] =	sst s0  }
0x18: {  	s0 =	sld [smem:$0x3F97];
	_ =	swait.ge [sflag:s4], $0x0  }
0x19: {  	s7 =	sld [smem:$0x3F98]  }
0x1a: {  	s8 =	sadd.s32 $0xFFFFE003, lr  }
0x1b: {  	s9 =	sadd.s32 $0xFFFFFEF7, lr;
	s5 =	simm.s32 $0xFFFFFFFF;
	p2 =	slt.u32 s8, $0xFFFFF086  }
0x1c: {  	p1 =	slt.u32 s9, $0xF7A;
	s5 =	simm.s32 @!p2 $0x0  }
0x1d: {  	s5 =	simm.s32 @p1 $0x1;
	p0 =	seq.s32 s7, s2  }
0x1e: {  	s7 =	smul.u32 @!p0 $0xF7A, s2;
	p2 =	seq.s32 @!p0 s5, $0x0  }
0x1f: {  	s9 =	smul.u32 $0xF7A, s1;
	s8 =	simm.s32 @!p0 $0x1BF5;
	p2 =	por !p2, p0  }
0x20: {  	[sflag:s8] =	ssyncset.s32 @!p0 $0xFFFFF086;
	s6 =	sadd.s32 @!p0 s3, s7;
	s7 =	simm.s32 @!p0 $0x108  }
0x21: {  	s3 =	sadd.s32 s3, s9;
	s6 =	sadd.s32 @!p0 $0x88, s6;
	s7 =	simm.s32 @p2 $0x1082  }
0x22: {  	[simem:s7], [sflag:s8] =	dma.local @!p0 [hbm:s6], $0xF7A  }
0x23: {  	s9 =	sor.u32 $0xD0000000, s2;
	s6 =	simm.s32 $0x108;
	_ =	swait.ge @!p0 [sflag:s8], $0x0  }
0x24: {  	s3 =	sadd.s32 $0x88, s3;
	s6 =	simm.s32 @!p1 $0x1082;
	[sflag:s4] =	ssyncset.s32 $0xFFFFF086  }
0x25: {  	[simem:s6], [sflag:s4] =	dma.local [hbm:s3], $0xF7A  }
0x26: {  	[smem:$0x3F98] =	sst s1;
	(tag) =	ssettag s2;
	_ =	strace s9  }
0x27: {  	s1 =	sld [smem:$0x3FA8]  }
0x28: {  	s2 =	sld [smem:$0x3FA9]  }
0x29: {  	s4 =	sld [smem:$0x3FAB]  }
0x2a: {  	p0 =	seq.s32 s5, $0x0;
	s5 =	sld [smem:$0x3FAC]  }
0x2b: {  	s6 =	sld [smem:$0x3FAD]  }
0x2c: {  	s7 =	sld [smem:$0x3FAE]  }
0x2d: {  	s3 =	simm.s32 $0x108;
	s8 =	sld [smem:$0x3FAF]  }
0x2e: {  	s3 =	simm.s32 @!p0 $0x1082;
	s9 =	sld [smem:$0x3FB0]  }
0x2f: {  	lr =	sadd.s32 s0, s3;
	s0 =	sld [smem:$0x3FA7]  }
0x30: {  	s3 =	sld [smem:$0x3FAA]  }
0x31: {  	[smem:$0x3FB3] =	sst s10  }
0x32: {  	s10 =	sld [smem:$0x3FB1];
	_ =	sdelay $0x3  }
0x33: {  	p0 =	seq.s32 s10, $0x1;
	s10 =	sld [smem:$0x3FB3];
	_ =	sdelay $0x3  }
0x34: {  	[smem:$0x3FB3] =	sst s10  }
0x35: {  	s10 =	sld [smem:$0x3FB2];
	_ =	sdelay $0x3  }
0x36: {  	p1 =	seq.s32 s10, $0x1;
	s10 =	sld [smem:$0x3FB3];
	_ =	sdelay $0x3  }
0x37: {  	[smem:$0x3FB3] =	sst s10  }
0x38: {  	s10 =	sld [smem:$0x3FB4]  }
0x39: {  	_ = 	snop;
	(pc) =	sbr.ind lr, $3  }
0x3a: {  	_ = 	snop  }
0x3b: {  	_ = 	snop  }
0x3c: {  	p2 =	seq.s32 s10, $0x1;
	s10 =	sld [smem:$0x3FB3]  }
0x3d: {  	_ =	shalt  }
0x3e: {  	_ =	shalt  }
0x3f: {  	_ =	shalt  }
0x40: {  	_ =	shalt  }
0x41: {  	_ =	shalt  }
0x42: {  	_ =	shalt  }
0x43: {  	_ =	shalt  }
0x44: {  	_ =	shalt  }
0x45: {  	_ =	shalt  }
0x46: {  	_ =	shalt  }
0x47: {  	_ =	shalt  }
0x48: {  	_ =	shalt  }
0x49: {  	_ =	shalt  }
0x4a: {  	_ =	shalt  }
0x4b: {  	_ =	shalt  }
0x4c: {  	_ =	shalt  }
0x4d: {  	_ =	shalt  }
0x4e: {  	_ =	shalt  }
0x4f: {  	_ =	shalt  }
0x50: {  	_ =	shalt  }
0x51: {  	_ =	shalt  }
0x52: {  	_ =	shalt  }
0x53: {  	_ =	shalt  }
0x54: {  	_ =	shalt  }
0x55: {  	_ =	shalt  }
0x56: {  	_ =	shalt  }
0x57: {  	_ =	shalt  }
0x58: {  	_ =	shalt  }
0x59: {  	_ =	shalt  }
0x5a: {  	_ =	shalt  }
0x5b: {  	_ =	shalt  }
0x5c: {  	_ =	shalt  }
0x5d: {  	_ =	shalt  }
0x5e: {  	_ =	shalt  }
0x5f: {  	_ =	shalt  }
0x60: {  	_ =	shalt  }
0x61: {  	_ =	shalt  }
0x62: {  	_ =	shalt  }
0x63: {  	_ =	shalt  }
0x64: {  	_ =	shalt  }
0x65: {  	_ =	shalt  }
0x66: {  	_ =	shalt  }
0x67: {  	_ =	shalt  }
0x68: {  	_ =	shalt  }
0x69: {  	_ =	shalt  }
0x6a: {  	_ =	shalt  }
0x6b: {  	_ =	shalt  }
0x6c: {  	_ =	shalt  }
0x6d: {  	_ =	shalt  }
0x6e: {  	_ =	shalt  }
0x6f: {  	_ =	shalt  }
0x70: {  	_ =	shalt  }
0x71: {  	_ =	shalt  }
0x72: {  	_ =	shalt  }
0x73: {  	_ =	shalt  }
0x74: {  	_ =	shalt  }
0x75: {  	_ =	shalt  }
0x76: {  	_ =	shalt  }
0x77: {  	_ =	shalt  }
0x78: {  	_ =	shalt  }
0x79: {  	_ =	shalt  }
0x7a: {  	_ =	shalt  }
0x7b: {  	_ =	shalt  }
0x7c: {  	_ =	shalt  }
0x7d: {  	_ =	shalt  }
0x7e: {  	_ =	shalt  }
0x7f: {  	_ =	shalt  }
0x80: {  	_ =	shalt  }
0x81: {  	_ =	shalt  }
0x82: {  	_ =	shalt  }
0x83: {  	_ =	shalt  }
0x84: {  	_ =	shalt  }
0x85: {  	_ =	shalt  }
0x86: {  	_ =	shalt  }
0x87: {  	_ =	shalt  }
.Lfunc_end0:
.L_simem_size_0:
called_computation_lowered:
.L_overlay_start_0:
0x88: {  	s2 =	sld [smem:$0x3FD9]  }
0x89: {  	s3 =	sld [smem:$0x3FFE];
	_ =	sdelay $0x1  }
0x8a: {  	s1 =	srdreg.scid  }
0x8b: {  	s0 =	sand.u32 $0x1, s1  }
0x8c: {  	s16 =	sshll.u32 s0, $0xA;
	s2 =	sadd.s32 s3, s2  }
0x8d: {  	s2 =	sadd.s32 s2, s16  }
0x8e: {  	[smem:$0x3FBF] =	sst s2  }
0x8f: {  	_ = 	snop  }
0x90: {  	(tm) =	ssettm $0x1  }
0x91: {  	s17 =	sld [smem:$0x3FFB];
	_ =	sdelay $0x3  }
0x92: {  	_ =	strace s17  }
0x93: {  	s2 =	sld [smem:$0x3FFC];
	_ =	sdelay $0x3  }
0x94: {  	_ =	strace s2  }
0x95: {  	s2 =	sld [smem:$0x3FFD];
	_ =	sdelay $0x3  }
0x96: {  	_ =	strace s2  }
0x97: {  	_ =	strace $0x8FFFFFFF  }
0x98: {  	s18 =	sld [smem:$0x3FDB];
	_ =	sdelay $0x1  }
0x99: {  	s19 =	simm.s32 $_scs_section_size  }
0x9a: {  	s4 =	simm.s32 $_size__tile_overlayer_lowered;
	s5 =	simm.s32 $_tile_overlayer_lowered  }
0x9b: {  	s22 =	simm.s32 $0x1BFF;
	s21 =	sshll.u32 s5, $0x1;
	s2 =	sadd.s32 s19, s18  }
0x9c: {  	s6 =	simm.s32 $0x0;
	s20 =	sshll.u32 s4, $0x1;
	s4 =	sadd.s32 s21, s2  }
0x9d: {  	[timem:s6], [sflag:s22] =	dma.local [hbm:s4], s20  }
0x9e: {  	_ =	swait.ge [sflag:s22], s20  }
0x9f: {  	s3 =	ssub.s32 $0x0, s20;
	[sflag:s22] =	ssyncset.done $0x0  }
0xa0: {  	[sflag:s22] =	ssyncadd.s32 s3;
	_ =	sdelay $0x1  }
0xa1: {  	s23 =	simm.s32 $0x1B8B  }
0xa2: {  	_ =	swait.ge [sflag:s23], $0x1  }
0xa3: {  	[sflag:s23] =	ssyncset.done $0x0  }
0xa4: {  	s25 =	simm.s32 $0x1B8E;
	s24 =	sld [smem:$0x3FFE];
	[sflag:s23] =	ssyncadd.s32 $0xFFFFFFFF  }
0xa5: {  	s26 =	simm.s32 $execute0_lowered;
	[smem:$0x3FD2] =	sst s25  }
0xa6: {  	s4 =	sshll.u32 s26, $0x1;
	_ =	strace $0x80000046;
	[dreg:$0x1] =	wrdreg $0xFFFFFFFF  }
0xa7: {  	s28 =	simm.s32 $_size_execute0_lowered;
	s2 =	sadd.s32 s2, s4;
	[dreg:$0x0] =	wrdreg $0x0  }
0xa8: {  	s4 =	sshll.u32 s28, $0x1;
	[dreg:$0x2] =	wrdreg s2  }
0xa9: {  	[dreg:$0x3] =	wrdreg s4  }
0xaa: {  	[dreg:$0x4] =	wrdreg $0xC0  }
0xab: {  	_ =	task [dreg:s6], $0x5FFFF  }
0xac: {  	[dreg:$0x1] =	wrdreg $0xFFFFFFFF  }
0xad: {  	[dreg:$0x0] =	wrdreg $0x60  }
0xae: {  	[dreg:$0x2] =	wrdreg s24  }
0xaf: {  	[dreg:$0x3] =	wrdreg $0x24800  }
0xb0: {  	[dreg:$0x4] =	wrdreg $0x9  }
0xb1: {  	_ =	task.clear_ibuf [dreg:s6], $0x5FFFF;
	_ =	strace $0x90000046  }
0xb2: {  	s29 =	simm.s32 $0x9;
	_ =	strace $0x80000048  }
0xb3: {  	_ =	swait.ge [sflag:s29], $0x1  }
0xb4: {  	[sflag:s29] =	ssyncadd.s32 $0xFFFFFFFF  }
0xb5: {  	_ =	strace $0x90000048  }
0xb6: {  	_ =	sfence  }
0xb7: {  	s30 =	sld [smem:$0x0];
	_ =	sdelay $0x2  }
0xb8: {  	s31 =	sshll.u32 s1, $0xD;
	s1 =	sshrl.u32 s1, $0x2  }
0xb9: {  	s3 =	sand.u32 $0x4000, s31;
	s1 =	sadd.s32 s1, s30  }
0xba: {  	s0 =	sor.u32 s3, s0;
	s1 =	sshll.u32 s1, $0x11  }
0xbb: {  	s0 =	sor.u32 s1, s0  }
0xbc: {  	s0 =	sadd.s32 $0x8F2B, s0  }
0xbd: {  	[sflag:s0] =	ssyncadd.remote.s32 $0x1  }
0xbe: {  	_ =	sfence.sel $0xFFFF  }
0xbf: {  	[dreg:$0x0] =	wrdreg $0xFFFFFFFF;
	(pc) =	sbr.abs _section_cstart, $3  }
0xc0: {  	[dreg:$0x1] =	wrdreg $0xFFFFFFFF  }
0xc1: {  	_ =	task.clear_ibuf [dreg:s6], $0x2FFFF;
	_ =	strace $0x9FFFFFFF  }
0xc2: {  	(tm) =	ssettm $0x7FFFFFFF  }
0xc3: {  	_ =	shalt  }
tec
execute0_lowered:
.L_overlay_start_1:
0x0: {  	(tag) =	ssettag $0x1  }
0x1: {  	s4 =	rddreg [dreg:$0x0]  }
0x2: {  	s1 =	srdreg.scid;
	s0 =	stileid.u32  }
0x3: {  	s2 =	rddreg [dreg:$0x1];
	s3 =	simm.s32 $0x0;
	s10 =	simm.s32 $0x80  }
0x4: {  	s11 =	simm.s32 $0x400;
	s12 =	simm.s32 $0x100;
	s13 =	simm.s32 $0x180  }
0x5: {  	s14 =	simm.s32 $0x200;
	s15 =	simm.s32 $0x280;
	s16 =	simm.s32 $0x300  }
0x6: {  	s17 =	simm.s32 $0x380;
	s18 =	simm.s32 $0x1;
	s19 =	simm.s32 $0x1480  }
0x7: {  	s20 =	simm.s32 $0x0;
	s5 =	sand.u32 $0x1, s1;
	s1 =	rddreg [dreg:$0x2]  }
0x8: {  	s6 =	smul.u32 $0x19000, s0;
	[smem:$0x7FF] =	sst s3;
	s8 =	sshll.u32 s0, $0xC  }
0x9: {  	s7 =	smul.u32 $0xC800, s5;
	s9 =	sshll.u32 s5, $0x10;
	s5 =	ssub.s32 $0x2, s5  }
0xa: {  	_ =	strace $0x80000047;
	s26 =	sor.u32 s8, s9;
	s30 =	sshrl.u32 s5, $0x1  }
0xb: {  	s9 =	simm.s32 $0x2;
	s6 =	sadd.s32 s7, s6;
	s7 =	sshrl.u32 s26, $0x3  }
0xc: {  	s31 =	ssub.s32 s5, s30;
	s6 =	sshrl.u32 s6, $0x3;
	s29 =	sadd.s32 s7, s4  }
0xd: {  	s28 =	sadd.s32 s6, s4;
	s4 =	sadd.s32 s8, s2;
	s5 =	sadd.s32 $0x66000, s29  }
0xe: {  	v0 =	vimm.f32 $0.0e+00;
	v1 =	vimm.f32 $1.000000000e+00;
	s6 =	smax.u32 s31, $0x1;
	s8 =	simm.s32 $0x480;
	s7 =	sadd.s32 $0x34000, s28  }
.LBB2_1:
0xf: {  	s21 =	simm.s32 $0x40;
	s22 =	simm.s32 $0x0  }
.LBB2_2:
0x10: {  	p0 =	sne.s32 s21, $0x3FC0;
	[tilespmem:s22+$0x480] =	vst v0;
	s22 =	smov.u32 s21;
	s21 =	sadd.s32 $0x40, s21  }
.Ltmp0:
0x11: {  	(pc) =	sbr.rel @p0 .LBB2_2-.Ltmp0, $2  }
0x12: {  	_ =	sdelay $0x2  }
0x13: {  	s22 =	sshra.s32 s22, $0x2  }
0x14: {  	[tilespmem:s22+$0x480] =	vst v0  }
0x15: {  	[tilespmem:$0x400] =	vst v1  }
0x16: {  	[tilespmem:$0x410] =	vst v1  }
0x17: {  	[tilespmem:$0x420] =	vst v1  }
0x18: {  	[tilespmem:$0x430] =	vst v1  }
0x19: {  	[tilespmem:$0x440] =	vst v1  }
0x1a: {  	[tilespmem:$0x450] =	vst v1  }
0x1b: {  	[tilespmem:$0x460] =	vst v1  }
0x1c: {  	[tilespmem:$0x470] =	vst v1  }
0x1d: {  	[spmem:s4] =	stream.linear.scatter [tilespmem:s8], [sflag:$0x2], $0x1000, $0x38;
	[tilespmem:$0x3480] =	vst v63  }
0x1e: {  	_ =	swait.ge [sflag:s9], $0x1000  }
0x1f: {  	[sflag:s9] =	ssyncset.done $0x0  }
0x20: {  	[sflag:s9] =	ssyncadd.s32 $0xFFFFF000  }
0x21: {  	s21 =	sadd.s32 $0x0, s7;
	[bflag:$0x0] =	sbarrier.arrive $0xFFFF  }
0x22: {  	[tilespmem:s3], [sflag:$0x2] =	stream.linear.gather [hbm4b:s21+s3], $0x400, $0x38;
	[tilespmem:$0x3480] =	vst v63  }
0x23: {  	_ =	swait.ge [sflag:s9], $0x400  }
0x24: {  	[sflag:s9] =	ssyncset.done $0x0  }
0x25: {  	[sflag:s9] =	ssyncadd.s32 $0xFFFFFC00  }
0x26: {  	[spmem:s2] =	stream.indirect.scatter.add.f32 [tilespmem:s11], [sflag:$0x1], $0x1, s3, s10, $0xb8;
	[tilespmem:$0x3480] =	vst v63  }
0x27: {  	_ = 	snop  }
0x28: {  	[spmem:s2] =	stream.indirect.scatter.add.f32 [tilespmem:s11], [sflag:$0x1], $0x1, s10, s10, $0xb8;
	[tilespmem:$0x3480] =	vst v63  }
0x29: {  	_ = 	snop  }
0x2a: {  	[spmem:s2] =	stream.indirect.scatter.add.f32 [tilespmem:s11], [sflag:$0x1], $0x1, s12, s10, $0xb8;
	[tilespmem:$0x3480] =	vst v63  }
0x2b: {  	_ = 	snop  }
0x2c: {  	[spmem:s2] =	stream.indirect.scatter.add.f32 [tilespmem:s11], [sflag:$0x1], $0x1, s13, s10, $0xb8;
	[tilespmem:$0x3480] =	vst v63  }
0x2d: {  	_ = 	snop  }
0x2e: {  	[spmem:s2] =	stream.indirect.scatter.add.f32 [tilespmem:s11], [sflag:$0x1], $0x1, s14, s10, $0xb8;
	[tilespmem:$0x3480] =	vst v63  }
0x2f: {  	_ = 	snop  }
0x30: {  	[spmem:s2] =	stream.indirect.scatter.add.f32 [tilespmem:s11], [sflag:$0x1], $0x1, s15, s10, $0xb8;
	[tilespmem:$0x3480] =	vst v63  }
0x31: {  	_ = 	snop  }
0x32: {  	[spmem:s2] =	stream.indirect.scatter.add.f32 [tilespmem:s11], [sflag:$0x1], $0x1, s16, s10, $0xb8;
	[tilespmem:$0x3480] =	vst v63  }
0x33: {  	_ = 	snop  }
0x34: {  	[spmem:s2] =	stream.indirect.scatter.add.f32 [tilespmem:s11], [sflag:$0x1], $0x1, s17, s10, $0xb8;
	[tilespmem:$0x3480] =	vst v63  }
0x35: {  	_ =	swait.ge [sflag:s18], $0x80  }
0x36: {  	[sflag:s18] =	ssyncset.done $0x0  }
0x37: {  	[sflag:s18] =	ssyncadd.s32 $0xFFFFFF80  }
0x38: {  	_ =	swait.ge [sflag:s18], $0x80  }
0x39: {  	[sflag:s18] =	ssyncset.done $0x0  }
0x3a: {  	[sflag:s18] =	ssyncadd.s32 $0xFFFFFF80  }
0x3b: {  	_ =	swait.ge [sflag:s18], $0x80  }
0x3c: {  	[sflag:s18] =	ssyncset.done $0x0  }
0x3d: {  	[sflag:s18] =	ssyncadd.s32 $0xFFFFFF80  }
0x3e: {  	_ =	swait.ge [sflag:s18], $0x80  }
0x3f: {  	[sflag:s18] =	ssyncset.done $0x0  }
0x40: {  	[sflag:s18] =	ssyncadd.s32 $0xFFFFFF80  }
0x41: {  	_ =	swait.ge [sflag:s18], $0x80  }
0x42: {  	[sflag:s18] =	ssyncset.done $0x0  }
0x43: {  	[sflag:s18] =	ssyncadd.s32 $0xFFFFFF80  }
0x44: {  	_ =	swait.ge [sflag:s18], $0x80  }
0x45: {  	[sflag:s18] =	ssyncset.done $0x0  }
0x46: {  	[sflag:s18] =	ssyncadd.s32 $0xFFFFFF80  }
0x47: {  	_ =	swait.ge [sflag:s18], $0x80  }
0x48: {  	[sflag:s18] =	ssyncset.done $0x0  }
0x49: {  	[sflag:s18] =	ssyncadd.s32 $0xFFFFFF80  }
0x4a: {  	_ =	swait.ge [sflag:s18], $0x80  }
0x4b: {  	s23 =	simm.s32 $0x100;
	s21 =	simm.s32 $0x80;
	[sflag:s18] =	ssyncset.done $0x0  }
.LBB2_4:
0x4c: {  	s24 =	sadd.s32 s21, s7  }
0x4d: {  	[sflag:s18] =	ssyncadd.s32 $0xFFFFFF80;
	s21 =	smov.u32 s23;
	s22 =	sadd.s32 $0x80, s23  }
0x4e: {  	[tilespmem:s3], [sflag:$0x2] =	stream.linear.gather [hbm4b:s24+s3], $0x400, $0x38;
	[tilespmem:$0x3480] =	vst v63  }
0x4f: {  	p0 =	sne.s32 s23, $0x1880;
	_ =	swait.ge [sflag:s9], $0x400  }
0x50: {  	[sflag:s9] =	ssyncset.done $0x0  }
0x51: {  	[sflag:s9] =	ssyncadd.s32 $0xFFFFFC00  }
0x52: {  	[spmem:s2] =	stream.indirect.scatter.add.f32 [tilespmem:s11], [sflag:$0x1], $0x1, s3, s10, $0xb8;
	[tilespmem:$0x3480] =	vst v63  }
0x53: {  	_ = 	snop  }
0x54: {  	[spmem:s2] =	stream.indirect.scatter.add.f32 [tilespmem:s11], [sflag:$0x1], $0x1, s10, s10, $0xb8;
	[tilespmem:$0x3480] =	vst v63  }
0x55: {  	_ = 	snop  }
0x56: {  	[spmem:s2] =	stream.indirect.scatter.add.f32 [tilespmem:s11], [sflag:$0x1], $0x1, s12, s10, $0xb8;
	[tilespmem:$0x3480] =	vst v63  }
0x57: {  	_ = 	snop  }
0x58: {  	[spmem:s2] =	stream.indirect.scatter.add.f32 [tilespmem:s11], [sflag:$0x1], $0x1, s13, s10, $0xb8;
	[tilespmem:$0x3480] =	vst v63  }
0x59: {  	_ = 	snop  }
0x5a: {  	[spmem:s2] =	stream.indirect.scatter.add.f32 [tilespmem:s11], [sflag:$0x1], $0x1, s14, s10, $0xb8;
	[tilespmem:$0x3480] =	vst v63  }
0x5b: {  	_ = 	snop  }
0x5c: {  	[spmem:s2] =	stream.indirect.scatter.add.f32 [tilespmem:s11], [sflag:$0x1], $0x1, s15, s10, $0xb8;
	[tilespmem:$0x3480] =	vst v63  }
0x5d: {  	_ = 	snop  }
0x5e: {  	[spmem:s2] =	stream.indirect.scatter.add.f32 [tilespmem:s11], [sflag:$0x1], $0x1, s16, s10, $0xb8;
	[tilespmem:$0x3480] =	vst v63  }
0x5f: {  	_ = 	snop  }
0x60: {  	[spmem:s2] =	stream.indirect.scatter.add.f32 [tilespmem:s11], [sflag:$0x1], $0x1, s17, s10, $0xb8;
	[tilespmem:$0x3480] =	vst v63  }
0x61: {  	_ =	swait.ge [sflag:s18], $0x80  }
0x62: {  	[sflag:s18] =	ssyncset.done $0x0  }
0x63: {  	[sflag:s18] =	ssyncadd.s32 $0xFFFFFF80  }
0x64: {  	_ =	swait.ge [sflag:s18], $0x80  }
0x65: {  	[sflag:s18] =	ssyncset.done $0x0  }
0x66: {  	[sflag:s18] =	ssyncadd.s32 $0xFFFFFF80  }
0x67: {  	_ =	swait.ge [sflag:s18], $0x80  }
0x68: {  	[sflag:s18] =	ssyncset.done $0x0  }
0x69: {  	[sflag:s18] =	ssyncadd.s32 $0xFFFFFF80  }
0x6a: {  	_ =	swait.ge [sflag:s18], $0x80  }
0x6b: {  	[sflag:s18] =	ssyncset.done $0x0  }
0x6c: {  	[sflag:s18] =	ssyncadd.s32 $0xFFFFFF80  }
0x6d: {  	_ =	swait.ge [sflag:s18], $0x80  }
0x6e: {  	[sflag:s18] =	ssyncset.done $0x0  }
0x6f: {  	[sflag:s18] =	ssyncadd.s32 $0xFFFFFF80  }
0x70: {  	_ =	swait.ge [sflag:s18], $0x80  }
0x71: {  	[sflag:s18] =	ssyncset.done $0x0  }
0x72: {  	[sflag:s18] =	ssyncadd.s32 $0xFFFFFF80  }
.Ltmp1:
0x73: {  	_ =	swait.ge [sflag:s18], $0x80;
	(pc) =	sbr.rel @p0 .LBB2_4-.Ltmp1, $4  }
0x74: {  	[sflag:s18] =	ssyncset.done $0x0  }
0x75: {  	[sflag:s18] =	ssyncadd.s32 $0xFFFFFF80  }
0x76: {  	_ =	swait.ge [sflag:s18], $0x80  }
0x77: {  	s23 =	smov.u32 s22;
	[sflag:s18] =	ssyncset.done $0x0  }
0x78: {  	s21 =	sadd.s32 s21, s7;
	[sflag:s18] =	ssyncadd.s32 $0xFFFFFF80  }
0x79: {  	[tilespmem:s3], [sflag:$0x2] =	stream.linear.gather [hbm4b:s21+s3], $0x400, $0x38;
	[tilespmem:$0x3480] =	vst v63  }
0x7a: {  	_ =	swait.ge [sflag:s9], $0x400  }
0x7b: {  	[sflag:s9] =	ssyncset.done $0x0  }
0x7c: {  	[sflag:s9] =	ssyncadd.s32 $0xFFFFFC00  }
0x7d: {  	[spmem:s2] =	stream.indirect.scatter.add.f32 [tilespmem:s11], [sflag:$0x1], $0x1, s3, s10, $0xb8;
	[tilespmem:$0x3480] =	vst v63  }
0x7e: {  	_ = 	snop  }
0x7f: {  	[spmem:s2] =	stream.indirect.scatter.add.f32 [tilespmem:s11], [sflag:$0x1], $0x1, s10, s10, $0xb8;
	[tilespmem:$0x3480] =	vst v63  }
0x80: {  	_ = 	snop  }
0x81: {  	[spmem:s2] =	stream.indirect.scatter.add.f32 [tilespmem:s11], [sflag:$0x1], $0x1, s12, s10, $0xb8;
	[tilespmem:$0x3480] =	vst v63  }
0x82: {  	_ = 	snop  }
0x83: {  	[spmem:s2] =	stream.indirect.scatter.add.f32 [tilespmem:s11], [sflag:$0x1], $0x1, s13, s10, $0xb8;
	[tilespmem:$0x3480] =	vst v63  }
0x84: {  	_ = 	snop  }
0x85: {  	[spmem:s2] =	stream.indirect.scatter.add.f32 [tilespmem:s11], [sflag:$0x1], $0x1, s14, s10, $0xb8;
	[tilespmem:$0x3480] =	vst v63  }
0x86: {  	_ = 	snop  }
0x87: {  	[spmem:s2] =	stream.indirect.scatter.add.f32 [tilespmem:s11], [sflag:$0x1], $0x1, s15, s10, $0xb8;
	[tilespmem:$0x3480] =	vst v63  }
0x88: {  	_ = 	snop  }
0x89: {  	[spmem:s2] =	stream.indirect.scatter.add.f32 [tilespmem:s11], [sflag:$0x1], $0x1, s16, s10, $0xb8;
	[tilespmem:$0x3480] =	vst v63  }
0x8a: {  	_ = 	snop  }
0x8b: {  	[spmem:s2] =	stream.indirect.scatter.add.f32 [tilespmem:s11], [sflag:$0x1], $0x1, s17, s10, $0xb8;
	[tilespmem:$0x3480] =	vst v63  }
0x8c: {  	_ =	swait.ge [sflag:s18], $0x80  }
0x8d: {  	[sflag:s18] =	ssyncset.done $0x0  }
0x8e: {  	[sflag:s18] =	ssyncadd.s32 $0xFFFFFF80  }
0x8f: {  	_ =	swait.ge [sflag:s18], $0x80  }
0x90: {  	[sflag:s18] =	ssyncset.done $0x0  }
0x91: {  	[sflag:s18] =	ssyncadd.s32 $0xFFFFFF80  }
0x92: {  	_ =	swait.ge [sflag:s18], $0x80  }
0x93: {  	[sflag:s18] =	ssyncset.done $0x0  }
0x94: {  	[sflag:s18] =	ssyncadd.s32 $0xFFFFFF80  }
0x95: {  	_ =	swait.ge [sflag:s18], $0x80  }
0x96: {  	[sflag:s18] =	ssyncset.done $0x0  }
0x97: {  	[sflag:s18] =	ssyncadd.s32 $0xFFFFFF80  }
0x98: {  	_ =	swait.ge [sflag:s18], $0x80  }
0x99: {  	[sflag:s18] =	ssyncset.done $0x0  }
0x9a: {  	[sflag:s18] =	ssyncadd.s32 $0xFFFFFF80  }
0x9b: {  	_ =	swait.ge [sflag:s18], $0x80  }
0x9c: {  	[sflag:s18] =	ssyncset.done $0x0  }
0x9d: {  	[sflag:s18] =	ssyncadd.s32 $0xFFFFFF80  }
0x9e: {  	_ =	swait.ge [sflag:s18], $0x80  }
0x9f: {  	[sflag:s18] =	ssyncset.done $0x0  }
0xa0: {  	[sflag:s18] =	ssyncadd.s32 $0xFFFFFF80  }
0xa1: {  	_ =	swait.ge [sflag:s18], $0x80  }
0xa2: {  	[sflag:s18] =	ssyncset.done $0x0  }
0xa3: {  	[sflag:s18] =	ssyncadd.s32 $0xFFFFFF80  }
0xa4: {  	[bflag:$0x0] =	sbarrier.arrive $0xFFFF  }
0xa5: {  	[tilespmem:s19], [sflag:$0x2] =	stream.linear.gather [spmem:s4], $0x1000, $0x38;
	[tilespmem:$0x3480] =	vst v63  }
0xa6: {  	s20 =	sadd.s32 $0x1, s20;
	_ =	swait.ge [sflag:s9], $0x1000  }
0xa7: {  	p0 =	sne.s32 s20, s6;
	[sflag:s9] =	ssyncset.done $0x0  }
.Ltmp2:
0xa8: {  	[sflag:s9] =	ssyncadd.s32 $0xFFFFF000;
	(pc) =	sbr.rel @p0 .LBB2_1-.Ltmp2, $4  }
0xa9: {  	[hbm4b:s5+s3] =	stream.linear.scatter [tilespmem:s19], [sflag:$0x2], $0x1000, $0x38;
	[tilespmem:$0x3480] =	vst v63  }
0xaa: {  	_ =	swait.ge [sflag:s9], $0x1000  }
0xab: {  	[sflag:s9] =	ssyncset.done $0x0  }
0xac: {  	[sflag:s9] =	ssyncadd.s32 $0xFFFFF000  }
0xad: {  	_ =	sfence.sel $0x180000  }
0xae: {  	[bflag:$0x0] =	sbarrier.arrive $0xFFFF  }
0xaf: {  	p0 =	sne.s32 s0, $0x0;
	_ =	strace $0x90000047  }
0xb0: {  	s0 =	sadd.s32 @!p0 $0x100000, s1;
	[bflag:$0x2] =	sbarrier.arrive $0xFFFF  }
0xb1: {  	[sflag:s0] =	ssyncadd.tile.s32 @!p0 $0x1;
	_ =	shalt  }
.Lfunc_end2:
_tile_overlayer_lowered:
.L_overlay_start_2:
0xb2: {  	(tag) =	ssettag $0x2  }
0xb3: {  	s0 =	rddreg [dreg:$0x0];
	s2 =	stileid.u32  }
0xb4: {  	s1 =	rddreg [dreg:$0x1];
	p0 =	sne.s32 s2, $0x0  }
0xb5: {  	s3 =	rddreg [dreg:$0x2];
	[bflag:$0x3] =	sbarrier.arrive $0xFFFF;
	s2 =	simm.s32 @!p0 $0x1C02  }
0xb6: {  	[timem:s3], [sflag:s2] =	dma.local @!p0 [hbm:s0], s1  }
0xb7: {  	s0 =	simm.s32 @!p0 $0x2  }
0xb8: {  	_ =	swait.ge @!p0 [sflag:s0], s1  }
0xb9: {  	s1 =	ssub.s32 @!p0 $0x0, s1;
	[sflag:s0] =	ssyncset.done @!p0 $0x0  }
0xba: {  	[sflag:s0] =	ssyncadd.s32 @!p0 s1  }
0xbb: {  	[bflag:$0x3] =	sbarrier.arrive $0xFFFF  }
0xbc: {  	_ =	shalt  }

</sc_bundles>
